<compile_context>
chip_gen: v7x
topology: tpu7x:2x2x1
jax: 0.10.2.dev20260603
libtpu: 0.0.44.dev20260713+nightly
codegen_flags: <defaults>
</compile_context>

<pallas_src>
import functools

import jax
import jax.numpy as jnp
from jax import lax
from jax.experimental import pallas as pl
from jax.experimental.pallas import tpu as pltpu
from jax.experimental.pallas import tpu_sc as plsc

_N = 10000
_E = 320000
_C = 128
_K = 27
_CAM = 256
_EPS = 1e-5

_NSC = 2
_NSUB = 16
_NT = _NSC * _NSUB
_EP = _E // _NT
_CH = 64
_NCH = _EP // _CH
_CHT = _EP - _NCH * _CH
_NSLOT = 4
_NPAD = 10240
_RPT = _NPAD // _NSUB
_NB = 25
_R = _N // _NB



def _dense_body(apply_bn, x_ref, w_ref, *rest):
    if apply_bn:
        s_ref, q_ref, g_ref, b_ref, y_ref = rest
        inv_n = jnp.float32(1.0 / _N)
        mu = s_ref[...] * inv_n
        var = q_ref[...] * inv_n - mu * mu
        hn = g_ref[...] * (x_ref[...] - mu) * lax.rsqrt(var + _EPS)
        xb = jnp.maximum(hn + b_ref[...], 0.0)
    else:
        (y_ref,) = rest
        xb = x_ref[...]
    y = jnp.dot(xb.astype(jnp.bfloat16), w_ref[...],
                preferred_element_type=jnp.float32)
    for k in range(_K):
        y_ref[k] = y[:, k * _C:(k + 1) * _C]


def _dense_stage(x, Wwide, stats=None):
    apply_bn = stats is not None
    in_specs = [
        pl.BlockSpec((_R, _C), lambda i: (i, 0)),
        pl.BlockSpec((_C, _K * _C), lambda i: (0, 0)),
    ]
    args = [x, Wwide]
    if apply_bn:
        in_specs += [pl.BlockSpec((1, _C), lambda i: (0, 0))] * 4
        args += list(stats)
    return pl.pallas_call(
        functools.partial(_dense_body, apply_bn),
        grid=(_NB,),
        in_specs=in_specs,
        out_specs=pl.BlockSpec((_K, _R, _C), lambda i: (0, i, 0)),
        out_shape=jax.ShapeDtypeStruct((_K, _N, _C), jnp.float32),
        compiler_params=pltpu.CompilerParams(
            dimension_semantics=("arbitrary",)),
    )(*args)



def _prep_body(src_ref, koff_ref, g_ref):
    g_ref[...] = koff_ref[...] * _N + src_ref[...]


def _prep_stage(src, koff):
    s2 = src.reshape(_E // 128, 128)
    k2 = koff.reshape(_E // 128, 128)
    g2 = pl.pallas_call(
        _prep_body,
        out_shape=jax.ShapeDtypeStruct((_E // 128, 128), jnp.int32),
    )(s2, k2)
    return g2.reshape(_E)



def _sc_scatter(table, g, dst, zrows):
    mesh = plsc.VectorSubcoreMesh(core_axis_name="c", subcore_axis_name="s")

    scratch = (
        [pltpu.VMEM((_EP,), jnp.int32)]
        + [pltpu.VMEM((_CH,), jnp.int32)] * _NSLOT
        + [pltpu.VMEM((_CHT,), jnp.int32)]
        + [pltpu.VMEM((_CH, _C), jnp.float32)] * _NSLOT
        + [pltpu.VMEM((32, _C), jnp.float32)]
        + [pltpu.VMEM_SHARED((_NPAD, _C), jnp.float32)]
        + [pltpu.SemaphoreType.DMA] * (3 * _NSLOT)
    )

    @functools.partial(
        pl.kernel,
        out_type=jax.ShapeDtypeStruct((_NSC * _NPAD, _C), jnp.float32),
        mesh=mesh,
        scratch_types=scratch,
    )
    def sc_kernel(table_h, g_h, dst_h, zrows_h, out_h, g_v, *rest):
        db_v = rest[:_NSLOT]
        dbt_v = rest[_NSLOT]
        rows_v = rest[_NSLOT + 1:2 * _NSLOT + 1]
        zb_v = rest[2 * _NSLOT + 1]
        acc_s = rest[2 * _NSLOT + 2]
        gsem = rest[2 * _NSLOT + 3:3 * _NSLOT + 3]
        ssem = rest[3 * _NSLOT + 3:4 * _NSLOT + 3]
        isem = rest[4 * _NSLOT + 3:5 * _NSLOT + 3]
        cid = lax.axis_index("c")
        sid = lax.axis_index("s")
        wid = sid * _NSC + cid
        ebase = pl.multiple_of(wid * _EP, 8)

        pltpu.sync_copy(g_h.at[pl.ds(ebase, _EP)], g_v)
        pltpu.sync_copy(zrows_h, zb_v)

        rbase = sid * _RPT
        for j in range(_RPT // 32):
            ro = pl.multiple_of(rbase + j * 32, 8)
            pltpu.async_copy(zb_v, acc_s.at[pl.ds(ro, 32)], gsem[0])
        for j in range(_RPT // 32):
            ro = pl.multiple_of(rbase + j * 32, 8)
            pltpu.make_async_copy(zb_v, acc_s.at[pl.ds(ro, 32)],
                                  gsem[0]).wait()
        plsc.subcore_barrier()

        def idx_load(i, db, sem):
            eo = pl.multiple_of(ebase + i * _CH, 8)
            return pltpu.async_copy(dst_h.at[pl.ds(eo, _CH)], db, sem)

        def idx_wait(i, db, sem):
            eo = pl.multiple_of(ebase + i * _CH, 8)
            pltpu.make_async_copy(dst_h.at[pl.ds(eo, _CH)], db,
                                  sem).wait()

        def gather(i, rows, sem):
            eb = pl.multiple_of(i * _CH, 8)
            return pltpu.async_copy(table_h.at[g_v.at[pl.ds(eb, _CH)]],
                                    rows, sem)

        def gather_wait(i, rows, sem):
            eb = pl.multiple_of(i * _CH, 8)
            pltpu.make_async_copy(table_h.at[g_v.at[pl.ds(eb, _CH)]],
                                  rows, sem).wait()

        def scatter(rows, db, sem):
            return pltpu.async_copy(rows, acc_s.at[db], sem, add=True)

        def scatter_wait(rows, db, sem):
            pltpu.make_async_copy(rows, acc_s.at[db], sem).wait()

        for s in range(_NSLOT):
            idx_load(s, db_v[s], isem[s])
            gather(s, rows_v[s], gsem[s])

        def round_(r, c):
            i0 = _NSLOT * r
            for s in range(_NSLOT):
                gather_wait(i0 + s, rows_v[s], gsem[s])
                idx_wait(i0 + s, db_v[s], isem[s])
                scatter(rows_v[s], db_v[s], ssem[s])
            for s in range(_NSLOT):
                scatter_wait(rows_v[s], db_v[s], ssem[s])
                idx_load(i0 + _NSLOT + s, db_v[s], isem[s])
                gather(i0 + _NSLOT + s, rows_v[s], gsem[s])
            return c
        lax.fori_loop(0, _NCH // _NSLOT - 1, round_, 0)

        ilast = _NCH - _NSLOT
        for s in range(_NSLOT):
            gather_wait(ilast + s, rows_v[s], gsem[s])
            idx_wait(ilast + s, db_v[s], isem[s])
            scatter(rows_v[s], db_v[s], ssem[s])
        ebt = pl.multiple_of(_NCH * _CH, 8)
        pltpu.sync_copy(dst_h.at[pl.ds(ebase + ebt, _CHT)], dbt_v)
        for s in range(_NSLOT):
            scatter_wait(rows_v[s], db_v[s], ssem[s])
        pltpu.async_copy(table_h.at[g_v.at[pl.ds(ebt, _CHT)]],
                         rows_v[0].at[pl.ds(0, _CHT)], gsem[0]).wait()
        pltpu.sync_copy(rows_v[0].at[pl.ds(0, _CHT)], acc_s.at[dbt_v],
                        add=True)
        plsc.subcore_barrier()

        obase = cid * _NPAD + rbase

        def d_in(j, s):
            ro = pl.multiple_of(rbase + j * 64, 8)
            return pltpu.async_copy(acc_s.at[pl.ds(ro, 64)], rows_v[s],
                                    gsem[s])

        def d_out(j, s):
            oo = pl.multiple_of(obase + j * 64, 8)
            return pltpu.async_copy(rows_v[s], out_h.at[pl.ds(oo, 64)],
                                    ssem[s])

        def d_out_wait(j, s):
            oo = pl.multiple_of(obase + j * 64, 8)
            pltpu.make_async_copy(rows_v[s], out_h.at[pl.ds(oo, 64)],
                                  ssem[s]).wait()

        nd = _RPT // 64
        for j in range(nd):
            s = j % 2
            if j >= 2:
                d_out_wait(j - 2, s)
            d_in(j, s).wait()
            d_out(j, s)
        d_out_wait(nd - 2, (nd - 2) % 2)
        d_out_wait(nd - 1, (nd - 1) % 2)

    return sc_kernel(table, g, dst, zrows)



def _stats_body(p_ref, h_ref, sum_ref, sq_ref):
    i = pl.program_id(0)
    h = p_ref[0] + p_ref[1]
    h_ref[...] = h
    s = jnp.sum(h, axis=0, keepdims=True)
    q = jnp.sum(h * h, axis=0, keepdims=True)

    @pl.when(i == 0)
    def _():
        sum_ref[...] = s
        sq_ref[...] = q

    @pl.when(i > 0)
    def _():
        sum_ref[...] = sum_ref[...] + s
        sq_ref[...] = sq_ref[...] + q


def _stats_stage(partials):
    return pl.pallas_call(
        _stats_body,
        grid=(_NB,),
        in_specs=[pl.BlockSpec((_NSC, _R, _C), lambda i: (0, i, 0))],
        out_specs=[
            pl.BlockSpec((_R, _C), lambda i: (i, 0)),
            pl.BlockSpec((1, _C), lambda i: (0, 0)),
            pl.BlockSpec((1, _C), lambda i: (0, 0)),
        ],
        out_shape=[
            jax.ShapeDtypeStruct((_N, _C), jnp.float32),
            jax.ShapeDtypeStruct((1, _C), jnp.float32),
            jax.ShapeDtypeStruct((1, _C), jnp.float32),
        ],
        compiler_params=pltpu.CompilerParams(
            dimension_semantics=("arbitrary",)),
    )(partials)



def _final_body(h_ref, s_ref, q_ref, g_ref, b_ref, cam_ref, wc_ref, bc_ref,
                bidx_ref, x_ref, o_ref):
    inv_n = jnp.float32(1.0 / _N)
    mu = s_ref[...] * inv_n
    var = q_ref[...] * inv_n - mu * mu
    hn = g_ref[...] * (h_ref[...] - mu) * lax.rsqrt(var + _EPS) + b_ref[...]
    cam = jnp.dot(cam_ref[...], wc_ref[...],
                  preferred_element_type=jnp.float32) + bc_ref[...]
    bi = bidx_ref[0, 0, :]
    onehot = (bi[:, None] == lax.broadcasted_iota(jnp.int32, (1, 8), 1)
              ).astype(jnp.float32)
    film = jnp.dot(onehot, cam, preferred_element_type=jnp.float32)
    scale = film[:, :_C]
    shift = film[:, _C:]
    o_ref[...] = jnp.maximum(hn * (1.0 + scale) + shift, 0.0) + x_ref[...]


def _final_stage(h, s, q, gamma, beta, cam_pad, Wc, bc, bidx3, x):
    return pl.pallas_call(
        _final_body,
        grid=(_NB,),
        in_specs=[
            pl.BlockSpec((_R, _C), lambda i: (i, 0)),
            pl.BlockSpec((1, _C), lambda i: (0, 0)),
            pl.BlockSpec((1, _C), lambda i: (0, 0)),
            pl.BlockSpec((1, _C), lambda i: (0, 0)),
            pl.BlockSpec((1, _C), lambda i: (0, 0)),
            pl.BlockSpec((8, 2 * _C), lambda i: (0, 0)),
            pl.BlockSpec((_CAM, 2 * _C), lambda i: (0, 0)),
            pl.BlockSpec((1, 2 * _C), lambda i: (0, 0)),
            pl.BlockSpec((1, 1, _R), lambda i: (i, 0, 0)),
            pl.BlockSpec((_R, _C), lambda i: (i, 0)),
        ],
        out_specs=pl.BlockSpec((_R, _C), lambda i: (i, 0)),
        out_shape=jax.ShapeDtypeStruct((_N, _C), jnp.float32),
        compiler_params=pltpu.CompilerParams(
            dimension_semantics=("arbitrary",)),
    )(h, s, q, gamma, beta, cam_pad, Wc, bc, bidx3, x)



def kernel(x_features, camera_cond, W1, b1, gamma1, beta1, W2, b2, gamma2,
           beta2, Wc, bc, edge_index, kernel_offsets, batch_idx):
    del b1, b2
    src = edge_index[0]
    dst = edge_index[1]
    g = _prep_stage(src, kernel_offsets)
    W1w = W1.transpose(1, 0, 2).reshape(_C, _K * _C).astype(jnp.bfloat16)
    W2w = W2.transpose(1, 0, 2).reshape(_C, _K * _C).astype(jnp.bfloat16)
    zrows = jnp.zeros((32, _C), jnp.float32)

    y1 = _dense_stage(x_features, W1w)
    p1 = _sc_scatter(y1.reshape(_K * _N, _C), g, dst, zrows)
    h1, s1, q1 = _stats_stage(p1.reshape(_NSC, _NPAD, _C))

    y2 = _dense_stage(h1, W2w, stats=(s1, q1, gamma1.reshape(1, _C),
                                      beta1.reshape(1, _C)))
    p2 = _sc_scatter(y2.reshape(_K * _N, _C), g, dst, zrows)
    h2, s2, q2 = _stats_stage(p2.reshape(_NSC, _NPAD, _C))

    cam_pad = jnp.zeros((8, _CAM), jnp.float32).at[:4].set(camera_cond)
    bidx3 = batch_idx.reshape(_NB, 1, _R)
    return _final_stage(h2, s2, q2, gamma2.reshape(1, _C),
                        beta2.reshape(1, _C), cam_pad, Wc,
                        bc.reshape(1, 2 * _C), bidx3, x_features)

# --- scband reference (transcript-rebuilt; emitter-appended) ---
"""Pipeline reference for scband-camera-aware-sparse-block-40458591928948 (READ-ONLY COPY).

The authoritative reference and input builder live on the scoring server;
editing this copy changes nothing except your own understanding.
"""

import jax, jax.numpy as jnp
import numpy as np

N = 10000
E = 320000
C_IN = 128
C_OUT = 128
K = 27
CAM = 256
B = 4


def setup_inputs(seed: int = 0) -> dict:
    key = jax.random.key(seed)
    ks = jax.random.split(key, 12)
    x_features = jax.random.normal(ks[0], (N, C_IN), dtype=jnp.float32)
    edge_index = jax.random.randint(ks[1], (2, E), 0, N, dtype=jnp.int32)
    kernel_offsets = jax.random.randint(ks[2], (E,), 0, K, dtype=jnp.int32)
    batch_idx = jnp.sort(jax.random.randint(ks[3], (N,), 0, B, dtype=jnp.int32))
    camera_cond = jax.random.normal(ks[4], (B, CAM), dtype=jnp.float32)
    W1 = jax.random.normal(ks[5], (K, C_IN, C_OUT), dtype=jnp.float32) * 0.05
    b1 = jnp.zeros((C_OUT,), dtype=jnp.float32)
    gamma1 = jnp.ones((C_OUT,), dtype=jnp.float32)
    beta1 = jnp.zeros((C_OUT,), dtype=jnp.float32)
    W2 = jax.random.normal(ks[6], (K, C_OUT, C_OUT), dtype=jnp.float32) * 0.05
    b2 = jnp.zeros((C_OUT,), dtype=jnp.float32)
    gamma2 = jnp.ones((C_OUT,), dtype=jnp.float32)
    beta2 = jnp.zeros((C_OUT,), dtype=jnp.float32)
    Wc = jax.random.normal(ks[7], (CAM, 2 * C_OUT), dtype=jnp.float32) * 0.05
    bc = jnp.zeros((2 * C_OUT,), dtype=jnp.float32)
    return {
        'x_features': x_features,
        'camera_cond': camera_cond,
        'W1': W1, 'b1': b1, 'gamma1': gamma1, 'beta1': beta1,
        'W2': W2, 'b2': b2, 'gamma2': gamma2, 'beta2': beta2,
        'Wc': Wc, 'bc': bc,
        'edge_index': edge_index,
        'kernel_offsets': kernel_offsets,
        'batch_idx': batch_idx,
    }


def _subm_conv(x, W, b, src, dst, koff, num_nodes):
    # Submanifold sparse conv as gather-matmul-scatter over the kernel map:
    # out[i] = b + sum_{e: dst_e = i} W[koff_e]^T x[src_e]
    y = jnp.einsum('nc,kco->kno', x, W)      # [K, N, C_out]
    msgs = y[koff, src]                       # [E, C_out] gather
    out = jax.ops.segment_sum(msgs, dst, num_segments=num_nodes)  # scatter-add
    return out + b


def _batch_norm(x, gamma, beta, eps=1e-5):
    mu = jnp.mean(x, axis=0)
    var = jnp.var(x, axis=0)
    return gamma * (x - mu) / jnp.sqrt(var + eps) + beta


def reference(x_features, camera_cond, W1, b1, gamma1, beta1, W2, b2, gamma2, beta2, Wc, bc, edge_index, kernel_offsets, batch_idx):
    src = edge_index[0]
    dst = edge_index[1]
    identity = x_features
    out = _subm_conv(x_features, W1, b1, src, dst, kernel_offsets, N)
    out = jax.nn.relu(_batch_norm(out, gamma1, beta1))
    out = _subm_conv(out, W2, b2, src, dst, kernel_offsets, N)
    out = _batch_norm(out, gamma2, beta2)
    cam_params = camera_cond @ Wc + bc            # [B, 2*C_out]
    scale, shift = jnp.split(cam_params, 2, axis=1)
    out = out * (1.0 + scale[batch_idx]) + shift[batch_idx]
    out = jax.nn.relu(out)
    # in_channels == out_channels -> residual is Identity
    out = out + identity
    return out

if __name__ == "__main__":
    import jax
    _d = setup_inputs()
    print(jax.jit(kernel)(*tuple(_d.values())))

</pallas_src>

<mosaic_0001>
#map = affine_map<(d0, d1) -> (0, 0)>
#map1 = affine_map<(d0, d1) -> (0)>
module attributes {stable_mosaic.version = 14 : i64} {
  func.func @sc_kernel(%arg0: i32, %arg1: i32, %arg2: memref<270000x128xf32, #tpu.memory_space<hbm>>, %arg3: memref<320000xi32, #tpu.memory_space<hbm>>, %arg4: memref<320000xi32, #tpu.memory_space<hbm>>, %arg5: memref<32x128xf32, #tpu.memory_space<hbm>>, %arg6: memref<20480x128xf32, #tpu.memory_space<hbm>>, %arg7: memref<10000xi32, #tpu.memory_space<vmem>>, %arg8: memref<64xi32, #tpu.memory_space<vmem>>, %arg9: memref<64xi32, #tpu.memory_space<vmem>>, %arg10: memref<64xi32, #tpu.memory_space<vmem>>, %arg11: memref<64xi32, #tpu.memory_space<vmem>>, %arg12: memref<16xi32, #tpu.memory_space<vmem>>, %arg13: memref<64x128xf32, #tpu.memory_space<vmem>>, %arg14: memref<64x128xf32, #tpu.memory_space<vmem>>, %arg15: memref<64x128xf32, #tpu.memory_space<vmem>>, %arg16: memref<64x128xf32, #tpu.memory_space<vmem>>, %arg17: memref<32x128xf32, #tpu.memory_space<vmem>>, %arg18: memref<10240x128xf32, #tpu.memory_space<vmem_shared>>, %arg19: memref<!tpu.dma_semaphore, #tpu.memory_space<semaphore_mem>>, %arg20: memref<!tpu.dma_semaphore, #tpu.memory_space<semaphore_mem>>, %arg21: memref<!tpu.dma_semaphore, #tpu.memory_space<semaphore_mem>>, %arg22: memref<!tpu.dma_semaphore, #tpu.memory_space<semaphore_mem>>, %arg23: memref<!tpu.dma_semaphore, #tpu.memory_space<semaphore_mem>>, %arg24: memref<!tpu.dma_semaphore, #tpu.memory_space<semaphore_mem>>, %arg25: memref<!tpu.dma_semaphore, #tpu.memory_space<semaphore_mem>>, %arg26: memref<!tpu.dma_semaphore, #tpu.memory_space<semaphore_mem>>, %arg27: memref<!tpu.dma_semaphore, #tpu.memory_space<semaphore_mem>>, %arg28: memref<!tpu.dma_semaphore, #tpu.memory_space<semaphore_mem>>, %arg29: memref<!tpu.dma_semaphore, #tpu.memory_space<semaphore_mem>>, %arg30: memref<!tpu.dma_semaphore, #tpu.memory_space<semaphore_mem>>) attributes {dimension_semantics = [#tpu.dimension_semantics<core_parallel>, #tpu.dimension_semantics<subcore_parallel>], iteration_bounds = array<i64: 2, 16>, scalar_prefetch = 0 : i64, scratch_operands = 24 : i64, tpu.core_type = #tpu.core_type<sc_vector_subcore>, window_params = [{transform_indices = #map}, {transform_indices = #map1}, {transform_indices = #map1}, {transform_indices = #map}, {transform_indices = #map}]} {
    %mul3A = arith.constant 2 : i32
    %mul3A_0 = arith.muli %arg1, %mul3A : i32
    %add3A = arith.addi %mul3A_0, %arg0 : i32
    %mul3A_1 = arith.constant 10000 : i32
    %mul3A_2 = arith.muli %add3A, %mul3A_1 : i32
    %multiple_of3A = tpu.assume_multiple %mul3A_2, 8 : i32
    "tpu.region"() ({
      %run_scoped3A = tpu.sem_alloc : memref<!tpu.dma_semaphore, #tpu.memory_space<semaphore_mem>>
      %dma_start3A_671 = tpu.memref_slice %arg3[%multiple_of3A] : memref<320000xi32, #tpu.memory_space<hbm>> -> memref<10000xi32, #tpu.memory_space<hbm>>
      %dma_start3A_672 = tpu.memref_slice %arg3[%multiple_of3A] : memref<320000xi32, #tpu.memory_space<hbm>> -> memref<10000xi32, #tpu.memory_space<hbm>>
      tpu.enqueue_dma source(%dma_start3A_672 : memref<10000xi32, #tpu.memory_space<hbm>>) target(%arg7 : memref<10000xi32, #tpu.memory_space<vmem>>) target_semaphore(%run_scoped3A : memref<!tpu.dma_semaphore, #tpu.memory_space<semaphore_mem>>)
      %dma_wait3A_673 = tpu.memref_slice %arg3[%multiple_of3A] : memref<320000xi32, #tpu.memory_space<hbm>> -> memref<10000xi32, #tpu.memory_space<hbm>>
      %dma_wait3A_674 = tpu.memref_slice %arg3[%multiple_of3A] : memref<320000xi32, #tpu.memory_space<hbm>> -> memref<10000xi32, #tpu.memory_space<hbm>>
      tpu.wait_dma2 semaphore(%run_scoped3A : memref<!tpu.dma_semaphore, #tpu.memory_space<semaphore_mem>>) src(%dma_wait3A_674 : memref<10000xi32, #tpu.memory_space<hbm>>) dst(%arg7 : memref<10000xi32, #tpu.memory_space<vmem>>)
      tpu.yield
    }) : () -> ()
    "tpu.region"() ({
      %run_scoped3A = tpu.sem_alloc : memref<!tpu.dma_semaphore, #tpu.memory_space<semaphore_mem>>
      tpu.enqueue_dma source(%arg5 : memref<32x128xf32, #tpu.memory_space<hbm>>) target(%arg17 : memref<32x128xf32, #tpu.memory_space<vmem>>) target_semaphore(%run_scoped3A : memref<!tpu.dma_semaphore, #tpu.memory_space<semaphore_mem>>)
      tpu.wait_dma2 semaphore(%run_scoped3A : memref<!tpu.dma_semaphore, #tpu.memory_space<semaphore_mem>>) src(%arg5 : memref<32x128xf32, #tpu.memory_space<hbm>>) dst(%arg17 : memref<32x128xf32, #tpu.memory_space<vmem>>)
      tpu.yield
    }) : () -> ()
    %mul3A_3 = arith.constant 640 : i32
    %mul3A_4 = arith.muli %arg1, %mul3A_3 : i32
    %add3A_5 = arith.constant 0 : i32
    %add3A_6 = arith.addi %mul3A_4, %add3A_5 : i32
    %multiple_of3A_7 = tpu.assume_multiple %add3A_6, 8 : i32
    %dma_start3A = arith.constant 0 : i32
    %dma_start3A_8 = tpu.memref_slice %arg18[%multiple_of3A_7, %dma_start3A] : memref<10240x128xf32, #tpu.memory_space<vmem_shared>> -> memref<32x128xf32, #tpu.memory_space<vmem_shared>>
    %dma_start3A_9 = arith.constant 0 : i32
    %dma_start3A_10 = tpu.memref_slice %arg18[%multiple_of3A_7, %dma_start3A_9] : memref<10240x128xf32, #tpu.memory_space<vmem_shared>> -> memref<32x128xf32, #tpu.memory_space<vmem_shared>>
    tpu.enqueue_dma source(%arg17 : memref<32x128xf32, #tpu.memory_space<vmem>>) target(%dma_start3A_10 : memref<32x128xf32, #tpu.memory_space<vmem_shared>>) target_semaphore(%arg19 : memref<!tpu.dma_semaphore, #tpu.memory_space<semaphore_mem>>)
    %add3A_11 = arith.constant 32 : i32
    %add3A_12 = arith.addi %mul3A_4, %add3A_11 : i32
    %multiple_of3A_13 = tpu.assume_multiple %add3A_12, 8 : i32
    %dma_start3A_14 = arith.constant 0 : i32
    %dma_start3A_15 = tpu.memref_slice %arg18[%multiple_of3A_13, %dma_start3A_14] : memref<10240x128xf32, #tpu.memory_space<vmem_shared>> -> memref<32x128xf32, #tpu.memory_space<vmem_shared>>
    %dma_start3A_16 = arith.constant 0 : i32
    %dma_start3A_17 = tpu.memref_slice %arg18[%multiple_of3A_13, %dma_start3A_16] : memref<10240x128xf32, #tpu.memory_space<vmem_shared>> -> memref<32x128xf32, #tpu.memory_space<vmem_shared>>
    tpu.enqueue_dma source(%arg17 : memref<32x128xf32, #tpu.memory_space<vmem>>) target(%dma_start3A_17 : memref<32x128xf32, #tpu.memory_space<vmem_shared>>) target_semaphore(%arg19 : memref<!tpu.dma_semaphore, #tpu.memory_space<semaphore_mem>>)
    %add3A_18 = arith.constant 64 : i32
    %add3A_19 = arith.addi %mul3A_4, %add3A_18 : i32
    %multiple_of3A_20 = tpu.assume_multiple %add3A_19, 8 : i32
    %dma_start3A_21 = arith.constant 0 : i32
    %dma_start3A_22 = tpu.memref_slice %arg18[%multiple_of3A_20, %dma_start3A_21] : memref<10240x128xf32, #tpu.memory_space<vmem_shared>> -> memref<32x128xf32, #tpu.memory_space<vmem_shared>>
    %dma_start3A_23 = arith.constant 0 : i32
    %dma_start3A_24 = tpu.memref_slice %arg18[%multiple_of3A_20, %dma_start3A_23] : memref<10240x128xf32, #tpu.memory_space<vmem_shared>> -> memref<32x128xf32, #tpu.memory_space<vmem_shared>>
    tpu.enqueue_dma source(%arg17 : memref<32x128xf32, #tpu.memory_space<vmem>>) target(%dma_start3A_24 : memref<32x128xf32, #tpu.memory_space<vmem_shared>>) target_semaphore(%arg19 : memref<!tpu.dma_semaphore, #tpu.memory_space<semaphore_mem>>)
    %add3A_25 = arith.constant 96 : i32
    %add3A_26 = arith.addi %mul3A_4, %add3A_25 : i32
    %multiple_of3A_27 = tpu.assume_multiple %add3A_26, 8 : i32
    %dma_start3A_28 = arith.constant 0 : i32
    %dma_start3A_29 = tpu.memref_slice %arg18[%multiple_of3A_27, %dma_start3A_28] : memref<10240x128xf32, #tpu.memory_space<vmem_shared>> -> memref<32x128xf32, #tpu.memory_space<vmem_shared>>
    %dma_start3A_30 = arith.constant 0 : i32
    %dma_start3A_31 = tpu.memref_slice %arg18[%multiple_of3A_27, %dma_start3A_30] : memref<10240x128xf32, #tpu.memory_space<vmem_shared>> -> memref<32x128xf32, #tpu.memory_space<vmem_shared>>
    tpu.enqueue_dma source(%arg17 : memref<32x128xf32, #tpu.memory_space<vmem>>) target(%dma_start3A_31 : memref<32x128xf32, #tpu.memory_space<vmem_shared>>) target_semaphore(%arg19 : memref<!tpu.dma_semaphore, #tpu.memory_space<semaphore_mem>>)
    %add3A_32 = arith.constant 128 : i32
    %add3A_33 = arith.addi %mul3A_4, %add3A_32 : i32
    %multiple_of3A_34 = tpu.assume_multiple %add3A_33, 8 : i32
    %dma_start3A_35 = arith.constant 0 : i32
    %dma_start3A_36 = tpu.memref_slice %arg18[%multiple_of3A_34, %dma_start3A_35] : memref<10240x128xf32, #tpu.memory_space<vmem_shared>> -> memref<32x128xf32, #tpu.memory_space<vmem_shared>>
    %dma_start3A_37 = arith.constant 0 : i32
    %dma_start3A_38 = tpu.memref_slice %arg18[%multiple_of3A_34, %dma_start3A_37] : memref<10240x128xf32, #tpu.memory_space<vmem_shared>> -> memref<32x128xf32, #tpu.memory_space<vmem_shared>>
    tpu.enqueue_dma source(%arg17 : memref<32x128xf32, #tpu.memory_space<vmem>>) target(%dma_start3A_38 : memref<32x128xf32, #tpu.memory_space<vmem_shared>>) target_semaphore(%arg19 : memref<!tpu.dma_semaphore, #tpu.memory_space<semaphore_mem>>)
    %add3A_39 = arith.constant 160 : i32
    %add3A_40 = arith.addi %mul3A_4, %add3A_39 : i32
    %multiple_of3A_41 = tpu.assume_multiple %add3A_40, 8 : i32
    %dma_start3A_42 = arith.constant 0 : i32
    %dma_start3A_43 = tpu.memref_slice %arg18[%multiple_of3A_41, %dma_start3A_42] : memref<10240x128xf32, #tpu.memory_space<vmem_shared>> -> memref<32x128xf32, #tpu.memory_space<vmem_shared>>
    %dma_start3A_44 = arith.constant 0 : i32
    %dma_start3A_45 = tpu.memref_slice %arg18[%multiple_of3A_41, %dma_start3A_44] : memref<10240x128xf32, #tpu.memory_space<vmem_shared>> -> memref<32x128xf32, #tpu.memory_space<vmem_shared>>
    tpu.enqueue_dma source(%arg17 : memref<32x128xf32, #tpu.memory_space<vmem>>) target(%dma_start3A_45 : memref<32x128xf32, #tpu.memory_space<vmem_shared>>) target_semaphore(%arg19 : memref<!tpu.dma_semaphore, #tpu.memory_space<semaphore_mem>>)
    %add3A_46 = arith.constant 192 : i32
    %add3A_47 = arith.addi %mul3A_4, %add3A_46 : i32
    %multiple_of3A_48 = tpu.assume_multiple %add3A_47, 8 : i32
    %dma_start3A_49 = arith.constant 0 : i32
    %dma_start3A_50 = tpu.memref_slice %arg18[%multiple_of3A_48, %dma_start3A_49] : memref<10240x128xf32, #tpu.memory_space<vmem_shared>> -> memref<32x128xf32, #tpu.memory_space<vmem_shared>>
    %dma_start3A_51 = arith.constant 0 : i32
    %dma_start3A_52 = tpu.memref_slice %arg18[%multiple_of3A_48, %dma_start3A_51] : memref<10240x128xf32, #tpu.memory_space<vmem_shared>> -> memref<32x128xf32, #tpu.memory_space<vmem_shared>>
    tpu.enqueue_dma source(%arg17 : memref<32x128xf32, #tpu.memory_space<vmem>>) target(%dma_start3A_52 : memref<32x128xf32, #tpu.memory_space<vmem_shared>>) target_semaphore(%arg19 : memref<!tpu.dma_semaphore, #tpu.memory_space<semaphore_mem>>)
    %add3A_53 = arith.constant 224 : i32
    %add3A_54 = arith.addi %mul3A_4, %add3A_53 : i32
    %multiple_of3A_55 = tpu.assume_multiple %add3A_54, 8 : i32
    %dma_start3A_56 = arith.constant 0 : i32
    %dma_start3A_57 = tpu.memref_slice %arg18[%multiple_of3A_55, %dma_start3A_56] : memref<10240x128xf32, #tpu.memory_space<vmem_shared>> -> memref<32x128xf32, #tpu.memory_space<vmem_shared>>
    %dma_start3A_58 = arith.constant 0 : i32
    %dma_start3A_59 = tpu.memref_slice %arg18[%multiple_of3A_55, %dma_start3A_58] : memref<10240x128xf32, #tpu.memory_space<vmem_shared>> -> memref<32x128xf32, #tpu.memory_space<vmem_shared>>
    tpu.enqueue_dma source(%arg17 : memref<32x128xf32, #tpu.memory_space<vmem>>) target(%dma_start3A_59 : memref<32x128xf32, #tpu.memory_space<vmem_shared>>) target_semaphore(%arg19 : memref<!tpu.dma_semaphore, #tpu.memory_space<semaphore_mem>>)
    %add3A_60 = arith.constant 256 : i32
    %add3A_61 = arith.addi %mul3A_4, %add3A_60 : i32
    %multiple_of3A_62 = tpu.assume_multiple %add3A_61, 8 : i32
    %dma_start3A_63 = arith.constant 0 : i32
    %dma_start3A_64 = tpu.memref_slice %arg18[%multiple_of3A_62, %dma_start3A_63] : memref<10240x128xf32, #tpu.memory_space<vmem_shared>> -> memref<32x128xf32, #tpu.memory_space<vmem_shared>>
    %dma_start3A_65 = arith.constant 0 : i32
    %dma_start3A_66 = tpu.memref_slice %arg18[%multiple_of3A_62, %dma_start3A_65] : memref<10240x128xf32, #tpu.memory_space<vmem_shared>> -> memref<32x128xf32, #tpu.memory_space<vmem_shared>>
    tpu.enqueue_dma source(%arg17 : memref<32x128xf32, #tpu.memory_space<vmem>>) target(%dma_start3A_66 : memref<32x128xf32, #tpu.memory_space<vmem_shared>>) target_semaphore(%arg19 : memref<!tpu.dma_semaphore, #tpu.memory_space<semaphore_mem>>)
    %add3A_67 = arith.constant 288 : i32
    %add3A_68 = arith.addi %mul3A_4, %add3A_67 : i32
    %multiple_of3A_69 = tpu.assume_multiple %add3A_68, 8 : i32
    %dma_start3A_70 = arith.constant 0 : i32
    %dma_start3A_71 = tpu.memref_slice %arg18[%multiple_of3A_69, %dma_start3A_70] : memref<10240x128xf32, #tpu.memory_space<vmem_shared>> -> memref<32x128xf32, #tpu.memory_space<vmem_shared>>
    %dma_start3A_72 = arith.constant 0 : i32
    %dma_start3A_73 = tpu.memref_slice %arg18[%multiple_of3A_69, %dma_start3A_72] : memref<10240x128xf32, #tpu.memory_space<vmem_shared>> -> memref<32x128xf32, #tpu.memory_space<vmem_shared>>
    tpu.enqueue_dma source(%arg17 : memref<32x128xf32, #tpu.memory_space<vmem>>) target(%dma_start3A_73 : memref<32x128xf32, #tpu.memory_space<vmem_shared>>) target_semaphore(%arg19 : memref<!tpu.dma_semaphore, #tpu.memory_space<semaphore_mem>>)
    %add3A_74 = arith.constant 320 : i32
    %add3A_75 = arith.addi %mul3A_4, %add3A_74 : i32
    %multiple_of3A_76 = tpu.assume_multiple %add3A_75, 8 : i32
    %dma_start3A_77 = arith.constant 0 : i32
    %dma_start3A_78 = tpu.memref_slice %arg18[%multiple_of3A_76, %dma_start3A_77] : memref<10240x128xf32, #tpu.memory_space<vmem_shared>> -> memref<32x128xf32, #tpu.memory_space<vmem_shared>>
    %dma_start3A_79 = arith.constant 0 : i32
    %dma_start3A_80 = tpu.memref_slice %arg18[%multiple_of3A_76, %dma_start3A_79] : memref<10240x128xf32, #tpu.memory_space<vmem_shared>> -> memref<32x128xf32, #tpu.memory_space<vmem_shared>>
    tpu.enqueue_dma source(%arg17 : memref<32x128xf32, #tpu.memory_space<vmem>>) target(%dma_start3A_80 : memref<32x128xf32, #tpu.memory_space<vmem_shared>>) target_semaphore(%arg19 : memref<!tpu.dma_semaphore, #tpu.memory_space<semaphore_mem>>)
    %add3A_81 = arith.constant 352 : i32
    %add3A_82 = arith.addi %mul3A_4, %add3A_81 : i32
    %multiple_of3A_83 = tpu.assume_multiple %add3A_82, 8 : i32
    %dma_start3A_84 = arith.constant 0 : i32
    %dma_start3A_85 = tpu.memref_slice %arg18[%multiple_of3A_83, %dma_start3A_84] : memref<10240x128xf32, #tpu.memory_space<vmem_shared>> -> memref<32x128xf32, #tpu.memory_space<vmem_shared>>
    %dma_start3A_86 = arith.constant 0 : i32
    %dma_start3A_87 = tpu.memref_slice %arg18[%multiple_of3A_83, %dma_start3A_86] : memref<10240x128xf32, #tpu.memory_space<vmem_shared>> -> memref<32x128xf32, #tpu.memory_space<vmem_shared>>
    tpu.enqueue_dma source(%arg17 : memref<32x128xf32, #tpu.memory_space<vmem>>) target(%dma_start3A_87 : memref<32x128xf32, #tpu.memory_space<vmem_shared>>) target_semaphore(%arg19 : memref<!tpu.dma_semaphore, #tpu.memory_space<semaphore_mem>>)
    %add3A_88 = arith.constant 384 : i32
    %add3A_89 = arith.addi %mul3A_4, %add3A_88 : i32
    %multiple_of3A_90 = tpu.assume_multiple %add3A_89, 8 : i32
    %dma_start3A_91 = arith.constant 0 : i32
    %dma_start3A_92 = tpu.memref_slice %arg18[%multiple_of3A_90, %dma_start3A_91] : memref<10240x128xf32, #tpu.memory_space<vmem_shared>> -> memref<32x128xf32, #tpu.memory_space<vmem_shared>>
    %dma_start3A_93 = arith.constant 0 : i32
    %dma_start3A_94 = tpu.memref_slice %arg18[%multiple_of3A_90, %dma_start3A_93] : memref<10240x128xf32, #tpu.memory_space<vmem_shared>> -> memref<32x128xf32, #tpu.memory_space<vmem_shared>>
    tpu.enqueue_dma source(%arg17 : memref<32x128xf32, #tpu.memory_space<vmem>>) target(%dma_start3A_94 : memref<32x128xf32, #tpu.memory_space<vmem_shared>>) target_semaphore(%arg19 : memref<!tpu.dma_semaphore, #tpu.memory_space<semaphore_mem>>)
    %add3A_95 = arith.constant 416 : i32
    %add3A_96 = arith.addi %mul3A_4, %add3A_95 : i32
    %multiple_of3A_97 = tpu.assume_multiple %add3A_96, 8 : i32
    %dma_start3A_98 = arith.constant 0 : i32
    %dma_start3A_99 = tpu.memref_slice %arg18[%multiple_of3A_97, %dma_start3A_98] : memref<10240x128xf32, #tpu.memory_space<vmem_shared>> -> memref<32x128xf32, #tpu.memory_space<vmem_shared>>
    %dma_start3A_100 = arith.constant 0 : i32
    %dma_start3A_101 = tpu.memref_slice %arg18[%multiple_of3A_97, %dma_start3A_100] : memref<10240x128xf32, #tpu.memory_space<vmem_shared>> -> memref<32x128xf32, #tpu.memory_space<vmem_shared>>
    tpu.enqueue_dma source(%arg17 : memref<32x128xf32, #tpu.memory_space<vmem>>) target(%dma_start3A_101 : memref<32x128xf32, #tpu.memory_space<vmem_shared>>) target_semaphore(%arg19 : memref<!tpu.dma_semaphore, #tpu.memory_space<semaphore_mem>>)
    %add3A_102 = arith.constant 448 : i32
    %add3A_103 = arith.addi %mul3A_4, %add3A_102 : i32
    %multiple_of3A_104 = tpu.assume_multiple %add3A_103, 8 : i32
    %dma_start3A_105 = arith.constant 0 : i32
    %dma_start3A_106 = tpu.memref_slice %arg18[%multiple_of3A_104, %dma_start3A_105] : memref<10240x128xf32, #tpu.memory_space<vmem_shared>> -> memref<32x128xf32, #tpu.memory_space<vmem_shared>>
    %dma_start3A_107 = arith.constant 0 : i32
    %dma_start3A_108 = tpu.memref_slice %arg18[%multiple_of3A_104, %dma_start3A_107] : memref<10240x128xf32, #tpu.memory_space<vmem_shared>> -> memref<32x128xf32, #tpu.memory_space<vmem_shared>>
    tpu.enqueue_dma source(%arg17 : memref<32x128xf32, #tpu.memory_space<vmem>>) target(%dma_start3A_108 : memref<32x128xf32, #tpu.memory_space<vmem_shared>>) target_semaphore(%arg19 : memref<!tpu.dma_semaphore, #tpu.memory_space<semaphore_mem>>)
    %add3A_109 = arith.constant 480 : i32
    %add3A_110 = arith.addi %mul3A_4, %add3A_109 : i32
    %multiple_of3A_111 = tpu.assume_multiple %add3A_110, 8 : i32
    %dma_start3A_112 = arith.constant 0 : i32
    %dma_start3A_113 = tpu.memref_slice %arg18[%multiple_of3A_111, %dma_start3A_112] : memref<10240x128xf32, #tpu.memory_space<vmem_shared>> -> memref<32x128xf32, #tpu.memory_space<vmem_shared>>
    %dma_start3A_114 = arith.constant 0 : i32
    %dma_start3A_115 = tpu.memref_slice %arg18[%multiple_of3A_111, %dma_start3A_114] : memref<10240x128xf32, #tpu.memory_space<vmem_shared>> -> memref<32x128xf32, #tpu.memory_space<vmem_shared>>
    tpu.enqueue_dma source(%arg17 : memref<32x128xf32, #tpu.memory_space<vmem>>) target(%dma_start3A_115 : memref<32x128xf32, #tpu.memory_space<vmem_shared>>) target_semaphore(%arg19 : memref<!tpu.dma_semaphore, #tpu.memory_space<semaphore_mem>>)
    %add3A_116 = arith.constant 512 : i32
    %add3A_117 = arith.addi %mul3A_4, %add3A_116 : i32
    %multiple_of3A_118 = tpu.assume_multiple %add3A_117, 8 : i32
    %dma_start3A_119 = arith.constant 0 : i32
    %dma_start3A_120 = tpu.memref_slice %arg18[%multiple_of3A_118, %dma_start3A_119] : memref<10240x128xf32, #tpu.memory_space<vmem_shared>> -> memref<32x128xf32, #tpu.memory_space<vmem_shared>>
    %dma_start3A_121 = arith.constant 0 : i32
    %dma_start3A_122 = tpu.memref_slice %arg18[%multiple_of3A_118, %dma_start3A_121] : memref<10240x128xf32, #tpu.memory_space<vmem_shared>> -> memref<32x128xf32, #tpu.memory_space<vmem_shared>>
    tpu.enqueue_dma source(%arg17 : memref<32x128xf32, #tpu.memory_space<vmem>>) target(%dma_start3A_122 : memref<32x128xf32, #tpu.memory_space<vmem_shared>>) target_semaphore(%arg19 : memref<!tpu.dma_semaphore, #tpu.memory_space<semaphore_mem>>)
    %add3A_123 = arith.constant 544 : i32
    %add3A_124 = arith.addi %mul3A_4, %add3A_123 : i32
    %multiple_of3A_125 = tpu.assume_multiple %add3A_124, 8 : i32
    %dma_start3A_126 = arith.constant 0 : i32
    %dma_start3A_127 = tpu.memref_slice %arg18[%multiple_of3A_125, %dma_start3A_126] : memref<10240x128xf32, #tpu.memory_space<vmem_shared>> -> memref<32x128xf32, #tpu.memory_space<vmem_shared>>
    %dma_start3A_128 = arith.constant 0 : i32
    %dma_start3A_129 = tpu.memref_slice %arg18[%multiple_of3A_125, %dma_start3A_128] : memref<10240x128xf32, #tpu.memory_space<vmem_shared>> -> memref<32x128xf32, #tpu.memory_space<vmem_shared>>
    tpu.enqueue_dma source(%arg17 : memref<32x128xf32, #tpu.memory_space<vmem>>) target(%dma_start3A_129 : memref<32x128xf32, #tpu.memory_space<vmem_shared>>) target_semaphore(%arg19 : memref<!tpu.dma_semaphore, #tpu.memory_space<semaphore_mem>>)
    %add3A_130 = arith.constant 576 : i32
    %add3A_131 = arith.addi %mul3A_4, %add3A_130 : i32
    %multiple_of3A_132 = tpu.assume_multiple %add3A_131, 8 : i32
    %dma_start3A_133 = arith.constant 0 : i32
    %dma_start3A_134 = tpu.memref_slice %arg18[%multiple_of3A_132, %dma_start3A_133] : memref<10240x128xf32, #tpu.memory_space<vmem_shared>> -> memref<32x128xf32, #tpu.memory_space<vmem_shared>>
    %dma_start3A_135 = arith.constant 0 : i32
    %dma_start3A_136 = tpu.memref_slice %arg18[%multiple_of3A_132, %dma_start3A_135] : memref<10240x128xf32, #tpu.memory_space<vmem_shared>> -> memref<32x128xf32, #tpu.memory_space<vmem_shared>>
    tpu.enqueue_dma source(%arg17 : memref<32x128xf32, #tpu.memory_space<vmem>>) target(%dma_start3A_136 : memref<32x128xf32, #tpu.memory_space<vmem_shared>>) target_semaphore(%arg19 : memref<!tpu.dma_semaphore, #tpu.memory_space<semaphore_mem>>)
    %add3A_137 = arith.constant 608 : i32
    %add3A_138 = arith.addi %mul3A_4, %add3A_137 : i32
    %multiple_of3A_139 = tpu.assume_multiple %add3A_138, 8 : i32
    %dma_start3A_140 = arith.constant 0 : i32
    %dma_start3A_141 = tpu.memref_slice %arg18[%multiple_of3A_139, %dma_start3A_140] : memref<10240x128xf32, #tpu.memory_space<vmem_shared>> -> memref<32x128xf32, #tpu.memory_space<vmem_shared>>
    %dma_start3A_142 = arith.constant 0 : i32
    %dma_start3A_143 = tpu.memref_slice %arg18[%multiple_of3A_139, %dma_start3A_142] : memref<10240x128xf32, #tpu.memory_space<vmem_shared>> -> memref<32x128xf32, #tpu.memory_space<vmem_shared>>
    tpu.enqueue_dma source(%arg17 : memref<32x128xf32, #tpu.memory_space<vmem>>) target(%dma_start3A_143 : memref<32x128xf32, #tpu.memory_space<vmem_shared>>) target_semaphore(%arg19 : memref<!tpu.dma_semaphore, #tpu.memory_space<semaphore_mem>>)
    %add3A_144 = arith.constant 0 : i32
    %add3A_145 = arith.addi %mul3A_4, %add3A_144 : i32
    %multiple_of3A_146 = tpu.assume_multiple %add3A_145, 8 : i32
    %dma_wait3A = arith.constant 0 : i32
    %dma_wait3A_147 = tpu.memref_slice %arg18[%multiple_of3A_146, %dma_wait3A] : memref<10240x128xf32, #tpu.memory_space<vmem_shared>> -> memref<32x128xf32, #tpu.memory_space<vmem_shared>>
    %dma_wait3A_148 = arith.constant 0 : i32
    %dma_wait3A_149 = tpu.memref_slice %arg18[%multiple_of3A_146, %dma_wait3A_148] : memref<10240x128xf32, #tpu.memory_space<vmem_shared>> -> memref<32x128xf32, #tpu.memory_space<vmem_shared>>
    tpu.wait_dma2 semaphore(%arg19 : memref<!tpu.dma_semaphore, #tpu.memory_space<semaphore_mem>>) src(%arg17 : memref<32x128xf32, #tpu.memory_space<vmem>>) dst(%dma_wait3A_149 : memref<32x128xf32, #tpu.memory_space<vmem_shared>>)
    %add3A_150 = arith.constant 32 : i32
    %add3A_151 = arith.addi %mul3A_4, %add3A_150 : i32
    %multiple_of3A_152 = tpu.assume_multiple %add3A_151, 8 : i32
    %dma_wait3A_153 = arith.constant 0 : i32
    %dma_wait3A_154 = tpu.memref_slice %arg18[%multiple_of3A_152, %dma_wait3A_153] : memref<10240x128xf32, #tpu.memory_space<vmem_shared>> -> memref<32x128xf32, #tpu.memory_space<vmem_shared>>
    %dma_wait3A_155 = arith.constant 0 : i32
    %dma_wait3A_156 = tpu.memref_slice %arg18[%multiple_of3A_152, %dma_wait3A_155] : memref<10240x128xf32, #tpu.memory_space<vmem_shared>> -> memref<32x128xf32, #tpu.memory_space<vmem_shared>>
    tpu.wait_dma2 semaphore(%arg19 : memref<!tpu.dma_semaphore, #tpu.memory_space<semaphore_mem>>) src(%arg17 : memref<32x128xf32, #tpu.memory_space<vmem>>) dst(%dma_wait3A_156 : memref<32x128xf32, #tpu.memory_space<vmem_shared>>)
    %add3A_157 = arith.constant 64 : i32
    %add3A_158 = arith.addi %mul3A_4, %add3A_157 : i32
    %multiple_of3A_159 = tpu.assume_multiple %add3A_158, 8 : i32
    %dma_wait3A_160 = arith.constant 0 : i32
    %dma_wait3A_161 = tpu.memref_slice %arg18[%multiple_of3A_159, %dma_wait3A_160] : memref<10240x128xf32, #tpu.memory_space<vmem_shared>> -> memref<32x128xf32, #tpu.memory_space<vmem_shared>>
    %dma_wait3A_162 = arith.constant 0 : i32
    %dma_wait3A_163 = tpu.memref_slice %arg18[%multiple_of3A_159, %dma_wait3A_162] : memref<10240x128xf32, #tpu.memory_space<vmem_shared>> -> memref<32x128xf32, #tpu.memory_space<vmem_shared>>
    tpu.wait_dma2 semaphore(%arg19 : memref<!tpu.dma_semaphore, #tpu.memory_space<semaphore_mem>>) src(%arg17 : memref<32x128xf32, #tpu.memory_space<vmem>>) dst(%dma_wait3A_163 : memref<32x128xf32, #tpu.memory_space<vmem_shared>>)
    %add3A_164 = arith.constant 96 : i32
    %add3A_165 = arith.addi %mul3A_4, %add3A_164 : i32
    %multiple_of3A_166 = tpu.assume_multiple %add3A_165, 8 : i32
    %dma_wait3A_167 = arith.constant 0 : i32
    %dma_wait3A_168 = tpu.memref_slice %arg18[%multiple_of3A_166, %dma_wait3A_167] : memref<10240x128xf32, #tpu.memory_space<vmem_shared>> -> memref<32x128xf32, #tpu.memory_space<vmem_shared>>
    %dma_wait3A_169 = arith.constant 0 : i32
    %dma_wait3A_170 = tpu.memref_slice %arg18[%multiple_of3A_166, %dma_wait3A_169] : memref<10240x128xf32, #tpu.memory_space<vmem_shared>> -> memref<32x128xf32, #tpu.memory_space<vmem_shared>>
    tpu.wait_dma2 semaphore(%arg19 : memref<!tpu.dma_semaphore, #tpu.memory_space<semaphore_mem>>) src(%arg17 : memref<32x128xf32, #tpu.memory_space<vmem>>) dst(%dma_wait3A_170 : memref<32x128xf32, #tpu.memory_space<vmem_shared>>)
    %add3A_171 = arith.constant 128 : i32
    %add3A_172 = arith.addi %mul3A_4, %add3A_171 : i32
    %multiple_of3A_173 = tpu.assume_multiple %add3A_172, 8 : i32
    %dma_wait3A_174 = arith.constant 0 : i32
    %dma_wait3A_175 = tpu.memref_slice %arg18[%multiple_of3A_173, %dma_wait3A_174] : memref<10240x128xf32, #tpu.memory_space<vmem_shared>> -> memref<32x128xf32, #tpu.memory_space<vmem_shared>>
    %dma_wait3A_176 = arith.constant 0 : i32
    %dma_wait3A_177 = tpu.memref_slice %arg18[%multiple_of3A_173, %dma_wait3A_176] : memref<10240x128xf32, #tpu.memory_space<vmem_shared>> -> memref<32x128xf32, #tpu.memory_space<vmem_shared>>
    tpu.wait_dma2 semaphore(%arg19 : memref<!tpu.dma_semaphore, #tpu.memory_space<semaphore_mem>>) src(%arg17 : memref<32x128xf32, #tpu.memory_space<vmem>>) dst(%dma_wait3A_177 : memref<32x128xf32, #tpu.memory_space<vmem_shared>>)
    %add3A_178 = arith.constant 160 : i32
    %add3A_179 = arith.addi %mul3A_4, %add3A_178 : i32
    %multiple_of3A_180 = tpu.assume_multiple %add3A_179, 8 : i32
    %dma_wait3A_181 = arith.constant 0 : i32
    %dma_wait3A_182 = tpu.memref_slice %arg18[%multiple_of3A_180, %dma_wait3A_181] : memref<10240x128xf32, #tpu.memory_space<vmem_shared>> -> memref<32x128xf32, #tpu.memory_space<vmem_shared>>
    %dma_wait3A_183 = arith.constant 0 : i32
    %dma_wait3A_184 = tpu.memref_slice %arg18[%multiple_of3A_180, %dma_wait3A_183] : memref<10240x128xf32, #tpu.memory_space<vmem_shared>> -> memref<32x128xf32, #tpu.memory_space<vmem_shared>>
    tpu.wait_dma2 semaphore(%arg19 : memref<!tpu.dma_semaphore, #tpu.memory_space<semaphore_mem>>) src(%arg17 : memref<32x128xf32, #tpu.memory_space<vmem>>) dst(%dma_wait3A_184 : memref<32x128xf32, #tpu.memory_space<vmem_shared>>)
    %add3A_185 = arith.constant 192 : i32
    %add3A_186 = arith.addi %mul3A_4, %add3A_185 : i32
    %multiple_of3A_187 = tpu.assume_multiple %add3A_186, 8 : i32
    %dma_wait3A_188 = arith.constant 0 : i32
    %dma_wait3A_189 = tpu.memref_slice %arg18[%multiple_of3A_187, %dma_wait3A_188] : memref<10240x128xf32, #tpu.memory_space<vmem_shared>> -> memref<32x128xf32, #tpu.memory_space<vmem_shared>>
    %dma_wait3A_190 = arith.constant 0 : i32
    %dma_wait3A_191 = tpu.memref_slice %arg18[%multiple_of3A_187, %dma_wait3A_190] : memref<10240x128xf32, #tpu.memory_space<vmem_shared>> -> memref<32x128xf32, #tpu.memory_space<vmem_shared>>
    tpu.wait_dma2 semaphore(%arg19 : memref<!tpu.dma_semaphore, #tpu.memory_space<semaphore_mem>>) src(%arg17 : memref<32x128xf32, #tpu.memory_space<vmem>>) dst(%dma_wait3A_191 : memref<32x128xf32, #tpu.memory_space<vmem_shared>>)
    %add3A_192 = arith.constant 224 : i32
    %add3A_193 = arith.addi %mul3A_4, %add3A_192 : i32
    %multiple_of3A_194 = tpu.assume_multiple %add3A_193, 8 : i32
    %dma_wait3A_195 = arith.constant 0 : i32
    %dma_wait3A_196 = tpu.memref_slice %arg18[%multiple_of3A_194, %dma_wait3A_195] : memref<10240x128xf32, #tpu.memory_space<vmem_shared>> -> memref<32x128xf32, #tpu.memory_space<vmem_shared>>
    %dma_wait3A_197 = arith.constant 0 : i32
    %dma_wait3A_198 = tpu.memref_slice %arg18[%multiple_of3A_194, %dma_wait3A_197] : memref<10240x128xf32, #tpu.memory_space<vmem_shared>> -> memref<32x128xf32, #tpu.memory_space<vmem_shared>>
    tpu.wait_dma2 semaphore(%arg19 : memref<!tpu.dma_semaphore, #tpu.memory_space<semaphore_mem>>) src(%arg17 : memref<32x128xf32, #tpu.memory_space<vmem>>) dst(%dma_wait3A_198 : memref<32x128xf32, #tpu.memory_space<vmem_shared>>)
    %add3A_199 = arith.constant 256 : i32
    %add3A_200 = arith.addi %mul3A_4, %add3A_199 : i32
    %multiple_of3A_201 = tpu.assume_multiple %add3A_200, 8 : i32
    %dma_wait3A_202 = arith.constant 0 : i32
    %dma_wait3A_203 = tpu.memref_slice %arg18[%multiple_of3A_201, %dma_wait3A_202] : memref<10240x128xf32, #tpu.memory_space<vmem_shared>> -> memref<32x128xf32, #tpu.memory_space<vmem_shared>>
    %dma_wait3A_204 = arith.constant 0 : i32
    %dma_wait3A_205 = tpu.memref_slice %arg18[%multiple_of3A_201, %dma_wait3A_204] : memref<10240x128xf32, #tpu.memory_space<vmem_shared>> -> memref<32x128xf32, #tpu.memory_space<vmem_shared>>
    tpu.wait_dma2 semaphore(%arg19 : memref<!tpu.dma_semaphore, #tpu.memory_space<semaphore_mem>>) src(%arg17 : memref<32x128xf32, #tpu.memory_space<vmem>>) dst(%dma_wait3A_205 : memref<32x128xf32, #tpu.memory_space<vmem_shared>>)
    %add3A_206 = arith.constant 288 : i32
    %add3A_207 = arith.addi %mul3A_4, %add3A_206 : i32
    %multiple_of3A_208 = tpu.assume_multiple %add3A_207, 8 : i32
    %dma_wait3A_209 = arith.constant 0 : i32
    %dma_wait3A_210 = tpu.memref_slice %arg18[%multiple_of3A_208, %dma_wait3A_209] : memref<10240x128xf32, #tpu.memory_space<vmem_shared>> -> memref<32x128xf32, #tpu.memory_space<vmem_shared>>
    %dma_wait3A_211 = arith.constant 0 : i32
    %dma_wait3A_212 = tpu.memref_slice %arg18[%multiple_of3A_208, %dma_wait3A_211] : memref<10240x128xf32, #tpu.memory_space<vmem_shared>> -> memref<32x128xf32, #tpu.memory_space<vmem_shared>>
    tpu.wait_dma2 semaphore(%arg19 : memref<!tpu.dma_semaphore, #tpu.memory_space<semaphore_mem>>) src(%arg17 : memref<32x128xf32, #tpu.memory_space<vmem>>) dst(%dma_wait3A_212 : memref<32x128xf32, #tpu.memory_space<vmem_shared>>)
    %add3A_213 = arith.constant 320 : i32
    %add3A_214 = arith.addi %mul3A_4, %add3A_213 : i32
    %multiple_of3A_215 = tpu.assume_multiple %add3A_214, 8 : i32
    %dma_wait3A_216 = arith.constant 0 : i32
    %dma_wait3A_217 = tpu.memref_slice %arg18[%multiple_of3A_215, %dma_wait3A_216] : memref<10240x128xf32, #tpu.memory_space<vmem_shared>> -> memref<32x128xf32, #tpu.memory_space<vmem_shared>>
    %dma_wait3A_218 = arith.constant 0 : i32
    %dma_wait3A_219 = tpu.memref_slice %arg18[%multiple_of3A_215, %dma_wait3A_218] : memref<10240x128xf32, #tpu.memory_space<vmem_shared>> -> memref<32x128xf32, #tpu.memory_space<vmem_shared>>
    tpu.wait_dma2 semaphore(%arg19 : memref<!tpu.dma_semaphore, #tpu.memory_space<semaphore_mem>>) src(%arg17 : memref<32x128xf32, #tpu.memory_space<vmem>>) dst(%dma_wait3A_219 : memref<32x128xf32, #tpu.memory_space<vmem_shared>>)
    %add3A_220 = arith.constant 352 : i32
    %add3A_221 = arith.addi %mul3A_4, %add3A_220 : i32
    %multiple_of3A_222 = tpu.assume_multiple %add3A_221, 8 : i32
    %dma_wait3A_223 = arith.constant 0 : i32
    %dma_wait3A_224 = tpu.memref_slice %arg18[%multiple_of3A_222, %dma_wait3A_223] : memref<10240x128xf32, #tpu.memory_space<vmem_shared>> -> memref<32x128xf32, #tpu.memory_space<vmem_shared>>
    %dma_wait3A_225 = arith.constant 0 : i32
    %dma_wait3A_226 = tpu.memref_slice %arg18[%multiple_of3A_222, %dma_wait3A_225] : memref<10240x128xf32, #tpu.memory_space<vmem_shared>> -> memref<32x128xf32, #tpu.memory_space<vmem_shared>>
    tpu.wait_dma2 semaphore(%arg19 : memref<!tpu.dma_semaphore, #tpu.memory_space<semaphore_mem>>) src(%arg17 : memref<32x128xf32, #tpu.memory_space<vmem>>) dst(%dma_wait3A_226 : memref<32x128xf32, #tpu.memory_space<vmem_shared>>)
    %add3A_227 = arith.constant 384 : i32
    %add3A_228 = arith.addi %mul3A_4, %add3A_227 : i32
    %multiple_of3A_229 = tpu.assume_multiple %add3A_228, 8 : i32
    %dma_wait3A_230 = arith.constant 0 : i32
    %dma_wait3A_231 = tpu.memref_slice %arg18[%multiple_of3A_229, %dma_wait3A_230] : memref<10240x128xf32, #tpu.memory_space<vmem_shared>> -> memref<32x128xf32, #tpu.memory_space<vmem_shared>>
    %dma_wait3A_232 = arith.constant 0 : i32
    %dma_wait3A_233 = tpu.memref_slice %arg18[%multiple_of3A_229, %dma_wait3A_232] : memref<10240x128xf32, #tpu.memory_space<vmem_shared>> -> memref<32x128xf32, #tpu.memory_space<vmem_shared>>
    tpu.wait_dma2 semaphore(%arg19 : memref<!tpu.dma_semaphore, #tpu.memory_space<semaphore_mem>>) src(%arg17 : memref<32x128xf32, #tpu.memory_space<vmem>>) dst(%dma_wait3A_233 : memref<32x128xf32, #tpu.memory_space<vmem_shared>>)
    %add3A_234 = arith.constant 416 : i32
    %add3A_235 = arith.addi %mul3A_4, %add3A_234 : i32
    %multiple_of3A_236 = tpu.assume_multiple %add3A_235, 8 : i32
    %dma_wait3A_237 = arith.constant 0 : i32
    %dma_wait3A_238 = tpu.memref_slice %arg18[%multiple_of3A_236, %dma_wait3A_237] : memref<10240x128xf32, #tpu.memory_space<vmem_shared>> -> memref<32x128xf32, #tpu.memory_space<vmem_shared>>
    %dma_wait3A_239 = arith.constant 0 : i32
    %dma_wait3A_240 = tpu.memref_slice %arg18[%multiple_of3A_236, %dma_wait3A_239] : memref<10240x128xf32, #tpu.memory_space<vmem_shared>> -> memref<32x128xf32, #tpu.memory_space<vmem_shared>>
    tpu.wait_dma2 semaphore(%arg19 : memref<!tpu.dma_semaphore, #tpu.memory_space<semaphore_mem>>) src(%arg17 : memref<32x128xf32, #tpu.memory_space<vmem>>) dst(%dma_wait3A_240 : memref<32x128xf32, #tpu.memory_space<vmem_shared>>)
    %add3A_241 = arith.constant 448 : i32
    %add3A_242 = arith.addi %mul3A_4, %add3A_241 : i32
    %multiple_of3A_243 = tpu.assume_multiple %add3A_242, 8 : i32
    %dma_wait3A_244 = arith.constant 0 : i32
    %dma_wait3A_245 = tpu.memref_slice %arg18[%multiple_of3A_243, %dma_wait3A_244] : memref<10240x128xf32, #tpu.memory_space<vmem_shared>> -> memref<32x128xf32, #tpu.memory_space<vmem_shared>>
    %dma_wait3A_246 = arith.constant 0 : i32
    %dma_wait3A_247 = tpu.memref_slice %arg18[%multiple_of3A_243, %dma_wait3A_246] : memref<10240x128xf32, #tpu.memory_space<vmem_shared>> -> memref<32x128xf32, #tpu.memory_space<vmem_shared>>
    tpu.wait_dma2 semaphore(%arg19 : memref<!tpu.dma_semaphore, #tpu.memory_space<semaphore_mem>>) src(%arg17 : memref<32x128xf32, #tpu.memory_space<vmem>>) dst(%dma_wait3A_247 : memref<32x128xf32, #tpu.memory_space<vmem_shared>>)
    %add3A_248 = arith.constant 480 : i32
    %add3A_249 = arith.addi %mul3A_4, %add3A_248 : i32
    %multiple_of3A_250 = tpu.assume_multiple %add3A_249, 8 : i32
    %dma_wait3A_251 = arith.constant 0 : i32
    %dma_wait3A_252 = tpu.memref_slice %arg18[%multiple_of3A_250, %dma_wait3A_251] : memref<10240x128xf32, #tpu.memory_space<vmem_shared>> -> memref<32x128xf32, #tpu.memory_space<vmem_shared>>
    %dma_wait3A_253 = arith.constant 0 : i32
    %dma_wait3A_254 = tpu.memref_slice %arg18[%multiple_of3A_250, %dma_wait3A_253] : memref<10240x128xf32, #tpu.memory_space<vmem_shared>> -> memref<32x128xf32, #tpu.memory_space<vmem_shared>>
    tpu.wait_dma2 semaphore(%arg19 : memref<!tpu.dma_semaphore, #tpu.memory_space<semaphore_mem>>) src(%arg17 : memref<32x128xf32, #tpu.memory_space<vmem>>) dst(%dma_wait3A_254 : memref<32x128xf32, #tpu.memory_space<vmem_shared>>)
    %add3A_255 = arith.constant 512 : i32
    %add3A_256 = arith.addi %mul3A_4, %add3A_255 : i32
    %multiple_of3A_257 = tpu.assume_multiple %add3A_256, 8 : i32
    %dma_wait3A_258 = arith.constant 0 : i32
    %dma_wait3A_259 = tpu.memref_slice %arg18[%multiple_of3A_257, %dma_wait3A_258] : memref<10240x128xf32, #tpu.memory_space<vmem_shared>> -> memref<32x128xf32, #tpu.memory_space<vmem_shared>>
    %dma_wait3A_260 = arith.constant 0 : i32
    %dma_wait3A_261 = tpu.memref_slice %arg18[%multiple_of3A_257, %dma_wait3A_260] : memref<10240x128xf32, #tpu.memory_space<vmem_shared>> -> memref<32x128xf32, #tpu.memory_space<vmem_shared>>
    tpu.wait_dma2 semaphore(%arg19 : memref<!tpu.dma_semaphore, #tpu.memory_space<semaphore_mem>>) src(%arg17 : memref<32x128xf32, #tpu.memory_space<vmem>>) dst(%dma_wait3A_261 : memref<32x128xf32, #tpu.memory_space<vmem_shared>>)
    %add3A_262 = arith.constant 544 : i32
    %add3A_263 = arith.addi %mul3A_4, %add3A_262 : i32
    %multiple_of3A_264 = tpu.assume_multiple %add3A_263, 8 : i32
    %dma_wait3A_265 = arith.constant 0 : i32
    %dma_wait3A_266 = tpu.memref_slice %arg18[%multiple_of3A_264, %dma_wait3A_265] : memref<10240x128xf32, #tpu.memory_space<vmem_shared>> -> memref<32x128xf32, #tpu.memory_space<vmem_shared>>
    %dma_wait3A_267 = arith.constant 0 : i32
    %dma_wait3A_268 = tpu.memref_slice %arg18[%multiple_of3A_264, %dma_wait3A_267] : memref<10240x128xf32, #tpu.memory_space<vmem_shared>> -> memref<32x128xf32, #tpu.memory_space<vmem_shared>>
    tpu.wait_dma2 semaphore(%arg19 : memref<!tpu.dma_semaphore, #tpu.memory_space<semaphore_mem>>) src(%arg17 : memref<32x128xf32, #tpu.memory_space<vmem>>) dst(%dma_wait3A_268 : memref<32x128xf32, #tpu.memory_space<vmem_shared>>)
    %add3A_269 = arith.constant 576 : i32
    %add3A_270 = arith.addi %mul3A_4, %add3A_269 : i32
    %multiple_of3A_271 = tpu.assume_multiple %add3A_270, 8 : i32
    %dma_wait3A_272 = arith.constant 0 : i32
    %dma_wait3A_273 = tpu.memref_slice %arg18[%multiple_of3A_271, %dma_wait3A_272] : memref<10240x128xf32, #tpu.memory_space<vmem_shared>> -> memref<32x128xf32, #tpu.memory_space<vmem_shared>>
    %dma_wait3A_274 = arith.constant 0 : i32
    %dma_wait3A_275 = tpu.memref_slice %arg18[%multiple_of3A_271, %dma_wait3A_274] : memref<10240x128xf32, #tpu.memory_space<vmem_shared>> -> memref<32x128xf32, #tpu.memory_space<vmem_shared>>
    tpu.wait_dma2 semaphore(%arg19 : memref<!tpu.dma_semaphore, #tpu.memory_space<semaphore_mem>>) src(%arg17 : memref<32x128xf32, #tpu.memory_space<vmem>>) dst(%dma_wait3A_275 : memref<32x128xf32, #tpu.memory_space<vmem_shared>>)
    %add3A_276 = arith.constant 608 : i32
    %add3A_277 = arith.addi %mul3A_4, %add3A_276 : i32
    %multiple_of3A_278 = tpu.assume_multiple %add3A_277, 8 : i32
    %dma_wait3A_279 = arith.constant 0 : i32
    %dma_wait3A_280 = tpu.memref_slice %arg18[%multiple_of3A_278, %dma_wait3A_279] : memref<10240x128xf32, #tpu.memory_space<vmem_shared>> -> memref<32x128xf32, #tpu.memory_space<vmem_shared>>
    %dma_wait3A_281 = arith.constant 0 : i32
    %dma_wait3A_282 = tpu.memref_slice %arg18[%multiple_of3A_278, %dma_wait3A_281] : memref<10240x128xf32, #tpu.memory_space<vmem_shared>> -> memref<32x128xf32, #tpu.memory_space<vmem_shared>>
    tpu.wait_dma2 semaphore(%arg19 : memref<!tpu.dma_semaphore, #tpu.memory_space<semaphore_mem>>) src(%arg17 : memref<32x128xf32, #tpu.memory_space<vmem>>) dst(%dma_wait3A_282 : memref<32x128xf32, #tpu.memory_space<vmem_shared>>)
    %barrier3A = arith.constant 0 : index
    tpu.barrier barrier_id(%barrier3A)
    %add3A_283 = arith.constant 0 : i32
    %add3A_284 = arith.addi %multiple_of3A, %add3A_283 : i32
    %multiple_of3A_285 = tpu.assume_multiple %add3A_284, 8 : i32
    %dma_start3A_286 = tpu.memref_slice %arg4[%multiple_of3A_285] : memref<320000xi32, #tpu.memory_space<hbm>> -> memref<64xi32, #tpu.memory_space<hbm>>
    %dma_start3A_287 = tpu.memref_slice %arg4[%multiple_of3A_285] : memref<320000xi32, #tpu.memory_space<hbm>> -> memref<64xi32, #tpu.memory_space<hbm>>
    tpu.enqueue_dma source(%dma_start3A_287 : memref<64xi32, #tpu.memory_space<hbm>>) target(%arg8 : memref<64xi32, #tpu.memory_space<vmem>>) target_semaphore(%arg27 : memref<!tpu.dma_semaphore, #tpu.memory_space<semaphore_mem>>)
    %multiple_of3A_288 = arith.constant 0 : i32
    %multiple_of3A_289 = tpu.assume_multiple %multiple_of3A_288, 8 : i32
    %dma_start3A_290 = tpu.memref_slice %arg7[%multiple_of3A_289] : memref<10000xi32, #tpu.memory_space<vmem>> -> memref<64xi32, #tpu.memory_space<vmem>>
    %dma_start3A_291 = arith.constant 0 : i32
    %dma_start3A_292 = arith.constant 0 : i32
    %dma_start3A_293 = tpu.memref_slice %arg2[%dma_start3A_291, %dma_start3A_292] : memref<270000x128xf32, #tpu.memory_space<hbm>> -> memref<270000x128xf32, #tpu.memory_space<hbm>>
    tpu.enqueue_indirect_dma source(%dma_start3A_293 : memref<270000x128xf32, #tpu.memory_space<hbm>>) target(%arg13 : memref<64x128xf32, #tpu.memory_space<vmem>>) offsets(%dma_start3A_290 : memref<64xi32, #tpu.memory_space<vmem>>) semaphore(%arg19 : memref<!tpu.dma_semaphore, #tpu.memory_space<semaphore_mem>>)
    %add3A_294 = arith.constant 64 : i32
    %add3A_295 = arith.addi %multiple_of3A, %add3A_294 : i32
    %multiple_of3A_296 = tpu.assume_multiple %add3A_295, 8 : i32
    %dma_start3A_297 = tpu.memref_slice %arg4[%multiple_of3A_296] : memref<320000xi32, #tpu.memory_space<hbm>> -> memref<64xi32, #tpu.memory_space<hbm>>
    %dma_start3A_298 = tpu.memref_slice %arg4[%multiple_of3A_296] : memref<320000xi32, #tpu.memory_space<hbm>> -> memref<64xi32, #tpu.memory_space<hbm>>
    tpu.enqueue_dma source(%dma_start3A_298 : memref<64xi32, #tpu.memory_space<hbm>>) target(%arg9 : memref<64xi32, #tpu.memory_space<vmem>>) target_semaphore(%arg28 : memref<!tpu.dma_semaphore, #tpu.memory_space<semaphore_mem>>)
    %multiple_of3A_299 = arith.constant 64 : i32
    %multiple_of3A_300 = tpu.assume_multiple %multiple_of3A_299, 8 : i32
    %dma_start3A_301 = tpu.memref_slice %arg7[%multiple_of3A_300] : memref<10000xi32, #tpu.memory_space<vmem>> -> memref<64xi32, #tpu.memory_space<vmem>>
    %dma_start3A_302 = arith.constant 0 : i32
    %dma_start3A_303 = arith.constant 0 : i32
    %dma_start3A_304 = tpu.memref_slice %arg2[%dma_start3A_302, %dma_start3A_303] : memref<270000x128xf32, #tpu.memory_space<hbm>> -> memref<270000x128xf32, #tpu.memory_space<hbm>>
    tpu.enqueue_indirect_dma source(%dma_start3A_304 : memref<270000x128xf32, #tpu.memory_space<hbm>>) target(%arg14 : memref<64x128xf32, #tpu.memory_space<vmem>>) offsets(%dma_start3A_301 : memref<64xi32, #tpu.memory_space<vmem>>) semaphore(%arg20 : memref<!tpu.dma_semaphore, #tpu.memory_space<semaphore_mem>>)
    %add3A_305 = arith.constant 128 : i32
    %add3A_306 = arith.addi %multiple_of3A, %add3A_305 : i32
    %multiple_of3A_307 = tpu.assume_multiple %add3A_306, 8 : i32
    %dma_start3A_308 = tpu.memref_slice %arg4[%multiple_of3A_307] : memref<320000xi32, #tpu.memory_space<hbm>> -> memref<64xi32, #tpu.memory_space<hbm>>
    %dma_start3A_309 = tpu.memref_slice %arg4[%multiple_of3A_307] : memref<320000xi32, #tpu.memory_space<hbm>> -> memref<64xi32, #tpu.memory_space<hbm>>
    tpu.enqueue_dma source(%dma_start3A_309 : memref<64xi32, #tpu.memory_space<hbm>>) target(%arg10 : memref<64xi32, #tpu.memory_space<vmem>>) target_semaphore(%arg29 : memref<!tpu.dma_semaphore, #tpu.memory_space<semaphore_mem>>)
    %multiple_of3A_310 = arith.constant 128 : i32
    %multiple_of3A_311 = tpu.assume_multiple %multiple_of3A_310, 8 : i32
    %dma_start3A_312 = tpu.memref_slice %arg7[%multiple_of3A_311] : memref<10000xi32, #tpu.memory_space<vmem>> -> memref<64xi32, #tpu.memory_space<vmem>>
    %dma_start3A_313 = arith.constant 0 : i32
    %dma_start3A_314 = arith.constant 0 : i32
    %dma_start3A_315 = tpu.memref_slice %arg2[%dma_start3A_313, %dma_start3A_314] : memref<270000x128xf32, #tpu.memory_space<hbm>> -> memref<270000x128xf32, #tpu.memory_space<hbm>>
    tpu.enqueue_indirect_dma source(%dma_start3A_315 : memref<270000x128xf32, #tpu.memory_space<hbm>>) target(%arg15 : memref<64x128xf32, #tpu.memory_space<vmem>>) offsets(%dma_start3A_312 : memref<64xi32, #tpu.memory_space<vmem>>) semaphore(%arg21 : memref<!tpu.dma_semaphore, #tpu.memory_space<semaphore_mem>>)
    %add3A_316 = arith.constant 192 : i32
    %add3A_317 = arith.addi %multiple_of3A, %add3A_316 : i32
    %multiple_of3A_318 = tpu.assume_multiple %add3A_317, 8 : i32
    %dma_start3A_319 = tpu.memref_slice %arg4[%multiple_of3A_318] : memref<320000xi32, #tpu.memory_space<hbm>> -> memref<64xi32, #tpu.memory_space<hbm>>
    %dma_start3A_320 = tpu.memref_slice %arg4[%multiple_of3A_318] : memref<320000xi32, #tpu.memory_space<hbm>> -> memref<64xi32, #tpu.memory_space<hbm>>
    tpu.enqueue_dma source(%dma_start3A_320 : memref<64xi32, #tpu.memory_space<hbm>>) target(%arg11 : memref<64xi32, #tpu.memory_space<vmem>>) target_semaphore(%arg30 : memref<!tpu.dma_semaphore, #tpu.memory_space<semaphore_mem>>)
    %multiple_of3A_321 = arith.constant 192 : i32
    %multiple_of3A_322 = tpu.assume_multiple %multiple_of3A_321, 8 : i32
    %dma_start3A_323 = tpu.memref_slice %arg7[%multiple_of3A_322] : memref<10000xi32, #tpu.memory_space<vmem>> -> memref<64xi32, #tpu.memory_space<vmem>>
    %dma_start3A_324 = arith.constant 0 : i32
    %dma_start3A_325 = arith.constant 0 : i32
    %dma_start3A_326 = tpu.memref_slice %arg2[%dma_start3A_324, %dma_start3A_325] : memref<270000x128xf32, #tpu.memory_space<hbm>> -> memref<270000x128xf32, #tpu.memory_space<hbm>>
    tpu.enqueue_indirect_dma source(%dma_start3A_326 : memref<270000x128xf32, #tpu.memory_space<hbm>>) target(%arg16 : memref<64x128xf32, #tpu.memory_space<vmem>>) offsets(%dma_start3A_323 : memref<64xi32, #tpu.memory_space<vmem>>) semaphore(%arg22 : memref<!tpu.dma_semaphore, #tpu.memory_space<semaphore_mem>>)
    %scan3A = arith.constant 0 : i32
    %scan3A_327 = arith.constant 0 : i32
    %scan3A_328 = arith.constant 38 : i32
    %scan3A_329 = arith.addi %scan3A_327, %scan3A_328 : i32
    %scan3A_330 = arith.constant 1 : i32
    scf.for %scan3A_671 = %scan3A_327 to %scan3A_329 step %scan3A_330  : i32 {
      %mul3A_672 = arith.constant 4 : i32
      %mul3A_673 = arith.muli %mul3A_672, %scan3A_671 : i32
      %add3A_674 = arith.constant 0 : i32
      %add3A_675 = arith.addi %mul3A_673, %add3A_674 : i32
      %mul3A_676 = arith.constant 64 : i32
      %mul3A_677 = arith.muli %add3A_675, %mul3A_676 : i32
      %multiple_of3A_678 = tpu.assume_multiple %mul3A_677, 8 : i32
      %dma_wait3A_679 = tpu.memref_slice %arg7[%multiple_of3A_678] : memref<10000xi32, #tpu.memory_space<vmem>> -> memref<64xi32, #tpu.memory_space<vmem>>
      %dma_wait3A_680 = arith.constant 0 : i32
      %dma_wait3A_681 = arith.constant 0 : i32
      %dma_wait3A_682 = tpu.memref_slice %arg2[%dma_wait3A_680, %dma_wait3A_681] : memref<270000x128xf32, #tpu.memory_space<hbm>> -> memref<270000x128xf32, #tpu.memory_space<hbm>>
      tpu.wait_indirect_dma semaphore(%arg19 : memref<!tpu.dma_semaphore, #tpu.memory_space<semaphore_mem>>) src(%dma_wait3A_682 : memref<270000x128xf32, #tpu.memory_space<hbm>>) dst(%arg13 : memref<64x128xf32, #tpu.memory_space<vmem>>)
      %add3A_683 = arith.constant 0 : i32
      %add3A_684 = arith.addi %mul3A_673, %add3A_683 : i32
      %mul3A_685 = arith.constant 64 : i32
      %mul3A_686 = arith.muli %add3A_684, %mul3A_685 : i32
      %add3A_687 = arith.addi %multiple_of3A, %mul3A_686 : i32
      %multiple_of3A_688 = tpu.assume_multiple %add3A_687, 8 : i32
      %dma_wait3A_689 = tpu.memref_slice %arg4[%multiple_of3A_688] : memref<320000xi32, #tpu.memory_space<hbm>> -> memref<64xi32, #tpu.memory_space<hbm>>
      %dma_wait3A_690 = tpu.memref_slice %arg4[%multiple_of3A_688] : memref<320000xi32, #tpu.memory_space<hbm>> -> memref<64xi32, #tpu.memory_space<hbm>>
      tpu.wait_dma2 semaphore(%arg27 : memref<!tpu.dma_semaphore, #tpu.memory_space<semaphore_mem>>) src(%dma_wait3A_690 : memref<64xi32, #tpu.memory_space<hbm>>) dst(%arg8 : memref<64xi32, #tpu.memory_space<vmem>>)
      %dma_start3A_691 = arith.constant 0 : i32
      %dma_start3A_692 = arith.constant 0 : i32
      %dma_start3A_693 = tpu.memref_slice %arg18[%dma_start3A_691, %dma_start3A_692] : memref<10240x128xf32, #tpu.memory_space<vmem_shared>> -> memref<10240x128xf32, #tpu.memory_space<vmem_shared>>
      tpu.enqueue_indirect_dma source(%arg13 : memref<64x128xf32, #tpu.memory_space<vmem>>) target(%dma_start3A_693 : memref<10240x128xf32, #tpu.memory_space<vmem_shared>>) offsets(%arg8 : memref<64xi32, #tpu.memory_space<vmem>>) semaphore(%arg23 : memref<!tpu.dma_semaphore, #tpu.memory_space<semaphore_mem>>) {add = true}
      %add3A_694 = arith.constant 1 : i32
      %add3A_695 = arith.addi %mul3A_673, %add3A_694 : i32
      %mul3A_696 = arith.constant 64 : i32
      %mul3A_697 = arith.muli %add3A_695, %mul3A_696 : i32
      %multiple_of3A_698 = tpu.assume_multiple %mul3A_697, 8 : i32
      %dma_wait3A_699 = tpu.memref_slice %arg7[%multiple_of3A_698] : memref<10000xi32, #tpu.memory_space<vmem>> -> memref<64xi32, #tpu.memory_space<vmem>>
      %dma_wait3A_700 = arith.constant 0 : i32
      %dma_wait3A_701 = arith.constant 0 : i32
      %dma_wait3A_702 = tpu.memref_slice %arg2[%dma_wait3A_700, %dma_wait3A_701] : memref<270000x128xf32, #tpu.memory_space<hbm>> -> memref<270000x128xf32, #tpu.memory_space<hbm>>
      tpu.wait_indirect_dma semaphore(%arg20 : memref<!tpu.dma_semaphore, #tpu.memory_space<semaphore_mem>>) src(%dma_wait3A_702 : memref<270000x128xf32, #tpu.memory_space<hbm>>) dst(%arg14 : memref<64x128xf32, #tpu.memory_space<vmem>>)
      %add3A_703 = arith.constant 1 : i32
      %add3A_704 = arith.addi %mul3A_673, %add3A_703 : i32
      %mul3A_705 = arith.constant 64 : i32
      %mul3A_706 = arith.muli %add3A_704, %mul3A_705 : i32
      %add3A_707 = arith.addi %multiple_of3A, %mul3A_706 : i32
      %multiple_of3A_708 = tpu.assume_multiple %add3A_707, 8 : i32
      %dma_wait3A_709 = tpu.memref_slice %arg4[%multiple_of3A_708] : memref<320000xi32, #tpu.memory_space<hbm>> -> memref<64xi32, #tpu.memory_space<hbm>>
      %dma_wait3A_710 = tpu.memref_slice %arg4[%multiple_of3A_708] : memref<320000xi32, #tpu.memory_space<hbm>> -> memref<64xi32, #tpu.memory_space<hbm>>
      tpu.wait_dma2 semaphore(%arg28 : memref<!tpu.dma_semaphore, #tpu.memory_space<semaphore_mem>>) src(%dma_wait3A_710 : memref<64xi32, #tpu.memory_space<hbm>>) dst(%arg9 : memref<64xi32, #tpu.memory_space<vmem>>)
      %dma_start3A_711 = arith.constant 0 : i32
      %dma_start3A_712 = arith.constant 0 : i32
      %dma_start3A_713 = tpu.memref_slice %arg18[%dma_start3A_711, %dma_start3A_712] : memref<10240x128xf32, #tpu.memory_space<vmem_shared>> -> memref<10240x128xf32, #tpu.memory_space<vmem_shared>>
      tpu.enqueue_indirect_dma source(%arg14 : memref<64x128xf32, #tpu.memory_space<vmem>>) target(%dma_start3A_713 : memref<10240x128xf32, #tpu.memory_space<vmem_shared>>) offsets(%arg9 : memref<64xi32, #tpu.memory_space<vmem>>) semaphore(%arg24 : memref<!tpu.dma_semaphore, #tpu.memory_space<semaphore_mem>>) {add = true}
      %add3A_714 = arith.constant 2 : i32
      %add3A_715 = arith.addi %mul3A_673, %add3A_714 : i32
      %mul3A_716 = arith.constant 64 : i32
      %mul3A_717 = arith.muli %add3A_715, %mul3A_716 : i32
      %multiple_of3A_718 = tpu.assume_multiple %mul3A_717, 8 : i32
      %dma_wait3A_719 = tpu.memref_slice %arg7[%multiple_of3A_718] : memref<10000xi32, #tpu.memory_space<vmem>> -> memref<64xi32, #tpu.memory_space<vmem>>
      %dma_wait3A_720 = arith.constant 0 : i32
      %dma_wait3A_721 = arith.constant 0 : i32
      %dma_wait3A_722 = tpu.memref_slice %arg2[%dma_wait3A_720, %dma_wait3A_721] : memref<270000x128xf32, #tpu.memory_space<hbm>> -> memref<270000x128xf32, #tpu.memory_space<hbm>>
      tpu.wait_indirect_dma semaphore(%arg21 : memref<!tpu.dma_semaphore, #tpu.memory_space<semaphore_mem>>) src(%dma_wait3A_722 : memref<270000x128xf32, #tpu.memory_space<hbm>>) dst(%arg15 : memref<64x128xf32, #tpu.memory_space<vmem>>)
      %add3A_723 = arith.constant 2 : i32
      %add3A_724 = arith.addi %mul3A_673, %add3A_723 : i32
      %mul3A_725 = arith.constant 64 : i32
      %mul3A_726 = arith.muli %add3A_724, %mul3A_725 : i32
      %add3A_727 = arith.addi %multiple_of3A, %mul3A_726 : i32
      %multiple_of3A_728 = tpu.assume_multiple %add3A_727, 8 : i32
      %dma_wait3A_729 = tpu.memref_slice %arg4[%multiple_of3A_728] : memref<320000xi32, #tpu.memory_space<hbm>> -> memref<64xi32, #tpu.memory_space<hbm>>
      %dma_wait3A_730 = tpu.memref_slice %arg4[%multiple_of3A_728] : memref<320000xi32, #tpu.memory_space<hbm>> -> memref<64xi32, #tpu.memory_space<hbm>>
      tpu.wait_dma2 semaphore(%arg29 : memref<!tpu.dma_semaphore, #tpu.memory_space<semaphore_mem>>) src(%dma_wait3A_730 : memref<64xi32, #tpu.memory_space<hbm>>) dst(%arg10 : memref<64xi32, #tpu.memory_space<vmem>>)
      %dma_start3A_731 = arith.constant 0 : i32
      %dma_start3A_732 = arith.constant 0 : i32
      %dma_start3A_733 = tpu.memref_slice %arg18[%dma_start3A_731, %dma_start3A_732] : memref<10240x128xf32, #tpu.memory_space<vmem_shared>> -> memref<10240x128xf32, #tpu.memory_space<vmem_shared>>
      tpu.enqueue_indirect_dma source(%arg15 : memref<64x128xf32, #tpu.memory_space<vmem>>) target(%dma_start3A_733 : memref<10240x128xf32, #tpu.memory_space<vmem_shared>>) offsets(%arg10 : memref<64xi32, #tpu.memory_space<vmem>>) semaphore(%arg25 : memref<!tpu.dma_semaphore, #tpu.memory_space<semaphore_mem>>) {add = true}
      %add3A_734 = arith.constant 3 : i32
      %add3A_735 = arith.addi %mul3A_673, %add3A_734 : i32
      %mul3A_736 = arith.constant 64 : i32
      %mul3A_737 = arith.muli %add3A_735, %mul3A_736 : i32
      %multiple_of3A_738 = tpu.assume_multiple %mul3A_737, 8 : i32
      %dma_wait3A_739 = tpu.memref_slice %arg7[%multiple_of3A_738] : memref<10000xi32, #tpu.memory_space<vmem>> -> memref<64xi32, #tpu.memory_space<vmem>>
      %dma_wait3A_740 = arith.constant 0 : i32
      %dma_wait3A_741 = arith.constant 0 : i32
      %dma_wait3A_742 = tpu.memref_slice %arg2[%dma_wait3A_740, %dma_wait3A_741] : memref<270000x128xf32, #tpu.memory_space<hbm>> -> memref<270000x128xf32, #tpu.memory_space<hbm>>
      tpu.wait_indirect_dma semaphore(%arg22 : memref<!tpu.dma_semaphore, #tpu.memory_space<semaphore_mem>>) src(%dma_wait3A_742 : memref<270000x128xf32, #tpu.memory_space<hbm>>) dst(%arg16 : memref<64x128xf32, #tpu.memory_space<vmem>>)
      %add3A_743 = arith.constant 3 : i32
      %add3A_744 = arith.addi %mul3A_673, %add3A_743 : i32
      %mul3A_745 = arith.constant 64 : i32
      %mul3A_746 = arith.muli %add3A_744, %mul3A_745 : i32
      %add3A_747 = arith.addi %multiple_of3A, %mul3A_746 : i32
      %multiple_of3A_748 = tpu.assume_multiple %add3A_747, 8 : i32
      %dma_wait3A_749 = tpu.memref_slice %arg4[%multiple_of3A_748] : memref<320000xi32, #tpu.memory_space<hbm>> -> memref<64xi32, #tpu.memory_space<hbm>>
      %dma_wait3A_750 = tpu.memref_slice %arg4[%multiple_of3A_748] : memref<320000xi32, #tpu.memory_space<hbm>> -> memref<64xi32, #tpu.memory_space<hbm>>
      tpu.wait_dma2 semaphore(%arg30 : memref<!tpu.dma_semaphore, #tpu.memory_space<semaphore_mem>>) src(%dma_wait3A_750 : memref<64xi32, #tpu.memory_space<hbm>>) dst(%arg11 : memref<64xi32, #tpu.memory_space<vmem>>)
      %dma_start3A_751 = arith.constant 0 : i32
      %dma_start3A_752 = arith.constant 0 : i32
      %dma_start3A_753 = tpu.memref_slice %arg18[%dma_start3A_751, %dma_start3A_752] : memref<10240x128xf32, #tpu.memory_space<vmem_shared>> -> memref<10240x128xf32, #tpu.memory_space<vmem_shared>>
      tpu.enqueue_indirect_dma source(%arg16 : memref<64x128xf32, #tpu.memory_space<vmem>>) target(%dma_start3A_753 : memref<10240x128xf32, #tpu.memory_space<vmem_shared>>) offsets(%arg11 : memref<64xi32, #tpu.memory_space<vmem>>) semaphore(%arg26 : memref<!tpu.dma_semaphore, #tpu.memory_space<semaphore_mem>>) {add = true}
      %dma_wait3A_754 = arith.constant 0 : i32
      %dma_wait3A_755 = arith.constant 0 : i32
      %dma_wait3A_756 = tpu.memref_slice %arg18[%dma_wait3A_754, %dma_wait3A_755] : memref<10240x128xf32, #tpu.memory_space<vmem_shared>> -> memref<10240x128xf32, #tpu.memory_space<vmem_shared>>
      tpu.wait_indirect_dma semaphore(%arg23 : memref<!tpu.dma_semaphore, #tpu.memory_space<semaphore_mem>>) src(%arg13 : memref<64x128xf32, #tpu.memory_space<vmem>>) dst(%dma_wait3A_756 : memref<10240x128xf32, #tpu.memory_space<vmem_shared>>)
      %add3A_757 = arith.constant 4 : i32
      %add3A_758 = arith.addi %mul3A_673, %add3A_757 : i32
      %add3A_759 = arith.constant 0 : i32
      %add3A_760 = arith.addi %add3A_758, %add3A_759 : i32
      %mul3A_761 = arith.constant 64 : i32
      %mul3A_762 = arith.muli %add3A_760, %mul3A_761 : i32
      %add3A_763 = arith.addi %multiple_of3A, %mul3A_762 : i32
      %multiple_of3A_764 = tpu.assume_multiple %add3A_763, 8 : i32
      %dma_start3A_765 = tpu.memref_slice %arg4[%multiple_of3A_764] : memref<320000xi32, #tpu.memory_space<hbm>> -> memref<64xi32, #tpu.memory_space<hbm>>
      %dma_start3A_766 = tpu.memref_slice %arg4[%multiple_of3A_764] : memref<320000xi32, #tpu.memory_space<hbm>> -> memref<64xi32, #tpu.memory_space<hbm>>
      tpu.enqueue_dma source(%dma_start3A_766 : memref<64xi32, #tpu.memory_space<hbm>>) target(%arg8 : memref<64xi32, #tpu.memory_space<vmem>>) target_semaphore(%arg27 : memref<!tpu.dma_semaphore, #tpu.memory_space<semaphore_mem>>)
      %add3A_767 = arith.constant 4 : i32
      %add3A_768 = arith.addi %mul3A_673, %add3A_767 : i32
      %add3A_769 = arith.constant 0 : i32
      %add3A_770 = arith.addi %add3A_768, %add3A_769 : i32
      %mul3A_771 = arith.constant 64 : i32
      %mul3A_772 = arith.muli %add3A_770, %mul3A_771 : i32
      %multiple_of3A_773 = tpu.assume_multiple %mul3A_772, 8 : i32
      %dma_start3A_774 = tpu.memref_slice %arg7[%multiple_of3A_773] : memref<10000xi32, #tpu.memory_space<vmem>> -> memref<64xi32, #tpu.memory_space<vmem>>
      %dma_start3A_775 = arith.constant 0 : i32
      %dma_start3A_776 = arith.constant 0 : i32
      %dma_start3A_777 = tpu.memref_slice %arg2[%dma_start3A_775, %dma_start3A_776] : memref<270000x128xf32, #tpu.memory_space<hbm>> -> memref<270000x128xf32, #tpu.memory_space<hbm>>
      tpu.enqueue_indirect_dma source(%dma_start3A_777 : memref<270000x128xf32, #tpu.memory_space<hbm>>) target(%arg13 : memref<64x128xf32, #tpu.memory_space<vmem>>) offsets(%dma_start3A_774 : memref<64xi32, #tpu.memory_space<vmem>>) semaphore(%arg19 : memref<!tpu.dma_semaphore, #tpu.memory_space<semaphore_mem>>)
      %dma_wait3A_778 = arith.constant 0 : i32
      %dma_wait3A_779 = arith.constant 0 : i32
      %dma_wait3A_780 = tpu.memref_slice %arg18[%dma_wait3A_778, %dma_wait3A_779] : memref<10240x128xf32, #tpu.memory_space<vmem_shared>> -> memref<10240x128xf32, #tpu.memory_space<vmem_shared>>
      tpu.wait_indirect_dma semaphore(%arg24 : memref<!tpu.dma_semaphore, #tpu.memory_space<semaphore_mem>>) src(%arg14 : memref<64x128xf32, #tpu.memory_space<vmem>>) dst(%dma_wait3A_780 : memref<10240x128xf32, #tpu.memory_space<vmem_shared>>)
      %add3A_781 = arith.constant 4 : i32
      %add3A_782 = arith.addi %mul3A_673, %add3A_781 : i32
      %add3A_783 = arith.constant 1 : i32
      %add3A_784 = arith.addi %add3A_782, %add3A_783 : i32
      %mul3A_785 = arith.constant 64 : i32
      %mul3A_786 = arith.muli %add3A_784, %mul3A_785 : i32
      %add3A_787 = arith.addi %multiple_of3A, %mul3A_786 : i32
      %multiple_of3A_788 = tpu.assume_multiple %add3A_787, 8 : i32
      %dma_start3A_789 = tpu.memref_slice %arg4[%multiple_of3A_788] : memref<320000xi32, #tpu.memory_space<hbm>> -> memref<64xi32, #tpu.memory_space<hbm>>
      %dma_start3A_790 = tpu.memref_slice %arg4[%multiple_of3A_788] : memref<320000xi32, #tpu.memory_space<hbm>> -> memref<64xi32, #tpu.memory_space<hbm>>
      tpu.enqueue_dma source(%dma_start3A_790 : memref<64xi32, #tpu.memory_space<hbm>>) target(%arg9 : memref<64xi32, #tpu.memory_space<vmem>>) target_semaphore(%arg28 : memref<!tpu.dma_semaphore, #tpu.memory_space<semaphore_mem>>)
      %add3A_791 = arith.constant 4 : i32
      %add3A_792 = arith.addi %mul3A_673, %add3A_791 : i32
      %add3A_793 = arith.constant 1 : i32
      %add3A_794 = arith.addi %add3A_792, %add3A_793 : i32
      %mul3A_795 = arith.constant 64 : i32
      %mul3A_796 = arith.muli %add3A_794, %mul3A_795 : i32
      %multiple_of3A_797 = tpu.assume_multiple %mul3A_796, 8 : i32
      %dma_start3A_798 = tpu.memref_slice %arg7[%multiple_of3A_797] : memref<10000xi32, #tpu.memory_space<vmem>> -> memref<64xi32, #tpu.memory_space<vmem>>
      %dma_start3A_799 = arith.constant 0 : i32
      %dma_start3A_800 = arith.constant 0 : i32
      %dma_start3A_801 = tpu.memref_slice %arg2[%dma_start3A_799, %dma_start3A_800] : memref<270000x128xf32, #tpu.memory_space<hbm>> -> memref<270000x128xf32, #tpu.memory_space<hbm>>
      tpu.enqueue_indirect_dma source(%dma_start3A_801 : memref<270000x128xf32, #tpu.memory_space<hbm>>) target(%arg14 : memref<64x128xf32, #tpu.memory_space<vmem>>) offsets(%dma_start3A_798 : memref<64xi32, #tpu.memory_space<vmem>>) semaphore(%arg20 : memref<!tpu.dma_semaphore, #tpu.memory_space<semaphore_mem>>)
      %dma_wait3A_802 = arith.constant 0 : i32
      %dma_wait3A_803 = arith.constant 0 : i32
      %dma_wait3A_804 = tpu.memref_slice %arg18[%dma_wait3A_802, %dma_wait3A_803] : memref<10240x128xf32, #tpu.memory_space<vmem_shared>> -> memref<10240x128xf32, #tpu.memory_space<vmem_shared>>
      tpu.wait_indirect_dma semaphore(%arg25 : memref<!tpu.dma_semaphore, #tpu.memory_space<semaphore_mem>>) src(%arg15 : memref<64x128xf32, #tpu.memory_space<vmem>>) dst(%dma_wait3A_804 : memref<10240x128xf32, #tpu.memory_space<vmem_shared>>)
      %add3A_805 = arith.constant 4 : i32
      %add3A_806 = arith.addi %mul3A_673, %add3A_805 : i32
      %add3A_807 = arith.constant 2 : i32
      %add3A_808 = arith.addi %add3A_806, %add3A_807 : i32
      %mul3A_809 = arith.constant 64 : i32
      %mul3A_810 = arith.muli %add3A_808, %mul3A_809 : i32
      %add3A_811 = arith.addi %multiple_of3A, %mul3A_810 : i32
      %multiple_of3A_812 = tpu.assume_multiple %add3A_811, 8 : i32
      %dma_start3A_813 = tpu.memref_slice %arg4[%multiple_of3A_812] : memref<320000xi32, #tpu.memory_space<hbm>> -> memref<64xi32, #tpu.memory_space<hbm>>
      %dma_start3A_814 = tpu.memref_slice %arg4[%multiple_of3A_812] : memref<320000xi32, #tpu.memory_space<hbm>> -> memref<64xi32, #tpu.memory_space<hbm>>
      tpu.enqueue_dma source(%dma_start3A_814 : memref<64xi32, #tpu.memory_space<hbm>>) target(%arg10 : memref<64xi32, #tpu.memory_space<vmem>>) target_semaphore(%arg29 : memref<!tpu.dma_semaphore, #tpu.memory_space<semaphore_mem>>)
      %add3A_815 = arith.constant 4 : i32
      %add3A_816 = arith.addi %mul3A_673, %add3A_815 : i32
      %add3A_817 = arith.constant 2 : i32
      %add3A_818 = arith.addi %add3A_816, %add3A_817 : i32
      %mul3A_819 = arith.constant 64 : i32
      %mul3A_820 = arith.muli %add3A_818, %mul3A_819 : i32
      %multiple_of3A_821 = tpu.assume_multiple %mul3A_820, 8 : i32
      %dma_start3A_822 = tpu.memref_slice %arg7[%multiple_of3A_821] : memref<10000xi32, #tpu.memory_space<vmem>> -> memref<64xi32, #tpu.memory_space<vmem>>
      %dma_start3A_823 = arith.constant 0 : i32
      %dma_start3A_824 = arith.constant 0 : i32
      %dma_start3A_825 = tpu.memref_slice %arg2[%dma_start3A_823, %dma_start3A_824] : memref<270000x128xf32, #tpu.memory_space<hbm>> -> memref<270000x128xf32, #tpu.memory_space<hbm>>
      tpu.enqueue_indirect_dma source(%dma_start3A_825 : memref<270000x128xf32, #tpu.memory_space<hbm>>) target(%arg15 : memref<64x128xf32, #tpu.memory_space<vmem>>) offsets(%dma_start3A_822 : memref<64xi32, #tpu.memory_space<vmem>>) semaphore(%arg21 : memref<!tpu.dma_semaphore, #tpu.memory_space<semaphore_mem>>)
      %dma_wait3A_826 = arith.constant 0 : i32
      %dma_wait3A_827 = arith.constant 0 : i32
      %dma_wait3A_828 = tpu.memref_slice %arg18[%dma_wait3A_826, %dma_wait3A_827] : memref<10240x128xf32, #tpu.memory_space<vmem_shared>> -> memref<10240x128xf32, #tpu.memory_space<vmem_shared>>
      tpu.wait_indirect_dma semaphore(%arg26 : memref<!tpu.dma_semaphore, #tpu.memory_space<semaphore_mem>>) src(%arg16 : memref<64x128xf32, #tpu.memory_space<vmem>>) dst(%dma_wait3A_828 : memref<10240x128xf32, #tpu.memory_space<vmem_shared>>)
      %add3A_829 = arith.constant 4 : i32
      %add3A_830 = arith.addi %mul3A_673, %add3A_829 : i32
      %add3A_831 = arith.constant 3 : i32
      %add3A_832 = arith.addi %add3A_830, %add3A_831 : i32
      %mul3A_833 = arith.constant 64 : i32
      %mul3A_834 = arith.muli %add3A_832, %mul3A_833 : i32
      %add3A_835 = arith.addi %multiple_of3A, %mul3A_834 : i32
      %multiple_of3A_836 = tpu.assume_multiple %add3A_835, 8 : i32
      %dma_start3A_837 = tpu.memref_slice %arg4[%multiple_of3A_836] : memref<320000xi32, #tpu.memory_space<hbm>> -> memref<64xi32, #tpu.memory_space<hbm>>
      %dma_start3A_838 = tpu.memref_slice %arg4[%multiple_of3A_836] : memref<320000xi32, #tpu.memory_space<hbm>> -> memref<64xi32, #tpu.memory_space<hbm>>
      tpu.enqueue_dma source(%dma_start3A_838 : memref<64xi32, #tpu.memory_space<hbm>>) target(%arg11 : memref<64xi32, #tpu.memory_space<vmem>>) target_semaphore(%arg30 : memref<!tpu.dma_semaphore, #tpu.memory_space<semaphore_mem>>)
      %add3A_839 = arith.constant 4 : i32
      %add3A_840 = arith.addi %mul3A_673, %add3A_839 : i32
      %add3A_841 = arith.constant 3 : i32
      %add3A_842 = arith.addi %add3A_840, %add3A_841 : i32
      %mul3A_843 = arith.constant 64 : i32
      %mul3A_844 = arith.muli %add3A_842, %mul3A_843 : i32
      %multiple_of3A_845 = tpu.assume_multiple %mul3A_844, 8 : i32
      %dma_start3A_846 = tpu.memref_slice %arg7[%multiple_of3A_845] : memref<10000xi32, #tpu.memory_space<vmem>> -> memref<64xi32, #tpu.memory_space<vmem>>
      %dma_start3A_847 = arith.constant 0 : i32
      %dma_start3A_848 = arith.constant 0 : i32
      %dma_start3A_849 = tpu.memref_slice %arg2[%dma_start3A_847, %dma_start3A_848] : memref<270000x128xf32, #tpu.memory_space<hbm>> -> memref<270000x128xf32, #tpu.memory_space<hbm>>
      tpu.enqueue_indirect_dma source(%dma_start3A_849 : memref<270000x128xf32, #tpu.memory_space<hbm>>) target(%arg16 : memref<64x128xf32, #tpu.memory_space<vmem>>) offsets(%dma_start3A_846 : memref<64xi32, #tpu.memory_space<vmem>>) semaphore(%arg22 : memref<!tpu.dma_semaphore, #tpu.memory_space<semaphore_mem>>)
    }
    %scan3A_331 = arith.constant 38 : i32
    %multiple_of3A_332 = arith.constant 9728 : i32
    %multiple_of3A_333 = tpu.assume_multiple %multiple_of3A_332, 8 : i32
    %dma_wait3A_334 = tpu.memref_slice %arg7[%multiple_of3A_333] : memref<10000xi32, #tpu.memory_space<vmem>> -> memref<64xi32, #tpu.memory_space<vmem>>
    %dma_wait3A_335 = arith.constant 0 : i32
    %dma_wait3A_336 = arith.constant 0 : i32
    %dma_wait3A_337 = tpu.memref_slice %arg2[%dma_wait3A_335, %dma_wait3A_336] : memref<270000x128xf32, #tpu.memory_space<hbm>> -> memref<270000x128xf32, #tpu.memory_space<hbm>>
    tpu.wait_indirect_dma semaphore(%arg19 : memref<!tpu.dma_semaphore, #tpu.memory_space<semaphore_mem>>) src(%dma_wait3A_337 : memref<270000x128xf32, #tpu.memory_space<hbm>>) dst(%arg13 : memref<64x128xf32, #tpu.memory_space<vmem>>)
    %add3A_338 = arith.constant 9728 : i32
    %add3A_339 = arith.addi %multiple_of3A, %add3A_338 : i32
    %multiple_of3A_340 = tpu.assume_multiple %add3A_339, 8 : i32
    %dma_wait3A_341 = tpu.memref_slice %arg4[%multiple_of3A_340] : memref<320000xi32, #tpu.memory_space<hbm>> -> memref<64xi32, #tpu.memory_space<hbm>>
    %dma_wait3A_342 = tpu.memref_slice %arg4[%multiple_of3A_340] : memref<320000xi32, #tpu.memory_space<hbm>> -> memref<64xi32, #tpu.memory_space<hbm>>
    tpu.wait_dma2 semaphore(%arg27 : memref<!tpu.dma_semaphore, #tpu.memory_space<semaphore_mem>>) src(%dma_wait3A_342 : memref<64xi32, #tpu.memory_space<hbm>>) dst(%arg8 : memref<64xi32, #tpu.memory_space<vmem>>)
    %dma_start3A_343 = arith.constant 0 : i32
    %dma_start3A_344 = arith.constant 0 : i32
    %dma_start3A_345 = tpu.memref_slice %arg18[%dma_start3A_343, %dma_start3A_344] : memref<10240x128xf32, #tpu.memory_space<vmem_shared>> -> memref<10240x128xf32, #tpu.memory_space<vmem_shared>>
    tpu.enqueue_indirect_dma source(%arg13 : memref<64x128xf32, #tpu.memory_space<vmem>>) target(%dma_start3A_345 : memref<10240x128xf32, #tpu.memory_space<vmem_shared>>) offsets(%arg8 : memref<64xi32, #tpu.memory_space<vmem>>) semaphore(%arg23 : memref<!tpu.dma_semaphore, #tpu.memory_space<semaphore_mem>>) {add = true}
    %multiple_of3A_346 = arith.constant 9792 : i32
    %multiple_of3A_347 = tpu.assume_multiple %multiple_of3A_346, 8 : i32
    %dma_wait3A_348 = tpu.memref_slice %arg7[%multiple_of3A_347] : memref<10000xi32, #tpu.memory_space<vmem>> -> memref<64xi32, #tpu.memory_space<vmem>>
    %dma_wait3A_349 = arith.constant 0 : i32
    %dma_wait3A_350 = arith.constant 0 : i32
    %dma_wait3A_351 = tpu.memref_slice %arg2[%dma_wait3A_349, %dma_wait3A_350] : memref<270000x128xf32, #tpu.memory_space<hbm>> -> memref<270000x128xf32, #tpu.memory_space<hbm>>
    tpu.wait_indirect_dma semaphore(%arg20 : memref<!tpu.dma_semaphore, #tpu.memory_space<semaphore_mem>>) src(%dma_wait3A_351 : memref<270000x128xf32, #tpu.memory_space<hbm>>) dst(%arg14 : memref<64x128xf32, #tpu.memory_space<vmem>>)
    %add3A_352 = arith.constant 9792 : i32
    %add3A_353 = arith.addi %multiple_of3A, %add3A_352 : i32
    %multiple_of3A_354 = tpu.assume_multiple %add3A_353, 8 : i32
    %dma_wait3A_355 = tpu.memref_slice %arg4[%multiple_of3A_354] : memref<320000xi32, #tpu.memory_space<hbm>> -> memref<64xi32, #tpu.memory_space<hbm>>
    %dma_wait3A_356 = tpu.memref_slice %arg4[%multiple_of3A_354] : memref<320000xi32, #tpu.memory_space<hbm>> -> memref<64xi32, #tpu.memory_space<hbm>>
    tpu.wait_dma2 semaphore(%arg28 : memref<!tpu.dma_semaphore, #tpu.memory_space<semaphore_mem>>) src(%dma_wait3A_356 : memref<64xi32, #tpu.memory_space<hbm>>) dst(%arg9 : memref<64xi32, #tpu.memory_space<vmem>>)
    %dma_start3A_357 = arith.constant 0 : i32
    %dma_start3A_358 = arith.constant 0 : i32
    %dma_start3A_359 = tpu.memref_slice %arg18[%dma_start3A_357, %dma_start3A_358] : memref<10240x128xf32, #tpu.memory_space<vmem_shared>> -> memref<10240x128xf32, #tpu.memory_space<vmem_shared>>
    tpu.enqueue_indirect_dma source(%arg14 : memref<64x128xf32, #tpu.memory_space<vmem>>) target(%dma_start3A_359 : memref<10240x128xf32, #tpu.memory_space<vmem_shared>>) offsets(%arg9 : memref<64xi32, #tpu.memory_space<vmem>>) semaphore(%arg24 : memref<!tpu.dma_semaphore, #tpu.memory_space<semaphore_mem>>) {add = true}
    %multiple_of3A_360 = arith.constant 9856 : i32
    %multiple_of3A_361 = tpu.assume_multiple %multiple_of3A_360, 8 : i32
    %dma_wait3A_362 = tpu.memref_slice %arg7[%multiple_of3A_361] : memref<10000xi32, #tpu.memory_space<vmem>> -> memref<64xi32, #tpu.memory_space<vmem>>
    %dma_wait3A_363 = arith.constant 0 : i32
    %dma_wait3A_364 = arith.constant 0 : i32
    %dma_wait3A_365 = tpu.memref_slice %arg2[%dma_wait3A_363, %dma_wait3A_364] : memref<270000x128xf32, #tpu.memory_space<hbm>> -> memref<270000x128xf32, #tpu.memory_space<hbm>>
    tpu.wait_indirect_dma semaphore(%arg21 : memref<!tpu.dma_semaphore, #tpu.memory_space<semaphore_mem>>) src(%dma_wait3A_365 : memref<270000x128xf32, #tpu.memory_space<hbm>>) dst(%arg15 : memref<64x128xf32, #tpu.memory_space<vmem>>)
    %add3A_366 = arith.constant 9856 : i32
    %add3A_367 = arith.addi %multiple_of3A, %add3A_366 : i32
    %multiple_of3A_368 = tpu.assume_multiple %add3A_367, 8 : i32
    %dma_wait3A_369 = tpu.memref_slice %arg4[%multiple_of3A_368] : memref<320000xi32, #tpu.memory_space<hbm>> -> memref<64xi32, #tpu.memory_space<hbm>>
    %dma_wait3A_370 = tpu.memref_slice %arg4[%multiple_of3A_368] : memref<320000xi32, #tpu.memory_space<hbm>> -> memref<64xi32, #tpu.memory_space<hbm>>
    tpu.wait_dma2 semaphore(%arg29 : memref<!tpu.dma_semaphore, #tpu.memory_space<semaphore_mem>>) src(%dma_wait3A_370 : memref<64xi32, #tpu.memory_space<hbm>>) dst(%arg10 : memref<64xi32, #tpu.memory_space<vmem>>)
    %dma_start3A_371 = arith.constant 0 : i32
    %dma_start3A_372 = arith.constant 0 : i32
    %dma_start3A_373 = tpu.memref_slice %arg18[%dma_start3A_371, %dma_start3A_372] : memref<10240x128xf32, #tpu.memory_space<vmem_shared>> -> memref<10240x128xf32, #tpu.memory_space<vmem_shared>>
    tpu.enqueue_indirect_dma source(%arg15 : memref<64x128xf32, #tpu.memory_space<vmem>>) target(%dma_start3A_373 : memref<10240x128xf32, #tpu.memory_space<vmem_shared>>) offsets(%arg10 : memref<64xi32, #tpu.memory_space<vmem>>) semaphore(%arg25 : memref<!tpu.dma_semaphore, #tpu.memory_space<semaphore_mem>>) {add = true}
    %multiple_of3A_374 = arith.constant 9920 : i32
    %multiple_of3A_375 = tpu.assume_multiple %multiple_of3A_374, 8 : i32
    %dma_wait3A_376 = tpu.memref_slice %arg7[%multiple_of3A_375] : memref<10000xi32, #tpu.memory_space<vmem>> -> memref<64xi32, #tpu.memory_space<vmem>>
    %dma_wait3A_377 = arith.constant 0 : i32
    %dma_wait3A_378 = arith.constant 0 : i32
    %dma_wait3A_379 = tpu.memref_slice %arg2[%dma_wait3A_377, %dma_wait3A_378] : memref<270000x128xf32, #tpu.memory_space<hbm>> -> memref<270000x128xf32, #tpu.memory_space<hbm>>
    tpu.wait_indirect_dma semaphore(%arg22 : memref<!tpu.dma_semaphore, #tpu.memory_space<semaphore_mem>>) src(%dma_wait3A_379 : memref<270000x128xf32, #tpu.memory_space<hbm>>) dst(%arg16 : memref<64x128xf32, #tpu.memory_space<vmem>>)
    %add3A_380 = arith.constant 9920 : i32
    %add3A_381 = arith.addi %multiple_of3A, %add3A_380 : i32
    %multiple_of3A_382 = tpu.assume_multiple %add3A_381, 8 : i32
    %dma_wait3A_383 = tpu.memref_slice %arg4[%multiple_of3A_382] : memref<320000xi32, #tpu.memory_space<hbm>> -> memref<64xi32, #tpu.memory_space<hbm>>
    %dma_wait3A_384 = tpu.memref_slice %arg4[%multiple_of3A_382] : memref<320000xi32, #tpu.memory_space<hbm>> -> memref<64xi32, #tpu.memory_space<hbm>>
    tpu.wait_dma2 semaphore(%arg30 : memref<!tpu.dma_semaphore, #tpu.memory_space<semaphore_mem>>) src(%dma_wait3A_384 : memref<64xi32, #tpu.memory_space<hbm>>) dst(%arg11 : memref<64xi32, #tpu.memory_space<vmem>>)
    %dma_start3A_385 = arith.constant 0 : i32
    %dma_start3A_386 = arith.constant 0 : i32
    %dma_start3A_387 = tpu.memref_slice %arg18[%dma_start3A_385, %dma_start3A_386] : memref<10240x128xf32, #tpu.memory_space<vmem_shared>> -> memref<10240x128xf32, #tpu.memory_space<vmem_shared>>
    tpu.enqueue_indirect_dma source(%arg16 : memref<64x128xf32, #tpu.memory_space<vmem>>) target(%dma_start3A_387 : memref<10240x128xf32, #tpu.memory_space<vmem_shared>>) offsets(%arg11 : memref<64xi32, #tpu.memory_space<vmem>>) semaphore(%arg26 : memref<!tpu.dma_semaphore, #tpu.memory_space<semaphore_mem>>) {add = true}
    %multiple_of3A_388 = arith.constant 9984 : i32
    %multiple_of3A_389 = tpu.assume_multiple %multiple_of3A_388, 8 : i32
    %add3A_390 = arith.addi %multiple_of3A, %multiple_of3A_389 : i32
    "tpu.region"() ({
      %run_scoped3A = tpu.sem_alloc : memref<!tpu.dma_semaphore, #tpu.memory_space<semaphore_mem>>
      %dma_start3A_671 = tpu.memref_slice %arg4[%add3A_390] : memref<320000xi32, #tpu.memory_space<hbm>> -> memref<16xi32, #tpu.memory_space<hbm>>
      %dma_start3A_672 = tpu.memref_slice %arg4[%add3A_390] : memref<320000xi32, #tpu.memory_space<hbm>> -> memref<16xi32, #tpu.memory_space<hbm>>
      tpu.enqueue_dma source(%dma_start3A_672 : memref<16xi32, #tpu.memory_space<hbm>>) target(%arg12 : memref<16xi32, #tpu.memory_space<vmem>>) target_semaphore(%run_scoped3A : memref<!tpu.dma_semaphore, #tpu.memory_space<semaphore_mem>>)
      %dma_wait3A_673 = tpu.memref_slice %arg4[%add3A_390] : memref<320000xi32, #tpu.memory_space<hbm>> -> memref<16xi32, #tpu.memory_space<hbm>>
      %dma_wait3A_674 = tpu.memref_slice %arg4[%add3A_390] : memref<320000xi32, #tpu.memory_space<hbm>> -> memref<16xi32, #tpu.memory_space<hbm>>
      tpu.wait_dma2 semaphore(%run_scoped3A : memref<!tpu.dma_semaphore, #tpu.memory_space<semaphore_mem>>) src(%dma_wait3A_674 : memref<16xi32, #tpu.memory_space<hbm>>) dst(%arg12 : memref<16xi32, #tpu.memory_space<vmem>>)
      tpu.yield
    }) : () -> ()
    %dma_wait3A_391 = arith.constant 0 : i32
    %dma_wait3A_392 = arith.constant 0 : i32
    %dma_wait3A_393 = tpu.memref_slice %arg18[%dma_wait3A_391, %dma_wait3A_392] : memref<10240x128xf32, #tpu.memory_space<vmem_shared>> -> memref<10240x128xf32, #tpu.memory_space<vmem_shared>>
    tpu.wait_indirect_dma semaphore(%arg23 : memref<!tpu.dma_semaphore, #tpu.memory_space<semaphore_mem>>) src(%arg13 : memref<64x128xf32, #tpu.memory_space<vmem>>) dst(%dma_wait3A_393 : memref<10240x128xf32, #tpu.memory_space<vmem_shared>>)
    %dma_wait3A_394 = arith.constant 0 : i32
    %dma_wait3A_395 = arith.constant 0 : i32
    %dma_wait3A_396 = tpu.memref_slice %arg18[%dma_wait3A_394, %dma_wait3A_395] : memref<10240x128xf32, #tpu.memory_space<vmem_shared>> -> memref<10240x128xf32, #tpu.memory_space<vmem_shared>>
    tpu.wait_indirect_dma semaphore(%arg24 : memref<!tpu.dma_semaphore, #tpu.memory_space<semaphore_mem>>) src(%arg14 : memref<64x128xf32, #tpu.memory_space<vmem>>) dst(%dma_wait3A_396 : memref<10240x128xf32, #tpu.memory_space<vmem_shared>>)
    %dma_wait3A_397 = arith.constant 0 : i32
    %dma_wait3A_398 = arith.constant 0 : i32
    %dma_wait3A_399 = tpu.memref_slice %arg18[%dma_wait3A_397, %dma_wait3A_398] : memref<10240x128xf32, #tpu.memory_space<vmem_shared>> -> memref<10240x128xf32, #tpu.memory_space<vmem_shared>>
    tpu.wait_indirect_dma semaphore(%arg25 : memref<!tpu.dma_semaphore, #tpu.memory_space<semaphore_mem>>) src(%arg15 : memref<64x128xf32, #tpu.memory_space<vmem>>) dst(%dma_wait3A_399 : memref<10240x128xf32, #tpu.memory_space<vmem_shared>>)
    %dma_wait3A_400 = arith.constant 0 : i32
    %dma_wait3A_401 = arith.constant 0 : i32
    %dma_wait3A_402 = tpu.memref_slice %arg18[%dma_wait3A_400, %dma_wait3A_401] : memref<10240x128xf32, #tpu.memory_space<vmem_shared>> -> memref<10240x128xf32, #tpu.memory_space<vmem_shared>>
    tpu.wait_indirect_dma semaphore(%arg26 : memref<!tpu.dma_semaphore, #tpu.memory_space<semaphore_mem>>) src(%arg16 : memref<64x128xf32, #tpu.memory_space<vmem>>) dst(%dma_wait3A_402 : memref<10240x128xf32, #tpu.memory_space<vmem_shared>>)
    %dma_start3A_403 = arith.constant 0 : i32
    %dma_start3A_404 = arith.constant 0 : i32
    %dma_start3A_405 = tpu.memref_slice %arg13[%dma_start3A_403, %dma_start3A_404] : memref<64x128xf32, #tpu.memory_space<vmem>> -> memref<16x128xf32, #tpu.memory_space<vmem>>
    %dma_start3A_406 = tpu.memref_slice %arg7[%multiple_of3A_389] : memref<10000xi32, #tpu.memory_space<vmem>> -> memref<16xi32, #tpu.memory_space<vmem>>
    %dma_start3A_407 = arith.constant 0 : i32
    %dma_start3A_408 = arith.constant 0 : i32
    %dma_start3A_409 = tpu.memref_slice %arg2[%dma_start3A_407, %dma_start3A_408] : memref<270000x128xf32, #tpu.memory_space<hbm>> -> memref<270000x128xf32, #tpu.memory_space<hbm>>
    tpu.enqueue_indirect_dma source(%dma_start3A_409 : memref<270000x128xf32, #tpu.memory_space<hbm>>) target(%dma_start3A_405 : memref<16x128xf32, #tpu.memory_space<vmem>>) offsets(%dma_start3A_406 : memref<16xi32, #tpu.memory_space<vmem>>) semaphore(%arg19 : memref<!tpu.dma_semaphore, #tpu.memory_space<semaphore_mem>>)
    %dma_wait3A_410 = arith.constant 0 : i32
    %dma_wait3A_411 = arith.constant 0 : i32
    %dma_wait3A_412 = tpu.memref_slice %arg13[%dma_wait3A_410, %dma_wait3A_411] : memref<64x128xf32, #tpu.memory_space<vmem>> -> memref<16x128xf32, #tpu.memory_space<vmem>>
    %dma_wait3A_413 = tpu.memref_slice %arg7[%multiple_of3A_389] : memref<10000xi32, #tpu.memory_space<vmem>> -> memref<16xi32, #tpu.memory_space<vmem>>
    %dma_wait3A_414 = arith.constant 0 : i32
    %dma_wait3A_415 = arith.constant 0 : i32
    %dma_wait3A_416 = tpu.memref_slice %arg2[%dma_wait3A_414, %dma_wait3A_415] : memref<270000x128xf32, #tpu.memory_space<hbm>> -> memref<270000x128xf32, #tpu.memory_space<hbm>>
    tpu.wait_indirect_dma semaphore(%arg19 : memref<!tpu.dma_semaphore, #tpu.memory_space<semaphore_mem>>) src(%dma_wait3A_416 : memref<270000x128xf32, #tpu.memory_space<hbm>>) dst(%dma_wait3A_412 : memref<16x128xf32, #tpu.memory_space<vmem>>)
    "tpu.region"() ({
      %run_scoped3A = tpu.sem_alloc : memref<!tpu.dma_semaphore, #tpu.memory_space<semaphore_mem>>
      %dma_start3A_671 = arith.constant 0 : i32
      %dma_start3A_672 = arith.constant 0 : i32
      %dma_start3A_673 = tpu.memref_slice %arg13[%dma_start3A_671, %dma_start3A_672] : memref<64x128xf32, #tpu.memory_space<vmem>> -> memref<16x128xf32, #tpu.memory_space<vmem>>
      %dma_start3A_674 = arith.constant 0 : i32
      %dma_start3A_675 = arith.constant 0 : i32
      %dma_start3A_676 = tpu.memref_slice %arg18[%dma_start3A_674, %dma_start3A_675] : memref<10240x128xf32, #tpu.memory_space<vmem_shared>> -> memref<10240x128xf32, #tpu.memory_space<vmem_shared>>
      tpu.enqueue_indirect_dma source(%dma_start3A_673 : memref<16x128xf32, #tpu.memory_space<vmem>>) target(%dma_start3A_676 : memref<10240x128xf32, #tpu.memory_space<vmem_shared>>) offsets(%arg12 : memref<16xi32, #tpu.memory_space<vmem>>) semaphore(%run_scoped3A : memref<!tpu.dma_semaphore, #tpu.memory_space<semaphore_mem>>) {add = true}
      %dma_wait3A_677 = arith.constant 0 : i32
      %dma_wait3A_678 = arith.constant 0 : i32
      %dma_wait3A_679 = tpu.memref_slice %arg13[%dma_wait3A_677, %dma_wait3A_678] : memref<64x128xf32, #tpu.memory_space<vmem>> -> memref<16x128xf32, #tpu.memory_space<vmem>>
      %dma_wait3A_680 = arith.constant 0 : i32
      %dma_wait3A_681 = arith.constant 0 : i32
      %dma_wait3A_682 = tpu.memref_slice %arg18[%dma_wait3A_680, %dma_wait3A_681] : memref<10240x128xf32, #tpu.memory_space<vmem_shared>> -> memref<10240x128xf32, #tpu.memory_space<vmem_shared>>
      tpu.wait_indirect_dma semaphore(%run_scoped3A : memref<!tpu.dma_semaphore, #tpu.memory_space<semaphore_mem>>) src(%dma_wait3A_679 : memref<16x128xf32, #tpu.memory_space<vmem>>) dst(%dma_wait3A_682 : memref<10240x128xf32, #tpu.memory_space<vmem_shared>>)
      tpu.yield
    }) : () -> ()
    %barrier3A_417 = arith.constant 0 : index
    tpu.barrier barrier_id(%barrier3A_417)
    %mul3A_418 = arith.constant 10240 : i32
    %mul3A_419 = arith.muli %arg0, %mul3A_418 : i32
    %add3A_420 = arith.addi %mul3A_419, %mul3A_4 : i32
    %add3A_421 = arith.constant 0 : i32
    %add3A_422 = arith.addi %mul3A_4, %add3A_421 : i32
    %multiple_of3A_423 = tpu.assume_multiple %add3A_422, 8 : i32
    %dma_start3A_424 = arith.constant 0 : i32
    %dma_start3A_425 = tpu.memref_slice %arg18[%multiple_of3A_423, %dma_start3A_424] : memref<10240x128xf32, #tpu.memory_space<vmem_shared>> -> memref<64x128xf32, #tpu.memory_space<vmem_shared>>
    %dma_start3A_426 = arith.constant 0 : i32
    %dma_start3A_427 = tpu.memref_slice %arg18[%multiple_of3A_423, %dma_start3A_426] : memref<10240x128xf32, #tpu.memory_space<vmem_shared>> -> memref<64x128xf32, #tpu.memory_space<vmem_shared>>
    tpu.enqueue_dma source(%dma_start3A_427 : memref<64x128xf32, #tpu.memory_space<vmem_shared>>) target(%arg13 : memref<64x128xf32, #tpu.memory_space<vmem>>) target_semaphore(%arg19 : memref<!tpu.dma_semaphore, #tpu.memory_space<semaphore_mem>>)
    %dma_wait3A_428 = arith.constant 0 : i32
    %dma_wait3A_429 = tpu.memref_slice %arg18[%multiple_of3A_423, %dma_wait3A_428] : memref<10240x128xf32, #tpu.memory_space<vmem_shared>> -> memref<64x128xf32, #tpu.memory_space<vmem_shared>>
    %dma_wait3A_430 = arith.constant 0 : i32
    %dma_wait3A_431 = tpu.memref_slice %arg18[%multiple_of3A_423, %dma_wait3A_430] : memref<10240x128xf32, #tpu.memory_space<vmem_shared>> -> memref<64x128xf32, #tpu.memory_space<vmem_shared>>
    tpu.wait_dma2 semaphore(%arg19 : memref<!tpu.dma_semaphore, #tpu.memory_space<semaphore_mem>>) src(%dma_wait3A_431 : memref<64x128xf32, #tpu.memory_space<vmem_shared>>) dst(%arg13 : memref<64x128xf32, #tpu.memory_space<vmem>>)
    %add3A_432 = arith.constant 0 : i32
    %add3A_433 = arith.addi %add3A_420, %add3A_432 : i32
    %multiple_of3A_434 = tpu.assume_multiple %add3A_433, 8 : i32
    %dma_start3A_435 = arith.constant 0 : i32
    %dma_start3A_436 = tpu.memref_slice %arg6[%multiple_of3A_434, %dma_start3A_435] : memref<20480x128xf32, #tpu.memory_space<hbm>> -> memref<64x128xf32, #tpu.memory_space<hbm>>
    %dma_start3A_437 = arith.constant 0 : i32
    %dma_start3A_438 = tpu.memref_slice %arg6[%multiple_of3A_434, %dma_start3A_437] : memref<20480x128xf32, #tpu.memory_space<hbm>> -> memref<64x128xf32, #tpu.memory_space<hbm>>
    tpu.enqueue_dma source(%arg13 : memref<64x128xf32, #tpu.memory_space<vmem>>) target(%dma_start3A_438 : memref<64x128xf32, #tpu.memory_space<hbm>>) target_semaphore(%arg23 : memref<!tpu.dma_semaphore, #tpu.memory_space<semaphore_mem>>)
    %add3A_439 = arith.constant 64 : i32
    %add3A_440 = arith.addi %mul3A_4, %add3A_439 : i32
    %multiple_of3A_441 = tpu.assume_multiple %add3A_440, 8 : i32
    %dma_start3A_442 = arith.constant 0 : i32
    %dma_start3A_443 = tpu.memref_slice %arg18[%multiple_of3A_441, %dma_start3A_442] : memref<10240x128xf32, #tpu.memory_space<vmem_shared>> -> memref<64x128xf32, #tpu.memory_space<vmem_shared>>
    %dma_start3A_444 = arith.constant 0 : i32
    %dma_start3A_445 = tpu.memref_slice %arg18[%multiple_of3A_441, %dma_start3A_444] : memref<10240x128xf32, #tpu.memory_space<vmem_shared>> -> memref<64x128xf32, #tpu.memory_space<vmem_shared>>
    tpu.enqueue_dma source(%dma_start3A_445 : memref<64x128xf32, #tpu.memory_space<vmem_shared>>) target(%arg14 : memref<64x128xf32, #tpu.memory_space<vmem>>) target_semaphore(%arg20 : memref<!tpu.dma_semaphore, #tpu.memory_space<semaphore_mem>>)
    %dma_wait3A_446 = arith.constant 0 : i32
    %dma_wait3A_447 = tpu.memref_slice %arg18[%multiple_of3A_441, %dma_wait3A_446] : memref<10240x128xf32, #tpu.memory_space<vmem_shared>> -> memref<64x128xf32, #tpu.memory_space<vmem_shared>>
    %dma_wait3A_448 = arith.constant 0 : i32
    %dma_wait3A_449 = tpu.memref_slice %arg18[%multiple_of3A_441, %dma_wait3A_448] : memref<10240x128xf32, #tpu.memory_space<vmem_shared>> -> memref<64x128xf32, #tpu.memory_space<vmem_shared>>
    tpu.wait_dma2 semaphore(%arg20 : memref<!tpu.dma_semaphore, #tpu.memory_space<semaphore_mem>>) src(%dma_wait3A_449 : memref<64x128xf32, #tpu.memory_space<vmem_shared>>) dst(%arg14 : memref<64x128xf32, #tpu.memory_space<vmem>>)
    %add3A_450 = arith.constant 64 : i32
    %add3A_451 = arith.addi %add3A_420, %add3A_450 : i32
    %multiple_of3A_452 = tpu.assume_multiple %add3A_451, 8 : i32
    %dma_start3A_453 = arith.constant 0 : i32
    %dma_start3A_454 = tpu.memref_slice %arg6[%multiple_of3A_452, %dma_start3A_453] : memref<20480x128xf32, #tpu.memory_space<hbm>> -> memref<64x128xf32, #tpu.memory_space<hbm>>
    %dma_start3A_455 = arith.constant 0 : i32
    %dma_start3A_456 = tpu.memref_slice %arg6[%multiple_of3A_452, %dma_start3A_455] : memref<20480x128xf32, #tpu.memory_space<hbm>> -> memref<64x128xf32, #tpu.memory_space<hbm>>
    tpu.enqueue_dma source(%arg14 : memref<64x128xf32, #tpu.memory_space<vmem>>) target(%dma_start3A_456 : memref<64x128xf32, #tpu.memory_space<hbm>>) target_semaphore(%arg24 : memref<!tpu.dma_semaphore, #tpu.memory_space<semaphore_mem>>)
    %add3A_457 = arith.constant 0 : i32
    %add3A_458 = arith.addi %add3A_420, %add3A_457 : i32
    %multiple_of3A_459 = tpu.assume_multiple %add3A_458, 8 : i32
    %dma_wait3A_460 = arith.constant 0 : i32
    %dma_wait3A_461 = tpu.memref_slice %arg6[%multiple_of3A_459, %dma_wait3A_460] : memref<20480x128xf32, #tpu.memory_space<hbm>> -> memref<64x128xf32, #tpu.memory_space<hbm>>
    %dma_wait3A_462 = arith.constant 0 : i32
    %dma_wait3A_463 = tpu.memref_slice %arg6[%multiple_of3A_459, %dma_wait3A_462] : memref<20480x128xf32, #tpu.memory_space<hbm>> -> memref<64x128xf32, #tpu.memory_space<hbm>>
    tpu.wait_dma2 semaphore(%arg23 : memref<!tpu.dma_semaphore, #tpu.memory_space<semaphore_mem>>) src(%arg13 : memref<64x128xf32, #tpu.memory_space<vmem>>) dst(%dma_wait3A_463 : memref<64x128xf32, #tpu.memory_space<hbm>>)
    %add3A_464 = arith.constant 128 : i32
    %add3A_465 = arith.addi %mul3A_4, %add3A_464 : i32
    %multiple_of3A_466 = tpu.assume_multiple %add3A_465, 8 : i32
    %dma_start3A_467 = arith.constant 0 : i32
    %dma_start3A_468 = tpu.memref_slice %arg18[%multiple_of3A_466, %dma_start3A_467] : memref<10240x128xf32, #tpu.memory_space<vmem_shared>> -> memref<64x128xf32, #tpu.memory_space<vmem_shared>>
    %dma_start3A_469 = arith.constant 0 : i32
    %dma_start3A_470 = tpu.memref_slice %arg18[%multiple_of3A_466, %dma_start3A_469] : memref<10240x128xf32, #tpu.memory_space<vmem_shared>> -> memref<64x128xf32, #tpu.memory_space<vmem_shared>>
    tpu.enqueue_dma source(%dma_start3A_470 : memref<64x128xf32, #tpu.memory_space<vmem_shared>>) target(%arg13 : memref<64x128xf32, #tpu.memory_space<vmem>>) target_semaphore(%arg19 : memref<!tpu.dma_semaphore, #tpu.memory_space<semaphore_mem>>)
    %dma_wait3A_471 = arith.constant 0 : i32
    %dma_wait3A_472 = tpu.memref_slice %arg18[%multiple_of3A_466, %dma_wait3A_471] : memref<10240x128xf32, #tpu.memory_space<vmem_shared>> -> memref<64x128xf32, #tpu.memory_space<vmem_shared>>
    %dma_wait3A_473 = arith.constant 0 : i32
    %dma_wait3A_474 = tpu.memref_slice %arg18[%multiple_of3A_466, %dma_wait3A_473] : memref<10240x128xf32, #tpu.memory_space<vmem_shared>> -> memref<64x128xf32, #tpu.memory_space<vmem_shared>>
    tpu.wait_dma2 semaphore(%arg19 : memref<!tpu.dma_semaphore, #tpu.memory_space<semaphore_mem>>) src(%dma_wait3A_474 : memref<64x128xf32, #tpu.memory_space<vmem_shared>>) dst(%arg13 : memref<64x128xf32, #tpu.memory_space<vmem>>)
    %add3A_475 = arith.constant 128 : i32
    %add3A_476 = arith.addi %add3A_420, %add3A_475 : i32
    %multiple_of3A_477 = tpu.assume_multiple %add3A_476, 8 : i32
    %dma_start3A_478 = arith.constant 0 : i32
    %dma_start3A_479 = tpu.memref_slice %arg6[%multiple_of3A_477, %dma_start3A_478] : memref<20480x128xf32, #tpu.memory_space<hbm>> -> memref<64x128xf32, #tpu.memory_space<hbm>>
    %dma_start3A_480 = arith.constant 0 : i32
    %dma_start3A_481 = tpu.memref_slice %arg6[%multiple_of3A_477, %dma_start3A_480] : memref<20480x128xf32, #tpu.memory_space<hbm>> -> memref<64x128xf32, #tpu.memory_space<hbm>>
    tpu.enqueue_dma source(%arg13 : memref<64x128xf32, #tpu.memory_space<vmem>>) target(%dma_start3A_481 : memref<64x128xf32, #tpu.memory_space<hbm>>) target_semaphore(%arg23 : memref<!tpu.dma_semaphore, #tpu.memory_space<semaphore_mem>>)
    %add3A_482 = arith.constant 64 : i32
    %add3A_483 = arith.addi %add3A_420, %add3A_482 : i32
    %multiple_of3A_484 = tpu.assume_multiple %add3A_483, 8 : i32
    %dma_wait3A_485 = arith.constant 0 : i32
    %dma_wait3A_486 = tpu.memref_slice %arg6[%multiple_of3A_484, %dma_wait3A_485] : memref<20480x128xf32, #tpu.memory_space<hbm>> -> memref<64x128xf32, #tpu.memory_space<hbm>>
    %dma_wait3A_487 = arith.constant 0 : i32
    %dma_wait3A_488 = tpu.memref_slice %arg6[%multiple_of3A_484, %dma_wait3A_487] : memref<20480x128xf32, #tpu.memory_space<hbm>> -> memref<64x128xf32, #tpu.memory_space<hbm>>
    tpu.wait_dma2 semaphore(%arg24 : memref<!tpu.dma_semaphore, #tpu.memory_space<semaphore_mem>>) src(%arg14 : memref<64x128xf32, #tpu.memory_space<vmem>>) dst(%dma_wait3A_488 : memref<64x128xf32, #tpu.memory_space<hbm>>)
    %add3A_489 = arith.constant 192 : i32
    %add3A_490 = arith.addi %mul3A_4, %add3A_489 : i32
    %multiple_of3A_491 = tpu.assume_multiple %add3A_490, 8 : i32
    %dma_start3A_492 = arith.constant 0 : i32
    %dma_start3A_493 = tpu.memref_slice %arg18[%multiple_of3A_491, %dma_start3A_492] : memref<10240x128xf32, #tpu.memory_space<vmem_shared>> -> memref<64x128xf32, #tpu.memory_space<vmem_shared>>
    %dma_start3A_494 = arith.constant 0 : i32
    %dma_start3A_495 = tpu.memref_slice %arg18[%multiple_of3A_491, %dma_start3A_494] : memref<10240x128xf32, #tpu.memory_space<vmem_shared>> -> memref<64x128xf32, #tpu.memory_space<vmem_shared>>
    tpu.enqueue_dma source(%dma_start3A_495 : memref<64x128xf32, #tpu.memory_space<vmem_shared>>) target(%arg14 : memref<64x128xf32, #tpu.memory_space<vmem>>) target_semaphore(%arg20 : memref<!tpu.dma_semaphore, #tpu.memory_space<semaphore_mem>>)
    %dma_wait3A_496 = arith.constant 0 : i32
    %dma_wait3A_497 = tpu.memref_slice %arg18[%multiple_of3A_491, %dma_wait3A_496] : memref<10240x128xf32, #tpu.memory_space<vmem_shared>> -> memref<64x128xf32, #tpu.memory_space<vmem_shared>>
    %dma_wait3A_498 = arith.constant 0 : i32
    %dma_wait3A_499 = tpu.memref_slice %arg18[%multiple_of3A_491, %dma_wait3A_498] : memref<10240x128xf32, #tpu.memory_space<vmem_shared>> -> memref<64x128xf32, #tpu.memory_space<vmem_shared>>
    tpu.wait_dma2 semaphore(%arg20 : memref<!tpu.dma_semaphore, #tpu.memory_space<semaphore_mem>>) src(%dma_wait3A_499 : memref<64x128xf32, #tpu.memory_space<vmem_shared>>) dst(%arg14 : memref<64x128xf32, #tpu.memory_space<vmem>>)
    %add3A_500 = arith.constant 192 : i32
    %add3A_501 = arith.addi %add3A_420, %add3A_500 : i32
    %multiple_of3A_502 = tpu.assume_multiple %add3A_501, 8 : i32
    %dma_start3A_503 = arith.constant 0 : i32
    %dma_start3A_504 = tpu.memref_slice %arg6[%multiple_of3A_502, %dma_start3A_503] : memref<20480x128xf32, #tpu.memory_space<hbm>> -> memref<64x128xf32, #tpu.memory_space<hbm>>
    %dma_start3A_505 = arith.constant 0 : i32
    %dma_start3A_506 = tpu.memref_slice %arg6[%multiple_of3A_502, %dma_start3A_505] : memref<20480x128xf32, #tpu.memory_space<hbm>> -> memref<64x128xf32, #tpu.memory_space<hbm>>
    tpu.enqueue_dma source(%arg14 : memref<64x128xf32, #tpu.memory_space<vmem>>) target(%dma_start3A_506 : memref<64x128xf32, #tpu.memory_space<hbm>>) target_semaphore(%arg24 : memref<!tpu.dma_semaphore, #tpu.memory_space<semaphore_mem>>)
    %add3A_507 = arith.constant 128 : i32
    %add3A_508 = arith.addi %add3A_420, %add3A_507 : i32
    %multiple_of3A_509 = tpu.assume_multiple %add3A_508, 8 : i32
    %dma_wait3A_510 = arith.constant 0 : i32
    %dma_wait3A_511 = tpu.memref_slice %arg6[%multiple_of3A_509, %dma_wait3A_510] : memref<20480x128xf32, #tpu.memory_space<hbm>> -> memref<64x128xf32, #tpu.memory_space<hbm>>
    %dma_wait3A_512 = arith.constant 0 : i32
    %dma_wait3A_513 = tpu.memref_slice %arg6[%multiple_of3A_509, %dma_wait3A_512] : memref<20480x128xf32, #tpu.memory_space<hbm>> -> memref<64x128xf32, #tpu.memory_space<hbm>>
    tpu.wait_dma2 semaphore(%arg23 : memref<!tpu.dma_semaphore, #tpu.memory_space<semaphore_mem>>) src(%arg13 : memref<64x128xf32, #tpu.memory_space<vmem>>) dst(%dma_wait3A_513 : memref<64x128xf32, #tpu.memory_space<hbm>>)
    %add3A_514 = arith.constant 256 : i32
    %add3A_515 = arith.addi %mul3A_4, %add3A_514 : i32
    %multiple_of3A_516 = tpu.assume_multiple %add3A_515, 8 : i32
    %dma_start3A_517 = arith.constant 0 : i32
    %dma_start3A_518 = tpu.memref_slice %arg18[%multiple_of3A_516, %dma_start3A_517] : memref<10240x128xf32, #tpu.memory_space<vmem_shared>> -> memref<64x128xf32, #tpu.memory_space<vmem_shared>>
    %dma_start3A_519 = arith.constant 0 : i32
    %dma_start3A_520 = tpu.memref_slice %arg18[%multiple_of3A_516, %dma_start3A_519] : memref<10240x128xf32, #tpu.memory_space<vmem_shared>> -> memref<64x128xf32, #tpu.memory_space<vmem_shared>>
    tpu.enqueue_dma source(%dma_start3A_520 : memref<64x128xf32, #tpu.memory_space<vmem_shared>>) target(%arg13 : memref<64x128xf32, #tpu.memory_space<vmem>>) target_semaphore(%arg19 : memref<!tpu.dma_semaphore, #tpu.memory_space<semaphore_mem>>)
    %dma_wait3A_521 = arith.constant 0 : i32
    %dma_wait3A_522 = tpu.memref_slice %arg18[%multiple_of3A_516, %dma_wait3A_521] : memref<10240x128xf32, #tpu.memory_space<vmem_shared>> -> memref<64x128xf32, #tpu.memory_space<vmem_shared>>
    %dma_wait3A_523 = arith.constant 0 : i32
    %dma_wait3A_524 = tpu.memref_slice %arg18[%multiple_of3A_516, %dma_wait3A_523] : memref<10240x128xf32, #tpu.memory_space<vmem_shared>> -> memref<64x128xf32, #tpu.memory_space<vmem_shared>>
    tpu.wait_dma2 semaphore(%arg19 : memref<!tpu.dma_semaphore, #tpu.memory_space<semaphore_mem>>) src(%dma_wait3A_524 : memref<64x128xf32, #tpu.memory_space<vmem_shared>>) dst(%arg13 : memref<64x128xf32, #tpu.memory_space<vmem>>)
    %add3A_525 = arith.constant 256 : i32
    %add3A_526 = arith.addi %add3A_420, %add3A_525 : i32
    %multiple_of3A_527 = tpu.assume_multiple %add3A_526, 8 : i32
    %dma_start3A_528 = arith.constant 0 : i32
    %dma_start3A_529 = tpu.memref_slice %arg6[%multiple_of3A_527, %dma_start3A_528] : memref<20480x128xf32, #tpu.memory_space<hbm>> -> memref<64x128xf32, #tpu.memory_space<hbm>>
    %dma_start3A_530 = arith.constant 0 : i32
    %dma_start3A_531 = tpu.memref_slice %arg6[%multiple_of3A_527, %dma_start3A_530] : memref<20480x128xf32, #tpu.memory_space<hbm>> -> memref<64x128xf32, #tpu.memory_space<hbm>>
    tpu.enqueue_dma source(%arg13 : memref<64x128xf32, #tpu.memory_space<vmem>>) target(%dma_start3A_531 : memref<64x128xf32, #tpu.memory_space<hbm>>) target_semaphore(%arg23 : memref<!tpu.dma_semaphore, #tpu.memory_space<semaphore_mem>>)
    %add3A_532 = arith.constant 192 : i32
    %add3A_533 = arith.addi %add3A_420, %add3A_532 : i32
    %multiple_of3A_534 = tpu.assume_multiple %add3A_533, 8 : i32
    %dma_wait3A_535 = arith.constant 0 : i32
    %dma_wait3A_536 = tpu.memref_slice %arg6[%multiple_of3A_534, %dma_wait3A_535] : memref<20480x128xf32, #tpu.memory_space<hbm>> -> memref<64x128xf32, #tpu.memory_space<hbm>>
    %dma_wait3A_537 = arith.constant 0 : i32
    %dma_wait3A_538 = tpu.memref_slice %arg6[%multiple_of3A_534, %dma_wait3A_537] : memref<20480x128xf32, #tpu.memory_space<hbm>> -> memref<64x128xf32, #tpu.memory_space<hbm>>
    tpu.wait_dma2 semaphore(%arg24 : memref<!tpu.dma_semaphore, #tpu.memory_space<semaphore_mem>>) src(%arg14 : memref<64x128xf32, #tpu.memory_space<vmem>>) dst(%dma_wait3A_538 : memref<64x128xf32, #tpu.memory_space<hbm>>)
    %add3A_539 = arith.constant 320 : i32
    %add3A_540 = arith.addi %mul3A_4, %add3A_539 : i32
    %multiple_of3A_541 = tpu.assume_multiple %add3A_540, 8 : i32
    %dma_start3A_542 = arith.constant 0 : i32
    %dma_start3A_543 = tpu.memref_slice %arg18[%multiple_of3A_541, %dma_start3A_542] : memref<10240x128xf32, #tpu.memory_space<vmem_shared>> -> memref<64x128xf32, #tpu.memory_space<vmem_shared>>
    %dma_start3A_544 = arith.constant 0 : i32
    %dma_start3A_545 = tpu.memref_slice %arg18[%multiple_of3A_541, %dma_start3A_544] : memref<10240x128xf32, #tpu.memory_space<vmem_shared>> -> memref<64x128xf32, #tpu.memory_space<vmem_shared>>
    tpu.enqueue_dma source(%dma_start3A_545 : memref<64x128xf32, #tpu.memory_space<vmem_shared>>) target(%arg14 : memref<64x128xf32, #tpu.memory_space<vmem>>) target_semaphore(%arg20 : memref<!tpu.dma_semaphore, #tpu.memory_space<semaphore_mem>>)
    %dma_wait3A_546 = arith.constant 0 : i32
    %dma_wait3A_547 = tpu.memref_slice %arg18[%multiple_of3A_541, %dma_wait3A_546] : memref<10240x128xf32, #tpu.memory_space<vmem_shared>> -> memref<64x128xf32, #tpu.memory_space<vmem_shared>>
    %dma_wait3A_548 = arith.constant 0 : i32
    %dma_wait3A_549 = tpu.memref_slice %arg18[%multiple_of3A_541, %dma_wait3A_548] : memref<10240x128xf32, #tpu.memory_space<vmem_shared>> -> memref<64x128xf32, #tpu.memory_space<vmem_shared>>
    tpu.wait_dma2 semaphore(%arg20 : memref<!tpu.dma_semaphore, #tpu.memory_space<semaphore_mem>>) src(%dma_wait3A_549 : memref<64x128xf32, #tpu.memory_space<vmem_shared>>) dst(%arg14 : memref<64x128xf32, #tpu.memory_space<vmem>>)
    %add3A_550 = arith.constant 320 : i32
    %add3A_551 = arith.addi %add3A_420, %add3A_550 : i32
    %multiple_of3A_552 = tpu.assume_multiple %add3A_551, 8 : i32
    %dma_start3A_553 = arith.constant 0 : i32
    %dma_start3A_554 = tpu.memref_slice %arg6[%multiple_of3A_552, %dma_start3A_553] : memref<20480x128xf32, #tpu.memory_space<hbm>> -> memref<64x128xf32, #tpu.memory_space<hbm>>
    %dma_start3A_555 = arith.constant 0 : i32
    %dma_start3A_556 = tpu.memref_slice %arg6[%multiple_of3A_552, %dma_start3A_555] : memref<20480x128xf32, #tpu.memory_space<hbm>> -> memref<64x128xf32, #tpu.memory_space<hbm>>
    tpu.enqueue_dma source(%arg14 : memref<64x128xf32, #tpu.memory_space<vmem>>) target(%dma_start3A_556 : memref<64x128xf32, #tpu.memory_space<hbm>>) target_semaphore(%arg24 : memref<!tpu.dma_semaphore, #tpu.memory_space<semaphore_mem>>)
    %add3A_557 = arith.constant 256 : i32
    %add3A_558 = arith.addi %add3A_420, %add3A_557 : i32
    %multiple_of3A_559 = tpu.assume_multiple %add3A_558, 8 : i32
    %dma_wait3A_560 = arith.constant 0 : i32
    %dma_wait3A_561 = tpu.memref_slice %arg6[%multiple_of3A_559, %dma_wait3A_560] : memref<20480x128xf32, #tpu.memory_space<hbm>> -> memref<64x128xf32, #tpu.memory_space<hbm>>
    %dma_wait3A_562 = arith.constant 0 : i32
    %dma_wait3A_563 = tpu.memref_slice %arg6[%multiple_of3A_559, %dma_wait3A_562] : memref<20480x128xf32, #tpu.memory_space<hbm>> -> memref<64x128xf32, #tpu.memory_space<hbm>>
    tpu.wait_dma2 semaphore(%arg23 : memref<!tpu.dma_semaphore, #tpu.memory_space<semaphore_mem>>) src(%arg13 : memref<64x128xf32, #tpu.memory_space<vmem>>) dst(%dma_wait3A_563 : memref<64x128xf32, #tpu.memory_space<hbm>>)
    %add3A_564 = arith.constant 384 : i32
    %add3A_565 = arith.addi %mul3A_4, %add3A_564 : i32
    %multiple_of3A_566 = tpu.assume_multiple %add3A_565, 8 : i32
    %dma_start3A_567 = arith.constant 0 : i32
    %dma_start3A_568 = tpu.memref_slice %arg18[%multiple_of3A_566, %dma_start3A_567] : memref<10240x128xf32, #tpu.memory_space<vmem_shared>> -> memref<64x128xf32, #tpu.memory_space<vmem_shared>>
    %dma_start3A_569 = arith.constant 0 : i32
    %dma_start3A_570 = tpu.memref_slice %arg18[%multiple_of3A_566, %dma_start3A_569] : memref<10240x128xf32, #tpu.memory_space<vmem_shared>> -> memref<64x128xf32, #tpu.memory_space<vmem_shared>>
    tpu.enqueue_dma source(%dma_start3A_570 : memref<64x128xf32, #tpu.memory_space<vmem_shared>>) target(%arg13 : memref<64x128xf32, #tpu.memory_space<vmem>>) target_semaphore(%arg19 : memref<!tpu.dma_semaphore, #tpu.memory_space<semaphore_mem>>)
    %dma_wait3A_571 = arith.constant 0 : i32
    %dma_wait3A_572 = tpu.memref_slice %arg18[%multiple_of3A_566, %dma_wait3A_571] : memref<10240x128xf32, #tpu.memory_space<vmem_shared>> -> memref<64x128xf32, #tpu.memory_space<vmem_shared>>
    %dma_wait3A_573 = arith.constant 0 : i32
    %dma_wait3A_574 = tpu.memref_slice %arg18[%multiple_of3A_566, %dma_wait3A_573] : memref<10240x128xf32, #tpu.memory_space<vmem_shared>> -> memref<64x128xf32, #tpu.memory_space<vmem_shared>>
    tpu.wait_dma2 semaphore(%arg19 : memref<!tpu.dma_semaphore, #tpu.memory_space<semaphore_mem>>) src(%dma_wait3A_574 : memref<64x128xf32, #tpu.memory_space<vmem_shared>>) dst(%arg13 : memref<64x128xf32, #tpu.memory_space<vmem>>)
    %add3A_575 = arith.constant 384 : i32
    %add3A_576 = arith.addi %add3A_420, %add3A_575 : i32
    %multiple_of3A_577 = tpu.assume_multiple %add3A_576, 8 : i32
    %dma_start3A_578 = arith.constant 0 : i32
    %dma_start3A_579 = tpu.memref_slice %arg6[%multiple_of3A_577, %dma_start3A_578] : memref<20480x128xf32, #tpu.memory_space<hbm>> -> memref<64x128xf32, #tpu.memory_space<hbm>>
    %dma_start3A_580 = arith.constant 0 : i32
    %dma_start3A_581 = tpu.memref_slice %arg6[%multiple_of3A_577, %dma_start3A_580] : memref<20480x128xf32, #tpu.memory_space<hbm>> -> memref<64x128xf32, #tpu.memory_space<hbm>>
    tpu.enqueue_dma source(%arg13 : memref<64x128xf32, #tpu.memory_space<vmem>>) target(%dma_start3A_581 : memref<64x128xf32, #tpu.memory_space<hbm>>) target_semaphore(%arg23 : memref<!tpu.dma_semaphore, #tpu.memory_space<semaphore_mem>>)
    %add3A_582 = arith.constant 320 : i32
    %add3A_583 = arith.addi %add3A_420, %add3A_582 : i32
    %multiple_of3A_584 = tpu.assume_multiple %add3A_583, 8 : i32
    %dma_wait3A_585 = arith.constant 0 : i32
    %dma_wait3A_586 = tpu.memref_slice %arg6[%multiple_of3A_584, %dma_wait3A_585] : memref<20480x128xf32, #tpu.memory_space<hbm>> -> memref<64x128xf32, #tpu.memory_space<hbm>>
    %dma_wait3A_587 = arith.constant 0 : i32
    %dma_wait3A_588 = tpu.memref_slice %arg6[%multiple_of3A_584, %dma_wait3A_587] : memref<20480x128xf32, #tpu.memory_space<hbm>> -> memref<64x128xf32, #tpu.memory_space<hbm>>
    tpu.wait_dma2 semaphore(%arg24 : memref<!tpu.dma_semaphore, #tpu.memory_space<semaphore_mem>>) src(%arg14 : memref<64x128xf32, #tpu.memory_space<vmem>>) dst(%dma_wait3A_588 : memref<64x128xf32, #tpu.memory_space<hbm>>)
    %add3A_589 = arith.constant 448 : i32
    %add3A_590 = arith.addi %mul3A_4, %add3A_589 : i32
    %multiple_of3A_591 = tpu.assume_multiple %add3A_590, 8 : i32
    %dma_start3A_592 = arith.constant 0 : i32
    %dma_start3A_593 = tpu.memref_slice %arg18[%multiple_of3A_591, %dma_start3A_592] : memref<10240x128xf32, #tpu.memory_space<vmem_shared>> -> memref<64x128xf32, #tpu.memory_space<vmem_shared>>
    %dma_start3A_594 = arith.constant 0 : i32
    %dma_start3A_595 = tpu.memref_slice %arg18[%multiple_of3A_591, %dma_start3A_594] : memref<10240x128xf32, #tpu.memory_space<vmem_shared>> -> memref<64x128xf32, #tpu.memory_space<vmem_shared>>
    tpu.enqueue_dma source(%dma_start3A_595 : memref<64x128xf32, #tpu.memory_space<vmem_shared>>) target(%arg14 : memref<64x128xf32, #tpu.memory_space<vmem>>) target_semaphore(%arg20 : memref<!tpu.dma_semaphore, #tpu.memory_space<semaphore_mem>>)
    %dma_wait3A_596 = arith.constant 0 : i32
    %dma_wait3A_597 = tpu.memref_slice %arg18[%multiple_of3A_591, %dma_wait3A_596] : memref<10240x128xf32, #tpu.memory_space<vmem_shared>> -> memref<64x128xf32, #tpu.memory_space<vmem_shared>>
    %dma_wait3A_598 = arith.constant 0 : i32
    %dma_wait3A_599 = tpu.memref_slice %arg18[%multiple_of3A_591, %dma_wait3A_598] : memref<10240x128xf32, #tpu.memory_space<vmem_shared>> -> memref<64x128xf32, #tpu.memory_space<vmem_shared>>
    tpu.wait_dma2 semaphore(%arg20 : memref<!tpu.dma_semaphore, #tpu.memory_space<semaphore_mem>>) src(%dma_wait3A_599 : memref<64x128xf32, #tpu.memory_space<vmem_shared>>) dst(%arg14 : memref<64x128xf32, #tpu.memory_space<vmem>>)
    %add3A_600 = arith.constant 448 : i32
    %add3A_601 = arith.addi %add3A_420, %add3A_600 : i32
    %multiple_of3A_602 = tpu.assume_multiple %add3A_601, 8 : i32
    %dma_start3A_603 = arith.constant 0 : i32
    %dma_start3A_604 = tpu.memref_slice %arg6[%multiple_of3A_602, %dma_start3A_603] : memref<20480x128xf32, #tpu.memory_space<hbm>> -> memref<64x128xf32, #tpu.memory_space<hbm>>
    %dma_start3A_605 = arith.constant 0 : i32
    %dma_start3A_606 = tpu.memref_slice %arg6[%multiple_of3A_602, %dma_start3A_605] : memref<20480x128xf32, #tpu.memory_space<hbm>> -> memref<64x128xf32, #tpu.memory_space<hbm>>
    tpu.enqueue_dma source(%arg14 : memref<64x128xf32, #tpu.memory_space<vmem>>) target(%dma_start3A_606 : memref<64x128xf32, #tpu.memory_space<hbm>>) target_semaphore(%arg24 : memref<!tpu.dma_semaphore, #tpu.memory_space<semaphore_mem>>)
    %add3A_607 = arith.constant 384 : i32
    %add3A_608 = arith.addi %add3A_420, %add3A_607 : i32
    %multiple_of3A_609 = tpu.assume_multiple %add3A_608, 8 : i32
    %dma_wait3A_610 = arith.constant 0 : i32
    %dma_wait3A_611 = tpu.memref_slice %arg6[%multiple_of3A_609, %dma_wait3A_610] : memref<20480x128xf32, #tpu.memory_space<hbm>> -> memref<64x128xf32, #tpu.memory_space<hbm>>
    %dma_wait3A_612 = arith.constant 0 : i32
    %dma_wait3A_613 = tpu.memref_slice %arg6[%multiple_of3A_609, %dma_wait3A_612] : memref<20480x128xf32, #tpu.memory_space<hbm>> -> memref<64x128xf32, #tpu.memory_space<hbm>>
    tpu.wait_dma2 semaphore(%arg23 : memref<!tpu.dma_semaphore, #tpu.memory_space<semaphore_mem>>) src(%arg13 : memref<64x128xf32, #tpu.memory_space<vmem>>) dst(%dma_wait3A_613 : memref<64x128xf32, #tpu.memory_space<hbm>>)
    %add3A_614 = arith.constant 512 : i32
    %add3A_615 = arith.addi %mul3A_4, %add3A_614 : i32
    %multiple_of3A_616 = tpu.assume_multiple %add3A_615, 8 : i32
    %dma_start3A_617 = arith.constant 0 : i32
    %dma_start3A_618 = tpu.memref_slice %arg18[%multiple_of3A_616, %dma_start3A_617] : memref<10240x128xf32, #tpu.memory_space<vmem_shared>> -> memref<64x128xf32, #tpu.memory_space<vmem_shared>>
    %dma_start3A_619 = arith.constant 0 : i32
    %dma_start3A_620 = tpu.memref_slice %arg18[%multiple_of3A_616, %dma_start3A_619] : memref<10240x128xf32, #tpu.memory_space<vmem_shared>> -> memref<64x128xf32, #tpu.memory_space<vmem_shared>>
    tpu.enqueue_dma source(%dma_start3A_620 : memref<64x128xf32, #tpu.memory_space<vmem_shared>>) target(%arg13 : memref<64x128xf32, #tpu.memory_space<vmem>>) target_semaphore(%arg19 : memref<!tpu.dma_semaphore, #tpu.memory_space<semaphore_mem>>)
    %dma_wait3A_621 = arith.constant 0 : i32
    %dma_wait3A_622 = tpu.memref_slice %arg18[%multiple_of3A_616, %dma_wait3A_621] : memref<10240x128xf32, #tpu.memory_space<vmem_shared>> -> memref<64x128xf32, #tpu.memory_space<vmem_shared>>
    %dma_wait3A_623 = arith.constant 0 : i32
    %dma_wait3A_624 = tpu.memref_slice %arg18[%multiple_of3A_616, %dma_wait3A_623] : memref<10240x128xf32, #tpu.memory_space<vmem_shared>> -> memref<64x128xf32, #tpu.memory_space<vmem_shared>>
    tpu.wait_dma2 semaphore(%arg19 : memref<!tpu.dma_semaphore, #tpu.memory_space<semaphore_mem>>) src(%dma_wait3A_624 : memref<64x128xf32, #tpu.memory_space<vmem_shared>>) dst(%arg13 : memref<64x128xf32, #tpu.memory_space<vmem>>)
    %add3A_625 = arith.constant 512 : i32
    %add3A_626 = arith.addi %add3A_420, %add3A_625 : i32
    %multiple_of3A_627 = tpu.assume_multiple %add3A_626, 8 : i32
    %dma_start3A_628 = arith.constant 0 : i32
    %dma_start3A_629 = tpu.memref_slice %arg6[%multiple_of3A_627, %dma_start3A_628] : memref<20480x128xf32, #tpu.memory_space<hbm>> -> memref<64x128xf32, #tpu.memory_space<hbm>>
    %dma_start3A_630 = arith.constant 0 : i32
    %dma_start3A_631 = tpu.memref_slice %arg6[%multiple_of3A_627, %dma_start3A_630] : memref<20480x128xf32, #tpu.memory_space<hbm>> -> memref<64x128xf32, #tpu.memory_space<hbm>>
    tpu.enqueue_dma source(%arg13 : memref<64x128xf32, #tpu.memory_space<vmem>>) target(%dma_start3A_631 : memref<64x128xf32, #tpu.memory_space<hbm>>) target_semaphore(%arg23 : memref<!tpu.dma_semaphore, #tpu.memory_space<semaphore_mem>>)
    %add3A_632 = arith.constant 448 : i32
    %add3A_633 = arith.addi %add3A_420, %add3A_632 : i32
    %multiple_of3A_634 = tpu.assume_multiple %add3A_633, 8 : i32
    %dma_wait3A_635 = arith.constant 0 : i32
    %dma_wait3A_636 = tpu.memref_slice %arg6[%multiple_of3A_634, %dma_wait3A_635] : memref<20480x128xf32, #tpu.memory_space<hbm>> -> memref<64x128xf32, #tpu.memory_space<hbm>>
    %dma_wait3A_637 = arith.constant 0 : i32
    %dma_wait3A_638 = tpu.memref_slice %arg6[%multiple_of3A_634, %dma_wait3A_637] : memref<20480x128xf32, #tpu.memory_space<hbm>> -> memref<64x128xf32, #tpu.memory_space<hbm>>
    tpu.wait_dma2 semaphore(%arg24 : memref<!tpu.dma_semaphore, #tpu.memory_space<semaphore_mem>>) src(%arg14 : memref<64x128xf32, #tpu.memory_space<vmem>>) dst(%dma_wait3A_638 : memref<64x128xf32, #tpu.memory_space<hbm>>)
    %add3A_639 = arith.constant 576 : i32
    %add3A_640 = arith.addi %mul3A_4, %add3A_639 : i32
    %multiple_of3A_641 = tpu.assume_multiple %add3A_640, 8 : i32
    %dma_start3A_642 = arith.constant 0 : i32
    %dma_start3A_643 = tpu.memref_slice %arg18[%multiple_of3A_641, %dma_start3A_642] : memref<10240x128xf32, #tpu.memory_space<vmem_shared>> -> memref<64x128xf32, #tpu.memory_space<vmem_shared>>
    %dma_start3A_644 = arith.constant 0 : i32
    %dma_start3A_645 = tpu.memref_slice %arg18[%multiple_of3A_641, %dma_start3A_644] : memref<10240x128xf32, #tpu.memory_space<vmem_shared>> -> memref<64x128xf32, #tpu.memory_space<vmem_shared>>
    tpu.enqueue_dma source(%dma_start3A_645 : memref<64x128xf32, #tpu.memory_space<vmem_shared>>) target(%arg14 : memref<64x128xf32, #tpu.memory_space<vmem>>) target_semaphore(%arg20 : memref<!tpu.dma_semaphore, #tpu.memory_space<semaphore_mem>>)
    %dma_wait3A_646 = arith.constant 0 : i32
    %dma_wait3A_647 = tpu.memref_slice %arg18[%multiple_of3A_641, %dma_wait3A_646] : memref<10240x128xf32, #tpu.memory_space<vmem_shared>> -> memref<64x128xf32, #tpu.memory_space<vmem_shared>>
    %dma_wait3A_648 = arith.constant 0 : i32
    %dma_wait3A_649 = tpu.memref_slice %arg18[%multiple_of3A_641, %dma_wait3A_648] : memref<10240x128xf32, #tpu.memory_space<vmem_shared>> -> memref<64x128xf32, #tpu.memory_space<vmem_shared>>
    tpu.wait_dma2 semaphore(%arg20 : memref<!tpu.dma_semaphore, #tpu.memory_space<semaphore_mem>>) src(%dma_wait3A_649 : memref<64x128xf32, #tpu.memory_space<vmem_shared>>) dst(%arg14 : memref<64x128xf32, #tpu.memory_space<vmem>>)
    %add3A_650 = arith.constant 576 : i32
    %add3A_651 = arith.addi %add3A_420, %add3A_650 : i32
    %multiple_of3A_652 = tpu.assume_multiple %add3A_651, 8 : i32
    %dma_start3A_653 = arith.constant 0 : i32
    %dma_start3A_654 = tpu.memref_slice %arg6[%multiple_of3A_652, %dma_start3A_653] : memref<20480x128xf32, #tpu.memory_space<hbm>> -> memref<64x128xf32, #tpu.memory_space<hbm>>
    %dma_start3A_655 = arith.constant 0 : i32
    %dma_start3A_656 = tpu.memref_slice %arg6[%multiple_of3A_652, %dma_start3A_655] : memref<20480x128xf32, #tpu.memory_space<hbm>> -> memref<64x128xf32, #tpu.memory_space<hbm>>
    tpu.enqueue_dma source(%arg14 : memref<64x128xf32, #tpu.memory_space<vmem>>) target(%dma_start3A_656 : memref<64x128xf32, #tpu.memory_space<hbm>>) target_semaphore(%arg24 : memref<!tpu.dma_semaphore, #tpu.memory_space<semaphore_mem>>)
    %add3A_657 = arith.constant 512 : i32
    %add3A_658 = arith.addi %add3A_420, %add3A_657 : i32
    %multiple_of3A_659 = tpu.assume_multiple %add3A_658, 8 : i32
    %dma_wait3A_660 = arith.constant 0 : i32
    %dma_wait3A_661 = tpu.memref_slice %arg6[%multiple_of3A_659, %dma_wait3A_660] : memref<20480x128xf32, #tpu.memory_space<hbm>> -> memref<64x128xf32, #tpu.memory_space<hbm>>
    %dma_wait3A_662 = arith.constant 0 : i32
    %dma_wait3A_663 = tpu.memref_slice %arg6[%multiple_of3A_659, %dma_wait3A_662] : memref<20480x128xf32, #tpu.memory_space<hbm>> -> memref<64x128xf32, #tpu.memory_space<hbm>>
    tpu.wait_dma2 semaphore(%arg23 : memref<!tpu.dma_semaphore, #tpu.memory_space<semaphore_mem>>) src(%arg13 : memref<64x128xf32, #tpu.memory_space<vmem>>) dst(%dma_wait3A_663 : memref<64x128xf32, #tpu.memory_space<hbm>>)
    %add3A_664 = arith.constant 576 : i32
    %add3A_665 = arith.addi %add3A_420, %add3A_664 : i32
    %multiple_of3A_666 = tpu.assume_multiple %add3A_665, 8 : i32
    %dma_wait3A_667 = arith.constant 0 : i32
    %dma_wait3A_668 = tpu.memref_slice %arg6[%multiple_of3A_666, %dma_wait3A_667] : memref<20480x128xf32, #tpu.memory_space<hbm>> -> memref<64x128xf32, #tpu.memory_space<hbm>>
    %dma_wait3A_669 = arith.constant 0 : i32
    %dma_wait3A_670 = tpu.memref_slice %arg6[%multiple_of3A_666, %dma_wait3A_669] : memref<20480x128xf32, #tpu.memory_space<hbm>> -> memref<64x128xf32, #tpu.memory_space<hbm>>
    tpu.wait_dma2 semaphore(%arg24 : memref<!tpu.dma_semaphore, #tpu.memory_space<semaphore_mem>>) src(%arg14 : memref<64x128xf32, #tpu.memory_space<vmem>>) dst(%dma_wait3A_670 : memref<64x128xf32, #tpu.memory_space<hbm>>)
    return
  }
}

#map = affine_map<(d0, d1) -> (0, 0)>
#map1 = affine_map<(d0, d1) -> (0)>
module attributes {stable_mosaic.version = 14 : i64} {
  func.func @sc_kernel(%arg0: i32, %arg1: i32, %arg2: memref<270000x128xf32, #tpu.memory_space<hbm>>, %arg3: memref<320000xi32, #tpu.memory_space<hbm>>, %arg4: memref<320000xi32, #tpu.memory_space<hbm>>, %arg5: memref<32x128xf32, #tpu.memory_space<hbm>>, %arg6: memref<20480x128xf32, #tpu.memory_space<hbm>>, %arg7: memref<10000xi32, #tpu.memory_space<vmem>>, %arg8: memref<64xi32, #tpu.memory_space<vmem>>, %arg9: memref<64xi32, #tpu.memory_space<vmem>>, %arg10: memref<64xi32, #tpu.memory_space<vmem>>, %arg11: memref<64xi32, #tpu.memory_space<vmem>>, %arg12: memref<16xi32, #tpu.memory_space<vmem>>, %arg13: memref<64x128xf32, #tpu.memory_space<vmem>>, %arg14: memref<64x128xf32, #tpu.memory_space<vmem>>, %arg15: memref<64x128xf32, #tpu.memory_space<vmem>>, %arg16: memref<64x128xf32, #tpu.memory_space<vmem>>, %arg17: memref<32x128xf32, #tpu.memory_space<vmem>>, %arg18: memref<10240x128xf32, #tpu.memory_space<vmem_shared>>, %arg19: memref<!tpu.dma_semaphore, #tpu.memory_space<semaphore_mem>>, %arg20: memref<!tpu.dma_semaphore, #tpu.memory_space<semaphore_mem>>, %arg21: memref<!tpu.dma_semaphore, #tpu.memory_space<semaphore_mem>>, %arg22: memref<!tpu.dma_semaphore, #tpu.memory_space<semaphore_mem>>, %arg23: memref<!tpu.dma_semaphore, #tpu.memory_space<semaphore_mem>>, %arg24: memref<!tpu.dma_semaphore, #tpu.memory_space<semaphore_mem>>, %arg25: memref<!tpu.dma_semaphore, #tpu.memory_space<semaphore_mem>>, %arg26: memref<!tpu.dma_semaphore, #tpu.memory_space<semaphore_mem>>, %arg27: memref<!tpu.dma_semaphore, #tpu.memory_space<semaphore_mem>>, %arg28: memref<!tpu.dma_semaphore, #tpu.memory_space<semaphore_mem>>, %arg29: memref<!tpu.dma_semaphore, #tpu.memory_space<semaphore_mem>>, %arg30: memref<!tpu.dma_semaphore, #tpu.memory_space<semaphore_mem>>) attributes {dimension_semantics = [#tpu.dimension_semantics<core_parallel>, #tpu.dimension_semantics<subcore_parallel>], iteration_bounds = array<i64: 2, 16>, scalar_prefetch = 0 : i64, scratch_operands = 24 : i64, tpu.core_type = #tpu.core_type<sc_vector_subcore>, window_params = [{transform_indices = #map}, {transform_indices = #map1}, {transform_indices = #map1}, {transform_indices = #map}, {transform_indices = #map}]} {
    %mul3A = arith.constant 2 : i32
    %mul3A_0 = arith.muli %arg1, %mul3A : i32
    %add3A = arith.addi %mul3A_0, %arg0 : i32
    %mul3A_1 = arith.constant 10000 : i32
    %mul3A_2 = arith.muli %add3A, %mul3A_1 : i32
    %multiple_of3A = tpu.assume_multiple %mul3A_2, 8 : i32
    "tpu.region"() ({
      %run_scoped3A = tpu.sem_alloc : memref<!tpu.dma_semaphore, #tpu.memory_space<semaphore_mem>>
      %dma_start3A_671 = tpu.memref_slice %arg3[%multiple_of3A] : memref<320000xi32, #tpu.memory_space<hbm>> -> memref<10000xi32, #tpu.memory_space<hbm>>
      %dma_start3A_672 = tpu.memref_slice %arg3[%multiple_of3A] : memref<320000xi32, #tpu.memory_space<hbm>> -> memref<10000xi32, #tpu.memory_space<hbm>>
      tpu.enqueue_dma source(%dma_start3A_672 : memref<10000xi32, #tpu.memory_space<hbm>>) target(%arg7 : memref<10000xi32, #tpu.memory_space<vmem>>) target_semaphore(%run_scoped3A : memref<!tpu.dma_semaphore, #tpu.memory_space<semaphore_mem>>)
      %dma_wait3A_673 = tpu.memref_slice %arg3[%multiple_of3A] : memref<320000xi32, #tpu.memory_space<hbm>> -> memref<10000xi32, #tpu.memory_space<hbm>>
      %dma_wait3A_674 = tpu.memref_slice %arg3[%multiple_of3A] : memref<320000xi32, #tpu.memory_space<hbm>> -> memref<10000xi32, #tpu.memory_space<hbm>>
      tpu.wait_dma2 semaphore(%run_scoped3A : memref<!tpu.dma_semaphore, #tpu.memory_space<semaphore_mem>>) src(%dma_wait3A_674 : memref<10000xi32, #tpu.memory_space<hbm>>) dst(%arg7 : memref<10000xi32, #tpu.memory_space<vmem>>)
      tpu.yield
    }) : () -> ()
    "tpu.region"() ({
      %run_scoped3A = tpu.sem_alloc : memref<!tpu.dma_semaphore, #tpu.memory_space<semaphore_mem>>
      tpu.enqueue_dma source(%arg5 : memref<32x128xf32, #tpu.memory_space<hbm>>) target(%arg17 : memref<32x128xf32, #tpu.memory_space<vmem>>) target_semaphore(%run_scoped3A : memref<!tpu.dma_semaphore, #tpu.memory_space<semaphore_mem>>)
      tpu.wait_dma2 semaphore(%run_scoped3A : memref<!tpu.dma_semaphore, #tpu.memory_space<semaphore_mem>>) src(%arg5 : memref<32x128xf32, #tpu.memory_space<hbm>>) dst(%arg17 : memref<32x128xf32, #tpu.memory_space<vmem>>)
      tpu.yield
    }) : () -> ()
    %mul3A_3 = arith.constant 640 : i32
    %mul3A_4 = arith.muli %arg1, %mul3A_3 : i32
    %add3A_5 = arith.constant 0 : i32
    %add3A_6 = arith.addi %mul3A_4, %add3A_5 : i32
    %multiple_of3A_7 = tpu.assume_multiple %add3A_6, 8 : i32
    %dma_start3A = arith.constant 0 : i32
    %dma_start3A_8 = tpu.memref_slice %arg18[%multiple_of3A_7, %dma_start3A] : memref<10240x128xf32, #tpu.memory_space<vmem_shared>> -> memref<32x128xf32, #tpu.memory_space<vmem_shared>>
    %dma_start3A_9 = arith.constant 0 : i32
    %dma_start3A_10 = tpu.memref_slice %arg18[%multiple_of3A_7, %dma_start3A_9] : memref<10240x128xf32, #tpu.memory_space<vmem_shared>> -> memref<32x128xf32, #tpu.memory_space<vmem_shared>>
    tpu.enqueue_dma source(%arg17 : memref<32x128xf32, #tpu.memory_space<vmem>>) target(%dma_start3A_10 : memref<32x128xf32, #tpu.memory_space<vmem_shared>>) target_semaphore(%arg19 : memref<!tpu.dma_semaphore, #tpu.memory_space<semaphore_mem>>)
    %add3A_11 = arith.constant 32 : i32
    %add3A_12 = arith.addi %mul3A_4, %add3A_11 : i32
    %multiple_of3A_13 = tpu.assume_multiple %add3A_12, 8 : i32
    %dma_start3A_14 = arith.constant 0 : i32
    %dma_start3A_15 = tpu.memref_slice %arg18[%multiple_of3A_13, %dma_start3A_14] : memref<10240x128xf32, #tpu.memory_space<vmem_shared>> -> memref<32x128xf32, #tpu.memory_space<vmem_shared>>
    %dma_start3A_16 = arith.constant 0 : i32
    %dma_start3A_17 = tpu.memref_slice %arg18[%multiple_of3A_13, %dma_start3A_16] : memref<10240x128xf32, #tpu.memory_space<vmem_shared>> -> memref<32x128xf32, #tpu.memory_space<vmem_shared>>
    tpu.enqueue_dma source(%arg17 : memref<32x128xf32, #tpu.memory_space<vmem>>) target(%dma_start3A_17 : memref<32x128xf32, #tpu.memory_space<vmem_shared>>) target_semaphore(%arg19 : memref<!tpu.dma_semaphore, #tpu.memory_space<semaphore_mem>>)
    %add3A_18 = arith.constant 64 : i32
    %add3A_19 = arith.addi %mul3A_4, %add3A_18 : i32
    %multiple_of3A_20 = tpu.assume_multiple %add3A_19, 8 : i32
    %dma_start3A_21 = arith.constant 0 : i32
    %dma_start3A_22 = tpu.memref_slice %arg18[%multiple_of3A_20, %dma_start3A_21] : memref<10240x128xf32, #tpu.memory_space<vmem_shared>> -> memref<32x128xf32, #tpu.memory_space<vmem_shared>>
    %dma_start3A_23 = arith.constant 0 : i32
    %dma_start3A_24 = tpu.memref_slice %arg18[%multiple_of3A_20, %dma_start3A_23] : memref<10240x128xf32, #tpu.memory_space<vmem_shared>> -> memref<32x128xf32, #tpu.memory_space<vmem_shared>>
    tpu.enqueue_dma source(%arg17 : memref<32x128xf32, #tpu.memory_space<vmem>>) target(%dma_start3A_24 : memref<32x128xf32, #tpu.memory_space<vmem_shared>>) target_semaphore(%arg19 : memref<!tpu.dma_semaphore, #tpu.memory_space<semaphore_mem>>)
    %add3A_25 = arith.constant 96 : i32
    %add3A_26 = arith.addi %mul3A_4, %add3A_25 : i32
    %multiple_of3A_27 = tpu.assume_multiple %add3A_26, 8 : i32
    %dma_start3A_28 = arith.constant 0 : i32
    %dma_start3A_29 = tpu.memref_slice %arg18[%multiple_of3A_27, %dma_start3A_28] : memref<10240x128xf32, #tpu.memory_space<vmem_shared>> -> memref<32x128xf32, #tpu.memory_space<vmem_shared>>
    %dma_start3A_30 = arith.constant 0 : i32
    %dma_start3A_31 = tpu.memref_slice %arg18[%multiple_of3A_27, %dma_start3A_30] : memref<10240x128xf32, #tpu.memory_space<vmem_shared>> -> memref<32x128xf32, #tpu.memory_space<vmem_shared>>
    tpu.enqueue_dma source(%arg17 : memref<32x128xf32, #tpu.memory_space<vmem>>) target(%dma_start3A_31 : memref<32x128xf32, #tpu.memory_space<vmem_shared>>) target_semaphore(%arg19 : memref<!tpu.dma_semaphore, #tpu.memory_space<semaphore_mem>>)
    %add3A_32 = arith.constant 128 : i32
    %add3A_33 = arith.addi %mul3A_4, %add3A_32 : i32
    %multiple_of3A_34 = tpu.assume_multiple %add3A_33, 8 : i32
    %dma_start3A_35 = arith.constant 0 : i32
    %dma_start3A_36 = tpu.memref_slice %arg18[%multiple_of3A_34, %dma_start3A_35] : memref<10240x128xf32, #tpu.memory_space<vmem_shared>> -> memref<32x128xf32, #tpu.memory_space<vmem_shared>>
    %dma_start3A_37 = arith.constant 0 : i32
    %dma_start3A_38 = tpu.memref_slice %arg18[%multiple_of3A_34, %dma_start3A_37] : memref<10240x128xf32, #tpu.memory_space<vmem_shared>> -> memref<32x128xf32, #tpu.memory_space<vmem_shared>>
    tpu.enqueue_dma source(%arg17 : memref<32x128xf32, #tpu.memory_space<vmem>>) target(%dma_start3A_38 : memref<32x128xf32, #tpu.memory_space<vmem_shared>>) target_semaphore(%arg19 : memref<!tpu.dma_semaphore, #tpu.memory_space<semaphore_mem>>)
    %add3A_39 = arith.constant 160 : i32
    %add3A_40 = arith.addi %mul3A_4, %add3A_39 : i32
    %multiple_of3A_41 = tpu.assume_multiple %add3A_40, 8 : i32
    %dma_start3A_42 = arith.constant 0 : i32
    %dma_start3A_43 = tpu.memref_slice %arg18[%multiple_of3A_41, %dma_start3A_42] : memref<10240x128xf32, #tpu.memory_space<vmem_shared>> -> memref<32x128xf32, #tpu.memory_space<vmem_shared>>
    %dma_start3A_44 = arith.constant 0 : i32
    %dma_start3A_45 = tpu.memref_slice %arg18[%multiple_of3A_41, %dma_start3A_44] : memref<10240x128xf32, #tpu.memory_space<vmem_shared>> -> memref<32x128xf32, #tpu.memory_space<vmem_shared>>
    tpu.enqueue_dma source(%arg17 : memref<32x128xf32, #tpu.memory_space<vmem>>) target(%dma_start3A_45 : memref<32x128xf32, #tpu.memory_space<vmem_shared>>) target_semaphore(%arg19 : memref<!tpu.dma_semaphore, #tpu.memory_space<semaphore_mem>>)
    %add3A_46 = arith.constant 192 : i32
    %add3A_47 = arith.addi %mul3A_4, %add3A_46 : i32
    %multiple_of3A_48 = tpu.assume_multiple %add3A_47, 8 : i32
    %dma_start3A_49 = arith.constant 0 : i32
    %dma_start3A_50 = tpu.memref_slice %arg18[%multiple_of3A_48, %dma_start3A_49] : memref<10240x128xf32, #tpu.memory_space<vmem_shared>> -> memref<32x128xf32, #tpu.memory_space<vmem_shared>>
    %dma_start3A_51 = arith.constant 0 : i32
    %dma_start3A_52 = tpu.memref_slice %arg18[%multiple_of3A_48, %dma_start3A_51] : memref<10240x128xf32, #tpu.memory_space<vmem_shared>> -> memref<32x128xf32, #tpu.memory_space<vmem_shared>>
    tpu.enqueue_dma source(%arg17 : memref<32x128xf32, #tpu.memory_space<vmem>>) target(%dma_start3A_52 : memref<32x128xf32, #tpu.memory_space<vmem_shared>>) target_semaphore(%arg19 : memref<!tpu.dma_semaphore, #tpu.memory_space<semaphore_mem>>)
    %add3A_53 = arith.constant 224 : i32
    %add3A_54 = arith.addi %mul3A_4, %add3A_53 : i32
    %multiple_of3A_55 = tpu.assume_multiple %add3A_54, 8 : i32
    %dma_start3A_56 = arith.constant 0 : i32
    %dma_start3A_57 = tpu.memref_slice %arg18[%multiple_of3A_55, %dma_start3A_56] : memref<10240x128xf32, #tpu.memory_space<vmem_shared>> -> memref<32x128xf32, #tpu.memory_space<vmem_shared>>
    %dma_start3A_58 = arith.constant 0 : i32
    %dma_start3A_59 = tpu.memref_slice %arg18[%multiple_of3A_55, %dma_start3A_58] : memref<10240x128xf32, #tpu.memory_space<vmem_shared>> -> memref<32x128xf32, #tpu.memory_space<vmem_shared>>
    tpu.enqueue_dma source(%arg17 : memref<32x128xf32, #tpu.memory_space<vmem>>) target(%dma_start3A_59 : memref<32x128xf32, #tpu.memory_space<vmem_shared>>) target_semaphore(%arg19 : memref<!tpu.dma_semaphore, #tpu.memory_space<semaphore_mem>>)
    %add3A_60 = arith.constant 256 : i32
    %add3A_61 = arith.addi %mul3A_4, %add3A_60 : i32
    %multiple_of3A_62 = tpu.assume_multiple %add3A_61, 8 : i32
    %dma_start3A_63 = arith.constant 0 : i32
    %dma_start3A_64 = tpu.memref_slice %arg18[%multiple_of3A_62, %dma_start3A_63] : memref<10240x128xf32, #tpu.memory_space<vmem_shared>> -> memref<32x128xf32, #tpu.memory_space<vmem_shared>>
    %dma_start3A_65 = arith.constant 0 : i32
    %dma_start3A_66 = tpu.memref_slice %arg18[%multiple_of3A_62, %dma_start3A_65] : memref<10240x128xf32, #tpu.memory_space<vmem_shared>> -> memref<32x128xf32, #tpu.memory_space<vmem_shared>>
    tpu.enqueue_dma source(%arg17 : memref<32x128xf32, #tpu.memory_space<vmem>>) target(%dma_start3A_66 : memref<32x128xf32, #tpu.memory_space<vmem_shared>>) target_semaphore(%arg19 : memref<!tpu.dma_semaphore, #tpu.memory_space<semaphore_mem>>)
    %add3A_67 = arith.constant 288 : i32
    %add3A_68 = arith.addi %mul3A_4, %add3A_67 : i32
    %multiple_of3A_69 = tpu.assume_multiple %add3A_68, 8 : i32
    %dma_start3A_70 = arith.constant 0 : i32
    %dma_start3A_71 = tpu.memref_slice %arg18[%multiple_of3A_69, %dma_start3A_70] : memref<10240x128xf32, #tpu.memory_space<vmem_shared>> -> memref<32x128xf32, #tpu.memory_space<vmem_shared>>
    %dma_start3A_72 = arith.constant 0 : i32
    %dma_start3A_73 = tpu.memref_slice %arg18[%multiple_of3A_69, %dma_start3A_72] : memref<10240x128xf32, #tpu.memory_space<vmem_shared>> -> memref<32x128xf32, #tpu.memory_space<vmem_shared>>
    tpu.enqueue_dma source(%arg17 : memref<32x128xf32, #tpu.memory_space<vmem>>) target(%dma_start3A_73 : memref<32x128xf32, #tpu.memory_space<vmem_shared>>) target_semaphore(%arg19 : memref<!tpu.dma_semaphore, #tpu.memory_space<semaphore_mem>>)
    %add3A_74 = arith.constant 320 : i32
    %add3A_75 = arith.addi %mul3A_4, %add3A_74 : i32
    %multiple_of3A_76 = tpu.assume_multiple %add3A_75, 8 : i32
    %dma_start3A_77 = arith.constant 0 : i32
    %dma_start3A_78 = tpu.memref_slice %arg18[%multiple_of3A_76, %dma_start3A_77] : memref<10240x128xf32, #tpu.memory_space<vmem_shared>> -> memref<32x128xf32, #tpu.memory_space<vmem_shared>>
    %dma_start3A_79 = arith.constant 0 : i32
    %dma_start3A_80 = tpu.memref_slice %arg18[%multiple_of3A_76, %dma_start3A_79] : memref<10240x128xf32, #tpu.memory_space<vmem_shared>> -> memref<32x128xf32, #tpu.memory_space<vmem_shared>>
    tpu.enqueue_dma source(%arg17 : memref<32x128xf32, #tpu.memory_space<vmem>>) target(%dma_start3A_80 : memref<32x128xf32, #tpu.memory_space<vmem_shared>>) target_semaphore(%arg19 : memref<!tpu.dma_semaphore, #tpu.memory_space<semaphore_mem>>)
    %add3A_81 = arith.constant 352 : i32
    %add3A_82 = arith.addi %mul3A_4, %add3A_81 : i32
    %multiple_of3A_83 = tpu.assume_multiple %add3A_82, 8 : i32
    %dma_start3A_84 = arith.constant 0 : i32
    %dma_start3A_85 = tpu.memref_slice %arg18[%multiple_of3A_83, %dma_start3A_84] : memref<10240x128xf32, #tpu.memory_space<vmem_shared>> -> memref<32x128xf32, #tpu.memory_space<vmem_shared>>
    %dma_start3A_86 = arith.constant 0 : i32
    %dma_start3A_87 = tpu.memref_slice %arg18[%multiple_of3A_83, %dma_start3A_86] : memref<10240x128xf32, #tpu.memory_space<vmem_shared>> -> memref<32x128xf32, #tpu.memory_space<vmem_shared>>
    tpu.enqueue_dma source(%arg17 : memref<32x128xf32, #tpu.memory_space<vmem>>) target(%dma_start3A_87 : memref<32x128xf32, #tpu.memory_space<vmem_shared>>) target_semaphore(%arg19 : memref<!tpu.dma_semaphore, #tpu.memory_space<semaphore_mem>>)
    %add3A_88 = arith.constant 384 : i32
    %add3A_89 = arith.addi %mul3A_4, %add3A_88 : i32
    %multiple_of3A_90 = tpu.assume_multiple %add3A_89, 8 : i32
    %dma_start3A_91 = arith.constant 0 : i32
    %dma_start3A_92 = tpu.memref_slice %arg18[%multiple_of3A_90, %dma_start3A_91] : memref<10240x128xf32, #tpu.memory_space<vmem_shared>> -> memref<32x128xf32, #tpu.memory_space<vmem_shared>>
    %dma_start3A_93 = arith.constant 0 : i32
    %dma_start3A_94 = tpu.memref_slice %arg18[%multiple_of3A_90, %dma_start3A_93] : memref<10240x128xf32, #tpu.memory_space<vmem_shared>> -> memref<32x128xf32, #tpu.memory_space<vmem_shared>>
    tpu.enqueue_dma source(%arg17 : memref<32x128xf32, #tpu.memory_space<vmem>>) target(%dma_start3A_94 : memref<32x128xf32, #tpu.memory_space<vmem_shared>>) target_semaphore(%arg19 : memref<!tpu.dma_semaphore, #tpu.memory_space<semaphore_mem>>)
    %add3A_95 = arith.constant 416 : i32
    %add3A_96 = arith.addi %mul3A_4, %add3A_95 : i32
    %multiple_of3A_97 = tpu.assume_multiple %add3A_96, 8 : i32
    %dma_start3A_98 = arith.constant 0 : i32
    %dma_start3A_99 = tpu.memref_slice %arg18[%multiple_of3A_97, %dma_start3A_98] : memref<10240x128xf32, #tpu.memory_space<vmem_shared>> -> memref<32x128xf32, #tpu.memory_space<vmem_shared>>
    %dma_start3A_100 = arith.constant 0 : i32
    %dma_start3A_101 = tpu.memref_slice %arg18[%multiple_of3A_97, %dma_start3A_100] : memref<10240x128xf32, #tpu.memory_space<vmem_shared>> -> memref<32x128xf32, #tpu.memory_space<vmem_shared>>
    tpu.enqueue_dma source(%arg17 : memref<32x128xf32, #tpu.memory_space<vmem>>) target(%dma_start3A_101 : memref<32x128xf32, #tpu.memory_space<vmem_shared>>) target_semaphore(%arg19 : memref<!tpu.dma_semaphore, #tpu.memory_space<semaphore_mem>>)
    %add3A_102 = arith.constant 448 : i32
    %add3A_103 = arith.addi %mul3A_4, %add3A_102 : i32
    %multiple_of3A_104 = tpu.assume_multiple %add3A_103, 8 : i32
    %dma_start3A_105 = arith.constant 0 : i32
    %dma_start3A_106 = tpu.memref_slice %arg18[%multiple_of3A_104, %dma_start3A_105] : memref<10240x128xf32, #tpu.memory_space<vmem_shared>> -> memref<32x128xf32, #tpu.memory_space<vmem_shared>>
    %dma_start3A_107 = arith.constant 0 : i32
    %dma_start3A_108 = tpu.memref_slice %arg18[%multiple_of3A_104, %dma_start3A_107] : memref<10240x128xf32, #tpu.memory_space<vmem_shared>> -> memref<32x128xf32, #tpu.memory_space<vmem_shared>>
    tpu.enqueue_dma source(%arg17 : memref<32x128xf32, #tpu.memory_space<vmem>>) target(%dma_start3A_108 : memref<32x128xf32, #tpu.memory_space<vmem_shared>>) target_semaphore(%arg19 : memref<!tpu.dma_semaphore, #tpu.memory_space<semaphore_mem>>)
    %add3A_109 = arith.constant 480 : i32
    %add3A_110 = arith.addi %mul3A_4, %add3A_109 : i32
    %multiple_of3A_111 = tpu.assume_multiple %add3A_110, 8 : i32
    %dma_start3A_112 = arith.constant 0 : i32
    %dma_start3A_113 = tpu.memref_slice %arg18[%multiple_of3A_111, %dma_start3A_112] : memref<10240x128xf32, #tpu.memory_space<vmem_shared>> -> memref<32x128xf32, #tpu.memory_space<vmem_shared>>
    %dma_start3A_114 = arith.constant 0 : i32
    %dma_start3A_115 = tpu.memref_slice %arg18[%multiple_of3A_111, %dma_start3A_114] : memref<10240x128xf32, #tpu.memory_space<vmem_shared>> -> memref<32x128xf32, #tpu.memory_space<vmem_shared>>
    tpu.enqueue_dma source(%arg17 : memref<32x128xf32, #tpu.memory_space<vmem>>) target(%dma_start3A_115 : memref<32x128xf32, #tpu.memory_space<vmem_shared>>) target_semaphore(%arg19 : memref<!tpu.dma_semaphore, #tpu.memory_space<semaphore_mem>>)
    %add3A_116 = arith.constant 512 : i32
    %add3A_117 = arith.addi %mul3A_4, %add3A_116 : i32
    %multiple_of3A_118 = tpu.assume_multiple %add3A_117, 8 : i32
    %dma_start3A_119 = arith.constant 0 : i32
    %dma_start3A_120 = tpu.memref_slice %arg18[%multiple_of3A_118, %dma_start3A_119] : memref<10240x128xf32, #tpu.memory_space<vmem_shared>> -> memref<32x128xf32, #tpu.memory_space<vmem_shared>>
    %dma_start3A_121 = arith.constant 0 : i32
    %dma_start3A_122 = tpu.memref_slice %arg18[%multiple_of3A_118, %dma_start3A_121] : memref<10240x128xf32, #tpu.memory_space<vmem_shared>> -> memref<32x128xf32, #tpu.memory_space<vmem_shared>>
    tpu.enqueue_dma source(%arg17 : memref<32x128xf32, #tpu.memory_space<vmem>>) target(%dma_start3A_122 : memref<32x128xf32, #tpu.memory_space<vmem_shared>>) target_semaphore(%arg19 : memref<!tpu.dma_semaphore, #tpu.memory_space<semaphore_mem>>)
    %add3A_123 = arith.constant 544 : i32
    %add3A_124 = arith.addi %mul3A_4, %add3A_123 : i32
    %multiple_of3A_125 = tpu.assume_multiple %add3A_124, 8 : i32
    %dma_start3A_126 = arith.constant 0 : i32
    %dma_start3A_127 = tpu.memref_slice %arg18[%multiple_of3A_125, %dma_start3A_126] : memref<10240x128xf32, #tpu.memory_space<vmem_shared>> -> memref<32x128xf32, #tpu.memory_space<vmem_shared>>
    %dma_start3A_128 = arith.constant 0 : i32
    %dma_start3A_129 = tpu.memref_slice %arg18[%multiple_of3A_125, %dma_start3A_128] : memref<10240x128xf32, #tpu.memory_space<vmem_shared>> -> memref<32x128xf32, #tpu.memory_space<vmem_shared>>
    tpu.enqueue_dma source(%arg17 : memref<32x128xf32, #tpu.memory_space<vmem>>) target(%dma_start3A_129 : memref<32x128xf32, #tpu.memory_space<vmem_shared>>) target_semaphore(%arg19 : memref<!tpu.dma_semaphore, #tpu.memory_space<semaphore_mem>>)
    %add3A_130 = arith.constant 576 : i32
    %add3A_131 = arith.addi %mul3A_4, %add3A_130 : i32
    %multiple_of3A_132 = tpu.assume_multiple %add3A_131, 8 : i32
    %dma_start3A_133 = arith.constant 0 : i32
    %dma_start3A_134 = tpu.memref_slice %arg18[%multiple_of3A_132, %dma_start3A_133] : memref<10240x128xf32, #tpu.memory_space<vmem_shared>> -> memref<32x128xf32, #tpu.memory_space<vmem_shared>>
    %dma_start3A_135 = arith.constant 0 : i32
    %dma_start3A_136 = tpu.memref_slice %arg18[%multiple_of3A_132, %dma_start3A_135] : memref<10240x128xf32, #tpu.memory_space<vmem_shared>> -> memref<32x128xf32, #tpu.memory_space<vmem_shared>>
    tpu.enqueue_dma source(%arg17 : memref<32x128xf32, #tpu.memory_space<vmem>>) target(%dma_start3A_136 : memref<32x128xf32, #tpu.memory_space<vmem_shared>>) target_semaphore(%arg19 : memref<!tpu.dma_semaphore, #tpu.memory_space<semaphore_mem>>)
    %add3A_137 = arith.constant 608 : i32
    %add3A_138 = arith.addi %mul3A_4, %add3A_137 : i32
    %multiple_of3A_139 = tpu.assume_multiple %add3A_138, 8 : i32
    %dma_start3A_140 = arith.constant 0 : i32
    %dma_start3A_141 = tpu.memref_slice %arg18[%multiple_of3A_139, %dma_start3A_140] : memref<10240x128xf32, #tpu.memory_space<vmem_shared>> -> memref<32x128xf32, #tpu.memory_space<vmem_shared>>
    %dma_start3A_142 = arith.constant 0 : i32
    %dma_start3A_143 = tpu.memref_slice %arg18[%multiple_of3A_139, %dma_start3A_142] : memref<10240x128xf32, #tpu.memory_space<vmem_shared>> -> memref<32x128xf32, #tpu.memory_space<vmem_shared>>
    tpu.enqueue_dma source(%arg17 : memref<32x128xf32, #tpu.memory_space<vmem>>) target(%dma_start3A_143 : memref<32x128xf32, #tpu.memory_space<vmem_shared>>) target_semaphore(%arg19 : memref<!tpu.dma_semaphore, #tpu.memory_space<semaphore_mem>>)
    %add3A_144 = arith.constant 0 : i32
    %add3A_145 = arith.addi %mul3A_4, %add3A_144 : i32
    %multiple_of3A_146 = tpu.assume_multiple %add3A_145, 8 : i32
    %dma_wait3A = arith.constant 0 : i32
    %dma_wait3A_147 = tpu.memref_slice %arg18[%multiple_of3A_146, %dma_wait3A] : memref<10240x128xf32, #tpu.memory_space<vmem_shared>> -> memref<32x128xf32, #tpu.memory_space<vmem_shared>>
    %dma_wait3A_148 = arith.constant 0 : i32
    %dma_wait3A_149 = tpu.memref_slice %arg18[%multiple_of3A_146, %dma_wait3A_148] : memref<10240x128xf32, #tpu.memory_space<vmem_shared>> -> memref<32x128xf32, #tpu.memory_space<vmem_shared>>
    tpu.wait_dma2 semaphore(%arg19 : memref<!tpu.dma_semaphore, #tpu.memory_space<semaphore_mem>>) src(%arg17 : memref<32x128xf32, #tpu.memory_space<vmem>>) dst(%dma_wait3A_149 : memref<32x128xf32, #tpu.memory_space<vmem_shared>>)
    %add3A_150 = arith.constant 32 : i32
    %add3A_151 = arith.addi %mul3A_4, %add3A_150 : i32
    %multiple_of3A_152 = tpu.assume_multiple %add3A_151, 8 : i32
    %dma_wait3A_153 = arith.constant 0 : i32
    %dma_wait3A_154 = tpu.memref_slice %arg18[%multiple_of3A_152, %dma_wait3A_153] : memref<10240x128xf32, #tpu.memory_space<vmem_shared>> -> memref<32x128xf32, #tpu.memory_space<vmem_shared>>
    %dma_wait3A_155 = arith.constant 0 : i32
    %dma_wait3A_156 = tpu.memref_slice %arg18[%multiple_of3A_152, %dma_wait3A_155] : memref<10240x128xf32, #tpu.memory_space<vmem_shared>> -> memref<32x128xf32, #tpu.memory_space<vmem_shared>>
    tpu.wait_dma2 semaphore(%arg19 : memref<!tpu.dma_semaphore, #tpu.memory_space<semaphore_mem>>) src(%arg17 : memref<32x128xf32, #tpu.memory_space<vmem>>) dst(%dma_wait3A_156 : memref<32x128xf32, #tpu.memory_space<vmem_shared>>)
    %add3A_157 = arith.constant 64 : i32
    %add3A_158 = arith.addi %mul3A_4, %add3A_157 : i32
    %multiple_of3A_159 = tpu.assume_multiple %add3A_158, 8 : i32
    %dma_wait3A_160 = arith.constant 0 : i32
    %dma_wait3A_161 = tpu.memref_slice %arg18[%multiple_of3A_159, %dma_wait3A_160] : memref<10240x128xf32, #tpu.memory_space<vmem_shared>> -> memref<32x128xf32, #tpu.memory_space<vmem_shared>>
    %dma_wait3A_162 = arith.constant 0 : i32
    %dma_wait3A_163 = tpu.memref_slice %arg18[%multiple_of3A_159, %dma_wait3A_162] : memref<10240x128xf32, #tpu.memory_space<vmem_shared>> -> memref<32x128xf32, #tpu.memory_space<vmem_shared>>
    tpu.wait_dma2 semaphore(%arg19 : memref<!tpu.dma_semaphore, #tpu.memory_space<semaphore_mem>>) src(%arg17 : memref<32x128xf32, #tpu.memory_space<vmem>>) dst(%dma_wait3A_163 : memref<32x128xf32, #tpu.memory_space<vmem_shared>>)
    %add3A_164 = arith.constant 96 : i32
    %add3A_165 = arith.addi %mul3A_4, %add3A_164 : i32
    %multiple_of3A_166 = tpu.assume_multiple %add3A_165, 8 : i32
    %dma_wait3A_167 = arith.constant 0 : i32
    %dma_wait3A_168 = tpu.memref_slice %arg18[%multiple_of3A_166, %dma_wait3A_167] : memref<10240x128xf32, #tpu.memory_space<vmem_shared>> -> memref<32x128xf32, #tpu.memory_space<vmem_shared>>
    %dma_wait3A_169 = arith.constant 0 : i32
    %dma_wait3A_170 = tpu.memref_slice %arg18[%multiple_of3A_166, %dma_wait3A_169] : memref<10240x128xf32, #tpu.memory_space<vmem_shared>> -> memref<32x128xf32, #tpu.memory_space<vmem_shared>>
    tpu.wait_dma2 semaphore(%arg19 : memref<!tpu.dma_semaphore, #tpu.memory_space<semaphore_mem>>) src(%arg17 : memref<32x128xf32, #tpu.memory_space<vmem>>) dst(%dma_wait3A_170 : memref<32x128xf32, #tpu.memory_space<vmem_shared>>)
    %add3A_171 = arith.constant 128 : i32
    %add3A_172 = arith.addi %mul3A_4, %add3A_171 : i32
    %multiple_of3A_173 = tpu.assume_multiple %add3A_172, 8 : i32
    %dma_wait3A_174 = arith.constant 0 : i32
    %dma_wait3A_175 = tpu.memref_slice %arg18[%multiple_of3A_173, %dma_wait3A_174] : memref<10240x128xf32, #tpu.memory_space<vmem_shared>> -> memref<32x128xf32, #tpu.memory_space<vmem_shared>>
    %dma_wait3A_176 = arith.constant 0 : i32
    %dma_wait3A_177 = tpu.memref_slice %arg18[%multiple_of3A_173, %dma_wait3A_176] : memref<10240x128xf32, #tpu.memory_space<vmem_shared>> -> memref<32x128xf32, #tpu.memory_space<vmem_shared>>
    tpu.wait_dma2 semaphore(%arg19 : memref<!tpu.dma_semaphore, #tpu.memory_space<semaphore_mem>>) src(%arg17 : memref<32x128xf32, #tpu.memory_space<vmem>>) dst(%dma_wait3A_177 : memref<32x128xf32, #tpu.memory_space<vmem_shared>>)
    %add3A_178 = arith.constant 160 : i32
    %add3A_179 = arith.addi %mul3A_4, %add3A_178 : i32
    %multiple_of3A_180 = tpu.assume_multiple %add3A_179, 8 : i32
    %dma_wait3A_181 = arith.constant 0 : i32
    %dma_wait3A_182 = tpu.memref_slice %arg18[%multiple_of3A_180, %dma_wait3A_181] : memref<10240x128xf32, #tpu.memory_space<vmem_shared>> -> memref<32x128xf32, #tpu.memory_space<vmem_shared>>
    %dma_wait3A_183 = arith.constant 0 : i32
    %dma_wait3A_184 = tpu.memref_slice %arg18[%multiple_of3A_180, %dma_wait3A_183] : memref<10240x128xf32, #tpu.memory_space<vmem_shared>> -> memref<32x128xf32, #tpu.memory_space<vmem_shared>>
    tpu.wait_dma2 semaphore(%arg19 : memref<!tpu.dma_semaphore, #tpu.memory_space<semaphore_mem>>) src(%arg17 : memref<32x128xf32, #tpu.memory_space<vmem>>) dst(%dma_wait3A_184 : memref<32x128xf32, #tpu.memory_space<vmem_shared>>)
    %add3A_185 = arith.constant 192 : i32
    %add3A_186 = arith.addi %mul3A_4, %add3A_185 : i32
    %multiple_of3A_187 = tpu.assume_multiple %add3A_186, 8 : i32
    %dma_wait3A_188 = arith.constant 0 : i32
    %dma_wait3A_189 = tpu.memref_slice %arg18[%multiple_of3A_187, %dma_wait3A_188] : memref<10240x128xf32, #tpu.memory_space<vmem_shared>> -> memref<32x128xf32, #tpu.memory_space<vmem_shared>>
    %dma_wait3A_190 = arith.constant 0 : i32
    %dma_wait3A_191 = tpu.memref_slice %arg18[%multiple_of3A_187, %dma_wait3A_190] : memref<10240x128xf32, #tpu.memory_space<vmem_shared>> -> memref<32x128xf32, #tpu.memory_space<vmem_shared>>
    tpu.wait_dma2 semaphore(%arg19 : memref<!tpu.dma_semaphore, #tpu.memory_space<semaphore_mem>>) src(%arg17 : memref<32x128xf32, #tpu.memory_space<vmem>>) dst(%dma_wait3A_191 : memref<32x128xf32, #tpu.memory_space<vmem_shared>>)
    %add3A_192 = arith.constant 224 : i32
    %add3A_193 = arith.addi %mul3A_4, %add3A_192 : i32
    %multiple_of3A_194 = tpu.assume_multiple %add3A_193, 8 : i32
    %dma_wait3A_195 = arith.constant 0 : i32
    %dma_wait3A_196 = tpu.memref_slice %arg18[%multiple_of3A_194, %dma_wait3A_195] : memref<10240x128xf32, #tpu.memory_space<vmem_shared>> -> memref<32x128xf32, #tpu.memory_space<vmem_shared>>
    %dma_wait3A_197 = arith.constant 0 : i32
    %dma_wait3A_198 = tpu.memref_slice %arg18[%multiple_of3A_194, %dma_wait3A_197] : memref<10240x128xf32, #tpu.memory_space<vmem_shared>> -> memref<32x128xf32, #tpu.memory_space<vmem_shared>>
    tpu.wait_dma2 semaphore(%arg19 : memref<!tpu.dma_semaphore, #tpu.memory_space<semaphore_mem>>) src(%arg17 : memref<32x128xf32, #tpu.memory_space<vmem>>) dst(%dma_wait3A_198 : memref<32x128xf32, #tpu.memory_space<vmem_shared>>)
    %add3A_199 = arith.constant 256 : i32
    %add3A_200 = arith.addi %mul3A_4, %add3A_199 : i32
    %multiple_of3A_201 = tpu.assume_multiple %add3A_200, 8 : i32
    %dma_wait3A_202 = arith.constant 0 : i32
    %dma_wait3A_203 = tpu.memref_slice %arg18[%multiple_of3A_201, %dma_wait3A_202] : memref<10240x128xf32, #tpu.memory_space<vmem_shared>> -> memref<32x128xf32, #tpu.memory_space<vmem_shared>>
    %dma_wait3A_204 = arith.constant 0 : i32
    %dma_wait3A_205 = tpu.memref_slice %arg18[%multiple_of3A_201, %dma_wait3A_204] : memref<10240x128xf32, #tpu.memory_space<vmem_shared>> -> memref<32x128xf32, #tpu.memory_space<vmem_shared>>
    tpu.wait_dma2 semaphore(%arg19 : memref<!tpu.dma_semaphore, #tpu.memory_space<semaphore_mem>>) src(%arg17 : memref<32x128xf32, #tpu.memory_space<vmem>>) dst(%dma_wait3A_205 : memref<32x128xf32, #tpu.memory_space<vmem_shared>>)
    %add3A_206 = arith.constant 288 : i32
    %add3A_207 = arith.addi %mul3A_4, %add3A_206 : i32
    %multiple_of3A_208 = tpu.assume_multiple %add3A_207, 8 : i32
    %dma_wait3A_209 = arith.constant 0 : i32
    %dma_wait3A_210 = tpu.memref_slice %arg18[%multiple_of3A_208, %dma_wait3A_209] : memref<10240x128xf32, #tpu.memory_space<vmem_shared>> -> memref<32x128xf32, #tpu.memory_space<vmem_shared>>
    %dma_wait3A_211 = arith.constant 0 : i32
    %dma_wait3A_212 = tpu.memref_slice %arg18[%multiple_of3A_208, %dma_wait3A_211] : memref<10240x128xf32, #tpu.memory_space<vmem_shared>> -> memref<32x128xf32, #tpu.memory_space<vmem_shared>>
    tpu.wait_dma2 semaphore(%arg19 : memref<!tpu.dma_semaphore, #tpu.memory_space<semaphore_mem>>) src(%arg17 : memref<32x128xf32, #tpu.memory_space<vmem>>) dst(%dma_wait3A_212 : memref<32x128xf32, #tpu.memory_space<vmem_shared>>)
    %add3A_213 = arith.constant 320 : i32
    %add3A_214 = arith.addi %mul3A_4, %add3A_213 : i32
    %multiple_of3A_215 = tpu.assume_multiple %add3A_214, 8 : i32
    %dma_wait3A_216 = arith.constant 0 : i32
    %dma_wait3A_217 = tpu.memref_slice %arg18[%multiple_of3A_215, %dma_wait3A_216] : memref<10240x128xf32, #tpu.memory_space<vmem_shared>> -> memref<32x128xf32, #tpu.memory_space<vmem_shared>>
    %dma_wait3A_218 = arith.constant 0 : i32
    %dma_wait3A_219 = tpu.memref_slice %arg18[%multiple_of3A_215, %dma_wait3A_218] : memref<10240x128xf32, #tpu.memory_space<vmem_shared>> -> memref<32x128xf32, #tpu.memory_space<vmem_shared>>
    tpu.wait_dma2 semaphore(%arg19 : memref<!tpu.dma_semaphore, #tpu.memory_space<semaphore_mem>>) src(%arg17 : memref<32x128xf32, #tpu.memory_space<vmem>>) dst(%dma_wait3A_219 : memref<32x128xf32, #tpu.memory_space<vmem_shared>>)
    %add3A_220 = arith.constant 352 : i32
    %add3A_221 = arith.addi %mul3A_4, %add3A_220 : i32
    %multiple_of3A_222 = tpu.assume_multiple %add3A_221, 8 : i32
    %dma_wait3A_223 = arith.constant 0 : i32
    %dma_wait3A_224 = tpu.memref_slice %arg18[%multiple_of3A_222, %dma_wait3A_223] : memref<10240x128xf32, #tpu.memory_space<vmem_shared>> -> memref<32x128xf32, #tpu.memory_space<vmem_shared>>
    %dma_wait3A_225 = arith.constant 0 : i32
    %dma_wait3A_226 = tpu.memref_slice %arg18[%multiple_of3A_222, %dma_wait3A_225] : memref<10240x128xf32, #tpu.memory_space<vmem_shared>> -> memref<32x128xf32, #tpu.memory_space<vmem_shared>>
    tpu.wait_dma2 semaphore(%arg19 : memref<!tpu.dma_semaphore, #tpu.memory_space<semaphore_mem>>) src(%arg17 : memref<32x128xf32, #tpu.memory_space<vmem>>) dst(%dma_wait3A_226 : memref<32x128xf32, #tpu.memory_space<vmem_shared>>)
    %add3A_227 = arith.constant 384 : i32
    %add3A_228 = arith.addi %mul3A_4, %add3A_227 : i32
    %multiple_of3A_229 = tpu.assume_multiple %add3A_228, 8 : i32
    %dma_wait3A_230 = arith.constant 0 : i32
    %dma_wait3A_231 = tpu.memref_slice %arg18[%multiple_of3A_229, %dma_wait3A_230] : memref<10240x128xf32, #tpu.memory_space<vmem_shared>> -> memref<32x128xf32, #tpu.memory_space<vmem_shared>>
    %dma_wait3A_232 = arith.constant 0 : i32
    %dma_wait3A_233 = tpu.memref_slice %arg18[%multiple_of3A_229, %dma_wait3A_232] : memref<10240x128xf32, #tpu.memory_space<vmem_shared>> -> memref<32x128xf32, #tpu.memory_space<vmem_shared>>
    tpu.wait_dma2 semaphore(%arg19 : memref<!tpu.dma_semaphore, #tpu.memory_space<semaphore_mem>>) src(%arg17 : memref<32x128xf32, #tpu.memory_space<vmem>>) dst(%dma_wait3A_233 : memref<32x128xf32, #tpu.memory_space<vmem_shared>>)
    %add3A_234 = arith.constant 416 : i32
    %add3A_235 = arith.addi %mul3A_4, %add3A_234 : i32
    %multiple_of3A_236 = tpu.assume_multiple %add3A_235, 8 : i32
    %dma_wait3A_237 = arith.constant 0 : i32
    %dma_wait3A_238 = tpu.memref_slice %arg18[%multiple_of3A_236, %dma_wait3A_237] : memref<10240x128xf32, #tpu.memory_space<vmem_shared>> -> memref<32x128xf32, #tpu.memory_space<vmem_shared>>
    %dma_wait3A_239 = arith.constant 0 : i32
    %dma_wait3A_240 = tpu.memref_slice %arg18[%multiple_of3A_236, %dma_wait3A_239] : memref<10240x128xf32, #tpu.memory_space<vmem_shared>> -> memref<32x128xf32, #tpu.memory_space<vmem_shared>>
    tpu.wait_dma2 semaphore(%arg19 : memref<!tpu.dma_semaphore, #tpu.memory_space<semaphore_mem>>) src(%arg17 : memref<32x128xf32, #tpu.memory_space<vmem>>) dst(%dma_wait3A_240 : memref<32x128xf32, #tpu.memory_space<vmem_shared>>)
    %add3A_241 = arith.constant 448 : i32
    %add3A_242 = arith.addi %mul3A_4, %add3A_241 : i32
    %multiple_of3A_243 = tpu.assume_multiple %add3A_242, 8 : i32
    %dma_wait3A_244 = arith.constant 0 : i32
    %dma_wait3A_245 = tpu.memref_slice %arg18[%multiple_of3A_243, %dma_wait3A_244] : memref<10240x128xf32, #tpu.memory_space<vmem_shared>> -> memref<32x128xf32, #tpu.memory_space<vmem_shared>>
    %dma_wait3A_246 = arith.constant 0 : i32
    %dma_wait3A_247 = tpu.memref_slice %arg18[%multiple_of3A_243, %dma_wait3A_246] : memref<10240x128xf32, #tpu.memory_space<vmem_shared>> -> memref<32x128xf32, #tpu.memory_space<vmem_shared>>
    tpu.wait_dma2 semaphore(%arg19 : memref<!tpu.dma_semaphore, #tpu.memory_space<semaphore_mem>>) src(%arg17 : memref<32x128xf32, #tpu.memory_space<vmem>>) dst(%dma_wait3A_247 : memref<32x128xf32, #tpu.memory_space<vmem_shared>>)
    %add3A_248 = arith.constant 480 : i32
    %add3A_249 = arith.addi %mul3A_4, %add3A_248 : i32
    %multiple_of3A_250 = tpu.assume_multiple %add3A_249, 8 : i32
    %dma_wait3A_251 = arith.constant 0 : i32
    %dma_wait3A_252 = tpu.memref_slice %arg18[%multiple_of3A_250, %dma_wait3A_251] : memref<10240x128xf32, #tpu.memory_space<vmem_shared>> -> memref<32x128xf32, #tpu.memory_space<vmem_shared>>
    %dma_wait3A_253 = arith.constant 0 : i32
    %dma_wait3A_254 = tpu.memref_slice %arg18[%multiple_of3A_250, %dma_wait3A_253] : memref<10240x128xf32, #tpu.memory_space<vmem_shared>> -> memref<32x128xf32, #tpu.memory_space<vmem_shared>>
    tpu.wait_dma2 semaphore(%arg19 : memref<!tpu.dma_semaphore, #tpu.memory_space<semaphore_mem>>) src(%arg17 : memref<32x128xf32, #tpu.memory_space<vmem>>) dst(%dma_wait3A_254 : memref<32x128xf32, #tpu.memory_space<vmem_shared>>)
    %add3A_255 = arith.constant 512 : i32
    %add3A_256 = arith.addi %mul3A_4, %add3A_255 : i32
    %multiple_of3A_257 = tpu.assume_multiple %add3A_256, 8 : i32
    %dma_wait3A_258 = arith.constant 0 : i32
    %dma_wait3A_259 = tpu.memref_slice %arg18[%multiple_of3A_257, %dma_wait3A_258] : memref<10240x128xf32, #tpu.memory_space<vmem_shared>> -> memref<32x128xf32, #tpu.memory_space<vmem_shared>>
    %dma_wait3A_260 = arith.constant 0 : i32
    %dma_wait3A_261 = tpu.memref_slice %arg18[%multiple_of3A_257, %dma_wait3A_260] : memref<10240x128xf32, #tpu.memory_space<vmem_shared>> -> memref<32x128xf32, #tpu.memory_space<vmem_shared>>
    tpu.wait_dma2 semaphore(%arg19 : memref<!tpu.dma_semaphore, #tpu.memory_space<semaphore_mem>>) src(%arg17 : memref<32x128xf32, #tpu.memory_space<vmem>>) dst(%dma_wait3A_261 : memref<32x128xf32, #tpu.memory_space<vmem_shared>>)
    %add3A_262 = arith.constant 544 : i32
    %add3A_263 = arith.addi %mul3A_4, %add3A_262 : i32
    %multiple_of3A_264 = tpu.assume_multiple %add3A_263, 8 : i32
    %dma_wait3A_265 = arith.constant 0 : i32
    %dma_wait3A_266 = tpu.memref_slice %arg18[%multiple_of3A_264, %dma_wait3A_265] : memref<10240x128xf32, #tpu.memory_space<vmem_shared>> -> memref<32x128xf32, #tpu.memory_space<vmem_shared>>
    %dma_wait3A_267 = arith.constant 0 : i32
    %dma_wait3A_268 = tpu.memref_slice %arg18[%multiple_of3A_264, %dma_wait3A_267] : memref<10240x128xf32, #tpu.memory_space<vmem_shared>> -> memref<32x128xf32, #tpu.memory_space<vmem_shared>>
    tpu.wait_dma2 semaphore(%arg19 : memref<!tpu.dma_semaphore, #tpu.memory_space<semaphore_mem>>) src(%arg17 : memref<32x128xf32, #tpu.memory_space<vmem>>) dst(%dma_wait3A_268 : memref<32x128xf32, #tpu.memory_space<vmem_shared>>)
    %add3A_269 = arith.constant 576 : i32
    %add3A_270 = arith.addi %mul3A_4, %add3A_269 : i32
    %multiple_of3A_271 = tpu.assume_multiple %add3A_270, 8 : i32
    %dma_wait3A_272 = arith.constant 0 : i32
    %dma_wait3A_273 = tpu.memref_slice %arg18[%multiple_of3A_271, %dma_wait3A_272] : memref<10240x128xf32, #tpu.memory_space<vmem_shared>> -> memref<32x128xf32, #tpu.memory_space<vmem_shared>>
    %dma_wait3A_274 = arith.constant 0 : i32
    %dma_wait3A_275 = tpu.memref_slice %arg18[%multiple_of3A_271, %dma_wait3A_274] : memref<10240x128xf32, #tpu.memory_space<vmem_shared>> -> memref<32x128xf32, #tpu.memory_space<vmem_shared>>
    tpu.wait_dma2 semaphore(%arg19 : memref<!tpu.dma_semaphore, #tpu.memory_space<semaphore_mem>>) src(%arg17 : memref<32x128xf32, #tpu.memory_space<vmem>>) dst(%dma_wait3A_275 : memref<32x128xf32, #tpu.memory_space<vmem_shared>>)
    %add3A_276 = arith.constant 608 : i32
    %add3A_277 = arith.addi %mul3A_4, %add3A_276 : i32
    %multiple_of3A_278 = tpu.assume_multiple %add3A_277, 8 : i32
    %dma_wait3A_279 = arith.constant 0 : i32
    %dma_wait3A_280 = tpu.memref_slice %arg18[%multiple_of3A_278, %dma_wait3A_279] : memref<10240x128xf32, #tpu.memory_space<vmem_shared>> -> memref<32x128xf32, #tpu.memory_space<vmem_shared>>
    %dma_wait3A_281 = arith.constant 0 : i32
    %dma_wait3A_282 = tpu.memref_slice %arg18[%multiple_of3A_278, %dma_wait3A_281] : memref<10240x128xf32, #tpu.memory_space<vmem_shared>> -> memref<32x128xf32, #tpu.memory_space<vmem_shared>>
    tpu.wait_dma2 semaphore(%arg19 : memref<!tpu.dma_semaphore, #tpu.memory_space<semaphore_mem>>) src(%arg17 : memref<32x128xf32, #tpu.memory_space<vmem>>) dst(%dma_wait3A_282 : memref<32x128xf32, #tpu.memory_space<vmem_shared>>)
    %barrier3A = arith.constant 0 : index
    tpu.barrier barrier_id(%barrier3A)
    %add3A_283 = arith.constant 0 : i32
    %add3A_284 = arith.addi %multiple_of3A, %add3A_283 : i32
    %multiple_of3A_285 = tpu.assume_multiple %add3A_284, 8 : i32
    %dma_start3A_286 = tpu.memref_slice %arg4[%multiple_of3A_285] : memref<320000xi32, #tpu.memory_space<hbm>> -> memref<64xi32, #tpu.memory_space<hbm>>
    %dma_start3A_287 = tpu.memref_slice %arg4[%multiple_of3A_285] : memref<320000xi32, #tpu.memory_space<hbm>> -> memref<64xi32, #tpu.memory_space<hbm>>
    tpu.enqueue_dma source(%dma_start3A_287 : memref<64xi32, #tpu.memory_space<hbm>>) target(%arg8 : memref<64xi32, #tpu.memory_space<vmem>>) target_semaphore(%arg27 : memref<!tpu.dma_semaphore, #tpu.memory_space<semaphore_mem>>)
    %multiple_of3A_288 = arith.constant 0 : i32
    %multiple_of3A_289 = tpu.assume_multiple %multiple_of3A_288, 8 : i32
    %dma_start3A_290 = tpu.memref_slice %arg7[%multiple_of3A_289] : memref<10000xi32, #tpu.memory_space<vmem>> -> memref<64xi32, #tpu.memory_space<vmem>>
    %dma_start3A_291 = arith.constant 0 : i32
    %dma_start3A_292 = arith.constant 0 : i32
    %dma_start3A_293 = tpu.memref_slice %arg2[%dma_start3A_291, %dma_start3A_292] : memref<270000x128xf32, #tpu.memory_space<hbm>> -> memref<270000x128xf32, #tpu.memory_space<hbm>>
    tpu.enqueue_indirect_dma source(%dma_start3A_293 : memref<270000x128xf32, #tpu.memory_space<hbm>>) target(%arg13 : memref<64x128xf32, #tpu.memory_space<vmem>>) offsets(%dma_start3A_290 : memref<64xi32, #tpu.memory_space<vmem>>) semaphore(%arg19 : memref<!tpu.dma_semaphore, #tpu.memory_space<semaphore_mem>>)
    %add3A_294 = arith.constant 64 : i32
    %add3A_295 = arith.addi %multiple_of3A, %add3A_294 : i32
    %multiple_of3A_296 = tpu.assume_multiple %add3A_295, 8 : i32
    %dma_start3A_297 = tpu.memref_slice %arg4[%multiple_of3A_296] : memref<320000xi32, #tpu.memory_space<hbm>> -> memref<64xi32, #tpu.memory_space<hbm>>
    %dma_start3A_298 = tpu.memref_slice %arg4[%multiple_of3A_296] : memref<320000xi32, #tpu.memory_space<hbm>> -> memref<64xi32, #tpu.memory_space<hbm>>
    tpu.enqueue_dma source(%dma_start3A_298 : memref<64xi32, #tpu.memory_space<hbm>>) target(%arg9 : memref<64xi32, #tpu.memory_space<vmem>>) target_semaphore(%arg28 : memref<!tpu.dma_semaphore, #tpu.memory_space<semaphore_mem>>)
    %multiple_of3A_299 = arith.constant 64 : i32
    %multiple_of3A_300 = tpu.assume_multiple %multiple_of3A_299, 8 : i32
    %dma_start3A_301 = tpu.memref_slice %arg7[%multiple_of3A_300] : memref<10000xi32, #tpu.memory_space<vmem>> -> memref<64xi32, #tpu.memory_space<vmem>>
    %dma_start3A_302 = arith.constant 0 : i32
    %dma_start3A_303 = arith.constant 0 : i32
    %dma_start3A_304 = tpu.memref_slice %arg2[%dma_start3A_302, %dma_start3A_303] : memref<270000x128xf32, #tpu.memory_space<hbm>> -> memref<270000x128xf32, #tpu.memory_space<hbm>>
    tpu.enqueue_indirect_dma source(%dma_start3A_304 : memref<270000x128xf32, #tpu.memory_space<hbm>>) target(%arg14 : memref<64x128xf32, #tpu.memory_space<vmem>>) offsets(%dma_start3A_301 : memref<64xi32, #tpu.memory_space<vmem>>) semaphore(%arg20 : memref<!tpu.dma_semaphore, #tpu.memory_space<semaphore_mem>>)
    %add3A_305 = arith.constant 128 : i32
    %add3A_306 = arith.addi %multiple_of3A, %add3A_305 : i32
    %multiple_of3A_307 = tpu.assume_multiple %add3A_306, 8 : i32
    %dma_start3A_308 = tpu.memref_slice %arg4[%multiple_of3A_307] : memref<320000xi32, #tpu.memory_space<hbm>> -> memref<64xi32, #tpu.memory_space<hbm>>
    %dma_start3A_309 = tpu.memref_slice %arg4[%multiple_of3A_307] : memref<320000xi32, #tpu.memory_space<hbm>> -> memref<64xi32, #tpu.memory_space<hbm>>
    tpu.enqueue_dma source(%dma_start3A_309 : memref<64xi32, #tpu.memory_space<hbm>>) target(%arg10 : memref<64xi32, #tpu.memory_space<vmem>>) target_semaphore(%arg29 : memref<!tpu.dma_semaphore, #tpu.memory_space<semaphore_mem>>)
    %multiple_of3A_310 = arith.constant 128 : i32
    %multiple_of3A_311 = tpu.assume_multiple %multiple_of3A_310, 8 : i32
    %dma_start3A_312 = tpu.memref_slice %arg7[%multiple_of3A_311] : memref<10000xi32, #tpu.memory_space<vmem>> -> memref<64xi32, #tpu.memory_space<vmem>>
    %dma_start3A_313 = arith.constant 0 : i32
    %dma_start3A_314 = arith.constant 0 : i32
    %dma_start3A_315 = tpu.memref_slice %arg2[%dma_start3A_313, %dma_start3A_314] : memref<270000x128xf32, #tpu.memory_space<hbm>> -> memref<270000x128xf32, #tpu.memory_space<hbm>>
    tpu.enqueue_indirect_dma source(%dma_start3A_315 : memref<270000x128xf32, #tpu.memory_space<hbm>>) target(%arg15 : memref<64x128xf32, #tpu.memory_space<vmem>>) offsets(%dma_start3A_312 : memref<64xi32, #tpu.memory_space<vmem>>) semaphore(%arg21 : memref<!tpu.dma_semaphore, #tpu.memory_space<semaphore_mem>>)
    %add3A_316 = arith.constant 192 : i32
    %add3A_317 = arith.addi %multiple_of3A, %add3A_316 : i32
    %multiple_of3A_318 = tpu.assume_multiple %add3A_317, 8 : i32
    %dma_start3A_319 = tpu.memref_slice %arg4[%multiple_of3A_318] : memref<320000xi32, #tpu.memory_space<hbm>> -> memref<64xi32, #tpu.memory_space<hbm>>
    %dma_start3A_320 = tpu.memref_slice %arg4[%multiple_of3A_318] : memref<320000xi32, #tpu.memory_space<hbm>> -> memref<64xi32, #tpu.memory_space<hbm>>
    tpu.enqueue_dma source(%dma_start3A_320 : memref<64xi32, #tpu.memory_space<hbm>>) target(%arg11 : memref<64xi32, #tpu.memory_space<vmem>>) target_semaphore(%arg30 : memref<!tpu.dma_semaphore, #tpu.memory_space<semaphore_mem>>)
    %multiple_of3A_321 = arith.constant 192 : i32
    %multiple_of3A_322 = tpu.assume_multiple %multiple_of3A_321, 8 : i32
    %dma_start3A_323 = tpu.memref_slice %arg7[%multiple_of3A_322] : memref<10000xi32, #tpu.memory_space<vmem>> -> memref<64xi32, #tpu.memory_space<vmem>>
    %dma_start3A_324 = arith.constant 0 : i32
    %dma_start3A_325 = arith.constant 0 : i32
    %dma_start3A_326 = tpu.memref_slice %arg2[%dma_start3A_324, %dma_start3A_325] : memref<270000x128xf32, #tpu.memory_space<hbm>> -> memref<270000x128xf32, #tpu.memory_space<hbm>>
    tpu.enqueue_indirect_dma source(%dma_start3A_326 : memref<270000x128xf32, #tpu.memory_space<hbm>>) target(%arg16 : memref<64x128xf32, #tpu.memory_space<vmem>>) offsets(%dma_start3A_323 : memref<64xi32, #tpu.memory_space<vmem>>) semaphore(%arg22 : memref<!tpu.dma_semaphore, #tpu.memory_space<semaphore_mem>>)
    %scan3A = arith.constant 0 : i32
    %scan3A_327 = arith.constant 0 : i32
    %scan3A_328 = arith.constant 38 : i32
    %scan3A_329 = arith.addi %scan3A_327, %scan3A_328 : i32
    %scan3A_330 = arith.constant 1 : i32
    scf.for %scan3A_671 = %scan3A_327 to %scan3A_329 step %scan3A_330  : i32 {
      %mul3A_672 = arith.constant 4 : i32
      %mul3A_673 = arith.muli %mul3A_672, %scan3A_671 : i32
      %add3A_674 = arith.constant 0 : i32
      %add3A_675 = arith.addi %mul3A_673, %add3A_674 : i32
      %mul3A_676 = arith.constant 64 : i32
      %mul3A_677 = arith.muli %add3A_675, %mul3A_676 : i32
      %multiple_of3A_678 = tpu.assume_multiple %mul3A_677, 8 : i32
      %dma_wait3A_679 = tpu.memref_slice %arg7[%multiple_of3A_678] : memref<10000xi32, #tpu.memory_space<vmem>> -> memref<64xi32, #tpu.memory_space<vmem>>
      %dma_wait3A_680 = arith.constant 0 : i32
      %dma_wait3A_681 = arith.constant 0 : i32
      %dma_wait3A_682 = tpu.memref_slice %arg2[%dma_wait3A_680, %dma_wait3A_681] : memref<270000x128xf32, #tpu.memory_space<hbm>> -> memref<270000x128xf32, #tpu.memory_space<hbm>>
      tpu.wait_indirect_dma semaphore(%arg19 : memref<!tpu.dma_semaphore, #tpu.memory_space<semaphore_mem>>) src(%dma_wait3A_682 : memref<270000x128xf32, #tpu.memory_space<hbm>>) dst(%arg13 : memref<64x128xf32, #tpu.memory_space<vmem>>)
      %add3A_683 = arith.constant 0 : i32
      %add3A_684 = arith.addi %mul3A_673, %add3A_683 : i32
      %mul3A_685 = arith.constant 64 : i32
      %mul3A_686 = arith.muli %add3A_684, %mul3A_685 : i32
      %add3A_687 = arith.addi %multiple_of3A, %mul3A_686 : i32
      %multiple_of3A_688 = tpu.assume_multiple %add3A_687, 8 : i32
      %dma_wait3A_689 = tpu.memref_slice %arg4[%multiple_of3A_688] : memref<320000xi32, #tpu.memory_space<hbm>> -> memref<64xi32, #tpu.memory_space<hbm>>
      %dma_wait3A_690 = tpu.memref_slice %arg4[%multiple_of3A_688] : memref<320000xi32, #tpu.memory_space<hbm>> -> memref<64xi32, #tpu.memory_space<hbm>>
      tpu.wait_dma2 semaphore(%arg27 : memref<!tpu.dma_semaphore, #tpu.memory_space<semaphore_mem>>) src(%dma_wait3A_690 : memref<64xi32, #tpu.memory_space<hbm>>) dst(%arg8 : memref<64xi32, #tpu.memory_space<vmem>>)
      %dma_start3A_691 = arith.constant 0 : i32
      %dma_start3A_692 = arith.constant 0 : i32
      %dma_start3A_693 = tpu.memref_slice %arg18[%dma_start3A_691, %dma_start3A_692] : memref<10240x128xf32, #tpu.memory_space<vmem_shared>> -> memref<10240x128xf32, #tpu.memory_space<vmem_shared>>
      tpu.enqueue_indirect_dma source(%arg13 : memref<64x128xf32, #tpu.memory_space<vmem>>) target(%dma_start3A_693 : memref<10240x128xf32, #tpu.memory_space<vmem_shared>>) offsets(%arg8 : memref<64xi32, #tpu.memory_space<vmem>>) semaphore(%arg23 : memref<!tpu.dma_semaphore, #tpu.memory_space<semaphore_mem>>) {add = true}
      %add3A_694 = arith.constant 1 : i32
      %add3A_695 = arith.addi %mul3A_673, %add3A_694 : i32
      %mul3A_696 = arith.constant 64 : i32
      %mul3A_697 = arith.muli %add3A_695, %mul3A_696 : i32
      %multiple_of3A_698 = tpu.assume_multiple %mul3A_697, 8 : i32
      %dma_wait3A_699 = tpu.memref_slice %arg7[%multiple_of3A_698] : memref<10000xi32, #tpu.memory_space<vmem>> -> memref<64xi32, #tpu.memory_space<vmem>>
      %dma_wait3A_700 = arith.constant 0 : i32
      %dma_wait3A_701 = arith.constant 0 : i32
      %dma_wait3A_702 = tpu.memref_slice %arg2[%dma_wait3A_700, %dma_wait3A_701] : memref<270000x128xf32, #tpu.memory_space<hbm>> -> memref<270000x128xf32, #tpu.memory_space<hbm>>
      tpu.wait_indirect_dma semaphore(%arg20 : memref<!tpu.dma_semaphore, #tpu.memory_space<semaphore_mem>>) src(%dma_wait3A_702 : memref<270000x128xf32, #tpu.memory_space<hbm>>) dst(%arg14 : memref<64x128xf32, #tpu.memory_space<vmem>>)
      %add3A_703 = arith.constant 1 : i32
      %add3A_704 = arith.addi %mul3A_673, %add3A_703 : i32
      %mul3A_705 = arith.constant 64 : i32
      %mul3A_706 = arith.muli %add3A_704, %mul3A_705 : i32
      %add3A_707 = arith.addi %multiple_of3A, %mul3A_706 : i32
      %multiple_of3A_708 = tpu.assume_multiple %add3A_707, 8 : i32
      %dma_wait3A_709 = tpu.memref_slice %arg4[%multiple_of3A_708] : memref<320000xi32, #tpu.memory_space<hbm>> -> memref<64xi32, #tpu.memory_space<hbm>>
      %dma_wait3A_710 = tpu.memref_slice %arg4[%multiple_of3A_708] : memref<320000xi32, #tpu.memory_space<hbm>> -> memref<64xi32, #tpu.memory_space<hbm>>
      tpu.wait_dma2 semaphore(%arg28 : memref<!tpu.dma_semaphore, #tpu.memory_space<semaphore_mem>>) src(%dma_wait3A_710 : memref<64xi32, #tpu.memory_space<hbm>>) dst(%arg9 : memref<64xi32, #tpu.memory_space<vmem>>)
      %dma_start3A_711 = arith.constant 0 : i32
      %dma_start3A_712 = arith.constant 0 : i32
      %dma_start3A_713 = tpu.memref_slice %arg18[%dma_start3A_711, %dma_start3A_712] : memref<10240x128xf32, #tpu.memory_space<vmem_shared>> -> memref<10240x128xf32, #tpu.memory_space<vmem_shared>>
      tpu.enqueue_indirect_dma source(%arg14 : memref<64x128xf32, #tpu.memory_space<vmem>>) target(%dma_start3A_713 : memref<10240x128xf32, #tpu.memory_space<vmem_shared>>) offsets(%arg9 : memref<64xi32, #tpu.memory_space<vmem>>) semaphore(%arg24 : memref<!tpu.dma_semaphore, #tpu.memory_space<semaphore_mem>>) {add = true}
      %add3A_714 = arith.constant 2 : i32
      %add3A_715 = arith.addi %mul3A_673, %add3A_714 : i32
      %mul3A_716 = arith.constant 64 : i32
      %mul3A_717 = arith.muli %add3A_715, %mul3A_716 : i32
      %multiple_of3A_718 = tpu.assume_multiple %mul3A_717, 8 : i32
      %dma_wait3A_719 = tpu.memref_slice %arg7[%multiple_of3A_718] : memref<10000xi32, #tpu.memory_space<vmem>> -> memref<64xi32, #tpu.memory_space<vmem>>
      %dma_wait3A_720 = arith.constant 0 : i32
      %dma_wait3A_721 = arith.constant 0 : i32
      %dma_wait3A_722 = tpu.memref_slice %arg2[%dma_wait3A_720, %dma_wait3A_721] : memref<270000x128xf32, #tpu.memory_space<hbm>> -> memref<270000x128xf32, #tpu.memory_space<hbm>>
      tpu.wait_indirect_dma semaphore(%arg21 : memref<!tpu.dma_semaphore, #tpu.memory_space<semaphore_mem>>) src(%dma_wait3A_722 : memref<270000x128xf32, #tpu.memory_space<hbm>>) dst(%arg15 : memref<64x128xf32, #tpu.memory_space<vmem>>)
      %add3A_723 = arith.constant 2 : i32
      %add3A_724 = arith.addi %mul3A_673, %add3A_723 : i32
      %mul3A_725 = arith.constant 64 : i32
      %mul3A_726 = arith.muli %add3A_724, %mul3A_725 : i32
      %add3A_727 = arith.addi %multiple_of3A, %mul3A_726 : i32
      %multiple_of3A_728 = tpu.assume_multiple %add3A_727, 8 : i32
      %dma_wait3A_729 = tpu.memref_slice %arg4[%multiple_of3A_728] : memref<320000xi32, #tpu.memory_space<hbm>> -> memref<64xi32, #tpu.memory_space<hbm>>
      %dma_wait3A_730 = tpu.memref_slice %arg4[%multiple_of3A_728] : memref<320000xi32, #tpu.memory_space<hbm>> -> memref<64xi32, #tpu.memory_space<hbm>>
      tpu.wait_dma2 semaphore(%arg29 : memref<!tpu.dma_semaphore, #tpu.memory_space<semaphore_mem>>) src(%dma_wait3A_730 : memref<64xi32, #tpu.memory_space<hbm>>) dst(%arg10 : memref<64xi32, #tpu.memory_space<vmem>>)
      %dma_start3A_731 = arith.constant 0 : i32
      %dma_start3A_732 = arith.constant 0 : i32
      %dma_start3A_733 = tpu.memref_slice %arg18[%dma_start3A_731, %dma_start3A_732] : memref<10240x128xf32, #tpu.memory_space<vmem_shared>> -> memref<10240x128xf32, #tpu.memory_space<vmem_shared>>
      tpu.enqueue_indirect_dma source(%arg15 : memref<64x128xf32, #tpu.memory_space<vmem>>) target(%dma_start3A_733 : memref<10240x128xf32, #tpu.memory_space<vmem_shared>>) offsets(%arg10 : memref<64xi32, #tpu.memory_space<vmem>>) semaphore(%arg25 : memref<!tpu.dma_semaphore, #tpu.memory_space<semaphore_mem>>) {add = true}
      %add3A_734 = arith.constant 3 : i32
      %add3A_735 = arith.addi %mul3A_673, %add3A_734 : i32
      %mul3A_736 = arith.constant 64 : i32
      %mul3A_737 = arith.muli %add3A_735, %mul3A_736 : i32
      %multiple_of3A_738 = tpu.assume_multiple %mul3A_737, 8 : i32
      %dma_wait3A_739 = tpu.memref_slice %arg7[%multiple_of3A_738] : memref<10000xi32, #tpu.memory_space<vmem>> -> memref<64xi32, #tpu.memory_space<vmem>>
      %dma_wait3A_740 = arith.constant 0 : i32
      %dma_wait3A_741 = arith.constant 0 : i32
      %dma_wait3A_742 = tpu.memref_slice %arg2[%dma_wait3A_740, %dma_wait3A_741] : memref<270000x128xf32, #tpu.memory_space<hbm>> -> memref<270000x128xf32, #tpu.memory_space<hbm>>
      tpu.wait_indirect_dma semaphore(%arg22 : memref<!tpu.dma_semaphore, #tpu.memory_space<semaphore_mem>>) src(%dma_wait3A_742 : memref<270000x128xf32, #tpu.memory_space<hbm>>) dst(%arg16 : memref<64x128xf32, #tpu.memory_space<vmem>>)
      %add3A_743 = arith.constant 3 : i32
      %add3A_744 = arith.addi %mul3A_673, %add3A_743 : i32
      %mul3A_745 = arith.constant 64 : i32
      %mul3A_746 = arith.muli %add3A_744, %mul3A_745 : i32
      %add3A_747 = arith.addi %multiple_of3A, %mul3A_746 : i32
      %multiple_of3A_748 = tpu.assume_multiple %add3A_747, 8 : i32
      %dma_wait3A_749 = tpu.memref_slice %arg4[%multiple_of3A_748] : memref<320000xi32, #tpu.memory_space<hbm>> -> memref<64xi32, #tpu.memory_space<hbm>>
      %dma_wait3A_750 = tpu.memref_slice %arg4[%multiple_of3A_748] : memref<320000xi32, #tpu.memory_space<hbm>> -> memref<64xi32, #tpu.memory_space<hbm>>
      tpu.wait_dma2 semaphore(%arg30 : memref<!tpu.dma_semaphore, #tpu.memory_space<semaphore_mem>>) src(%dma_wait3A_750 : memref<64xi32, #tpu.memory_space<hbm>>) dst(%arg11 : memref<64xi32, #tpu.memory_space<vmem>>)
      %dma_start3A_751 = arith.constant 0 : i32
      %dma_start3A_752 = arith.constant 0 : i32
      %dma_start3A_753 = tpu.memref_slice %arg18[%dma_start3A_751, %dma_start3A_752] : memref<10240x128xf32, #tpu.memory_space<vmem_shared>> -> memref<10240x128xf32, #tpu.memory_space<vmem_shared>>
      tpu.enqueue_indirect_dma source(%arg16 : memref<64x128xf32, #tpu.memory_space<vmem>>) target(%dma_start3A_753 : memref<10240x128xf32, #tpu.memory_space<vmem_shared>>) offsets(%arg11 : memref<64xi32, #tpu.memory_space<vmem>>) semaphore(%arg26 : memref<!tpu.dma_semaphore, #tpu.memory_space<semaphore_mem>>) {add = true}
      %dma_wait3A_754 = arith.constant 0 : i32
      %dma_wait3A_755 = arith.constant 0 : i32
      %dma_wait3A_756 = tpu.memref_slice %arg18[%dma_wait3A_754, %dma_wait3A_755] : memref<10240x128xf32, #tpu.memory_space<vmem_shared>> -> memref<10240x128xf32, #tpu.memory_space<vmem_shared>>
      tpu.wait_indirect_dma semaphore(%arg23 : memref<!tpu.dma_semaphore, #tpu.memory_space<semaphore_mem>>) src(%arg13 : memref<64x128xf32, #tpu.memory_space<vmem>>) dst(%dma_wait3A_756 : memref<10240x128xf32, #tpu.memory_space<vmem_shared>>)
      %add3A_757 = arith.constant 4 : i32
      %add3A_758 = arith.addi %mul3A_673, %add3A_757 : i32
      %add3A_759 = arith.constant 0 : i32
      %add3A_760 = arith.addi %add3A_758, %add3A_759 : i32
      %mul3A_761 = arith.constant 64 : i32
      %mul3A_762 = arith.muli %add3A_760, %mul3A_761 : i32
      %add3A_763 = arith.addi %multiple_of3A, %mul3A_762 : i32
      %multiple_of3A_764 = tpu.assume_multiple %add3A_763, 8 : i32
      %dma_start3A_765 = tpu.memref_slice %arg4[%multiple_of3A_764] : memref<320000xi32, #tpu.memory_space<hbm>> -> memref<64xi32, #tpu.memory_space<hbm>>
      %dma_start3A_766 = tpu.memref_slice %arg4[%multiple_of3A_764] : memref<320000xi32, #tpu.memory_space<hbm>> -> memref<64xi32, #tpu.memory_space<hbm>>
      tpu.enqueue_dma source(%dma_start3A_766 : memref<64xi32, #tpu.memory_space<hbm>>) target(%arg8 : memref<64xi32, #tpu.memory_space<vmem>>) target_semaphore(%arg27 : memref<!tpu.dma_semaphore, #tpu.memory_space<semaphore_mem>>)
      %add3A_767 = arith.constant 4 : i32
      %add3A_768 = arith.addi %mul3A_673, %add3A_767 : i32
      %add3A_769 = arith.constant 0 : i32
      %add3A_770 = arith.addi %add3A_768, %add3A_769 : i32
      %mul3A_771 = arith.constant 64 : i32
      %mul3A_772 = arith.muli %add3A_770, %mul3A_771 : i32
      %multiple_of3A_773 = tpu.assume_multiple %mul3A_772, 8 : i32
      %dma_start3A_774 = tpu.memref_slice %arg7[%multiple_of3A_773] : memref<10000xi32, #tpu.memory_space<vmem>> -> memref<64xi32, #tpu.memory_space<vmem>>
      %dma_start3A_775 = arith.constant 0 : i32
      %dma_start3A_776 = arith.constant 0 : i32
      %dma_start3A_777 = tpu.memref_slice %arg2[%dma_start3A_775, %dma_start3A_776] : memref<270000x128xf32, #tpu.memory_space<hbm>> -> memref<270000x128xf32, #tpu.memory_space<hbm>>
      tpu.enqueue_indirect_dma source(%dma_start3A_777 : memref<270000x128xf32, #tpu.memory_space<hbm>>) target(%arg13 : memref<64x128xf32, #tpu.memory_space<vmem>>) offsets(%dma_start3A_774 : memref<64xi32, #tpu.memory_space<vmem>>) semaphore(%arg19 : memref<!tpu.dma_semaphore, #tpu.memory_space<semaphore_mem>>)
      %dma_wait3A_778 = arith.constant 0 : i32
      %dma_wait3A_779 = arith.constant 0 : i32
      %dma_wait3A_780 = tpu.memref_slice %arg18[%dma_wait3A_778, %dma_wait3A_779] : memref<10240x128xf32, #tpu.memory_space<vmem_shared>> -> memref<10240x128xf32, #tpu.memory_space<vmem_shared>>
      tpu.wait_indirect_dma semaphore(%arg24 : memref<!tpu.dma_semaphore, #tpu.memory_space<semaphore_mem>>) src(%arg14 : memref<64x128xf32, #tpu.memory_space<vmem>>) dst(%dma_wait3A_780 : memref<10240x128xf32, #tpu.memory_space<vmem_shared>>)
      %add3A_781 = arith.constant 4 : i32
      %add3A_782 = arith.addi %mul3A_673, %add3A_781 : i32
      %add3A_783 = arith.constant 1 : i32
      %add3A_784 = arith.addi %add3A_782, %add3A_783 : i32
      %mul3A_785 = arith.constant 64 : i32
      %mul3A_786 = arith.muli %add3A_784, %mul3A_785 : i32
      %add3A_787 = arith.addi %multiple_of3A, %mul3A_786 : i32
      %multiple_of3A_788 = tpu.assume_multiple %add3A_787, 8 : i32
      %dma_start3A_789 = tpu.memref_slice %arg4[%multiple_of3A_788] : memref<320000xi32, #tpu.memory_space<hbm>> -> memref<64xi32, #tpu.memory_space<hbm>>
      %dma_start3A_790 = tpu.memref_slice %arg4[%multiple_of3A_788] : memref<320000xi32, #tpu.memory_space<hbm>> -> memref<64xi32, #tpu.memory_space<hbm>>
      tpu.enqueue_dma source(%dma_start3A_790 : memref<64xi32, #tpu.memory_space<hbm>>) target(%arg9 : memref<64xi32, #tpu.memory_space<vmem>>) target_semaphore(%arg28 : memref<!tpu.dma_semaphore, #tpu.memory_space<semaphore_mem>>)
      %add3A_791 = arith.constant 4 : i32
      %add3A_792 = arith.addi %mul3A_673, %add3A_791 : i32
      %add3A_793 = arith.constant 1 : i32
      %add3A_794 = arith.addi %add3A_792, %add3A_793 : i32
      %mul3A_795 = arith.constant 64 : i32
      %mul3A_796 = arith.muli %add3A_794, %mul3A_795 : i32
      %multiple_of3A_797 = tpu.assume_multiple %mul3A_796, 8 : i32
      %dma_start3A_798 = tpu.memref_slice %arg7[%multiple_of3A_797] : memref<10000xi32, #tpu.memory_space<vmem>> -> memref<64xi32, #tpu.memory_space<vmem>>
      %dma_start3A_799 = arith.constant 0 : i32
      %dma_start3A_800 = arith.constant 0 : i32
      %dma_start3A_801 = tpu.memref_slice %arg2[%dma_start3A_799, %dma_start3A_800] : memref<270000x128xf32, #tpu.memory_space<hbm>> -> memref<270000x128xf32, #tpu.memory_space<hbm>>
      tpu.enqueue_indirect_dma source(%dma_start3A_801 : memref<270000x128xf32, #tpu.memory_space<hbm>>) target(%arg14 : memref<64x128xf32, #tpu.memory_space<vmem>>) offsets(%dma_start3A_798 : memref<64xi32, #tpu.memory_space<vmem>>) semaphore(%arg20 : memref<!tpu.dma_semaphore, #tpu.memory_space<semaphore_mem>>)
      %dma_wait3A_802 = arith.constant 0 : i32
      %dma_wait3A_803 = arith.constant 0 : i32
      %dma_wait3A_804 = tpu.memref_slice %arg18[%dma_wait3A_802, %dma_wait3A_803] : memref<10240x128xf32, #tpu.memory_space<vmem_shared>> -> memref<10240x128xf32, #tpu.memory_space<vmem_shared>>
      tpu.wait_indirect_dma semaphore(%arg25 : memref<!tpu.dma_semaphore, #tpu.memory_space<semaphore_mem>>) src(%arg15 : memref<64x128xf32, #tpu.memory_space<vmem>>) dst(%dma_wait3A_804 : memref<10240x128xf32, #tpu.memory_space<vmem_shared>>)
      %add3A_805 = arith.constant 4 : i32
      %add3A_806 = arith.addi %mul3A_673, %add3A_805 : i32
      %add3A_807 = arith.constant 2 : i32
      %add3A_808 = arith.addi %add3A_806, %add3A_807 : i32
      %mul3A_809 = arith.constant 64 : i32
      %mul3A_810 = arith.muli %add3A_808, %mul3A_809 : i32
      %add3A_811 = arith.addi %multiple_of3A, %mul3A_810 : i32
      %multiple_of3A_812 = tpu.assume_multiple %add3A_811, 8 : i32
      %dma_start3A_813 = tpu.memref_slice %arg4[%multiple_of3A_812] : memref<320000xi32, #tpu.memory_space<hbm>> -> memref<64xi32, #tpu.memory_space<hbm>>
      %dma_start3A_814 = tpu.memref_slice %arg4[%multiple_of3A_812] : memref<320000xi32, #tpu.memory_space<hbm>> -> memref<64xi32, #tpu.memory_space<hbm>>
      tpu.enqueue_dma source(%dma_start3A_814 : memref<64xi32, #tpu.memory_space<hbm>>) target(%arg10 : memref<64xi32, #tpu.memory_space<vmem>>) target_semaphore(%arg29 : memref<!tpu.dma_semaphore, #tpu.memory_space<semaphore_mem>>)
      %add3A_815 = arith.constant 4 : i32
      %add3A_816 = arith.addi %mul3A_673, %add3A_815 : i32
      %add3A_817 = arith.constant 2 : i32
      %add3A_818 = arith.addi %add3A_816, %add3A_817 : i32
      %mul3A_819 = arith.constant 64 : i32
      %mul3A_820 = arith.muli %add3A_818, %mul3A_819 : i32
      %multiple_of3A_821 = tpu.assume_multiple %mul3A_820, 8 : i32
      %dma_start3A_822 = tpu.memref_slice %arg7[%multiple_of3A_821] : memref<10000xi32, #tpu.memory_space<vmem>> -> memref<64xi32, #tpu.memory_space<vmem>>
      %dma_start3A_823 = arith.constant 0 : i32
      %dma_start3A_824 = arith.constant 0 : i32
      %dma_start3A_825 = tpu.memref_slice %arg2[%dma_start3A_823, %dma_start3A_824] : memref<270000x128xf32, #tpu.memory_space<hbm>> -> memref<270000x128xf32, #tpu.memory_space<hbm>>
      tpu.enqueue_indirect_dma source(%dma_start3A_825 : memref<270000x128xf32, #tpu.memory_space<hbm>>) target(%arg15 : memref<64x128xf32, #tpu.memory_space<vmem>>) offsets(%dma_start3A_822 : memref<64xi32, #tpu.memory_space<vmem>>) semaphore(%arg21 : memref<!tpu.dma_semaphore, #tpu.memory_space<semaphore_mem>>)
      %dma_wait3A_826 = arith.constant 0 : i32
      %dma_wait3A_827 = arith.constant 0 : i32
      %dma_wait3A_828 = tpu.memref_slice %arg18[%dma_wait3A_826, %dma_wait3A_827] : memref<10240x128xf32, #tpu.memory_space<vmem_shared>> -> memref<10240x128xf32, #tpu.memory_space<vmem_shared>>
      tpu.wait_indirect_dma semaphore(%arg26 : memref<!tpu.dma_semaphore, #tpu.memory_space<semaphore_mem>>) src(%arg16 : memref<64x128xf32, #tpu.memory_space<vmem>>) dst(%dma_wait3A_828 : memref<10240x128xf32, #tpu.memory_space<vmem_shared>>)
      %add3A_829 = arith.constant 4 : i32
      %add3A_830 = arith.addi %mul3A_673, %add3A_829 : i32
      %add3A_831 = arith.constant 3 : i32
      %add3A_832 = arith.addi %add3A_830, %add3A_831 : i32
      %mul3A_833 = arith.constant 64 : i32
      %mul3A_834 = arith.muli %add3A_832, %mul3A_833 : i32
      %add3A_835 = arith.addi %multiple_of3A, %mul3A_834 : i32
      %multiple_of3A_836 = tpu.assume_multiple %add3A_835, 8 : i32
      %dma_start3A_837 = tpu.memref_slice %arg4[%multiple_of3A_836] : memref<320000xi32, #tpu.memory_space<hbm>> -> memref<64xi32, #tpu.memory_space<hbm>>
      %dma_start3A_838 = tpu.memref_slice %arg4[%multiple_of3A_836] : memref<320000xi32, #tpu.memory_space<hbm>> -> memref<64xi32, #tpu.memory_space<hbm>>
      tpu.enqueue_dma source(%dma_start3A_838 : memref<64xi32, #tpu.memory_space<hbm>>) target(%arg11 : memref<64xi32, #tpu.memory_space<vmem>>) target_semaphore(%arg30 : memref<!tpu.dma_semaphore, #tpu.memory_space<semaphore_mem>>)
      %add3A_839 = arith.constant 4 : i32
      %add3A_840 = arith.addi %mul3A_673, %add3A_839 : i32
      %add3A_841 = arith.constant 3 : i32
      %add3A_842 = arith.addi %add3A_840, %add3A_841 : i32
      %mul3A_843 = arith.constant 64 : i32
      %mul3A_844 = arith.muli %add3A_842, %mul3A_843 : i32
      %multiple_of3A_845 = tpu.assume_multiple %mul3A_844, 8 : i32
      %dma_start3A_846 = tpu.memref_slice %arg7[%multiple_of3A_845] : memref<10000xi32, #tpu.memory_space<vmem>> -> memref<64xi32, #tpu.memory_space<vmem>>
      %dma_start3A_847 = arith.constant 0 : i32
      %dma_start3A_848 = arith.constant 0 : i32
      %dma_start3A_849 = tpu.memref_slice %arg2[%dma_start3A_847, %dma_start3A_848] : memref<270000x128xf32, #tpu.memory_space<hbm>> -> memref<270000x128xf32, #tpu.memory_space<hbm>>
      tpu.enqueue_indirect_dma source(%dma_start3A_849 : memref<270000x128xf32, #tpu.memory_space<hbm>>) target(%arg16 : memref<64x128xf32, #tpu.memory_space<vmem>>) offsets(%dma_start3A_846 : memref<64xi32, #tpu.memory_space<vmem>>) semaphore(%arg22 : memref<!tpu.dma_semaphore, #tpu.memory_space<semaphore_mem>>)
    }
    %scan3A_331 = arith.constant 38 : i32
    %multiple_of3A_332 = arith.constant 9728 : i32
    %multiple_of3A_333 = tpu.assume_multiple %multiple_of3A_332, 8 : i32
    %dma_wait3A_334 = tpu.memref_slice %arg7[%multiple_of3A_333] : memref<10000xi32, #tpu.memory_space<vmem>> -> memref<64xi32, #tpu.memory_space<vmem>>
    %dma_wait3A_335 = arith.constant 0 : i32
    %dma_wait3A_336 = arith.constant 0 : i32
    %dma_wait3A_337 = tpu.memref_slice %arg2[%dma_wait3A_335, %dma_wait3A_336] : memref<270000x128xf32, #tpu.memory_space<hbm>> -> memref<270000x128xf32, #tpu.memory_space<hbm>>
    tpu.wait_indirect_dma semaphore(%arg19 : memref<!tpu.dma_semaphore, #tpu.memory_space<semaphore_mem>>) src(%dma_wait3A_337 : memref<270000x128xf32, #tpu.memory_space<hbm>>) dst(%arg13 : memref<64x128xf32, #tpu.memory_space<vmem>>)
    %add3A_338 = arith.constant 9728 : i32
    %add3A_339 = arith.addi %multiple_of3A, %add3A_338 : i32
    %multiple_of3A_340 = tpu.assume_multiple %add3A_339, 8 : i32
    %dma_wait3A_341 = tpu.memref_slice %arg4[%multiple_of3A_340] : memref<320000xi32, #tpu.memory_space<hbm>> -> memref<64xi32, #tpu.memory_space<hbm>>
    %dma_wait3A_342 = tpu.memref_slice %arg4[%multiple_of3A_340] : memref<320000xi32, #tpu.memory_space<hbm>> -> memref<64xi32, #tpu.memory_space<hbm>>
    tpu.wait_dma2 semaphore(%arg27 : memref<!tpu.dma_semaphore, #tpu.memory_space<semaphore_mem>>) src(%dma_wait3A_342 : memref<64xi32, #tpu.memory_space<hbm>>) dst(%arg8 : memref<64xi32, #tpu.memory_space<vmem>>)
    %dma_start3A_343 = arith.constant 0 : i32
    %dma_start3A_344 = arith.constant 0 : i32
    %dma_start3A_345 = tpu.memref_slice %arg18[%dma_start3A_343, %dma_start3A_344] : memref<10240x128xf32, #tpu.memory_space<vmem_shared>> -> memref<10240x128xf32, #tpu.memory_space<vmem_shared>>
    tpu.enqueue_indirect_dma source(%arg13 : memref<64x128xf32, #tpu.memory_space<vmem>>) target(%dma_start3A_345 : memref<10240x128xf32, #tpu.memory_space<vmem_shared>>) offsets(%arg8 : memref<64xi32, #tpu.memory_space<vmem>>) semaphore(%arg23 : memref<!tpu.dma_semaphore, #tpu.memory_space<semaphore_mem>>) {add = true}
    %multiple_of3A_346 = arith.constant 9792 : i32
    %multiple_of3A_347 = tpu.assume_multiple %multiple_of3A_346, 8 : i32
    %dma_wait3A_348 = tpu.memref_slice %arg7[%multiple_of3A_347] : memref<10000xi32, #tpu.memory_space<vmem>> -> memref<64xi32, #tpu.memory_space<vmem>>
    %dma_wait3A_349 = arith.constant 0 : i32
    %dma_wait3A_350 = arith.constant 0 : i32
    %dma_wait3A_351 = tpu.memref_slice %arg2[%dma_wait3A_349, %dma_wait3A_350] : memref<270000x128xf32, #tpu.memory_space<hbm>> -> memref<270000x128xf32, #tpu.memory_space<hbm>>
    tpu.wait_indirect_dma semaphore(%arg20 : memref<!tpu.dma_semaphore, #tpu.memory_space<semaphore_mem>>) src(%dma_wait3A_351 : memref<270000x128xf32, #tpu.memory_space<hbm>>) dst(%arg14 : memref<64x128xf32, #tpu.memory_space<vmem>>)
    %add3A_352 = arith.constant 9792 : i32
    %add3A_353 = arith.addi %multiple_of3A, %add3A_352 : i32
    %multiple_of3A_354 = tpu.assume_multiple %add3A_353, 8 : i32
    %dma_wait3A_355 = tpu.memref_slice %arg4[%multiple_of3A_354] : memref<320000xi32, #tpu.memory_space<hbm>> -> memref<64xi32, #tpu.memory_space<hbm>>
    %dma_wait3A_356 = tpu.memref_slice %arg4[%multiple_of3A_354] : memref<320000xi32, #tpu.memory_space<hbm>> -> memref<64xi32, #tpu.memory_space<hbm>>
    tpu.wait_dma2 semaphore(%arg28 : memref<!tpu.dma_semaphore, #tpu.memory_space<semaphore_mem>>) src(%dma_wait3A_356 : memref<64xi32, #tpu.memory_space<hbm>>) dst(%arg9 : memref<64xi32, #tpu.memory_space<vmem>>)
    %dma_start3A_357 = arith.constant 0 : i32
    %dma_start3A_358 = arith.constant 0 : i32
    %dma_start3A_359 = tpu.memref_slice %arg18[%dma_start3A_357, %dma_start3A_358] : memref<10240x128xf32, #tpu.memory_space<vmem_shared>> -> memref<10240x128xf32, #tpu.memory_space<vmem_shared>>
    tpu.enqueue_indirect_dma source(%arg14 : memref<64x128xf32, #tpu.memory_space<vmem>>) target(%dma_start3A_359 : memref<10240x128xf32, #tpu.memory_space<vmem_shared>>) offsets(%arg9 : memref<64xi32, #tpu.memory_space<vmem>>) semaphore(%arg24 : memref<!tpu.dma_semaphore, #tpu.memory_space<semaphore_mem>>) {add = true}
    %multiple_of3A_360 = arith.constant 9856 : i32
    %multiple_of3A_361 = tpu.assume_multiple %multiple_of3A_360, 8 : i32
    %dma_wait3A_362 = tpu.memref_slice %arg7[%multiple_of3A_361] : memref<10000xi32, #tpu.memory_space<vmem>> -> memref<64xi32, #tpu.memory_space<vmem>>
    %dma_wait3A_363 = arith.constant 0 : i32
    %dma_wait3A_364 = arith.constant 0 : i32
    %dma_wait3A_365 = tpu.memref_slice %arg2[%dma_wait3A_363, %dma_wait3A_364] : memref<270000x128xf32, #tpu.memory_space<hbm>> -> memref<270000x128xf32, #tpu.memory_space<hbm>>
    tpu.wait_indirect_dma semaphore(%arg21 : memref<!tpu.dma_semaphore, #tpu.memory_space<semaphore_mem>>) src(%dma_wait3A_365 : memref<270000x128xf32, #tpu.memory_space<hbm>>) dst(%arg15 : memref<64x128xf32, #tpu.memory_space<vmem>>)
    %add3A_366 = arith.constant 9856 : i32
    %add3A_367 = arith.addi %multiple_of3A, %add3A_366 : i32
    %multiple_of3A_368 = tpu.assume_multiple %add3A_367, 8 : i32
    %dma_wait3A_369 = tpu.memref_slice %arg4[%multiple_of3A_368] : memref<320000xi32, #tpu.memory_space<hbm>> -> memref<64xi32, #tpu.memory_space<hbm>>
    %dma_wait3A_370 = tpu.memref_slice %arg4[%multiple_of3A_368] : memref<320000xi32, #tpu.memory_space<hbm>> -> memref<64xi32, #tpu.memory_space<hbm>>
    tpu.wait_dma2 semaphore(%arg29 : memref<!tpu.dma_semaphore, #tpu.memory_space<semaphore_mem>>) src(%dma_wait3A_370 : memref<64xi32, #tpu.memory_space<hbm>>) dst(%arg10 : memref<64xi32, #tpu.memory_space<vmem>>)
    %dma_start3A_371 = arith.constant 0 : i32
    %dma_start3A_372 = arith.constant 0 : i32
    %dma_start3A_373 = tpu.memref_slice %arg18[%dma_start3A_371, %dma_start3A_372] : memref<10240x128xf32, #tpu.memory_space<vmem_shared>> -> memref<10240x128xf32, #tpu.memory_space<vmem_shared>>
    tpu.enqueue_indirect_dma source(%arg15 : memref<64x128xf32, #tpu.memory_space<vmem>>) target(%dma_start3A_373 : memref<10240x128xf32, #tpu.memory_space<vmem_shared>>) offsets(%arg10 : memref<64xi32, #tpu.memory_space<vmem>>) semaphore(%arg25 : memref<!tpu.dma_semaphore, #tpu.memory_space<semaphore_mem>>) {add = true}
    %multiple_of3A_374 = arith.constant 9920 : i32
    %multiple_of3A_375 = tpu.assume_multiple %multiple_of3A_374, 8 : i32
    %dma_wait3A_376 = tpu.memref_slice %arg7[%multiple_of3A_375] : memref<10000xi32, #tpu.memory_space<vmem>> -> memref<64xi32, #tpu.memory_space<vmem>>
    %dma_wait3A_377 = arith.constant 0 : i32
    %dma_wait3A_378 = arith.constant 0 : i32
    %dma_wait3A_379 = tpu.memref_slice %arg2[%dma_wait3A_377, %dma_wait3A_378] : memref<270000x128xf32, #tpu.memory_space<hbm>> -> memref<270000x128xf32, #tpu.memory_space<hbm>>
    tpu.wait_indirect_dma semaphore(%arg22 : memref<!tpu.dma_semaphore, #tpu.memory_space<semaphore_mem>>) src(%dma_wait3A_379 : memref<270000x128xf32, #tpu.memory_space<hbm>>) dst(%arg16 : memref<64x128xf32, #tpu.memory_space<vmem>>)
    %add3A_380 = arith.constant 9920 : i32
    %add3A_381 = arith.addi %multiple_of3A, %add3A_380 : i32
    %multiple_of3A_382 = tpu.assume_multiple %add3A_381, 8 : i32
    %dma_wait3A_383 = tpu.memref_slice %arg4[%multiple_of3A_382] : memref<320000xi32, #tpu.memory_space<hbm>> -> memref<64xi32, #tpu.memory_space<hbm>>
    %dma_wait3A_384 = tpu.memref_slice %arg4[%multiple_of3A_382] : memref<320000xi32, #tpu.memory_space<hbm>> -> memref<64xi32, #tpu.memory_space<hbm>>
    tpu.wait_dma2 semaphore(%arg30 : memref<!tpu.dma_semaphore, #tpu.memory_space<semaphore_mem>>) src(%dma_wait3A_384 : memref<64xi32, #tpu.memory_space<hbm>>) dst(%arg11 : memref<64xi32, #tpu.memory_space<vmem>>)
    %dma_start3A_385 = arith.constant 0 : i32
    %dma_start3A_386 = arith.constant 0 : i32
    %dma_start3A_387 = tpu.memref_slice %arg18[%dma_start3A_385, %dma_start3A_386] : memref<10240x128xf32, #tpu.memory_space<vmem_shared>> -> memref<10240x128xf32, #tpu.memory_space<vmem_shared>>
    tpu.enqueue_indirect_dma source(%arg16 : memref<64x128xf32, #tpu.memory_space<vmem>>) target(%dma_start3A_387 : memref<10240x128xf32, #tpu.memory_space<vmem_shared>>) offsets(%arg11 : memref<64xi32, #tpu.memory_space<vmem>>) semaphore(%arg26 : memref<!tpu.dma_semaphore, #tpu.memory_space<semaphore_mem>>) {add = true}
    %multiple_of3A_388 = arith.constant 9984 : i32
    %multiple_of3A_389 = tpu.assume_multiple %multiple_of3A_388, 8 : i32
    %add3A_390 = arith.addi %multiple_of3A, %multiple_of3A_389 : i32
    "tpu.region"() ({
      %run_scoped3A = tpu.sem_alloc : memref<!tpu.dma_semaphore, #tpu.memory_space<semaphore_mem>>
      %dma_start3A_671 = tpu.memref_slice %arg4[%add3A_390] : memref<320000xi32, #tpu.memory_space<hbm>> -> memref<16xi32, #tpu.memory_space<hbm>>
      %dma_start3A_672 = tpu.memref_slice %arg4[%add3A_390] : memref<320000xi32, #tpu.memory_space<hbm>> -> memref<16xi32, #tpu.memory_space<hbm>>
      tpu.enqueue_dma source(%dma_start3A_672 : memref<16xi32, #tpu.memory_space<hbm>>) target(%arg12 : memref<16xi32, #tpu.memory_space<vmem>>) target_semaphore(%run_scoped3A : memref<!tpu.dma_semaphore, #tpu.memory_space<semaphore_mem>>)
      %dma_wait3A_673 = tpu.memref_slice %arg4[%add3A_390] : memref<320000xi32, #tpu.memory_space<hbm>> -> memref<16xi32, #tpu.memory_space<hbm>>
      %dma_wait3A_674 = tpu.memref_slice %arg4[%add3A_390] : memref<320000xi32, #tpu.memory_space<hbm>> -> memref<16xi32, #tpu.memory_space<hbm>>
      tpu.wait_dma2 semaphore(%run_scoped3A : memref<!tpu.dma_semaphore, #tpu.memory_space<semaphore_mem>>) src(%dma_wait3A_674 : memref<16xi32, #tpu.memory_space<hbm>>) dst(%arg12 : memref<16xi32, #tpu.memory_space<vmem>>)
      tpu.yield
    }) : () -> ()
    %dma_wait3A_391 = arith.constant 0 : i32
    %dma_wait3A_392 = arith.constant 0 : i32
    %dma_wait3A_393 = tpu.memref_slice %arg18[%dma_wait3A_391, %dma_wait3A_392] : memref<10240x128xf32, #tpu.memory_space<vmem_shared>> -> memref<10240x128xf32, #tpu.memory_space<vmem_shared>>
    tpu.wait_indirect_dma semaphore(%arg23 : memref<!tpu.dma_semaphore, #tpu.memory_space<semaphore_mem>>) src(%arg13 : memref<64x128xf32, #tpu.memory_space<vmem>>) dst(%dma_wait3A_393 : memref<10240x128xf32, #tpu.memory_space<vmem_shared>>)
    %dma_wait3A_394 = arith.constant 0 : i32
    %dma_wait3A_395 = arith.constant 0 : i32
    %dma_wait3A_396 = tpu.memref_slice %arg18[%dma_wait3A_394, %dma_wait3A_395] : memref<10240x128xf32, #tpu.memory_space<vmem_shared>> -> memref<10240x128xf32, #tpu.memory_space<vmem_shared>>
    tpu.wait_indirect_dma semaphore(%arg24 : memref<!tpu.dma_semaphore, #tpu.memory_space<semaphore_mem>>) src(%arg14 : memref<64x128xf32, #tpu.memory_space<vmem>>) dst(%dma_wait3A_396 : memref<10240x128xf32, #tpu.memory_space<vmem_shared>>)
    %dma_wait3A_397 = arith.constant 0 : i32
    %dma_wait3A_398 = arith.constant 0 : i32
    %dma_wait3A_399 = tpu.memref_slice %arg18[%dma_wait3A_397, %dma_wait3A_398] : memref<10240x128xf32, #tpu.memory_space<vmem_shared>> -> memref<10240x128xf32, #tpu.memory_space<vmem_shared>>
    tpu.wait_indirect_dma semaphore(%arg25 : memref<!tpu.dma_semaphore, #tpu.memory_space<semaphore_mem>>) src(%arg15 : memref<64x128xf32, #tpu.memory_space<vmem>>) dst(%dma_wait3A_399 : memref<10240x128xf32, #tpu.memory_space<vmem_shared>>)
    %dma_wait3A_400 = arith.constant 0 : i32
    %dma_wait3A_401 = arith.constant 0 : i32
    %dma_wait3A_402 = tpu.memref_slice %arg18[%dma_wait3A_400, %dma_wait3A_401] : memref<10240x128xf32, #tpu.memory_space<vmem_shared>> -> memref<10240x128xf32, #tpu.memory_space<vmem_shared>>
    tpu.wait_indirect_dma semaphore(%arg26 : memref<!tpu.dma_semaphore, #tpu.memory_space<semaphore_mem>>) src(%arg16 : memref<64x128xf32, #tpu.memory_space<vmem>>) dst(%dma_wait3A_402 : memref<10240x128xf32, #tpu.memory_space<vmem_shared>>)
    %dma_start3A_403 = arith.constant 0 : i32
    %dma_start3A_404 = arith.constant 0 : i32
    %dma_start3A_405 = tpu.memref_slice %arg13[%dma_start3A_403, %dma_start3A_404] : memref<64x128xf32, #tpu.memory_space<vmem>> -> memref<16x128xf32, #tpu.memory_space<vmem>>
    %dma_start3A_406 = tpu.memref_slice %arg7[%multiple_of3A_389] : memref<10000xi32, #tpu.memory_space<vmem>> -> memref<16xi32, #tpu.memory_space<vmem>>
    %dma_start3A_407 = arith.constant 0 : i32
    %dma_start3A_408 = arith.constant 0 : i32
    %dma_start3A_409 = tpu.memref_slice %arg2[%dma_start3A_407, %dma_start3A_408] : memref<270000x128xf32, #tpu.memory_space<hbm>> -> memref<270000x128xf32, #tpu.memory_space<hbm>>
    tpu.enqueue_indirect_dma source(%dma_start3A_409 : memref<270000x128xf32, #tpu.memory_space<hbm>>) target(%dma_start3A_405 : memref<16x128xf32, #tpu.memory_space<vmem>>) offsets(%dma_start3A_406 : memref<16xi32, #tpu.memory_space<vmem>>) semaphore(%arg19 : memref<!tpu.dma_semaphore, #tpu.memory_space<semaphore_mem>>)
    %dma_wait3A_410 = arith.constant 0 : i32
    %dma_wait3A_411 = arith.constant 0 : i32
    %dma_wait3A_412 = tpu.memref_slice %arg13[%dma_wait3A_410, %dma_wait3A_411] : memref<64x128xf32, #tpu.memory_space<vmem>> -> memref<16x128xf32, #tpu.memory_space<vmem>>
    %dma_wait3A_413 = tpu.memref_slice %arg7[%multiple_of3A_389] : memref<10000xi32, #tpu.memory_space<vmem>> -> memref<16xi32, #tpu.memory_space<vmem>>
    %dma_wait3A_414 = arith.constant 0 : i32
    %dma_wait3A_415 = arith.constant 0 : i32
    %dma_wait3A_416 = tpu.memref_slice %arg2[%dma_wait3A_414, %dma_wait3A_415] : memref<270000x128xf32, #tpu.memory_space<hbm>> -> memref<270000x128xf32, #tpu.memory_space<hbm>>
    tpu.wait_indirect_dma semaphore(%arg19 : memref<!tpu.dma_semaphore, #tpu.memory_space<semaphore_mem>>) src(%dma_wait3A_416 : memref<270000x128xf32, #tpu.memory_space<hbm>>) dst(%dma_wait3A_412 : memref<16x128xf32, #tpu.memory_space<vmem>>)
    "tpu.region"() ({
      %run_scoped3A = tpu.sem_alloc : memref<!tpu.dma_semaphore, #tpu.memory_space<semaphore_mem>>
      %dma_start3A_671 = arith.constant 0 : i32
      %dma_start3A_672 = arith.constant 0 : i32
      %dma_start3A_673 = tpu.memref_slice %arg13[%dma_start3A_671, %dma_start3A_672] : memref<64x128xf32, #tpu.memory_space<vmem>> -> memref<16x128xf32, #tpu.memory_space<vmem>>
      %dma_start3A_674 = arith.constant 0 : i32
      %dma_start3A_675 = arith.constant 0 : i32
      %dma_start3A_676 = tpu.memref_slice %arg18[%dma_start3A_674, %dma_start3A_675] : memref<10240x128xf32, #tpu.memory_space<vmem_shared>> -> memref<10240x128xf32, #tpu.memory_space<vmem_shared>>
      tpu.enqueue_indirect_dma source(%dma_start3A_673 : memref<16x128xf32, #tpu.memory_space<vmem>>) target(%dma_start3A_676 : memref<10240x128xf32, #tpu.memory_space<vmem_shared>>) offsets(%arg12 : memref<16xi32, #tpu.memory_space<vmem>>) semaphore(%run_scoped3A : memref<!tpu.dma_semaphore, #tpu.memory_space<semaphore_mem>>) {add = true}
      %dma_wait3A_677 = arith.constant 0 : i32
      %dma_wait3A_678 = arith.constant 0 : i32
      %dma_wait3A_679 = tpu.memref_slice %arg13[%dma_wait3A_677, %dma_wait3A_678] : memref<64x128xf32, #tpu.memory_space<vmem>> -> memref<16x128xf32, #tpu.memory_space<vmem>>
      %dma_wait3A_680 = arith.constant 0 : i32
      %dma_wait3A_681 = arith.constant 0 : i32
      %dma_wait3A_682 = tpu.memref_slice %arg18[%dma_wait3A_680, %dma_wait3A_681] : memref<10240x128xf32, #tpu.memory_space<vmem_shared>> -> memref<10240x128xf32, #tpu.memory_space<vmem_shared>>
      tpu.wait_indirect_dma semaphore(%run_scoped3A : memref<!tpu.dma_semaphore, #tpu.memory_space<semaphore_mem>>) src(%dma_wait3A_679 : memref<16x128xf32, #tpu.memory_space<vmem>>) dst(%dma_wait3A_682 : memref<10240x128xf32, #tpu.memory_space<vmem_shared>>)
      tpu.yield
    }) : () -> ()
    %barrier3A_417 = arith.constant 0 : index
    tpu.barrier barrier_id(%barrier3A_417)
    %mul3A_418 = arith.constant 10240 : i32
    %mul3A_419 = arith.muli %arg0, %mul3A_418 : i32
    %add3A_420 = arith.addi %mul3A_419, %mul3A_4 : i32
    %add3A_421 = arith.constant 0 : i32
    %add3A_422 = arith.addi %mul3A_4, %add3A_421 : i32
    %multiple_of3A_423 = tpu.assume_multiple %add3A_422, 8 : i32
    %dma_start3A_424 = arith.constant 0 : i32
    %dma_start3A_425 = tpu.memref_slice %arg18[%multiple_of3A_423, %dma_start3A_424] : memref<10240x128xf32, #tpu.memory_space<vmem_shared>> -> memref<64x128xf32, #tpu.memory_space<vmem_shared>>
    %dma_start3A_426 = arith.constant 0 : i32
    %dma_start3A_427 = tpu.memref_slice %arg18[%multiple_of3A_423, %dma_start3A_426] : memref<10240x128xf32, #tpu.memory_space<vmem_shared>> -> memref<64x128xf32, #tpu.memory_space<vmem_shared>>
    tpu.enqueue_dma source(%dma_start3A_427 : memref<64x128xf32, #tpu.memory_space<vmem_shared>>) target(%arg13 : memref<64x128xf32, #tpu.memory_space<vmem>>) target_semaphore(%arg19 : memref<!tpu.dma_semaphore, #tpu.memory_space<semaphore_mem>>)
    %dma_wait3A_428 = arith.constant 0 : i32
    %dma_wait3A_429 = tpu.memref_slice %arg18[%multiple_of3A_423, %dma_wait3A_428] : memref<10240x128xf32, #tpu.memory_space<vmem_shared>> -> memref<64x128xf32, #tpu.memory_space<vmem_shared>>
    %dma_wait3A_430 = arith.constant 0 : i32
    %dma_wait3A_431 = tpu.memref_slice %arg18[%multiple_of3A_423, %dma_wait3A_430] : memref<10240x128xf32, #tpu.memory_space<vmem_shared>> -> memref<64x128xf32, #tpu.memory_space<vmem_shared>>
    tpu.wait_dma2 semaphore(%arg19 : memref<!tpu.dma_semaphore, #tpu.memory_space<semaphore_mem>>) src(%dma_wait3A_431 : memref<64x128xf32, #tpu.memory_space<vmem_shared>>) dst(%arg13 : memref<64x128xf32, #tpu.memory_space<vmem>>)
    %add3A_432 = arith.constant 0 : i32
    %add3A_433 = arith.addi %add3A_420, %add3A_432 : i32
    %multiple_of3A_434 = tpu.assume_multiple %add3A_433, 8 : i32
    %dma_start3A_435 = arith.constant 0 : i32
    %dma_start3A_436 = tpu.memref_slice %arg6[%multiple_of3A_434, %dma_start3A_435] : memref<20480x128xf32, #tpu.memory_space<hbm>> -> memref<64x128xf32, #tpu.memory_space<hbm>>
    %dma_start3A_437 = arith.constant 0 : i32
    %dma_start3A_438 = tpu.memref_slice %arg6[%multiple_of3A_434, %dma_start3A_437] : memref<20480x128xf32, #tpu.memory_space<hbm>> -> memref<64x128xf32, #tpu.memory_space<hbm>>
    tpu.enqueue_dma source(%arg13 : memref<64x128xf32, #tpu.memory_space<vmem>>) target(%dma_start3A_438 : memref<64x128xf32, #tpu.memory_space<hbm>>) target_semaphore(%arg23 : memref<!tpu.dma_semaphore, #tpu.memory_space<semaphore_mem>>)
    %add3A_439 = arith.constant 64 : i32
    %add3A_440 = arith.addi %mul3A_4, %add3A_439 : i32
    %multiple_of3A_441 = tpu.assume_multiple %add3A_440, 8 : i32
    %dma_start3A_442 = arith.constant 0 : i32
    %dma_start3A_443 = tpu.memref_slice %arg18[%multiple_of3A_441, %dma_start3A_442] : memref<10240x128xf32, #tpu.memory_space<vmem_shared>> -> memref<64x128xf32, #tpu.memory_space<vmem_shared>>
    %dma_start3A_444 = arith.constant 0 : i32
    %dma_start3A_445 = tpu.memref_slice %arg18[%multiple_of3A_441, %dma_start3A_444] : memref<10240x128xf32, #tpu.memory_space<vmem_shared>> -> memref<64x128xf32, #tpu.memory_space<vmem_shared>>
    tpu.enqueue_dma source(%dma_start3A_445 : memref<64x128xf32, #tpu.memory_space<vmem_shared>>) target(%arg14 : memref<64x128xf32, #tpu.memory_space<vmem>>) target_semaphore(%arg20 : memref<!tpu.dma_semaphore, #tpu.memory_space<semaphore_mem>>)
    %dma_wait3A_446 = arith.constant 0 : i32
    %dma_wait3A_447 = tpu.memref_slice %arg18[%multiple_of3A_441, %dma_wait3A_446] : memref<10240x128xf32, #tpu.memory_space<vmem_shared>> -> memref<64x128xf32, #tpu.memory_space<vmem_shared>>
    %dma_wait3A_448 = arith.constant 0 : i32
    %dma_wait3A_449 = tpu.memref_slice %arg18[%multiple_of3A_441, %dma_wait3A_448] : memref<10240x128xf32, #tpu.memory_space<vmem_shared>> -> memref<64x128xf32, #tpu.memory_space<vmem_shared>>
    tpu.wait_dma2 semaphore(%arg20 : memref<!tpu.dma_semaphore, #tpu.memory_space<semaphore_mem>>) src(%dma_wait3A_449 : memref<64x128xf32, #tpu.memory_space<vmem_shared>>) dst(%arg14 : memref<64x128xf32, #tpu.memory_space<vmem>>)
    %add3A_450 = arith.constant 64 : i32
    %add3A_451 = arith.addi %add3A_420, %add3A_450 : i32
    %multiple_of3A_452 = tpu.assume_multiple %add3A_451, 8 : i32
    %dma_start3A_453 = arith.constant 0 : i32
    %dma_start3A_454 = tpu.memref_slice %arg6[%multiple_of3A_452, %dma_start3A_453] : memref<20480x128xf32, #tpu.memory_space<hbm>> -> memref<64x128xf32, #tpu.memory_space<hbm>>
    %dma_start3A_455 = arith.constant 0 : i32
    %dma_start3A_456 = tpu.memref_slice %arg6[%multiple_of3A_452, %dma_start3A_455] : memref<20480x128xf32, #tpu.memory_space<hbm>> -> memref<64x128xf32, #tpu.memory_space<hbm>>
    tpu.enqueue_dma source(%arg14 : memref<64x128xf32, #tpu.memory_space<vmem>>) target(%dma_start3A_456 : memref<64x128xf32, #tpu.memory_space<hbm>>) target_semaphore(%arg24 : memref<!tpu.dma_semaphore, #tpu.memory_space<semaphore_mem>>)
    %add3A_457 = arith.constant 0 : i32
    %add3A_458 = arith.addi %add3A_420, %add3A_457 : i32
    %multiple_of3A_459 = tpu.assume_multiple %add3A_458, 8 : i32
    %dma_wait3A_460 = arith.constant 0 : i32
    %dma_wait3A_461 = tpu.memref_slice %arg6[%multiple_of3A_459, %dma_wait3A_460] : memref<20480x128xf32, #tpu.memory_space<hbm>> -> memref<64x128xf32, #tpu.memory_space<hbm>>
    %dma_wait3A_462 = arith.constant 0 : i32
    %dma_wait3A_463 = tpu.memref_slice %arg6[%multiple_of3A_459, %dma_wait3A_462] : memref<20480x128xf32, #tpu.memory_space<hbm>> -> memref<64x128xf32, #tpu.memory_space<hbm>>
    tpu.wait_dma2 semaphore(%arg23 : memref<!tpu.dma_semaphore, #tpu.memory_space<semaphore_mem>>) src(%arg13 : memref<64x128xf32, #tpu.memory_space<vmem>>) dst(%dma_wait3A_463 : memref<64x128xf32, #tpu.memory_space<hbm>>)
    %add3A_464 = arith.constant 128 : i32
    %add3A_465 = arith.addi %mul3A_4, %add3A_464 : i32
    %multiple_of3A_466 = tpu.assume_multiple %add3A_465, 8 : i32
    %dma_start3A_467 = arith.constant 0 : i32
    %dma_start3A_468 = tpu.memref_slice %arg18[%multiple_of3A_466, %dma_start3A_467] : memref<10240x128xf32, #tpu.memory_space<vmem_shared>> -> memref<64x128xf32, #tpu.memory_space<vmem_shared>>
    %dma_start3A_469 = arith.constant 0 : i32
    %dma_start3A_470 = tpu.memref_slice %arg18[%multiple_of3A_466, %dma_start3A_469] : memref<10240x128xf32, #tpu.memory_space<vmem_shared>> -> memref<64x128xf32, #tpu.memory_space<vmem_shared>>
    tpu.enqueue_dma source(%dma_start3A_470 : memref<64x128xf32, #tpu.memory_space<vmem_shared>>) target(%arg13 : memref<64x128xf32, #tpu.memory_space<vmem>>) target_semaphore(%arg19 : memref<!tpu.dma_semaphore, #tpu.memory_space<semaphore_mem>>)
    %dma_wait3A_471 = arith.constant 0 : i32
    %dma_wait3A_472 = tpu.memref_slice %arg18[%multiple_of3A_466, %dma_wait3A_471] : memref<10240x128xf32, #tpu.memory_space<vmem_shared>> -> memref<64x128xf32, #tpu.memory_space<vmem_shared>>
    %dma_wait3A_473 = arith.constant 0 : i32
    %dma_wait3A_474 = tpu.memref_slice %arg18[%multiple_of3A_466, %dma_wait3A_473] : memref<10240x128xf32, #tpu.memory_space<vmem_shared>> -> memref<64x128xf32, #tpu.memory_space<vmem_shared>>
    tpu.wait_dma2 semaphore(%arg19 : memref<!tpu.dma_semaphore, #tpu.memory_space<semaphore_mem>>) src(%dma_wait3A_474 : memref<64x128xf32, #tpu.memory_space<vmem_shared>>) dst(%arg13 : memref<64x128xf32, #tpu.memory_space<vmem>>)
    %add3A_475 = arith.constant 128 : i32
    %add3A_476 = arith.addi %add3A_420, %add3A_475 : i32
    %multiple_of3A_477 = tpu.assume_multiple %add3A_476, 8 : i32
    %dma_start3A_478 = arith.constant 0 : i32
    %dma_start3A_479 = tpu.memref_slice %arg6[%multiple_of3A_477, %dma_start3A_478] : memref<20480x128xf32, #tpu.memory_space<hbm>> -> memref<64x128xf32, #tpu.memory_space<hbm>>
    %dma_start3A_480 = arith.constant 0 : i32
    %dma_start3A_481 = tpu.memref_slice %arg6[%multiple_of3A_477, %dma_start3A_480] : memref<20480x128xf32, #tpu.memory_space<hbm>> -> memref<64x128xf32, #tpu.memory_space<hbm>>
    tpu.enqueue_dma source(%arg13 : memref<64x128xf32, #tpu.memory_space<vmem>>) target(%dma_start3A_481 : memref<64x128xf32, #tpu.memory_space<hbm>>) target_semaphore(%arg23 : memref<!tpu.dma_semaphore, #tpu.memory_space<semaphore_mem>>)
    %add3A_482 = arith.constant 64 : i32
    %add3A_483 = arith.addi %add3A_420, %add3A_482 : i32
    %multiple_of3A_484 = tpu.assume_multiple %add3A_483, 8 : i32
    %dma_wait3A_485 = arith.constant 0 : i32
    %dma_wait3A_486 = tpu.memref_slice %arg6[%multiple_of3A_484, %dma_wait3A_485] : memref<20480x128xf32, #tpu.memory_space<hbm>> -> memref<64x128xf32, #tpu.memory_space<hbm>>
    %dma_wait3A_487 = arith.constant 0 : i32
    %dma_wait3A_488 = tpu.memref_slice %arg6[%multiple_of3A_484, %dma_wait3A_487] : memref<20480x128xf32, #tpu.memory_space<hbm>> -> memref<64x128xf32, #tpu.memory_space<hbm>>
    tpu.wait_dma2 semaphore(%arg24 : memref<!tpu.dma_semaphore, #tpu.memory_space<semaphore_mem>>) src(%arg14 : memref<64x128xf32, #tpu.memory_space<vmem>>) dst(%dma_wait3A_488 : memref<64x128xf32, #tpu.memory_space<hbm>>)
    %add3A_489 = arith.constant 192 : i32
    %add3A_490 = arith.addi %mul3A_4, %add3A_489 : i32
    %multiple_of3A_491 = tpu.assume_multiple %add3A_490, 8 : i32
    %dma_start3A_492 = arith.constant 0 : i32
    %dma_start3A_493 = tpu.memref_slice %arg18[%multiple_of3A_491, %dma_start3A_492] : memref<10240x128xf32, #tpu.memory_space<vmem_shared>> -> memref<64x128xf32, #tpu.memory_space<vmem_shared>>
    %dma_start3A_494 = arith.constant 0 : i32
    %dma_start3A_495 = tpu.memref_slice %arg18[%multiple_of3A_491, %dma_start3A_494] : memref<10240x128xf32, #tpu.memory_space<vmem_shared>> -> memref<64x128xf32, #tpu.memory_space<vmem_shared>>
    tpu.enqueue_dma source(%dma_start3A_495 : memref<64x128xf32, #tpu.memory_space<vmem_shared>>) target(%arg14 : memref<64x128xf32, #tpu.memory_space<vmem>>) target_semaphore(%arg20 : memref<!tpu.dma_semaphore, #tpu.memory_space<semaphore_mem>>)
    %dma_wait3A_496 = arith.constant 0 : i32
    %dma_wait3A_497 = tpu.memref_slice %arg18[%multiple_of3A_491, %dma_wait3A_496] : memref<10240x128xf32, #tpu.memory_space<vmem_shared>> -> memref<64x128xf32, #tpu.memory_space<vmem_shared>>
    %dma_wait3A_498 = arith.constant 0 : i32
    %dma_wait3A_499 = tpu.memref_slice %arg18[%multiple_of3A_491, %dma_wait3A_498] : memref<10240x128xf32, #tpu.memory_space<vmem_shared>> -> memref<64x128xf32, #tpu.memory_space<vmem_shared>>
    tpu.wait_dma2 semaphore(%arg20 : memref<!tpu.dma_semaphore, #tpu.memory_space<semaphore_mem>>) src(%dma_wait3A_499 : memref<64x128xf32, #tpu.memory_space<vmem_shared>>) dst(%arg14 : memref<64x128xf32, #tpu.memory_space<vmem>>)
    %add3A_500 = arith.constant 192 : i32
    %add3A_501 = arith.addi %add3A_420, %add3A_500 : i32
    %multiple_of3A_502 = tpu.assume_multiple %add3A_501, 8 : i32
    %dma_start3A_503 = arith.constant 0 : i32
    %dma_start3A_504 = tpu.memref_slice %arg6[%multiple_of3A_502, %dma_start3A_503] : memref<20480x128xf32, #tpu.memory_space<hbm>> -> memref<64x128xf32, #tpu.memory_space<hbm>>
    %dma_start3A_505 = arith.constant 0 : i32
    %dma_start3A_506 = tpu.memref_slice %arg6[%multiple_of3A_502, %dma_start3A_505] : memref<20480x128xf32, #tpu.memory_space<hbm>> -> memref<64x128xf32, #tpu.memory_space<hbm>>
    tpu.enqueue_dma source(%arg14 : memref<64x128xf32, #tpu.memory_space<vmem>>) target(%dma_start3A_506 : memref<64x128xf32, #tpu.memory_space<hbm>>) target_semaphore(%arg24 : memref<!tpu.dma_semaphore, #tpu.memory_space<semaphore_mem>>)
    %add3A_507 = arith.constant 128 : i32
    %add3A_508 = arith.addi %add3A_420, %add3A_507 : i32
    %multiple_of3A_509 = tpu.assume_multiple %add3A_508, 8 : i32
    %dma_wait3A_510 = arith.constant 0 : i32
    %dma_wait3A_511 = tpu.memref_slice %arg6[%multiple_of3A_509, %dma_wait3A_510] : memref<20480x128xf32, #tpu.memory_space<hbm>> -> memref<64x128xf32, #tpu.memory_space<hbm>>
    %dma_wait3A_512 = arith.constant 0 : i32
    %dma_wait3A_513 = tpu.memref_slice %arg6[%multiple_of3A_509, %dma_wait3A_512] : memref<20480x128xf32, #tpu.memory_space<hbm>> -> memref<64x128xf32, #tpu.memory_space<hbm>>
    tpu.wait_dma2 semaphore(%arg23 : memref<!tpu.dma_semaphore, #tpu.memory_space<semaphore_mem>>) src(%arg13 : memref<64x128xf32, #tpu.memory_space<vmem>>) dst(%dma_wait3A_513 : memref<64x128xf32, #tpu.memory_space<hbm>>)
    %add3A_514 = arith.constant 256 : i32
    %add3A_515 = arith.addi %mul3A_4, %add3A_514 : i32
    %multiple_of3A_516 = tpu.assume_multiple %add3A_515, 8 : i32
    %dma_start3A_517 = arith.constant 0 : i32
    %dma_start3A_518 = tpu.memref_slice %arg18[%multiple_of3A_516, %dma_start3A_517] : memref<10240x128xf32, #tpu.memory_space<vmem_shared>> -> memref<64x128xf32, #tpu.memory_space<vmem_shared>>
    %dma_start3A_519 = arith.constant 0 : i32
    %dma_start3A_520 = tpu.memref_slice %arg18[%multiple_of3A_516, %dma_start3A_519] : memref<10240x128xf32, #tpu.memory_space<vmem_shared>> -> memref<64x128xf32, #tpu.memory_space<vmem_shared>>
    tpu.enqueue_dma source(%dma_start3A_520 : memref<64x128xf32, #tpu.memory_space<vmem_shared>>) target(%arg13 : memref<64x128xf32, #tpu.memory_space<vmem>>) target_semaphore(%arg19 : memref<!tpu.dma_semaphore, #tpu.memory_space<semaphore_mem>>)
    %dma_wait3A_521 = arith.constant 0 : i32
    %dma_wait3A_522 = tpu.memref_slice %arg18[%multiple_of3A_516, %dma_wait3A_521] : memref<10240x128xf32, #tpu.memory_space<vmem_shared>> -> memref<64x128xf32, #tpu.memory_space<vmem_shared>>
    %dma_wait3A_523 = arith.constant 0 : i32
    %dma_wait3A_524 = tpu.memref_slice %arg18[%multiple_of3A_516, %dma_wait3A_523] : memref<10240x128xf32, #tpu.memory_space<vmem_shared>> -> memref<64x128xf32, #tpu.memory_space<vmem_shared>>
    tpu.wait_dma2 semaphore(%arg19 : memref<!tpu.dma_semaphore, #tpu.memory_space<semaphore_mem>>) src(%dma_wait3A_524 : memref<64x128xf32, #tpu.memory_space<vmem_shared>>) dst(%arg13 : memref<64x128xf32, #tpu.memory_space<vmem>>)
    %add3A_525 = arith.constant 256 : i32
    %add3A_526 = arith.addi %add3A_420, %add3A_525 : i32
    %multiple_of3A_527 = tpu.assume_multiple %add3A_526, 8 : i32
    %dma_start3A_528 = arith.constant 0 : i32
    %dma_start3A_529 = tpu.memref_slice %arg6[%multiple_of3A_527, %dma_start3A_528] : memref<20480x128xf32, #tpu.memory_space<hbm>> -> memref<64x128xf32, #tpu.memory_space<hbm>>
    %dma_start3A_530 = arith.constant 0 : i32
    %dma_start3A_531 = tpu.memref_slice %arg6[%multiple_of3A_527, %dma_start3A_530] : memref<20480x128xf32, #tpu.memory_space<hbm>> -> memref<64x128xf32, #tpu.memory_space<hbm>>
    tpu.enqueue_dma source(%arg13 : memref<64x128xf32, #tpu.memory_space<vmem>>) target(%dma_start3A_531 : memref<64x128xf32, #tpu.memory_space<hbm>>) target_semaphore(%arg23 : memref<!tpu.dma_semaphore, #tpu.memory_space<semaphore_mem>>)
    %add3A_532 = arith.constant 192 : i32
    %add3A_533 = arith.addi %add3A_420, %add3A_532 : i32
    %multiple_of3A_534 = tpu.assume_multiple %add3A_533, 8 : i32
    %dma_wait3A_535 = arith.constant 0 : i32
    %dma_wait3A_536 = tpu.memref_slice %arg6[%multiple_of3A_534, %dma_wait3A_535] : memref<20480x128xf32, #tpu.memory_space<hbm>> -> memref<64x128xf32, #tpu.memory_space<hbm>>
    %dma_wait3A_537 = arith.constant 0 : i32
    %dma_wait3A_538 = tpu.memref_slice %arg6[%multiple_of3A_534, %dma_wait3A_537] : memref<20480x128xf32, #tpu.memory_space<hbm>> -> memref<64x128xf32, #tpu.memory_space<hbm>>
    tpu.wait_dma2 semaphore(%arg24 : memref<!tpu.dma_semaphore, #tpu.memory_space<semaphore_mem>>) src(%arg14 : memref<64x128xf32, #tpu.memory_space<vmem>>) dst(%dma_wait3A_538 : memref<64x128xf32, #tpu.memory_space<hbm>>)
    %add3A_539 = arith.constant 320 : i32
    %add3A_540 = arith.addi %mul3A_4, %add3A_539 : i32
    %multiple_of3A_541 = tpu.assume_multiple %add3A_540, 8 : i32
    %dma_start3A_542 = arith.constant 0 : i32
    %dma_start3A_543 = tpu.memref_slice %arg18[%multiple_of3A_541, %dma_start3A_542] : memref<10240x128xf32, #tpu.memory_space<vmem_shared>> -> memref<64x128xf32, #tpu.memory_space<vmem_shared>>
    %dma_start3A_544 = arith.constant 0 : i32
    %dma_start3A_545 = tpu.memref_slice %arg18[%multiple_of3A_541, %dma_start3A_544] : memref<10240x128xf32, #tpu.memory_space<vmem_shared>> -> memref<64x128xf32, #tpu.memory_space<vmem_shared>>
    tpu.enqueue_dma source(%dma_start3A_545 : memref<64x128xf32, #tpu.memory_space<vmem_shared>>) target(%arg14 : memref<64x128xf32, #tpu.memory_space<vmem>>) target_semaphore(%arg20 : memref<!tpu.dma_semaphore, #tpu.memory_space<semaphore_mem>>)
    %dma_wait3A_546 = arith.constant 0 : i32
    %dma_wait3A_547 = tpu.memref_slice %arg18[%multiple_of3A_541, %dma_wait3A_546] : memref<10240x128xf32, #tpu.memory_space<vmem_shared>> -> memref<64x128xf32, #tpu.memory_space<vmem_shared>>
    %dma_wait3A_548 = arith.constant 0 : i32
    %dma_wait3A_549 = tpu.memref_slice %arg18[%multiple_of3A_541, %dma_wait3A_548] : memref<10240x128xf32, #tpu.memory_space<vmem_shared>> -> memref<64x128xf32, #tpu.memory_space<vmem_shared>>
    tpu.wait_dma2 semaphore(%arg20 : memref<!tpu.dma_semaphore, #tpu.memory_space<semaphore_mem>>) src(%dma_wait3A_549 : memref<64x128xf32, #tpu.memory_space<vmem_shared>>) dst(%arg14 : memref<64x128xf32, #tpu.memory_space<vmem>>)
    %add3A_550 = arith.constant 320 : i32
    %add3A_551 = arith.addi %add3A_420, %add3A_550 : i32
    %multiple_of3A_552 = tpu.assume_multiple %add3A_551, 8 : i32
    %dma_start3A_553 = arith.constant 0 : i32
    %dma_start3A_554 = tpu.memref_slice %arg6[%multiple_of3A_552, %dma_start3A_553] : memref<20480x128xf32, #tpu.memory_space<hbm>> -> memref<64x128xf32, #tpu.memory_space<hbm>>
    %dma_start3A_555 = arith.constant 0 : i32
    %dma_start3A_556 = tpu.memref_slice %arg6[%multiple_of3A_552, %dma_start3A_555] : memref<20480x128xf32, #tpu.memory_space<hbm>> -> memref<64x128xf32, #tpu.memory_space<hbm>>
    tpu.enqueue_dma source(%arg14 : memref<64x128xf32, #tpu.memory_space<vmem>>) target(%dma_start3A_556 : memref<64x128xf32, #tpu.memory_space<hbm>>) target_semaphore(%arg24 : memref<!tpu.dma_semaphore, #tpu.memory_space<semaphore_mem>>)
    %add3A_557 = arith.constant 256 : i32
    %add3A_558 = arith.addi %add3A_420, %add3A_557 : i32
    %multiple_of3A_559 = tpu.assume_multiple %add3A_558, 8 : i32
    %dma_wait3A_560 = arith.constant 0 : i32
    %dma_wait3A_561 = tpu.memref_slice %arg6[%multiple_of3A_559, %dma_wait3A_560] : memref<20480x128xf32, #tpu.memory_space<hbm>> -> memref<64x128xf32, #tpu.memory_space<hbm>>
    %dma_wait3A_562 = arith.constant 0 : i32
    %dma_wait3A_563 = tpu.memref_slice %arg6[%multiple_of3A_559, %dma_wait3A_562] : memref<20480x128xf32, #tpu.memory_space<hbm>> -> memref<64x128xf32, #tpu.memory_space<hbm>>
    tpu.wait_dma2 semaphore(%arg23 : memref<!tpu.dma_semaphore, #tpu.memory_space<semaphore_mem>>) src(%arg13 : memref<64x128xf32, #tpu.memory_space<vmem>>) dst(%dma_wait3A_563 : memref<64x128xf32, #tpu.memory_space<hbm>>)
    %add3A_564 = arith.constant 384 : i32
    %add3A_565 = arith.addi %mul3A_4, %add3A_564 : i32
    %multiple_of3A_566 = tpu.assume_multiple %add3A_565, 8 : i32
    %dma_start3A_567 = arith.constant 0 : i32
    %dma_start3A_568 = tpu.memref_slice %arg18[%multiple_of3A_566, %dma_start3A_567] : memref<10240x128xf32, #tpu.memory_space<vmem_shared>> -> memref<64x128xf32, #tpu.memory_space<vmem_shared>>
    %dma_start3A_569 = arith.constant 0 : i32
    %dma_start3A_570 = tpu.memref_slice %arg18[%multiple_of3A_566, %dma_start3A_569] : memref<10240x128xf32, #tpu.memory_space<vmem_shared>> -> memref<64x128xf32, #tpu.memory_space<vmem_shared>>
    tpu.enqueue_dma source(%dma_start3A_570 : memref<64x128xf32, #tpu.memory_space<vmem_shared>>) target(%arg13 : memref<64x128xf32, #tpu.memory_space<vmem>>) target_semaphore(%arg19 : memref<!tpu.dma_semaphore, #tpu.memory_space<semaphore_mem>>)
    %dma_wait3A_571 = arith.constant 0 : i32
    %dma_wait3A_572 = tpu.memref_slice %arg18[%multiple_of3A_566, %dma_wait3A_571] : memref<10240x128xf32, #tpu.memory_space<vmem_shared>> -> memref<64x128xf32, #tpu.memory_space<vmem_shared>>
    %dma_wait3A_573 = arith.constant 0 : i32
    %dma_wait3A_574 = tpu.memref_slice %arg18[%multiple_of3A_566, %dma_wait3A_573] : memref<10240x128xf32, #tpu.memory_space<vmem_shared>> -> memref<64x128xf32, #tpu.memory_space<vmem_shared>>
    tpu.wait_dma2 semaphore(%arg19 : memref<!tpu.dma_semaphore, #tpu.memory_space<semaphore_mem>>) src(%dma_wait3A_574 : memref<64x128xf32, #tpu.memory_space<vmem_shared>>) dst(%arg13 : memref<64x128xf32, #tpu.memory_space<vmem>>)
    %add3A_575 = arith.constant 384 : i32
    %add3A_576 = arith.addi %add3A_420, %add3A_575 : i32
    %multiple_of3A_577 = tpu.assume_multiple %add3A_576, 8 : i32
    %dma_start3A_578 = arith.constant 0 : i32
    %dma_start3A_579 = tpu.memref_slice %arg6[%multiple_of3A_577, %dma_start3A_578] : memref<20480x128xf32, #tpu.memory_space<hbm>> -> memref<64x128xf32, #tpu.memory_space<hbm>>
    %dma_start3A_580 = arith.constant 0 : i32
    %dma_start3A_581 = tpu.memref_slice %arg6[%multiple_of3A_577, %dma_start3A_580] : memref<20480x128xf32, #tpu.memory_space<hbm>> -> memref<64x128xf32, #tpu.memory_space<hbm>>
    tpu.enqueue_dma source(%arg13 : memref<64x128xf32, #tpu.memory_space<vmem>>) target(%dma_start3A_581 : memref<64x128xf32, #tpu.memory_space<hbm>>) target_semaphore(%arg23 : memref<!tpu.dma_semaphore, #tpu.memory_space<semaphore_mem>>)
    %add3A_582 = arith.constant 320 : i32
    %add3A_583 = arith.addi %add3A_420, %add3A_582 : i32
    %multiple_of3A_584 = tpu.assume_multiple %add3A_583, 8 : i32
    %dma_wait3A_585 = arith.constant 0 : i32
    %dma_wait3A_586 = tpu.memref_slice %arg6[%multiple_of3A_584, %dma_wait3A_585] : memref<20480x128xf32, #tpu.memory_space<hbm>> -> memref<64x128xf32, #tpu.memory_space<hbm>>
    %dma_wait3A_587 = arith.constant 0 : i32
    %dma_wait3A_588 = tpu.memref_slice %arg6[%multiple_of3A_584, %dma_wait3A_587] : memref<20480x128xf32, #tpu.memory_space<hbm>> -> memref<64x128xf32, #tpu.memory_space<hbm>>
    tpu.wait_dma2 semaphore(%arg24 : memref<!tpu.dma_semaphore, #tpu.memory_space<semaphore_mem>>) src(%arg14 : memref<64x128xf32, #tpu.memory_space<vmem>>) dst(%dma_wait3A_588 : memref<64x128xf32, #tpu.memory_space<hbm>>)
    %add3A_589 = arith.constant 448 : i32
    %add3A_590 = arith.addi %mul3A_4, %add3A_589 : i32
    %multiple_of3A_591 = tpu.assume_multiple %add3A_590, 8 : i32
    %dma_start3A_592 = arith.constant 0 : i32
    %dma_start3A_593 = tpu.memref_slice %arg18[%multiple_of3A_591, %dma_start3A_592] : memref<10240x128xf32, #tpu.memory_space<vmem_shared>> -> memref<64x128xf32, #tpu.memory_space<vmem_shared>>
    %dma_start3A_594 = arith.constant 0 : i32
    %dma_start3A_595 = tpu.memref_slice %arg18[%multiple_of3A_591, %dma_start3A_594] : memref<10240x128xf32, #tpu.memory_space<vmem_shared>> -> memref<64x128xf32, #tpu.memory_space<vmem_shared>>
    tpu.enqueue_dma source(%dma_start3A_595 : memref<64x128xf32, #tpu.memory_space<vmem_shared>>) target(%arg14 : memref<64x128xf32, #tpu.memory_space<vmem>>) target_semaphore(%arg20 : memref<!tpu.dma_semaphore, #tpu.memory_space<semaphore_mem>>)
    %dma_wait3A_596 = arith.constant 0 : i32
    %dma_wait3A_597 = tpu.memref_slice %arg18[%multiple_of3A_591, %dma_wait3A_596] : memref<10240x128xf32, #tpu.memory_space<vmem_shared>> -> memref<64x128xf32, #tpu.memory_space<vmem_shared>>
    %dma_wait3A_598 = arith.constant 0 : i32
    %dma_wait3A_599 = tpu.memref_slice %arg18[%multiple_of3A_591, %dma_wait3A_598] : memref<10240x128xf32, #tpu.memory_space<vmem_shared>> -> memref<64x128xf32, #tpu.memory_space<vmem_shared>>
    tpu.wait_dma2 semaphore(%arg20 : memref<!tpu.dma_semaphore, #tpu.memory_space<semaphore_mem>>) src(%dma_wait3A_599 : memref<64x128xf32, #tpu.memory_space<vmem_shared>>) dst(%arg14 : memref<64x128xf32, #tpu.memory_space<vmem>>)
    %add3A_600 = arith.constant 448 : i32
    %add3A_601 = arith.addi %add3A_420, %add3A_600 : i32
    %multiple_of3A_602 = tpu.assume_multiple %add3A_601, 8 : i32
    %dma_start3A_603 = arith.constant 0 : i32
    %dma_start3A_604 = tpu.memref_slice %arg6[%multiple_of3A_602, %dma_start3A_603] : memref<20480x128xf32, #tpu.memory_space<hbm>> -> memref<64x128xf32, #tpu.memory_space<hbm>>
    %dma_start3A_605 = arith.constant 0 : i32
    %dma_start3A_606 = tpu.memref_slice %arg6[%multiple_of3A_602, %dma_start3A_605] : memref<20480x128xf32, #tpu.memory_space<hbm>> -> memref<64x128xf32, #tpu.memory_space<hbm>>
    tpu.enqueue_dma source(%arg14 : memref<64x128xf32, #tpu.memory_space<vmem>>) target(%dma_start3A_606 : memref<64x128xf32, #tpu.memory_space<hbm>>) target_semaphore(%arg24 : memref<!tpu.dma_semaphore, #tpu.memory_space<semaphore_mem>>)
    %add3A_607 = arith.constant 384 : i32
    %add3A_608 = arith.addi %add3A_420, %add3A_607 : i32
    %multiple_of3A_609 = tpu.assume_multiple %add3A_608, 8 : i32
    %dma_wait3A_610 = arith.constant 0 : i32
    %dma_wait3A_611 = tpu.memref_slice %arg6[%multiple_of3A_609, %dma_wait3A_610] : memref<20480x128xf32, #tpu.memory_space<hbm>> -> memref<64x128xf32, #tpu.memory_space<hbm>>
    %dma_wait3A_612 = arith.constant 0 : i32
    %dma_wait3A_613 = tpu.memref_slice %arg6[%multiple_of3A_609, %dma_wait3A_612] : memref<20480x128xf32, #tpu.memory_space<hbm>> -> memref<64x128xf32, #tpu.memory_space<hbm>>
    tpu.wait_dma2 semaphore(%arg23 : memref<!tpu.dma_semaphore, #tpu.memory_space<semaphore_mem>>) src(%arg13 : memref<64x128xf32, #tpu.memory_space<vmem>>) dst(%dma_wait3A_613 : memref<64x128xf32, #tpu.memory_space<hbm>>)
    %add3A_614 = arith.constant 512 : i32
    %add3A_615 = arith.addi %mul3A_4, %add3A_614 : i32
    %multiple_of3A_616 = tpu.assume_multiple %add3A_615, 8 : i32
    %dma_start3A_617 = arith.constant 0 : i32
    %dma_start3A_618 = tpu.memref_slice %arg18[%multiple_of3A_616, %dma_start3A_617] : memref<10240x128xf32, #tpu.memory_space<vmem_shared>> -> memref<64x128xf32, #tpu.memory_space<vmem_shared>>
    %dma_start3A_619 = arith.constant 0 : i32
    %dma_start3A_620 = tpu.memref_slice %arg18[%multiple_of3A_616, %dma_start3A_619] : memref<10240x128xf32, #tpu.memory_space<vmem_shared>> -> memref<64x128xf32, #tpu.memory_space<vmem_shared>>
    tpu.enqueue_dma source(%dma_start3A_620 : memref<64x128xf32, #tpu.memory_space<vmem_shared>>) target(%arg13 : memref<64x128xf32, #tpu.memory_space<vmem>>) target_semaphore(%arg19 : memref<!tpu.dma_semaphore, #tpu.memory_space<semaphore_mem>>)
    %dma_wait3A_621 = arith.constant 0 : i32
    %dma_wait3A_622 = tpu.memref_slice %arg18[%multiple_of3A_616, %dma_wait3A_621] : memref<10240x128xf32, #tpu.memory_space<vmem_shared>> -> memref<64x128xf32, #tpu.memory_space<vmem_shared>>
    %dma_wait3A_623 = arith.constant 0 : i32
    %dma_wait3A_624 = tpu.memref_slice %arg18[%multiple_of3A_616, %dma_wait3A_623] : memref<10240x128xf32, #tpu.memory_space<vmem_shared>> -> memref<64x128xf32, #tpu.memory_space<vmem_shared>>
    tpu.wait_dma2 semaphore(%arg19 : memref<!tpu.dma_semaphore, #tpu.memory_space<semaphore_mem>>) src(%dma_wait3A_624 : memref<64x128xf32, #tpu.memory_space<vmem_shared>>) dst(%arg13 : memref<64x128xf32, #tpu.memory_space<vmem>>)
    %add3A_625 = arith.constant 512 : i32
    %add3A_626 = arith.addi %add3A_420, %add3A_625 : i32
    %multiple_of3A_627 = tpu.assume_multiple %add3A_626, 8 : i32
    %dma_start3A_628 = arith.constant 0 : i32
    %dma_start3A_629 = tpu.memref_slice %arg6[%multiple_of3A_627, %dma_start3A_628] : memref<20480x128xf32, #tpu.memory_space<hbm>> -> memref<64x128xf32, #tpu.memory_space<hbm>>
    %dma_start3A_630 = arith.constant 0 : i32
    %dma_start3A_631 = tpu.memref_slice %arg6[%multiple_of3A_627, %dma_start3A_630] : memref<20480x128xf32, #tpu.memory_space<hbm>> -> memref<64x128xf32, #tpu.memory_space<hbm>>
    tpu.enqueue_dma source(%arg13 : memref<64x128xf32, #tpu.memory_space<vmem>>) target(%dma_start3A_631 : memref<64x128xf32, #tpu.memory_space<hbm>>) target_semaphore(%arg23 : memref<!tpu.dma_semaphore, #tpu.memory_space<semaphore_mem>>)
    %add3A_632 = arith.constant 448 : i32
    %add3A_633 = arith.addi %add3A_420, %add3A_632 : i32
    %multiple_of3A_634 = tpu.assume_multiple %add3A_633, 8 : i32
    %dma_wait3A_635 = arith.constant 0 : i32
    %dma_wait3A_636 = tpu.memref_slice %arg6[%multiple_of3A_634, %dma_wait3A_635] : memref<20480x128xf32, #tpu.memory_space<hbm>> -> memref<64x128xf32, #tpu.memory_space<hbm>>
    %dma_wait3A_637 = arith.constant 0 : i32
    %dma_wait3A_638 = tpu.memref_slice %arg6[%multiple_of3A_634, %dma_wait3A_637] : memref<20480x128xf32, #tpu.memory_space<hbm>> -> memref<64x128xf32, #tpu.memory_space<hbm>>
    tpu.wait_dma2 semaphore(%arg24 : memref<!tpu.dma_semaphore, #tpu.memory_space<semaphore_mem>>) src(%arg14 : memref<64x128xf32, #tpu.memory_space<vmem>>) dst(%dma_wait3A_638 : memref<64x128xf32, #tpu.memory_space<hbm>>)
    %add3A_639 = arith.constant 576 : i32
    %add3A_640 = arith.addi %mul3A_4, %add3A_639 : i32
    %multiple_of3A_641 = tpu.assume_multiple %add3A_640, 8 : i32
    %dma_start3A_642 = arith.constant 0 : i32
    %dma_start3A_643 = tpu.memref_slice %arg18[%multiple_of3A_641, %dma_start3A_642] : memref<10240x128xf32, #tpu.memory_space<vmem_shared>> -> memref<64x128xf32, #tpu.memory_space<vmem_shared>>
    %dma_start3A_644 = arith.constant 0 : i32
    %dma_start3A_645 = tpu.memref_slice %arg18[%multiple_of3A_641, %dma_start3A_644] : memref<10240x128xf32, #tpu.memory_space<vmem_shared>> -> memref<64x128xf32, #tpu.memory_space<vmem_shared>>
    tpu.enqueue_dma source(%dma_start3A_645 : memref<64x128xf32, #tpu.memory_space<vmem_shared>>) target(%arg14 : memref<64x128xf32, #tpu.memory_space<vmem>>) target_semaphore(%arg20 : memref<!tpu.dma_semaphore, #tpu.memory_space<semaphore_mem>>)
    %dma_wait3A_646 = arith.constant 0 : i32
    %dma_wait3A_647 = tpu.memref_slice %arg18[%multiple_of3A_641, %dma_wait3A_646] : memref<10240x128xf32, #tpu.memory_space<vmem_shared>> -> memref<64x128xf32, #tpu.memory_space<vmem_shared>>
    %dma_wait3A_648 = arith.constant 0 : i32
    %dma_wait3A_649 = tpu.memref_slice %arg18[%multiple_of3A_641, %dma_wait3A_648] : memref<10240x128xf32, #tpu.memory_space<vmem_shared>> -> memref<64x128xf32, #tpu.memory_space<vmem_shared>>
    tpu.wait_dma2 semaphore(%arg20 : memref<!tpu.dma_semaphore, #tpu.memory_space<semaphore_mem>>) src(%dma_wait3A_649 : memref<64x128xf32, #tpu.memory_space<vmem_shared>>) dst(%arg14 : memref<64x128xf32, #tpu.memory_space<vmem>>)
    %add3A_650 = arith.constant 576 : i32
    %add3A_651 = arith.addi %add3A_420, %add3A_650 : i32
    %multiple_of3A_652 = tpu.assume_multiple %add3A_651, 8 : i32
    %dma_start3A_653 = arith.constant 0 : i32
    %dma_start3A_654 = tpu.memref_slice %arg6[%multiple_of3A_652, %dma_start3A_653] : memref<20480x128xf32, #tpu.memory_space<hbm>> -> memref<64x128xf32, #tpu.memory_space<hbm>>
    %dma_start3A_655 = arith.constant 0 : i32
    %dma_start3A_656 = tpu.memref_slice %arg6[%multiple_of3A_652, %dma_start3A_655] : memref<20480x128xf32, #tpu.memory_space<hbm>> -> memref<64x128xf32, #tpu.memory_space<hbm>>
    tpu.enqueue_dma source(%arg14 : memref<64x128xf32, #tpu.memory_space<vmem>>) target(%dma_start3A_656 : memref<64x128xf32, #tpu.memory_space<hbm>>) target_semaphore(%arg24 : memref<!tpu.dma_semaphore, #tpu.memory_space<semaphore_mem>>)
    %add3A_657 = arith.constant 512 : i32
    %add3A_658 = arith.addi %add3A_420, %add3A_657 : i32
    %multiple_of3A_659 = tpu.assume_multiple %add3A_658, 8 : i32
    %dma_wait3A_660 = arith.constant 0 : i32
    %dma_wait3A_661 = tpu.memref_slice %arg6[%multiple_of3A_659, %dma_wait3A_660] : memref<20480x128xf32, #tpu.memory_space<hbm>> -> memref<64x128xf32, #tpu.memory_space<hbm>>
    %dma_wait3A_662 = arith.constant 0 : i32
    %dma_wait3A_663 = tpu.memref_slice %arg6[%multiple_of3A_659, %dma_wait3A_662] : memref<20480x128xf32, #tpu.memory_space<hbm>> -> memref<64x128xf32, #tpu.memory_space<hbm>>
    tpu.wait_dma2 semaphore(%arg23 : memref<!tpu.dma_semaphore, #tpu.memory_space<semaphore_mem>>) src(%arg13 : memref<64x128xf32, #tpu.memory_space<vmem>>) dst(%dma_wait3A_663 : memref<64x128xf32, #tpu.memory_space<hbm>>)
    %add3A_664 = arith.constant 576 : i32
    %add3A_665 = arith.addi %add3A_420, %add3A_664 : i32
    %multiple_of3A_666 = tpu.assume_multiple %add3A_665, 8 : i32
    %dma_wait3A_667 = arith.constant 0 : i32
    %dma_wait3A_668 = tpu.memref_slice %arg6[%multiple_of3A_666, %dma_wait3A_667] : memref<20480x128xf32, #tpu.memory_space<hbm>> -> memref<64x128xf32, #tpu.memory_space<hbm>>
    %dma_wait3A_669 = arith.constant 0 : i32
    %dma_wait3A_670 = tpu.memref_slice %arg6[%multiple_of3A_666, %dma_wait3A_669] : memref<20480x128xf32, #tpu.memory_space<hbm>> -> memref<64x128xf32, #tpu.memory_space<hbm>>
    tpu.wait_dma2 semaphore(%arg24 : memref<!tpu.dma_semaphore, #tpu.memory_space<semaphore_mem>>) src(%arg14 : memref<64x128xf32, #tpu.memory_space<vmem>>) dst(%dma_wait3A_670 : memref<64x128xf32, #tpu.memory_space<hbm>>)
    return
  }
}

module attributes {stable_mosaic.version = 14 : i64} {
  func.func @_prep_body(%arg0: memref<2500x128xi32, #tpu.memory_space<vmem>>, %arg1: memref<2500x128xi32, #tpu.memory_space<vmem>>, %arg2: memref<2500x128xi32, #tpu.memory_space<vmem>>) attributes {dimension_semantics = [], scalar_prefetch = 0 : i64, scratch_operands = 0 : i64, tpu.core_type = #tpu.core_type<tc>} {
    %get3A = arith.constant 0 : index
    %get3A_0 = arith.constant 0 : index
    %get3A_1 = vector.load %arg1[%get3A, %get3A_0] : memref<2500x128xi32, #tpu.memory_space<vmem>>, vector<2500x128xi32>
    %mul3A = arith.constant 10000 : i32
    %mul3A_2 = vector.broadcast %mul3A : i32 to vector<2500x128xi32>
    %mul3A_3 = arith.muli %get3A_1, %mul3A_2 : vector<2500x128xi32>
    %get3A_4 = arith.constant 0 : index
    %get3A_5 = arith.constant 0 : index
    %get3A_6 = vector.load %arg0[%get3A_4, %get3A_5] : memref<2500x128xi32, #tpu.memory_space<vmem>>, vector<2500x128xi32>
    %add3A = arith.addi %mul3A_3, %get3A_6 : vector<2500x128xi32>
    %swap3A = arith.constant 0 : index
    %swap3A_7 = arith.constant 0 : index
    %swap3A_8 = vector.load %arg2[%swap3A, %swap3A_7] : memref<2500x128xi32, #tpu.memory_space<vmem>>, vector<2500x128xi32>
    tpu.vector_store %arg2[%swap3A, %swap3A_7], %add3A {strides = array<i32>} : memref<2500x128xi32, #tpu.memory_space<vmem>>, vector<2500x128xi32>,
    return
  }
}

module attributes {stable_mosaic.version = 14 : i64} {
  func.func @_dense_body(%arg0: i32, %arg1: memref<400x128xf32, #tpu.memory_space<vmem>>, %arg2: memref<128x3456xbf16, #tpu.memory_space<vmem>>, %arg3: memref<27x400x128xf32, #tpu.memory_space<vmem>>) attributes {dimension_semantics = [#tpu.dimension_semantics<arbitrary>], iteration_bounds = array<i64: 25>, scalar_prefetch = 0 : i64, scratch_operands = 0 : i64, tpu.core_type = #tpu.core_type<tc>, window_params = [{transform_indices = @transform_0, window_bounds = array<i64: 400, 128>}, {pipeline_mode = #tpu.pipeline_mode<synchronous>, transform_indices = @transform_1, window_bounds = array<i64: 128, 3456>}, {transform_indices = @transform_2, window_bounds = array<i64: 27, 400, 128>}]} {
    %get3A = arith.constant 0 : index
    %get3A_0 = arith.constant 0 : index
    %get3A_1 = vector.load %arg1[%get3A, %get3A_0] : memref<400x128xf32, #tpu.memory_space<vmem>>, vector<400x128xf32>
    %convert_element_type3A = arith.truncf %get3A_1 : vector<400x128xf32> to vector<400x128xbf16>
    %get3A_2 = arith.constant 0 : index
    %get3A_3 = arith.constant 0 : index
    %get3A_4 = vector.load %arg2[%get3A_2, %get3A_3] : memref<128x3456xbf16, #tpu.memory_space<vmem>>, vector<128x3456xbf16>
    %dot_general3A = arith.constant dense<0.000000e+00> : vector<400x3456xf32>
    %dot_general3A_5 = tpu.matmul %convert_element_type3A, %get3A_4, %dot_general3A {dimension_numbers = #tpu.dot_dimension_numbers<[1], [0], [0], [1], [0, 0, 1, 1], [], []>, transpose_lhs_hint = false} : vector<400x128xbf16>, vector<128x3456xbf16>, vector<400x3456xf32> -> vector<400x3456xf32>
    %slice3A = vector.extract_strided_slice %dot_general3A_5 {offsets = [0, 0], sizes = [400, 128], strides = [1, 1]} : vector<400x3456xf32> to vector<400x128xf32>
    %swap3A = arith.constant 0 : index
    %swap3A_6 = arith.constant 0 : index
    %swap3A_7 = arith.constant 0 : index
    %swap3A_8 = vector.load %arg3[%swap3A, %swap3A_6, %swap3A_7] : memref<27x400x128xf32, #tpu.memory_space<vmem>>, vector<1x400x128xf32>
    %swap3A_9 = vector.shape_cast %swap3A_8 : vector<1x400x128xf32> to vector<400x128xf32>
    %swap3A_10 = vector.shape_cast %slice3A : vector<400x128xf32> to vector<1x400x128xf32>
    tpu.vector_store %arg3[%swap3A, %swap3A_6, %swap3A_7], %swap3A_10 {strides = array<i32>} : memref<27x400x128xf32, #tpu.memory_space<vmem>>, vector<1x400x128xf32>,
    %slice3A_11 = vector.extract_strided_slice %dot_general3A_5 {offsets = [0, 128], sizes = [400, 128], strides = [1, 1]} : vector<400x3456xf32> to vector<400x128xf32>
    %swap3A_12 = arith.constant 1 : index
    %swap3A_13 = arith.constant 0 : index
    %swap3A_14 = arith.constant 0 : index
    %swap3A_15 = vector.load %arg3[%swap3A_12, %swap3A_13, %swap3A_14] : memref<27x400x128xf32, #tpu.memory_space<vmem>>, vector<1x400x128xf32>
    %swap3A_16 = vector.shape_cast %swap3A_15 : vector<1x400x128xf32> to vector<400x128xf32>
    %swap3A_17 = vector.shape_cast %slice3A_11 : vector<400x128xf32> to vector<1x400x128xf32>
    tpu.vector_store %arg3[%swap3A_12, %swap3A_13, %swap3A_14], %swap3A_17 {strides = array<i32>} : memref<27x400x128xf32, #tpu.memory_space<vmem>>, vector<1x400x128xf32>,
    %slice3A_18 = vector.extract_strided_slice %dot_general3A_5 {offsets = [0, 256], sizes = [400, 128], strides = [1, 1]} : vector<400x3456xf32> to vector<400x128xf32>
    %swap3A_19 = arith.constant 2 : index
    %swap3A_20 = arith.constant 0 : index
    %swap3A_21 = arith.constant 0 : index
    %swap3A_22 = vector.load %arg3[%swap3A_19, %swap3A_20, %swap3A_21] : memref<27x400x128xf32, #tpu.memory_space<vmem>>, vector<1x400x128xf32>
    %swap3A_23 = vector.shape_cast %swap3A_22 : vector<1x400x128xf32> to vector<400x128xf32>
    %swap3A_24 = vector.shape_cast %slice3A_18 : vector<400x128xf32> to vector<1x400x128xf32>
    tpu.vector_store %arg3[%swap3A_19, %swap3A_20, %swap3A_21], %swap3A_24 {strides = array<i32>} : memref<27x400x128xf32, #tpu.memory_space<vmem>>, vector<1x400x128xf32>,
    %slice3A_25 = vector.extract_strided_slice %dot_general3A_5 {offsets = [0, 384], sizes = [400, 128], strides = [1, 1]} : vector<400x3456xf32> to vector<400x128xf32>
    %swap3A_26 = arith.constant 3 : index
    %swap3A_27 = arith.constant 0 : index
    %swap3A_28 = arith.constant 0 : index
    %swap3A_29 = vector.load %arg3[%swap3A_26, %swap3A_27, %swap3A_28] : memref<27x400x128xf32, #tpu.memory_space<vmem>>, vector<1x400x128xf32>
    %swap3A_30 = vector.shape_cast %swap3A_29 : vector<1x400x128xf32> to vector<400x128xf32>
    %swap3A_31 = vector.shape_cast %slice3A_25 : vector<400x128xf32> to vector<1x400x128xf32>
    tpu.vector_store %arg3[%swap3A_26, %swap3A_27, %swap3A_28], %swap3A_31 {strides = array<i32>} : memref<27x400x128xf32, #tpu.memory_space<vmem>>, vector<1x400x128xf32>,
    %slice3A_32 = vector.extract_strided_slice %dot_general3A_5 {offsets = [0, 512], sizes = [400, 128], strides = [1, 1]} : vector<400x3456xf32> to vector<400x128xf32>
    %swap3A_33 = arith.constant 4 : index
    %swap3A_34 = arith.constant 0 : index
    %swap3A_35 = arith.constant 0 : index
    %swap3A_36 = vector.load %arg3[%swap3A_33, %swap3A_34, %swap3A_35] : memref<27x400x128xf32, #tpu.memory_space<vmem>>, vector<1x400x128xf32>
    %swap3A_37 = vector.shape_cast %swap3A_36 : vector<1x400x128xf32> to vector<400x128xf32>
    %swap3A_38 = vector.shape_cast %slice3A_32 : vector<400x128xf32> to vector<1x400x128xf32>
    tpu.vector_store %arg3[%swap3A_33, %swap3A_34, %swap3A_35], %swap3A_38 {strides = array<i32>} : memref<27x400x128xf32, #tpu.memory_space<vmem>>, vector<1x400x128xf32>,
    %slice3A_39 = vector.extract_strided_slice %dot_general3A_5 {offsets = [0, 640], sizes = [400, 128], strides = [1, 1]} : vector<400x3456xf32> to vector<400x128xf32>
    %swap3A_40 = arith.constant 5 : index
    %swap3A_41 = arith.constant 0 : index
    %swap3A_42 = arith.constant 0 : index
    %swap3A_43 = vector.load %arg3[%swap3A_40, %swap3A_41, %swap3A_42] : memref<27x400x128xf32, #tpu.memory_space<vmem>>, vector<1x400x128xf32>
    %swap3A_44 = vector.shape_cast %swap3A_43 : vector<1x400x128xf32> to vector<400x128xf32>
    %swap3A_45 = vector.shape_cast %slice3A_39 : vector<400x128xf32> to vector<1x400x128xf32>
    tpu.vector_store %arg3[%swap3A_40, %swap3A_41, %swap3A_42], %swap3A_45 {strides = array<i32>} : memref<27x400x128xf32, #tpu.memory_space<vmem>>, vector<1x400x128xf32>,
    %slice3A_46 = vector.extract_strided_slice %dot_general3A_5 {offsets = [0, 768], sizes = [400, 128], strides = [1, 1]} : vector<400x3456xf32> to vector<400x128xf32>
    %swap3A_47 = arith.constant 6 : index
    %swap3A_48 = arith.constant 0 : index
    %swap3A_49 = arith.constant 0 : index
    %swap3A_50 = vector.load %arg3[%swap3A_47, %swap3A_48, %swap3A_49] : memref<27x400x128xf32, #tpu.memory_space<vmem>>, vector<1x400x128xf32>
    %swap3A_51 = vector.shape_cast %swap3A_50 : vector<1x400x128xf32> to vector<400x128xf32>
    %swap3A_52 = vector.shape_cast %slice3A_46 : vector<400x128xf32> to vector<1x400x128xf32>
    tpu.vector_store %arg3[%swap3A_47, %swap3A_48, %swap3A_49], %swap3A_52 {strides = array<i32>} : memref<27x400x128xf32, #tpu.memory_space<vmem>>, vector<1x400x128xf32>,
    %slice3A_53 = vector.extract_strided_slice %dot_general3A_5 {offsets = [0, 896], sizes = [400, 128], strides = [1, 1]} : vector<400x3456xf32> to vector<400x128xf32>
    %swap3A_54 = arith.constant 7 : index
    %swap3A_55 = arith.constant 0 : index
    %swap3A_56 = arith.constant 0 : index
    %swap3A_57 = vector.load %arg3[%swap3A_54, %swap3A_55, %swap3A_56] : memref<27x400x128xf32, #tpu.memory_space<vmem>>, vector<1x400x128xf32>
    %swap3A_58 = vector.shape_cast %swap3A_57 : vector<1x400x128xf32> to vector<400x128xf32>
    %swap3A_59 = vector.shape_cast %slice3A_53 : vector<400x128xf32> to vector<1x400x128xf32>
    tpu.vector_store %arg3[%swap3A_54, %swap3A_55, %swap3A_56], %swap3A_59 {strides = array<i32>} : memref<27x400x128xf32, #tpu.memory_space<vmem>>, vector<1x400x128xf32>,
    %slice3A_60 = vector.extract_strided_slice %dot_general3A_5 {offsets = [0, 1024], sizes = [400, 128], strides = [1, 1]} : vector<400x3456xf32> to vector<400x128xf32>
    %swap3A_61 = arith.constant 8 : index
    %swap3A_62 = arith.constant 0 : index
    %swap3A_63 = arith.constant 0 : index
    %swap3A_64 = vector.load %arg3[%swap3A_61, %swap3A_62, %swap3A_63] : memref<27x400x128xf32, #tpu.memory_space<vmem>>, vector<1x400x128xf32>
    %swap3A_65 = vector.shape_cast %swap3A_64 : vector<1x400x128xf32> to vector<400x128xf32>
    %swap3A_66 = vector.shape_cast %slice3A_60 : vector<400x128xf32> to vector<1x400x128xf32>
    tpu.vector_store %arg3[%swap3A_61, %swap3A_62, %swap3A_63], %swap3A_66 {strides = array<i32>} : memref<27x400x128xf32, #tpu.memory_space<vmem>>, vector<1x400x128xf32>,
    %slice3A_67 = vector.extract_strided_slice %dot_general3A_5 {offsets = [0, 1152], sizes = [400, 128], strides = [1, 1]} : vector<400x3456xf32> to vector<400x128xf32>
    %swap3A_68 = arith.constant 9 : index
    %swap3A_69 = arith.constant 0 : index
    %swap3A_70 = arith.constant 0 : index
    %swap3A_71 = vector.load %arg3[%swap3A_68, %swap3A_69, %swap3A_70] : memref<27x400x128xf32, #tpu.memory_space<vmem>>, vector<1x400x128xf32>
    %swap3A_72 = vector.shape_cast %swap3A_71 : vector<1x400x128xf32> to vector<400x128xf32>
    %swap3A_73 = vector.shape_cast %slice3A_67 : vector<400x128xf32> to vector<1x400x128xf32>
    tpu.vector_store %arg3[%swap3A_68, %swap3A_69, %swap3A_70], %swap3A_73 {strides = array<i32>} : memref<27x400x128xf32, #tpu.memory_space<vmem>>, vector<1x400x128xf32>,
    %slice3A_74 = vector.extract_strided_slice %dot_general3A_5 {offsets = [0, 1280], sizes = [400, 128], strides = [1, 1]} : vector<400x3456xf32> to vector<400x128xf32>
    %swap3A_75 = arith.constant 10 : index
    %swap3A_76 = arith.constant 0 : index
    %swap3A_77 = arith.constant 0 : index
    %swap3A_78 = vector.load %arg3[%swap3A_75, %swap3A_76, %swap3A_77] : memref<27x400x128xf32, #tpu.memory_space<vmem>>, vector<1x400x128xf32>
    %swap3A_79 = vector.shape_cast %swap3A_78 : vector<1x400x128xf32> to vector<400x128xf32>
    %swap3A_80 = vector.shape_cast %slice3A_74 : vector<400x128xf32> to vector<1x400x128xf32>
    tpu.vector_store %arg3[%swap3A_75, %swap3A_76, %swap3A_77], %swap3A_80 {strides = array<i32>} : memref<27x400x128xf32, #tpu.memory_space<vmem>>, vector<1x400x128xf32>,
    %slice3A_81 = vector.extract_strided_slice %dot_general3A_5 {offsets = [0, 1408], sizes = [400, 128], strides = [1, 1]} : vector<400x3456xf32> to vector<400x128xf32>
    %swap3A_82 = arith.constant 11 : index
    %swap3A_83 = arith.constant 0 : index
    %swap3A_84 = arith.constant 0 : index
    %swap3A_85 = vector.load %arg3[%swap3A_82, %swap3A_83, %swap3A_84] : memref<27x400x128xf32, #tpu.memory_space<vmem>>, vector<1x400x128xf32>
    %swap3A_86 = vector.shape_cast %swap3A_85 : vector<1x400x128xf32> to vector<400x128xf32>
    %swap3A_87 = vector.shape_cast %slice3A_81 : vector<400x128xf32> to vector<1x400x128xf32>
    tpu.vector_store %arg3[%swap3A_82, %swap3A_83, %swap3A_84], %swap3A_87 {strides = array<i32>} : memref<27x400x128xf32, #tpu.memory_space<vmem>>, vector<1x400x128xf32>,
    %slice3A_88 = vector.extract_strided_slice %dot_general3A_5 {offsets = [0, 1536], sizes = [400, 128], strides = [1, 1]} : vector<400x3456xf32> to vector<400x128xf32>
    %swap3A_89 = arith.constant 12 : index
    %swap3A_90 = arith.constant 0 : index
    %swap3A_91 = arith.constant 0 : index
    %swap3A_92 = vector.load %arg3[%swap3A_89, %swap3A_90, %swap3A_91] : memref<27x400x128xf32, #tpu.memory_space<vmem>>, vector<1x400x128xf32>
    %swap3A_93 = vector.shape_cast %swap3A_92 : vector<1x400x128xf32> to vector<400x128xf32>
    %swap3A_94 = vector.shape_cast %slice3A_88 : vector<400x128xf32> to vector<1x400x128xf32>
    tpu.vector_store %arg3[%swap3A_89, %swap3A_90, %swap3A_91], %swap3A_94 {strides = array<i32>} : memref<27x400x128xf32, #tpu.memory_space<vmem>>, vector<1x400x128xf32>,
    %slice3A_95 = vector.extract_strided_slice %dot_general3A_5 {offsets = [0, 1664], sizes = [400, 128], strides = [1, 1]} : vector<400x3456xf32> to vector<400x128xf32>
    %swap3A_96 = arith.constant 13 : index
    %swap3A_97 = arith.constant 0 : index
    %swap3A_98 = arith.constant 0 : index
    %swap3A_99 = vector.load %arg3[%swap3A_96, %swap3A_97, %swap3A_98] : memref<27x400x128xf32, #tpu.memory_space<vmem>>, vector<1x400x128xf32>
    %swap3A_100 = vector.shape_cast %swap3A_99 : vector<1x400x128xf32> to vector<400x128xf32>
    %swap3A_101 = vector.shape_cast %slice3A_95 : vector<400x128xf32> to vector<1x400x128xf32>
    tpu.vector_store %arg3[%swap3A_96, %swap3A_97, %swap3A_98], %swap3A_101 {strides = array<i32>} : memref<27x400x128xf32, #tpu.memory_space<vmem>>, vector<1x400x128xf32>,
    %slice3A_102 = vector.extract_strided_slice %dot_general3A_5 {offsets = [0, 1792], sizes = [400, 128], strides = [1, 1]} : vector<400x3456xf32> to vector<400x128xf32>
    %swap3A_103 = arith.constant 14 : index
    %swap3A_104 = arith.constant 0 : index
    %swap3A_105 = arith.constant 0 : index
    %swap3A_106 = vector.load %arg3[%swap3A_103, %swap3A_104, %swap3A_105] : memref<27x400x128xf32, #tpu.memory_space<vmem>>, vector<1x400x128xf32>
    %swap3A_107 = vector.shape_cast %swap3A_106 : vector<1x400x128xf32> to vector<400x128xf32>
    %swap3A_108 = vector.shape_cast %slice3A_102 : vector<400x128xf32> to vector<1x400x128xf32>
    tpu.vector_store %arg3[%swap3A_103, %swap3A_104, %swap3A_105], %swap3A_108 {strides = array<i32>} : memref<27x400x128xf32, #tpu.memory_space<vmem>>, vector<1x400x128xf32>,
    %slice3A_109 = vector.extract_strided_slice %dot_general3A_5 {offsets = [0, 1920], sizes = [400, 128], strides = [1, 1]} : vector<400x3456xf32> to vector<400x128xf32>
    %swap3A_110 = arith.constant 15 : index
    %swap3A_111 = arith.constant 0 : index
    %swap3A_112 = arith.constant 0 : index
    %swap3A_113 = vector.load %arg3[%swap3A_110, %swap3A_111, %swap3A_112] : memref<27x400x128xf32, #tpu.memory_space<vmem>>, vector<1x400x128xf32>
    %swap3A_114 = vector.shape_cast %swap3A_113 : vector<1x400x128xf32> to vector<400x128xf32>
    %swap3A_115 = vector.shape_cast %slice3A_109 : vector<400x128xf32> to vector<1x400x128xf32>
    tpu.vector_store %arg3[%swap3A_110, %swap3A_111, %swap3A_112], %swap3A_115 {strides = array<i32>} : memref<27x400x128xf32, #tpu.memory_space<vmem>>, vector<1x400x128xf32>,
    %slice3A_116 = vector.extract_strided_slice %dot_general3A_5 {offsets = [0, 2048], sizes = [400, 128], strides = [1, 1]} : vector<400x3456xf32> to vector<400x128xf32>
    %swap3A_117 = arith.constant 16 : index
    %swap3A_118 = arith.constant 0 : index
    %swap3A_119 = arith.constant 0 : index
    %swap3A_120 = vector.load %arg3[%swap3A_117, %swap3A_118, %swap3A_119] : memref<27x400x128xf32, #tpu.memory_space<vmem>>, vector<1x400x128xf32>
    %swap3A_121 = vector.shape_cast %swap3A_120 : vector<1x400x128xf32> to vector<400x128xf32>
    %swap3A_122 = vector.shape_cast %slice3A_116 : vector<400x128xf32> to vector<1x400x128xf32>
    tpu.vector_store %arg3[%swap3A_117, %swap3A_118, %swap3A_119], %swap3A_122 {strides = array<i32>} : memref<27x400x128xf32, #tpu.memory_space<vmem>>, vector<1x400x128xf32>,
    %slice3A_123 = vector.extract_strided_slice %dot_general3A_5 {offsets = [0, 2176], sizes = [400, 128], strides = [1, 1]} : vector<400x3456xf32> to vector<400x128xf32>
    %swap3A_124 = arith.constant 17 : index
    %swap3A_125 = arith.constant 0 : index
    %swap3A_126 = arith.constant 0 : index
    %swap3A_127 = vector.load %arg3[%swap3A_124, %swap3A_125, %swap3A_126] : memref<27x400x128xf32, #tpu.memory_space<vmem>>, vector<1x400x128xf32>
    %swap3A_128 = vector.shape_cast %swap3A_127 : vector<1x400x128xf32> to vector<400x128xf32>
    %swap3A_129 = vector.shape_cast %slice3A_123 : vector<400x128xf32> to vector<1x400x128xf32>
    tpu.vector_store %arg3[%swap3A_124, %swap3A_125, %swap3A_126], %swap3A_129 {strides = array<i32>} : memref<27x400x128xf32, #tpu.memory_space<vmem>>, vector<1x400x128xf32>,
    %slice3A_130 = vector.extract_strided_slice %dot_general3A_5 {offsets = [0, 2304], sizes = [400, 128], strides = [1, 1]} : vector<400x3456xf32> to vector<400x128xf32>
    %swap3A_131 = arith.constant 18 : index
    %swap3A_132 = arith.constant 0 : index
    %swap3A_133 = arith.constant 0 : index
    %swap3A_134 = vector.load %arg3[%swap3A_131, %swap3A_132, %swap3A_133] : memref<27x400x128xf32, #tpu.memory_space<vmem>>, vector<1x400x128xf32>
    %swap3A_135 = vector.shape_cast %swap3A_134 : vector<1x400x128xf32> to vector<400x128xf32>
    %swap3A_136 = vector.shape_cast %slice3A_130 : vector<400x128xf32> to vector<1x400x128xf32>
    tpu.vector_store %arg3[%swap3A_131, %swap3A_132, %swap3A_133], %swap3A_136 {strides = array<i32>} : memref<27x400x128xf32, #tpu.memory_space<vmem>>, vector<1x400x128xf32>,
    %slice3A_137 = vector.extract_strided_slice %dot_general3A_5 {offsets = [0, 2432], sizes = [400, 128], strides = [1, 1]} : vector<400x3456xf32> to vector<400x128xf32>
    %swap3A_138 = arith.constant 19 : index
    %swap3A_139 = arith.constant 0 : index
    %swap3A_140 = arith.constant 0 : index
    %swap3A_141 = vector.load %arg3[%swap3A_138, %swap3A_139, %swap3A_140] : memref<27x400x128xf32, #tpu.memory_space<vmem>>, vector<1x400x128xf32>
    %swap3A_142 = vector.shape_cast %swap3A_141 : vector<1x400x128xf32> to vector<400x128xf32>
    %swap3A_143 = vector.shape_cast %slice3A_137 : vector<400x128xf32> to vector<1x400x128xf32>
    tpu.vector_store %arg3[%swap3A_138, %swap3A_139, %swap3A_140], %swap3A_143 {strides = array<i32>} : memref<27x400x128xf32, #tpu.memory_space<vmem>>, vector<1x400x128xf32>,
    %slice3A_144 = vector.extract_strided_slice %dot_general3A_5 {offsets = [0, 2560], sizes = [400, 128], strides = [1, 1]} : vector<400x3456xf32> to vector<400x128xf32>
    %swap3A_145 = arith.constant 20 : index
    %swap3A_146 = arith.constant 0 : index
    %swap3A_147 = arith.constant 0 : index
    %swap3A_148 = vector.load %arg3[%swap3A_145, %swap3A_146, %swap3A_147] : memref<27x400x128xf32, #tpu.memory_space<vmem>>, vector<1x400x128xf32>
    %swap3A_149 = vector.shape_cast %swap3A_148 : vector<1x400x128xf32> to vector<400x128xf32>
    %swap3A_150 = vector.shape_cast %slice3A_144 : vector<400x128xf32> to vector<1x400x128xf32>
    tpu.vector_store %arg3[%swap3A_145, %swap3A_146, %swap3A_147], %swap3A_150 {strides = array<i32>} : memref<27x400x128xf32, #tpu.memory_space<vmem>>, vector<1x400x128xf32>,
    %slice3A_151 = vector.extract_strided_slice %dot_general3A_5 {offsets = [0, 2688], sizes = [400, 128], strides = [1, 1]} : vector<400x3456xf32> to vector<400x128xf32>
    %swap3A_152 = arith.constant 21 : index
    %swap3A_153 = arith.constant 0 : index
    %swap3A_154 = arith.constant 0 : index
    %swap3A_155 = vector.load %arg3[%swap3A_152, %swap3A_153, %swap3A_154] : memref<27x400x128xf32, #tpu.memory_space<vmem>>, vector<1x400x128xf32>
    %swap3A_156 = vector.shape_cast %swap3A_155 : vector<1x400x128xf32> to vector<400x128xf32>
    %swap3A_157 = vector.shape_cast %slice3A_151 : vector<400x128xf32> to vector<1x400x128xf32>
    tpu.vector_store %arg3[%swap3A_152, %swap3A_153, %swap3A_154], %swap3A_157 {strides = array<i32>} : memref<27x400x128xf32, #tpu.memory_space<vmem>>, vector<1x400x128xf32>,
    %slice3A_158 = vector.extract_strided_slice %dot_general3A_5 {offsets = [0, 2816], sizes = [400, 128], strides = [1, 1]} : vector<400x3456xf32> to vector<400x128xf32>
    %swap3A_159 = arith.constant 22 : index
    %swap3A_160 = arith.constant 0 : index
    %swap3A_161 = arith.constant 0 : index
    %swap3A_162 = vector.load %arg3[%swap3A_159, %swap3A_160, %swap3A_161] : memref<27x400x128xf32, #tpu.memory_space<vmem>>, vector<1x400x128xf32>
    %swap3A_163 = vector.shape_cast %swap3A_162 : vector<1x400x128xf32> to vector<400x128xf32>
    %swap3A_164 = vector.shape_cast %slice3A_158 : vector<400x128xf32> to vector<1x400x128xf32>
    tpu.vector_store %arg3[%swap3A_159, %swap3A_160, %swap3A_161], %swap3A_164 {strides = array<i32>} : memref<27x400x128xf32, #tpu.memory_space<vmem>>, vector<1x400x128xf32>,
    %slice3A_165 = vector.extract_strided_slice %dot_general3A_5 {offsets = [0, 2944], sizes = [400, 128], strides = [1, 1]} : vector<400x3456xf32> to vector<400x128xf32>
    %swap3A_166 = arith.constant 23 : index
    %swap3A_167 = arith.constant 0 : index
    %swap3A_168 = arith.constant 0 : index
    %swap3A_169 = vector.load %arg3[%swap3A_166, %swap3A_167, %swap3A_168] : memref<27x400x128xf32, #tpu.memory_space<vmem>>, vector<1x400x128xf32>
    %swap3A_170 = vector.shape_cast %swap3A_169 : vector<1x400x128xf32> to vector<400x128xf32>
    %swap3A_171 = vector.shape_cast %slice3A_165 : vector<400x128xf32> to vector<1x400x128xf32>
    tpu.vector_store %arg3[%swap3A_166, %swap3A_167, %swap3A_168], %swap3A_171 {strides = array<i32>} : memref<27x400x128xf32, #tpu.memory_space<vmem>>, vector<1x400x128xf32>,
    %slice3A_172 = vector.extract_strided_slice %dot_general3A_5 {offsets = [0, 3072], sizes = [400, 128], strides = [1, 1]} : vector<400x3456xf32> to vector<400x128xf32>
    %swap3A_173 = arith.constant 24 : index
    %swap3A_174 = arith.constant 0 : index
    %swap3A_175 = arith.constant 0 : index
    %swap3A_176 = vector.load %arg3[%swap3A_173, %swap3A_174, %swap3A_175] : memref<27x400x128xf32, #tpu.memory_space<vmem>>, vector<1x400x128xf32>
    %swap3A_177 = vector.shape_cast %swap3A_176 : vector<1x400x128xf32> to vector<400x128xf32>
    %swap3A_178 = vector.shape_cast %slice3A_172 : vector<400x128xf32> to vector<1x400x128xf32>
    tpu.vector_store %arg3[%swap3A_173, %swap3A_174, %swap3A_175], %swap3A_178 {strides = array<i32>} : memref<27x400x128xf32, #tpu.memory_space<vmem>>, vector<1x400x128xf32>,
    %slice3A_179 = vector.extract_strided_slice %dot_general3A_5 {offsets = [0, 3200], sizes = [400, 128], strides = [1, 1]} : vector<400x3456xf32> to vector<400x128xf32>
    %swap3A_180 = arith.constant 25 : index
    %swap3A_181 = arith.constant 0 : index
    %swap3A_182 = arith.constant 0 : index
    %swap3A_183 = vector.load %arg3[%swap3A_180, %swap3A_181, %swap3A_182] : memref<27x400x128xf32, #tpu.memory_space<vmem>>, vector<1x400x128xf32>
    %swap3A_184 = vector.shape_cast %swap3A_183 : vector<1x400x128xf32> to vector<400x128xf32>
    %swap3A_185 = vector.shape_cast %slice3A_179 : vector<400x128xf32> to vector<1x400x128xf32>
    tpu.vector_store %arg3[%swap3A_180, %swap3A_181, %swap3A_182], %swap3A_185 {strides = array<i32>} : memref<27x400x128xf32, #tpu.memory_space<vmem>>, vector<1x400x128xf32>,
    %slice3A_186 = vector.extract_strided_slice %dot_general3A_5 {offsets = [0, 3328], sizes = [400, 128], strides = [1, 1]} : vector<400x3456xf32> to vector<400x128xf32>
    %swap3A_187 = arith.constant 26 : index
    %swap3A_188 = arith.constant 0 : index
    %swap3A_189 = arith.constant 0 : index
    %swap3A_190 = vector.load %arg3[%swap3A_187, %swap3A_188, %swap3A_189] : memref<27x400x128xf32, #tpu.memory_space<vmem>>, vector<1x400x128xf32>
    %swap3A_191 = vector.shape_cast %swap3A_190 : vector<1x400x128xf32> to vector<400x128xf32>
    %swap3A_192 = vector.shape_cast %slice3A_186 : vector<400x128xf32> to vector<1x400x128xf32>
    tpu.vector_store %arg3[%swap3A_187, %swap3A_188, %swap3A_189], %swap3A_192 {strides = array<i32>} : memref<27x400x128xf32, #tpu.memory_space<vmem>>, vector<1x400x128xf32>,
    return
  }
  func.func @transform_0(%arg0: i32) -> (i32, i32) {
    %c0_i32 = arith.constant 0 : i32
    %c0_i32_0 = arith.constant 0 : i32
    return %arg0, %c0_i32 : i32, i32
  }
  func.func @transform_1(%arg0: i32) -> (i32, i32) {
    %c0_i32 = arith.constant 0 : i32
    %c0_i32_0 = arith.constant 0 : i32
    %c0_i32_1 = arith.constant 0 : i32
    return %c0_i32, %c0_i32_0 : i32, i32
  }
  func.func @transform_2(%arg0: i32) -> (i32, i32, i32) {
    %c0_i32 = arith.constant 0 : i32
    %c0_i32_0 = arith.constant 0 : i32
    %c0_i32_1 = arith.constant 0 : i32
    return %c0_i32, %arg0, %c0_i32_0 : i32, i32, i32
  }
}

module attributes {stable_mosaic.version = 14 : i64} {
  func.func @_stats_body(%arg0: i32, %arg1: memref<2x400x128xf32, #tpu.memory_space<vmem>>, %arg2: memref<400x128xf32, #tpu.memory_space<vmem>>, %arg3: memref<1x128xf32, #tpu.memory_space<vmem>>, %arg4: memref<1x128xf32, #tpu.memory_space<vmem>>) attributes {dimension_semantics = [#tpu.dimension_semantics<arbitrary>], iteration_bounds = array<i64: 25>, scalar_prefetch = 0 : i64, scratch_operands = 0 : i64, tpu.core_type = #tpu.core_type<tc>, window_params = [{transform_indices = @transform_0, window_bounds = array<i64: 2, 400, 128>}, {transform_indices = @transform_1, window_bounds = array<i64: 400, 128>}, {pipeline_mode = #tpu.pipeline_mode<synchronous>, transform_indices = @transform_2, window_bounds = array<i64: 1, 128>}, {pipeline_mode = #tpu.pipeline_mode<synchronous>, transform_indices = @transform_3, window_bounds = array<i64: 1, 128>}]} {
    %get3A = arith.constant 0 : index
    %get3A_0 = arith.constant 0 : index
    %get3A_1 = arith.constant 0 : index
    %get3A_2 = vector.load %arg1[%get3A, %get3A_0, %get3A_1] : memref<2x400x128xf32, #tpu.memory_space<vmem>>, vector<1x400x128xf32>
    %get3A_3 = vector.shape_cast %get3A_2 : vector<1x400x128xf32> to vector<400x128xf32>
    %get3A_4 = arith.constant 1 : index
    %get3A_5 = arith.constant 0 : index
    %get3A_6 = arith.constant 0 : index
    %get3A_7 = vector.load %arg1[%get3A_4, %get3A_5, %get3A_6] : memref<2x400x128xf32, #tpu.memory_space<vmem>>, vector<1x400x128xf32>
    %get3A_8 = vector.shape_cast %get3A_7 : vector<1x400x128xf32> to vector<400x128xf32>
    %add3A = arith.addf %get3A_3, %get3A_8 : vector<400x128xf32>
    %swap3A = arith.constant 0 : index
    %swap3A_9 = arith.constant 0 : index
    %swap3A_10 = vector.load %arg2[%swap3A, %swap3A_9] : memref<400x128xf32, #tpu.memory_space<vmem>>, vector<400x128xf32>
    tpu.vector_store %arg2[%swap3A, %swap3A_9], %add3A {strides = array<i32>} : memref<400x128xf32, #tpu.memory_space<vmem>>, vector<400x128xf32>,
    %reduce_sum3A = arith.constant dense<0.000000e+00> : vector<128xf32>
    %reduce_sum3A_11 = vector.multi_reduction <add>, %add3A, %reduce_sum3A [0] : vector<400x128xf32> to vector<128xf32>
    %broadcast_in_dim3A = vector.shape_cast %reduce_sum3A_11 : vector<128xf32> to vector<1x128xf32>
    %mul3A = arith.mulf %add3A, %add3A : vector<400x128xf32>
    %reduce_sum3A_12 = arith.constant dense<0.000000e+00> : vector<128xf32>
    %reduce_sum3A_13 = vector.multi_reduction <add>, %mul3A, %reduce_sum3A_12 [0] : vector<400x128xf32> to vector<128xf32>
    %broadcast_in_dim3A_14 = vector.shape_cast %reduce_sum3A_13 : vector<128xf32> to vector<1x128xf32>
    %eq3A = arith.constant 0 : i32
    %eq3A_15 = arith.cmpi eq, %arg0, %eq3A : i32
    %convert_element_type3A = arith.extui %eq3A_15 : i1 to i32
    %cond3A = arith.constant 0 : i32
    %cond3A_16 = arith.cmpi ne, %convert_element_type3A, %cond3A : i32
    scf.if %cond3A_16 {
      %swap3A_21 = arith.constant 0 : index
      %swap3A_22 = arith.constant 0 : index
      %swap3A_23 = vector.load %arg3[%swap3A_21, %swap3A_22] : memref<1x128xf32, #tpu.memory_space<vmem>>, vector<1x128xf32>
      tpu.vector_store %arg3[%swap3A_21, %swap3A_22], %broadcast_in_dim3A {strides = array<i32>} : memref<1x128xf32, #tpu.memory_space<vmem>>, vector<1x128xf32>,
      %swap3A_24 = arith.constant 0 : index
      %swap3A_25 = arith.constant 0 : index
      %swap3A_26 = vector.load %arg4[%swap3A_24, %swap3A_25] : memref<1x128xf32, #tpu.memory_space<vmem>>, vector<1x128xf32>
      tpu.vector_store %arg4[%swap3A_24, %swap3A_25], %broadcast_in_dim3A_14 {strides = array<i32>} : memref<1x128xf32, #tpu.memory_space<vmem>>, vector<1x128xf32>,
    } else {
    }
    %gt3A = arith.constant 0 : i32
    %gt3A_17 = arith.cmpi sgt, %arg0, %gt3A : i32
    %convert_element_type3A_18 = arith.extui %gt3A_17 : i1 to i32
    %cond3A_19 = arith.constant 0 : i32
    %cond3A_20 = arith.cmpi ne, %convert_element_type3A_18, %cond3A_19 : i32
    scf.if %cond3A_20 {
      %get3A_21 = arith.constant 0 : index
      %get3A_22 = arith.constant 0 : index
      %get3A_23 = vector.load %arg3[%get3A_21, %get3A_22] : memref<1x128xf32, #tpu.memory_space<vmem>>, vector<1x128xf32>
      %add3A_24 = arith.addf %get3A_23, %broadcast_in_dim3A : vector<1x128xf32>
      %swap3A_25 = arith.constant 0 : index
      %swap3A_26 = arith.constant 0 : index
      %swap3A_27 = vector.load %arg3[%swap3A_25, %swap3A_26] : memref<1x128xf32, #tpu.memory_space<vmem>>, vector<1x128xf32>
      tpu.vector_store %arg3[%swap3A_25, %swap3A_26], %add3A_24 {strides = array<i32>} : memref<1x128xf32, #tpu.memory_space<vmem>>, vector<1x128xf32>,
      %get3A_28 = arith.constant 0 : index
      %get3A_29 = arith.constant 0 : index
      %get3A_30 = vector.load %arg4[%get3A_28, %get3A_29] : memref<1x128xf32, #tpu.memory_space<vmem>>, vector<1x128xf32>
      %add3A_31 = arith.addf %get3A_30, %broadcast_in_dim3A_14 : vector<1x128xf32>
      %swap3A_32 = arith.constant 0 : index
      %swap3A_33 = arith.constant 0 : index
      %swap3A_34 = vector.load %arg4[%swap3A_32, %swap3A_33] : memref<1x128xf32, #tpu.memory_space<vmem>>, vector<1x128xf32>
      tpu.vector_store %arg4[%swap3A_32, %swap3A_33], %add3A_31 {strides = array<i32>} : memref<1x128xf32, #tpu.memory_space<vmem>>, vector<1x128xf32>,
    } else {
    }
    return
  }
  func.func @transform_0(%arg0: i32) -> (i32, i32, i32) {
    %c0_i32 = arith.constant 0 : i32
    %c0_i32_0 = arith.constant 0 : i32
    %c0_i32_1 = arith.constant 0 : i32
    return %c0_i32, %arg0, %c0_i32_0 : i32, i32, i32
  }
  func.func @transform_1(%arg0: i32) -> (i32, i32) {
    %c0_i32 = arith.constant 0 : i32
    %c0_i32_0 = arith.constant 0 : i32
    return %arg0, %c0_i32 : i32, i32
  }
  func.func @transform_2(%arg0: i32) -> (i32, i32) {
    %c0_i32 = arith.constant 0 : i32
    %c0_i32_0 = arith.constant 0 : i32
    %c0_i32_1 = arith.constant 0 : i32
    return %c0_i32, %c0_i32_0 : i32, i32
  }
  func.func @transform_3(%arg0: i32) -> (i32, i32) {
    %c0_i32 = arith.constant 0 : i32
    %c0_i32_0 = arith.constant 0 : i32
    %c0_i32_1 = arith.constant 0 : i32
    return %c0_i32, %c0_i32_0 : i32, i32
  }
}

module attributes {stable_mosaic.version = 14 : i64} {
  func.func @_dense_body(%arg0: i32, %arg1: memref<400x128xf32, #tpu.memory_space<vmem>>, %arg2: memref<128x3456xbf16, #tpu.memory_space<vmem>>, %arg3: memref<1x128xf32, #tpu.memory_space<vmem>>, %arg4: memref<1x128xf32, #tpu.memory_space<vmem>>, %arg5: memref<1x128xf32, #tpu.memory_space<vmem>>, %arg6: memref<1x128xf32, #tpu.memory_space<vmem>>, %arg7: memref<27x400x128xf32, #tpu.memory_space<vmem>>) attributes {dimension_semantics = [#tpu.dimension_semantics<arbitrary>], iteration_bounds = array<i64: 25>, scalar_prefetch = 0 : i64, scratch_operands = 0 : i64, tpu.core_type = #tpu.core_type<tc>, window_params = [{transform_indices = @transform_0, window_bounds = array<i64: 400, 128>}, {pipeline_mode = #tpu.pipeline_mode<synchronous>, transform_indices = @transform_1, window_bounds = array<i64: 128, 3456>}, {pipeline_mode = #tpu.pipeline_mode<synchronous>, transform_indices = @transform_2, window_bounds = array<i64: 1, 128>}, {pipeline_mode = #tpu.pipeline_mode<synchronous>, transform_indices = @transform_3, window_bounds = array<i64: 1, 128>}, {pipeline_mode = #tpu.pipeline_mode<synchronous>, transform_indices = @transform_4, window_bounds = array<i64: 1, 128>}, {pipeline_mode = #tpu.pipeline_mode<synchronous>, transform_indices = @transform_5, window_bounds = array<i64: 1, 128>}, {transform_indices = @transform_6, window_bounds = array<i64: 27, 400, 128>}]} {
    %get3A = arith.constant 0 : index
    %get3A_0 = arith.constant 0 : index
    %get3A_1 = vector.load %arg3[%get3A, %get3A_0] : memref<1x128xf32, #tpu.memory_space<vmem>>, vector<1x128xf32>
    %mul3A = arith.constant 9.99999974E-5 : f32
    %mul3A_2 = vector.broadcast %mul3A : f32 to vector<1x128xf32>
    %mul3A_3 = arith.mulf %get3A_1, %mul3A_2 : vector<1x128xf32>
    %get3A_4 = arith.constant 0 : index
    %get3A_5 = arith.constant 0 : index
    %get3A_6 = vector.load %arg4[%get3A_4, %get3A_5] : memref<1x128xf32, #tpu.memory_space<vmem>>, vector<1x128xf32>
    %mul3A_7 = arith.constant 9.99999974E-5 : f32
    %mul3A_8 = vector.broadcast %mul3A_7 : f32 to vector<1x128xf32>
    %mul3A_9 = arith.mulf %get3A_6, %mul3A_8 : vector<1x128xf32>
    %mul3A_10 = arith.mulf %mul3A_3, %mul3A_3 : vector<1x128xf32>
    %sub3A = arith.subf %mul3A_9, %mul3A_10 : vector<1x128xf32>
    %get3A_11 = arith.constant 0 : index
    %get3A_12 = arith.constant 0 : index
    %get3A_13 = vector.load %arg5[%get3A_11, %get3A_12] : memref<1x128xf32, #tpu.memory_space<vmem>>, vector<1x128xf32>
    %get3A_14 = arith.constant 0 : index
    %get3A_15 = arith.constant 0 : index
    %get3A_16 = vector.load %arg1[%get3A_14, %get3A_15] : memref<400x128xf32, #tpu.memory_space<vmem>>, vector<400x128xf32>
    %sub3A_17 = vector.broadcast %mul3A_3 : vector<1x128xf32> to vector<400x128xf32>
    %sub3A_18 = arith.subf %get3A_16, %sub3A_17 : vector<400x128xf32>
    %mul3A_19 = vector.broadcast %get3A_13 : vector<1x128xf32> to vector<400x128xf32>
    %mul3A_20 = arith.mulf %mul3A_19, %sub3A_18 : vector<400x128xf32>
    %add3A = arith.constant 9.99999974E-6 : f32
    %add3A_21 = vector.broadcast %add3A : f32 to vector<1x128xf32>
    %add3A_22 = arith.addf %sub3A, %add3A_21 : vector<1x128xf32>
    %rsqrt3A = math.rsqrt %add3A_22 : vector<1x128xf32>
    %mul3A_23 = vector.broadcast %rsqrt3A : vector<1x128xf32> to vector<400x128xf32>
    %mul3A_24 = arith.mulf %mul3A_20, %mul3A_23 : vector<400x128xf32>
    %get3A_25 = arith.constant 0 : index
    %get3A_26 = arith.constant 0 : index
    %get3A_27 = vector.load %arg6[%get3A_25, %get3A_26] : memref<1x128xf32, #tpu.memory_space<vmem>>, vector<1x128xf32>
    %add3A_28 = vector.broadcast %get3A_27 : vector<1x128xf32> to vector<400x128xf32>
    %add3A_29 = arith.addf %mul3A_24, %add3A_28 : vector<400x128xf32>
    %max3A = arith.constant 0.000000e+00 : f32
    %max3A_30 = vector.broadcast %max3A : f32 to vector<400x128xf32>
    %max3A_31 = arith.maximumf %add3A_29, %max3A_30 : vector<400x128xf32>
    %convert_element_type3A = arith.truncf %max3A_31 : vector<400x128xf32> to vector<400x128xbf16>
    %get3A_32 = arith.constant 0 : index
    %get3A_33 = arith.constant 0 : index
    %get3A_34 = vector.load %arg2[%get3A_32, %get3A_33] : memref<128x3456xbf16, #tpu.memory_space<vmem>>, vector<128x3456xbf16>
    %dot_general3A = arith.constant dense<0.000000e+00> : vector<400x3456xf32>
    %dot_general3A_35 = tpu.matmul %convert_element_type3A, %get3A_34, %dot_general3A {dimension_numbers = #tpu.dot_dimension_numbers<[1], [0], [0], [1], [0, 0, 1, 1], [], []>, transpose_lhs_hint = false} : vector<400x128xbf16>, vector<128x3456xbf16>, vector<400x3456xf32> -> vector<400x3456xf32>
    %slice3A = vector.extract_strided_slice %dot_general3A_35 {offsets = [0, 0], sizes = [400, 128], strides = [1, 1]} : vector<400x3456xf32> to vector<400x128xf32>
    %swap3A = arith.constant 0 : index
    %swap3A_36 = arith.constant 0 : index
    %swap3A_37 = arith.constant 0 : index
    %swap3A_38 = vector.load %arg7[%swap3A, %swap3A_36, %swap3A_37] : memref<27x400x128xf32, #tpu.memory_space<vmem>>, vector<1x400x128xf32>
    %swap3A_39 = vector.shape_cast %swap3A_38 : vector<1x400x128xf32> to vector<400x128xf32>
    %swap3A_40 = vector.shape_cast %slice3A : vector<400x128xf32> to vector<1x400x128xf32>
    tpu.vector_store %arg7[%swap3A, %swap3A_36, %swap3A_37], %swap3A_40 {strides = array<i32>} : memref<27x400x128xf32, #tpu.memory_space<vmem>>, vector<1x400x128xf32>,
    %slice3A_41 = vector.extract_strided_slice %dot_general3A_35 {offsets = [0, 128], sizes = [400, 128], strides = [1, 1]} : vector<400x3456xf32> to vector<400x128xf32>
    %swap3A_42 = arith.constant 1 : index
    %swap3A_43 = arith.constant 0 : index
    %swap3A_44 = arith.constant 0 : index
    %swap3A_45 = vector.load %arg7[%swap3A_42, %swap3A_43, %swap3A_44] : memref<27x400x128xf32, #tpu.memory_space<vmem>>, vector<1x400x128xf32>
    %swap3A_46 = vector.shape_cast %swap3A_45 : vector<1x400x128xf32> to vector<400x128xf32>
    %swap3A_47 = vector.shape_cast %slice3A_41 : vector<400x128xf32> to vector<1x400x128xf32>
    tpu.vector_store %arg7[%swap3A_42, %swap3A_43, %swap3A_44], %swap3A_47 {strides = array<i32>} : memref<27x400x128xf32, #tpu.memory_space<vmem>>, vector<1x400x128xf32>,
    %slice3A_48 = vector.extract_strided_slice %dot_general3A_35 {offsets = [0, 256], sizes = [400, 128], strides = [1, 1]} : vector<400x3456xf32> to vector<400x128xf32>
    %swap3A_49 = arith.constant 2 : index
    %swap3A_50 = arith.constant 0 : index
    %swap3A_51 = arith.constant 0 : index
    %swap3A_52 = vector.load %arg7[%swap3A_49, %swap3A_50, %swap3A_51] : memref<27x400x128xf32, #tpu.memory_space<vmem>>, vector<1x400x128xf32>
    %swap3A_53 = vector.shape_cast %swap3A_52 : vector<1x400x128xf32> to vector<400x128xf32>
    %swap3A_54 = vector.shape_cast %slice3A_48 : vector<400x128xf32> to vector<1x400x128xf32>
    tpu.vector_store %arg7[%swap3A_49, %swap3A_50, %swap3A_51], %swap3A_54 {strides = array<i32>} : memref<27x400x128xf32, #tpu.memory_space<vmem>>, vector<1x400x128xf32>,
    %slice3A_55 = vector.extract_strided_slice %dot_general3A_35 {offsets = [0, 384], sizes = [400, 128], strides = [1, 1]} : vector<400x3456xf32> to vector<400x128xf32>
    %swap3A_56 = arith.constant 3 : index
    %swap3A_57 = arith.constant 0 : index
    %swap3A_58 = arith.constant 0 : index
    %swap3A_59 = vector.load %arg7[%swap3A_56, %swap3A_57, %swap3A_58] : memref<27x400x128xf32, #tpu.memory_space<vmem>>, vector<1x400x128xf32>
    %swap3A_60 = vector.shape_cast %swap3A_59 : vector<1x400x128xf32> to vector<400x128xf32>
    %swap3A_61 = vector.shape_cast %slice3A_55 : vector<400x128xf32> to vector<1x400x128xf32>
    tpu.vector_store %arg7[%swap3A_56, %swap3A_57, %swap3A_58], %swap3A_61 {strides = array<i32>} : memref<27x400x128xf32, #tpu.memory_space<vmem>>, vector<1x400x128xf32>,
    %slice3A_62 = vector.extract_strided_slice %dot_general3A_35 {offsets = [0, 512], sizes = [400, 128], strides = [1, 1]} : vector<400x3456xf32> to vector<400x128xf32>
    %swap3A_63 = arith.constant 4 : index
    %swap3A_64 = arith.constant 0 : index
    %swap3A_65 = arith.constant 0 : index
    %swap3A_66 = vector.load %arg7[%swap3A_63, %swap3A_64, %swap3A_65] : memref<27x400x128xf32, #tpu.memory_space<vmem>>, vector<1x400x128xf32>
    %swap3A_67 = vector.shape_cast %swap3A_66 : vector<1x400x128xf32> to vector<400x128xf32>
    %swap3A_68 = vector.shape_cast %slice3A_62 : vector<400x128xf32> to vector<1x400x128xf32>
    tpu.vector_store %arg7[%swap3A_63, %swap3A_64, %swap3A_65], %swap3A_68 {strides = array<i32>} : memref<27x400x128xf32, #tpu.memory_space<vmem>>, vector<1x400x128xf32>,
    %slice3A_69 = vector.extract_strided_slice %dot_general3A_35 {offsets = [0, 640], sizes = [400, 128], strides = [1, 1]} : vector<400x3456xf32> to vector<400x128xf32>
    %swap3A_70 = arith.constant 5 : index
    %swap3A_71 = arith.constant 0 : index
    %swap3A_72 = arith.constant 0 : index
    %swap3A_73 = vector.load %arg7[%swap3A_70, %swap3A_71, %swap3A_72] : memref<27x400x128xf32, #tpu.memory_space<vmem>>, vector<1x400x128xf32>
    %swap3A_74 = vector.shape_cast %swap3A_73 : vector<1x400x128xf32> to vector<400x128xf32>
    %swap3A_75 = vector.shape_cast %slice3A_69 : vector<400x128xf32> to vector<1x400x128xf32>
    tpu.vector_store %arg7[%swap3A_70, %swap3A_71, %swap3A_72], %swap3A_75 {strides = array<i32>} : memref<27x400x128xf32, #tpu.memory_space<vmem>>, vector<1x400x128xf32>,
    %slice3A_76 = vector.extract_strided_slice %dot_general3A_35 {offsets = [0, 768], sizes = [400, 128], strides = [1, 1]} : vector<400x3456xf32> to vector<400x128xf32>
    %swap3A_77 = arith.constant 6 : index
    %swap3A_78 = arith.constant 0 : index
    %swap3A_79 = arith.constant 0 : index
    %swap3A_80 = vector.load %arg7[%swap3A_77, %swap3A_78, %swap3A_79] : memref<27x400x128xf32, #tpu.memory_space<vmem>>, vector<1x400x128xf32>
    %swap3A_81 = vector.shape_cast %swap3A_80 : vector<1x400x128xf32> to vector<400x128xf32>
    %swap3A_82 = vector.shape_cast %slice3A_76 : vector<400x128xf32> to vector<1x400x128xf32>
    tpu.vector_store %arg7[%swap3A_77, %swap3A_78, %swap3A_79], %swap3A_82 {strides = array<i32>} : memref<27x400x128xf32, #tpu.memory_space<vmem>>, vector<1x400x128xf32>,
    %slice3A_83 = vector.extract_strided_slice %dot_general3A_35 {offsets = [0, 896], sizes = [400, 128], strides = [1, 1]} : vector<400x3456xf32> to vector<400x128xf32>
    %swap3A_84 = arith.constant 7 : index
    %swap3A_85 = arith.constant 0 : index
    %swap3A_86 = arith.constant 0 : index
    %swap3A_87 = vector.load %arg7[%swap3A_84, %swap3A_85, %swap3A_86] : memref<27x400x128xf32, #tpu.memory_space<vmem>>, vector<1x400x128xf32>
    %swap3A_88 = vector.shape_cast %swap3A_87 : vector<1x400x128xf32> to vector<400x128xf32>
    %swap3A_89 = vector.shape_cast %slice3A_83 : vector<400x128xf32> to vector<1x400x128xf32>
    tpu.vector_store %arg7[%swap3A_84, %swap3A_85, %swap3A_86], %swap3A_89 {strides = array<i32>} : memref<27x400x128xf32, #tpu.memory_space<vmem>>, vector<1x400x128xf32>,
    %slice3A_90 = vector.extract_strided_slice %dot_general3A_35 {offsets = [0, 1024], sizes = [400, 128], strides = [1, 1]} : vector<400x3456xf32> to vector<400x128xf32>
    %swap3A_91 = arith.constant 8 : index
    %swap3A_92 = arith.constant 0 : index
    %swap3A_93 = arith.constant 0 : index
    %swap3A_94 = vector.load %arg7[%swap3A_91, %swap3A_92, %swap3A_93] : memref<27x400x128xf32, #tpu.memory_space<vmem>>, vector<1x400x128xf32>
    %swap3A_95 = vector.shape_cast %swap3A_94 : vector<1x400x128xf32> to vector<400x128xf32>
    %swap3A_96 = vector.shape_cast %slice3A_90 : vector<400x128xf32> to vector<1x400x128xf32>
    tpu.vector_store %arg7[%swap3A_91, %swap3A_92, %swap3A_93], %swap3A_96 {strides = array<i32>} : memref<27x400x128xf32, #tpu.memory_space<vmem>>, vector<1x400x128xf32>,
    %slice3A_97 = vector.extract_strided_slice %dot_general3A_35 {offsets = [0, 1152], sizes = [400, 128], strides = [1, 1]} : vector<400x3456xf32> to vector<400x128xf32>
    %swap3A_98 = arith.constant 9 : index
    %swap3A_99 = arith.constant 0 : index
    %swap3A_100 = arith.constant 0 : index
    %swap3A_101 = vector.load %arg7[%swap3A_98, %swap3A_99, %swap3A_100] : memref<27x400x128xf32, #tpu.memory_space<vmem>>, vector<1x400x128xf32>
    %swap3A_102 = vector.shape_cast %swap3A_101 : vector<1x400x128xf32> to vector<400x128xf32>
    %swap3A_103 = vector.shape_cast %slice3A_97 : vector<400x128xf32> to vector<1x400x128xf32>
    tpu.vector_store %arg7[%swap3A_98, %swap3A_99, %swap3A_100], %swap3A_103 {strides = array<i32>} : memref<27x400x128xf32, #tpu.memory_space<vmem>>, vector<1x400x128xf32>,
    %slice3A_104 = vector.extract_strided_slice %dot_general3A_35 {offsets = [0, 1280], sizes = [400, 128], strides = [1, 1]} : vector<400x3456xf32> to vector<400x128xf32>
    %swap3A_105 = arith.constant 10 : index
    %swap3A_106 = arith.constant 0 : index
    %swap3A_107 = arith.constant 0 : index
    %swap3A_108 = vector.load %arg7[%swap3A_105, %swap3A_106, %swap3A_107] : memref<27x400x128xf32, #tpu.memory_space<vmem>>, vector<1x400x128xf32>
    %swap3A_109 = vector.shape_cast %swap3A_108 : vector<1x400x128xf32> to vector<400x128xf32>
    %swap3A_110 = vector.shape_cast %slice3A_104 : vector<400x128xf32> to vector<1x400x128xf32>
    tpu.vector_store %arg7[%swap3A_105, %swap3A_106, %swap3A_107], %swap3A_110 {strides = array<i32>} : memref<27x400x128xf32, #tpu.memory_space<vmem>>, vector<1x400x128xf32>,
    %slice3A_111 = vector.extract_strided_slice %dot_general3A_35 {offsets = [0, 1408], sizes = [400, 128], strides = [1, 1]} : vector<400x3456xf32> to vector<400x128xf32>
    %swap3A_112 = arith.constant 11 : index
    %swap3A_113 = arith.constant 0 : index
    %swap3A_114 = arith.constant 0 : index
    %swap3A_115 = vector.load %arg7[%swap3A_112, %swap3A_113, %swap3A_114] : memref<27x400x128xf32, #tpu.memory_space<vmem>>, vector<1x400x128xf32>
    %swap3A_116 = vector.shape_cast %swap3A_115 : vector<1x400x128xf32> to vector<400x128xf32>
    %swap3A_117 = vector.shape_cast %slice3A_111 : vector<400x128xf32> to vector<1x400x128xf32>
    tpu.vector_store %arg7[%swap3A_112, %swap3A_113, %swap3A_114], %swap3A_117 {strides = array<i32>} : memref<27x400x128xf32, #tpu.memory_space<vmem>>, vector<1x400x128xf32>,
    %slice3A_118 = vector.extract_strided_slice %dot_general3A_35 {offsets = [0, 1536], sizes = [400, 128], strides = [1, 1]} : vector<400x3456xf32> to vector<400x128xf32>
    %swap3A_119 = arith.constant 12 : index
    %swap3A_120 = arith.constant 0 : index
    %swap3A_121 = arith.constant 0 : index
    %swap3A_122 = vector.load %arg7[%swap3A_119, %swap3A_120, %swap3A_121] : memref<27x400x128xf32, #tpu.memory_space<vmem>>, vector<1x400x128xf32>
    %swap3A_123 = vector.shape_cast %swap3A_122 : vector<1x400x128xf32> to vector<400x128xf32>
    %swap3A_124 = vector.shape_cast %slice3A_118 : vector<400x128xf32> to vector<1x400x128xf32>
    tpu.vector_store %arg7[%swap3A_119, %swap3A_120, %swap3A_121], %swap3A_124 {strides = array<i32>} : memref<27x400x128xf32, #tpu.memory_space<vmem>>, vector<1x400x128xf32>,
    %slice3A_125 = vector.extract_strided_slice %dot_general3A_35 {offsets = [0, 1664], sizes = [400, 128], strides = [1, 1]} : vector<400x3456xf32> to vector<400x128xf32>
    %swap3A_126 = arith.constant 13 : index
    %swap3A_127 = arith.constant 0 : index
    %swap3A_128 = arith.constant 0 : index
    %swap3A_129 = vector.load %arg7[%swap3A_126, %swap3A_127, %swap3A_128] : memref<27x400x128xf32, #tpu.memory_space<vmem>>, vector<1x400x128xf32>
    %swap3A_130 = vector.shape_cast %swap3A_129 : vector<1x400x128xf32> to vector<400x128xf32>
    %swap3A_131 = vector.shape_cast %slice3A_125 : vector<400x128xf32> to vector<1x400x128xf32>
    tpu.vector_store %arg7[%swap3A_126, %swap3A_127, %swap3A_128], %swap3A_131 {strides = array<i32>} : memref<27x400x128xf32, #tpu.memory_space<vmem>>, vector<1x400x128xf32>,
    %slice3A_132 = vector.extract_strided_slice %dot_general3A_35 {offsets = [0, 1792], sizes = [400, 128], strides = [1, 1]} : vector<400x3456xf32> to vector<400x128xf32>
    %swap3A_133 = arith.constant 14 : index
    %swap3A_134 = arith.constant 0 : index
    %swap3A_135 = arith.constant 0 : index
    %swap3A_136 = vector.load %arg7[%swap3A_133, %swap3A_134, %swap3A_135] : memref<27x400x128xf32, #tpu.memory_space<vmem>>, vector<1x400x128xf32>
    %swap3A_137 = vector.shape_cast %swap3A_136 : vector<1x400x128xf32> to vector<400x128xf32>
    %swap3A_138 = vector.shape_cast %slice3A_132 : vector<400x128xf32> to vector<1x400x128xf32>
    tpu.vector_store %arg7[%swap3A_133, %swap3A_134, %swap3A_135], %swap3A_138 {strides = array<i32>} : memref<27x400x128xf32, #tpu.memory_space<vmem>>, vector<1x400x128xf32>,
    %slice3A_139 = vector.extract_strided_slice %dot_general3A_35 {offsets = [0, 1920], sizes = [400, 128], strides = [1, 1]} : vector<400x3456xf32> to vector<400x128xf32>
    %swap3A_140 = arith.constant 15 : index
    %swap3A_141 = arith.constant 0 : index
    %swap3A_142 = arith.constant 0 : index
    %swap3A_143 = vector.load %arg7[%swap3A_140, %swap3A_141, %swap3A_142] : memref<27x400x128xf32, #tpu.memory_space<vmem>>, vector<1x400x128xf32>
    %swap3A_144 = vector.shape_cast %swap3A_143 : vector<1x400x128xf32> to vector<400x128xf32>
    %swap3A_145 = vector.shape_cast %slice3A_139 : vector<400x128xf32> to vector<1x400x128xf32>
    tpu.vector_store %arg7[%swap3A_140, %swap3A_141, %swap3A_142], %swap3A_145 {strides = array<i32>} : memref<27x400x128xf32, #tpu.memory_space<vmem>>, vector<1x400x128xf32>,
    %slice3A_146 = vector.extract_strided_slice %dot_general3A_35 {offsets = [0, 2048], sizes = [400, 128], strides = [1, 1]} : vector<400x3456xf32> to vector<400x128xf32>
    %swap3A_147 = arith.constant 16 : index
    %swap3A_148 = arith.constant 0 : index
    %swap3A_149 = arith.constant 0 : index
    %swap3A_150 = vector.load %arg7[%swap3A_147, %swap3A_148, %swap3A_149] : memref<27x400x128xf32, #tpu.memory_space<vmem>>, vector<1x400x128xf32>
    %swap3A_151 = vector.shape_cast %swap3A_150 : vector<1x400x128xf32> to vector<400x128xf32>
    %swap3A_152 = vector.shape_cast %slice3A_146 : vector<400x128xf32> to vector<1x400x128xf32>
    tpu.vector_store %arg7[%swap3A_147, %swap3A_148, %swap3A_149], %swap3A_152 {strides = array<i32>} : memref<27x400x128xf32, #tpu.memory_space<vmem>>, vector<1x400x128xf32>,
    %slice3A_153 = vector.extract_strided_slice %dot_general3A_35 {offsets = [0, 2176], sizes = [400, 128], strides = [1, 1]} : vector<400x3456xf32> to vector<400x128xf32>
    %swap3A_154 = arith.constant 17 : index
    %swap3A_155 = arith.constant 0 : index
    %swap3A_156 = arith.constant 0 : index
    %swap3A_157 = vector.load %arg7[%swap3A_154, %swap3A_155, %swap3A_156] : memref<27x400x128xf32, #tpu.memory_space<vmem>>, vector<1x400x128xf32>
    %swap3A_158 = vector.shape_cast %swap3A_157 : vector<1x400x128xf32> to vector<400x128xf32>
    %swap3A_159 = vector.shape_cast %slice3A_153 : vector<400x128xf32> to vector<1x400x128xf32>
    tpu.vector_store %arg7[%swap3A_154, %swap3A_155, %swap3A_156], %swap3A_159 {strides = array<i32>} : memref<27x400x128xf32, #tpu.memory_space<vmem>>, vector<1x400x128xf32>,
    %slice3A_160 = vector.extract_strided_slice %dot_general3A_35 {offsets = [0, 2304], sizes = [400, 128], strides = [1, 1]} : vector<400x3456xf32> to vector<400x128xf32>
    %swap3A_161 = arith.constant 18 : index
    %swap3A_162 = arith.constant 0 : index
    %swap3A_163 = arith.constant 0 : index
    %swap3A_164 = vector.load %arg7[%swap3A_161, %swap3A_162, %swap3A_163] : memref<27x400x128xf32, #tpu.memory_space<vmem>>, vector<1x400x128xf32>
    %swap3A_165 = vector.shape_cast %swap3A_164 : vector<1x400x128xf32> to vector<400x128xf32>
    %swap3A_166 = vector.shape_cast %slice3A_160 : vector<400x128xf32> to vector<1x400x128xf32>
    tpu.vector_store %arg7[%swap3A_161, %swap3A_162, %swap3A_163], %swap3A_166 {strides = array<i32>} : memref<27x400x128xf32, #tpu.memory_space<vmem>>, vector<1x400x128xf32>,
    %slice3A_167 = vector.extract_strided_slice %dot_general3A_35 {offsets = [0, 2432], sizes = [400, 128], strides = [1, 1]} : vector<400x3456xf32> to vector<400x128xf32>
    %swap3A_168 = arith.constant 19 : index
    %swap3A_169 = arith.constant 0 : index
    %swap3A_170 = arith.constant 0 : index
    %swap3A_171 = vector.load %arg7[%swap3A_168, %swap3A_169, %swap3A_170] : memref<27x400x128xf32, #tpu.memory_space<vmem>>, vector<1x400x128xf32>
    %swap3A_172 = vector.shape_cast %swap3A_171 : vector<1x400x128xf32> to vector<400x128xf32>
    %swap3A_173 = vector.shape_cast %slice3A_167 : vector<400x128xf32> to vector<1x400x128xf32>
    tpu.vector_store %arg7[%swap3A_168, %swap3A_169, %swap3A_170], %swap3A_173 {strides = array<i32>} : memref<27x400x128xf32, #tpu.memory_space<vmem>>, vector<1x400x128xf32>,
    %slice3A_174 = vector.extract_strided_slice %dot_general3A_35 {offsets = [0, 2560], sizes = [400, 128], strides = [1, 1]} : vector<400x3456xf32> to vector<400x128xf32>
    %swap3A_175 = arith.constant 20 : index
    %swap3A_176 = arith.constant 0 : index
    %swap3A_177 = arith.constant 0 : index
    %swap3A_178 = vector.load %arg7[%swap3A_175, %swap3A_176, %swap3A_177] : memref<27x400x128xf32, #tpu.memory_space<vmem>>, vector<1x400x128xf32>
    %swap3A_179 = vector.shape_cast %swap3A_178 : vector<1x400x128xf32> to vector<400x128xf32>
    %swap3A_180 = vector.shape_cast %slice3A_174 : vector<400x128xf32> to vector<1x400x128xf32>
    tpu.vector_store %arg7[%swap3A_175, %swap3A_176, %swap3A_177], %swap3A_180 {strides = array<i32>} : memref<27x400x128xf32, #tpu.memory_space<vmem>>, vector<1x400x128xf32>,
    %slice3A_181 = vector.extract_strided_slice %dot_general3A_35 {offsets = [0, 2688], sizes = [400, 128], strides = [1, 1]} : vector<400x3456xf32> to vector<400x128xf32>
    %swap3A_182 = arith.constant 21 : index
    %swap3A_183 = arith.constant 0 : index
    %swap3A_184 = arith.constant 0 : index
    %swap3A_185 = vector.load %arg7[%swap3A_182, %swap3A_183, %swap3A_184] : memref<27x400x128xf32, #tpu.memory_space<vmem>>, vector<1x400x128xf32>
    %swap3A_186 = vector.shape_cast %swap3A_185 : vector<1x400x128xf32> to vector<400x128xf32>
    %swap3A_187 = vector.shape_cast %slice3A_181 : vector<400x128xf32> to vector<1x400x128xf32>
    tpu.vector_store %arg7[%swap3A_182, %swap3A_183, %swap3A_184], %swap3A_187 {strides = array<i32>} : memref<27x400x128xf32, #tpu.memory_space<vmem>>, vector<1x400x128xf32>,
    %slice3A_188 = vector.extract_strided_slice %dot_general3A_35 {offsets = [0, 2816], sizes = [400, 128], strides = [1, 1]} : vector<400x3456xf32> to vector<400x128xf32>
    %swap3A_189 = arith.constant 22 : index
    %swap3A_190 = arith.constant 0 : index
    %swap3A_191 = arith.constant 0 : index
    %swap3A_192 = vector.load %arg7[%swap3A_189, %swap3A_190, %swap3A_191] : memref<27x400x128xf32, #tpu.memory_space<vmem>>, vector<1x400x128xf32>
    %swap3A_193 = vector.shape_cast %swap3A_192 : vector<1x400x128xf32> to vector<400x128xf32>
    %swap3A_194 = vector.shape_cast %slice3A_188 : vector<400x128xf32> to vector<1x400x128xf32>
    tpu.vector_store %arg7[%swap3A_189, %swap3A_190, %swap3A_191], %swap3A_194 {strides = array<i32>} : memref<27x400x128xf32, #tpu.memory_space<vmem>>, vector<1x400x128xf32>,
    %slice3A_195 = vector.extract_strided_slice %dot_general3A_35 {offsets = [0, 2944], sizes = [400, 128], strides = [1, 1]} : vector<400x3456xf32> to vector<400x128xf32>
    %swap3A_196 = arith.constant 23 : index
    %swap3A_197 = arith.constant 0 : index
    %swap3A_198 = arith.constant 0 : index
    %swap3A_199 = vector.load %arg7[%swap3A_196, %swap3A_197, %swap3A_198] : memref<27x400x128xf32, #tpu.memory_space<vmem>>, vector<1x400x128xf32>
    %swap3A_200 = vector.shape_cast %swap3A_199 : vector<1x400x128xf32> to vector<400x128xf32>
    %swap3A_201 = vector.shape_cast %slice3A_195 : vector<400x128xf32> to vector<1x400x128xf32>
    tpu.vector_store %arg7[%swap3A_196, %swap3A_197, %swap3A_198], %swap3A_201 {strides = array<i32>} : memref<27x400x128xf32, #tpu.memory_space<vmem>>, vector<1x400x128xf32>,
    %slice3A_202 = vector.extract_strided_slice %dot_general3A_35 {offsets = [0, 3072], sizes = [400, 128], strides = [1, 1]} : vector<400x3456xf32> to vector<400x128xf32>
    %swap3A_203 = arith.constant 24 : index
    %swap3A_204 = arith.constant 0 : index
    %swap3A_205 = arith.constant 0 : index
    %swap3A_206 = vector.load %arg7[%swap3A_203, %swap3A_204, %swap3A_205] : memref<27x400x128xf32, #tpu.memory_space<vmem>>, vector<1x400x128xf32>
    %swap3A_207 = vector.shape_cast %swap3A_206 : vector<1x400x128xf32> to vector<400x128xf32>
    %swap3A_208 = vector.shape_cast %slice3A_202 : vector<400x128xf32> to vector<1x400x128xf32>
    tpu.vector_store %arg7[%swap3A_203, %swap3A_204, %swap3A_205], %swap3A_208 {strides = array<i32>} : memref<27x400x128xf32, #tpu.memory_space<vmem>>, vector<1x400x128xf32>,
    %slice3A_209 = vector.extract_strided_slice %dot_general3A_35 {offsets = [0, 3200], sizes = [400, 128], strides = [1, 1]} : vector<400x3456xf32> to vector<400x128xf32>
    %swap3A_210 = arith.constant 25 : index
    %swap3A_211 = arith.constant 0 : index
    %swap3A_212 = arith.constant 0 : index
    %swap3A_213 = vector.load %arg7[%swap3A_210, %swap3A_211, %swap3A_212] : memref<27x400x128xf32, #tpu.memory_space<vmem>>, vector<1x400x128xf32>
    %swap3A_214 = vector.shape_cast %swap3A_213 : vector<1x400x128xf32> to vector<400x128xf32>
    %swap3A_215 = vector.shape_cast %slice3A_209 : vector<400x128xf32> to vector<1x400x128xf32>
    tpu.vector_store %arg7[%swap3A_210, %swap3A_211, %swap3A_212], %swap3A_215 {strides = array<i32>} : memref<27x400x128xf32, #tpu.memory_space<vmem>>, vector<1x400x128xf32>,
    %slice3A_216 = vector.extract_strided_slice %dot_general3A_35 {offsets = [0, 3328], sizes = [400, 128], strides = [1, 1]} : vector<400x3456xf32> to vector<400x128xf32>
    %swap3A_217 = arith.constant 26 : index
    %swap3A_218 = arith.constant 0 : index
    %swap3A_219 = arith.constant 0 : index
    %swap3A_220 = vector.load %arg7[%swap3A_217, %swap3A_218, %swap3A_219] : memref<27x400x128xf32, #tpu.memory_space<vmem>>, vector<1x400x128xf32>
    %swap3A_221 = vector.shape_cast %swap3A_220 : vector<1x400x128xf32> to vector<400x128xf32>
    %swap3A_222 = vector.shape_cast %slice3A_216 : vector<400x128xf32> to vector<1x400x128xf32>
    tpu.vector_store %arg7[%swap3A_217, %swap3A_218, %swap3A_219], %swap3A_222 {strides = array<i32>} : memref<27x400x128xf32, #tpu.memory_space<vmem>>, vector<1x400x128xf32>,
    return
  }
  func.func @transform_0(%arg0: i32) -> (i32, i32) {
    %c0_i32 = arith.constant 0 : i32
    %c0_i32_0 = arith.constant 0 : i32
    return %arg0, %c0_i32 : i32, i32
  }
  func.func @transform_1(%arg0: i32) -> (i32, i32) {
    %c0_i32 = arith.constant 0 : i32
    %c0_i32_0 = arith.constant 0 : i32
    %c0_i32_1 = arith.constant 0 : i32
    return %c0_i32, %c0_i32_0 : i32, i32
  }
  func.func @transform_2(%arg0: i32) -> (i32, i32) {
    %c0_i32 = arith.constant 0 : i32
    %c0_i32_0 = arith.constant 0 : i32
    %c0_i32_1 = arith.constant 0 : i32
    return %c0_i32, %c0_i32_0 : i32, i32
  }
  func.func @transform_3(%arg0: i32) -> (i32, i32) {
    %c0_i32 = arith.constant 0 : i32
    %c0_i32_0 = arith.constant 0 : i32
    %c0_i32_1 = arith.constant 0 : i32
    return %c0_i32, %c0_i32_0 : i32, i32
  }
  func.func @transform_4(%arg0: i32) -> (i32, i32) {
    %c0_i32 = arith.constant 0 : i32
    %c0_i32_0 = arith.constant 0 : i32
    %c0_i32_1 = arith.constant 0 : i32
    return %c0_i32, %c0_i32_0 : i32, i32
  }
  func.func @transform_5(%arg0: i32) -> (i32, i32) {
    %c0_i32 = arith.constant 0 : i32
    %c0_i32_0 = arith.constant 0 : i32
    %c0_i32_1 = arith.constant 0 : i32
    return %c0_i32, %c0_i32_0 : i32, i32
  }
  func.func @transform_6(%arg0: i32) -> (i32, i32, i32) {
    %c0_i32 = arith.constant 0 : i32
    %c0_i32_0 = arith.constant 0 : i32
    %c0_i32_1 = arith.constant 0 : i32
    return %c0_i32, %arg0, %c0_i32_0 : i32, i32, i32
  }
}

module attributes {stable_mosaic.version = 14 : i64} {
  func.func @_final_body(%arg0: i32, %arg1: memref<400x128xf32, #tpu.memory_space<vmem>>, %arg2: memref<1x128xf32, #tpu.memory_space<vmem>>, %arg3: memref<1x128xf32, #tpu.memory_space<vmem>>, %arg4: memref<1x128xf32, #tpu.memory_space<vmem>>, %arg5: memref<1x128xf32, #tpu.memory_space<vmem>>, %arg6: memref<8x256xf32, #tpu.memory_space<vmem>>, %arg7: memref<256x256xf32, #tpu.memory_space<vmem>>, %arg8: memref<1x256xf32, #tpu.memory_space<vmem>>, %arg9: memref<1x1x400xi32, #tpu.memory_space<vmem>>, %arg10: memref<400x128xf32, #tpu.memory_space<vmem>>, %arg11: memref<400x128xf32, #tpu.memory_space<vmem>>) attributes {dimension_semantics = [#tpu.dimension_semantics<arbitrary>], iteration_bounds = array<i64: 25>, scalar_prefetch = 0 : i64, scratch_operands = 0 : i64, tpu.core_type = #tpu.core_type<tc>, window_params = [{transform_indices = @transform_0, window_bounds = array<i64: 400, 128>}, {pipeline_mode = #tpu.pipeline_mode<synchronous>, transform_indices = @transform_1, window_bounds = array<i64: 1, 128>}, {pipeline_mode = #tpu.pipeline_mode<synchronous>, transform_indices = @transform_2, window_bounds = array<i64: 1, 128>}, {pipeline_mode = #tpu.pipeline_mode<synchronous>, transform_indices = @transform_3, window_bounds = array<i64: 1, 128>}, {pipeline_mode = #tpu.pipeline_mode<synchronous>, transform_indices = @transform_4, window_bounds = array<i64: 1, 128>}, {pipeline_mode = #tpu.pipeline_mode<synchronous>, transform_indices = @transform_5, window_bounds = array<i64: 8, 256>}, {pipeline_mode = #tpu.pipeline_mode<synchronous>, transform_indices = @transform_6, window_bounds = array<i64: 256, 256>}, {pipeline_mode = #tpu.pipeline_mode<synchronous>, transform_indices = @transform_7, window_bounds = array<i64: 1, 256>}, {transform_indices = @transform_8, window_bounds = array<i64: 1, 1, 400>}, {transform_indices = @transform_9, window_bounds = array<i64: 400, 128>}, {transform_indices = @transform_10, window_bounds = array<i64: 400, 128>}]} {
    %get3A = arith.constant 0 : index
    %get3A_0 = arith.constant 0 : index
    %get3A_1 = vector.load %arg2[%get3A, %get3A_0] : memref<1x128xf32, #tpu.memory_space<vmem>>, vector<1x128xf32>
    %mul3A = arith.constant 9.99999974E-5 : f32
    %mul3A_2 = vector.broadcast %mul3A : f32 to vector<1x128xf32>
    %mul3A_3 = arith.mulf %get3A_1, %mul3A_2 : vector<1x128xf32>
    %get3A_4 = arith.constant 0 : index
    %get3A_5 = arith.constant 0 : index
    %get3A_6 = vector.load %arg3[%get3A_4, %get3A_5] : memref<1x128xf32, #tpu.memory_space<vmem>>, vector<1x128xf32>
    %mul3A_7 = arith.constant 9.99999974E-5 : f32
    %mul3A_8 = vector.broadcast %mul3A_7 : f32 to vector<1x128xf32>
    %mul3A_9 = arith.mulf %get3A_6, %mul3A_8 : vector<1x128xf32>
    %mul3A_10 = arith.mulf %mul3A_3, %mul3A_3 : vector<1x128xf32>
    %sub3A = arith.subf %mul3A_9, %mul3A_10 : vector<1x128xf32>
    %get3A_11 = arith.constant 0 : index
    %get3A_12 = arith.constant 0 : index
    %get3A_13 = vector.load %arg4[%get3A_11, %get3A_12] : memref<1x128xf32, #tpu.memory_space<vmem>>, vector<1x128xf32>
    %get3A_14 = arith.constant 0 : index
    %get3A_15 = arith.constant 0 : index
    %get3A_16 = vector.load %arg1[%get3A_14, %get3A_15] : memref<400x128xf32, #tpu.memory_space<vmem>>, vector<400x128xf32>
    %sub3A_17 = vector.broadcast %mul3A_3 : vector<1x128xf32> to vector<400x128xf32>
    %sub3A_18 = arith.subf %get3A_16, %sub3A_17 : vector<400x128xf32>
    %mul3A_19 = vector.broadcast %get3A_13 : vector<1x128xf32> to vector<400x128xf32>
    %mul3A_20 = arith.mulf %mul3A_19, %sub3A_18 : vector<400x128xf32>
    %add3A = arith.constant 9.99999974E-6 : f32
    %add3A_21 = vector.broadcast %add3A : f32 to vector<1x128xf32>
    %add3A_22 = arith.addf %sub3A, %add3A_21 : vector<1x128xf32>
    %rsqrt3A = math.rsqrt %add3A_22 : vector<1x128xf32>
    %mul3A_23 = vector.broadcast %rsqrt3A : vector<1x128xf32> to vector<400x128xf32>
    %mul3A_24 = arith.mulf %mul3A_20, %mul3A_23 : vector<400x128xf32>
    %get3A_25 = arith.constant 0 : index
    %get3A_26 = arith.constant 0 : index
    %get3A_27 = vector.load %arg5[%get3A_25, %get3A_26] : memref<1x128xf32, #tpu.memory_space<vmem>>, vector<1x128xf32>
    %add3A_28 = vector.broadcast %get3A_27 : vector<1x128xf32> to vector<400x128xf32>
    %add3A_29 = arith.addf %mul3A_24, %add3A_28 : vector<400x128xf32>
    %get3A_30 = arith.constant 0 : index
    %get3A_31 = arith.constant 0 : index
    %get3A_32 = vector.load %arg6[%get3A_30, %get3A_31] : memref<8x256xf32, #tpu.memory_space<vmem>>, vector<8x256xf32>
    %get3A_33 = arith.constant 0 : index
    %get3A_34 = arith.constant 0 : index
    %get3A_35 = vector.load %arg7[%get3A_33, %get3A_34] : memref<256x256xf32, #tpu.memory_space<vmem>>, vector<256x256xf32>
    %dot_general3A = arith.constant dense<0.000000e+00> : vector<8x256xf32>
    %dot_general3A_36 = tpu.matmul %get3A_32, %get3A_35, %dot_general3A {dimension_numbers = #tpu.dot_dimension_numbers<[1], [0], [0], [1], [0, 0, 1, 1], [], []>, transpose_lhs_hint = false} : vector<8x256xf32>, vector<256x256xf32>, vector<8x256xf32> -> vector<8x256xf32>
    %get3A_37 = arith.constant 0 : index
    %get3A_38 = arith.constant 0 : index
    %get3A_39 = vector.load %arg8[%get3A_37, %get3A_38] : memref<1x256xf32, #tpu.memory_space<vmem>>, vector<1x256xf32>
    %add3A_40 = vector.broadcast %get3A_39 : vector<1x256xf32> to vector<8x256xf32>
    %add3A_41 = arith.addf %dot_general3A_36, %add3A_40 : vector<8x256xf32>
    %get3A_42 = arith.constant 0 : index
    %get3A_43 = arith.constant 0 : index
    %get3A_44 = arith.constant 0 : index
    %get3A_45 = vector.load %arg9[%get3A_42, %get3A_43, %get3A_44] : memref<1x1x400xi32, #tpu.memory_space<vmem>>, vector<1x1x400xi32>
    %get3A_46 = vector.shape_cast %get3A_45 : vector<1x1x400xi32> to vector<400xi32>
    %broadcast_in_dim3A = vector.shape_cast %get3A_46 : vector<400xi32> to vector<400x1xi32>
    %iota3A = tpu.iota {dimensions = array<i32: 1>} : vector<1x8xi32>
    %eq3A = vector.broadcast %broadcast_in_dim3A : vector<400x1xi32> to vector<400x8xi32>
    %eq3A_47 = vector.broadcast %iota3A : vector<1x8xi32> to vector<400x8xi32>
    %eq3A_48 = arith.cmpi eq, %eq3A, %eq3A_47 : vector<400x8xi32>
    %convert_element_type3A = arith.extui %eq3A_48 : vector<400x8xi1> to vector<400x8xi32>
    %convert_element_type3A_49 = arith.sitofp %convert_element_type3A : vector<400x8xi32> to vector<400x8xf32>
    %dot_general3A_50 = arith.constant dense<0.000000e+00> : vector<400x256xf32>
    %dot_general3A_51 = tpu.matmul %convert_element_type3A_49, %add3A_41, %dot_general3A_50 {dimension_numbers = #tpu.dot_dimension_numbers<[1], [0], [0], [1], [0, 0, 1, 1], [], []>, transpose_lhs_hint = false} : vector<400x8xf32>, vector<8x256xf32>, vector<400x256xf32> -> vector<400x256xf32>
    %slice3A = vector.extract_strided_slice %dot_general3A_51 {offsets = [0, 0], sizes = [400, 128], strides = [1, 1]} : vector<400x256xf32> to vector<400x128xf32>
    %slice3A_52 = vector.extract_strided_slice %dot_general3A_51 {offsets = [0, 128], sizes = [400, 128], strides = [1, 1]} : vector<400x256xf32> to vector<400x128xf32>
    %add3A_53 = arith.constant 1.000000e+00 : f32
    %add3A_54 = vector.broadcast %add3A_53 : f32 to vector<400x128xf32>
    %add3A_55 = arith.addf %add3A_54, %slice3A : vector<400x128xf32>
    %mul3A_56 = arith.mulf %add3A_29, %add3A_55 : vector<400x128xf32>
    %add3A_57 = arith.addf %mul3A_56, %slice3A_52 : vector<400x128xf32>
    %max3A = arith.constant 0.000000e+00 : f32
    %max3A_58 = vector.broadcast %max3A : f32 to vector<400x128xf32>
    %max3A_59 = arith.maximumf %add3A_57, %max3A_58 : vector<400x128xf32>
    %get3A_60 = arith.constant 0 : index
    %get3A_61 = arith.constant 0 : index
    %get3A_62 = vector.load %arg10[%get3A_60, %get3A_61] : memref<400x128xf32, #tpu.memory_space<vmem>>, vector<400x128xf32>
    %add3A_63 = arith.addf %max3A_59, %get3A_62 : vector<400x128xf32>
    %swap3A = arith.constant 0 : index
    %swap3A_64 = arith.constant 0 : index
    %swap3A_65 = vector.load %arg11[%swap3A, %swap3A_64] : memref<400x128xf32, #tpu.memory_space<vmem>>, vector<400x128xf32>
    tpu.vector_store %arg11[%swap3A, %swap3A_64], %add3A_63 {strides = array<i32>} : memref<400x128xf32, #tpu.memory_space<vmem>>, vector<400x128xf32>,
    return
  }
  func.func @transform_0(%arg0: i32) -> (i32, i32) {
    %c0_i32 = arith.constant 0 : i32
    %c0_i32_0 = arith.constant 0 : i32
    return %arg0, %c0_i32 : i32, i32
  }
  func.func @transform_1(%arg0: i32) -> (i32, i32) {
    %c0_i32 = arith.constant 0 : i32
    %c0_i32_0 = arith.constant 0 : i32
    %c0_i32_1 = arith.constant 0 : i32
    return %c0_i32, %c0_i32_0 : i32, i32
  }
  func.func @transform_2(%arg0: i32) -> (i32, i32) {
    %c0_i32 = arith.constant 0 : i32
    %c0_i32_0 = arith.constant 0 : i32
    %c0_i32_1 = arith.constant 0 : i32
    return %c0_i32, %c0_i32_0 : i32, i32
  }
  func.func @transform_3(%arg0: i32) -> (i32, i32) {
    %c0_i32 = arith.constant 0 : i32
    %c0_i32_0 = arith.constant 0 : i32
    %c0_i32_1 = arith.constant 0 : i32
    return %c0_i32, %c0_i32_0 : i32, i32
  }
  func.func @transform_4(%arg0: i32) -> (i32, i32) {
    %c0_i32 = arith.constant 0 : i32
    %c0_i32_0 = arith.constant 0 : i32
    %c0_i32_1 = arith.constant 0 : i32
    return %c0_i32, %c0_i32_0 : i32, i32
  }
  func.func @transform_5(%arg0: i32) -> (i32, i32) {
    %c0_i32 = arith.constant 0 : i32
    %c0_i32_0 = arith.constant 0 : i32
    %c0_i32_1 = arith.constant 0 : i32
    return %c0_i32, %c0_i32_0 : i32, i32
  }
  func.func @transform_6(%arg0: i32) -> (i32, i32) {
    %c0_i32 = arith.constant 0 : i32
    %c0_i32_0 = arith.constant 0 : i32
    %c0_i32_1 = arith.constant 0 : i32
    return %c0_i32, %c0_i32_0 : i32, i32
  }
  func.func @transform_7(%arg0: i32) -> (i32, i32) {
    %c0_i32 = arith.constant 0 : i32
    %c0_i32_0 = arith.constant 0 : i32
    %c0_i32_1 = arith.constant 0 : i32
    return %c0_i32, %c0_i32_0 : i32, i32
  }
  func.func @transform_8(%arg0: i32) -> (i32, i32, i32) {
    %c0_i32 = arith.constant 0 : i32
    %c0_i32_0 = arith.constant 0 : i32
    %c0_i32_1 = arith.constant 0 : i32
    return %arg0, %c0_i32, %c0_i32_0 : i32, i32, i32
  }
  func.func @transform_9(%arg0: i32) -> (i32, i32) {
    %c0_i32 = arith.constant 0 : i32
    %c0_i32_0 = arith.constant 0 : i32
    return %arg0, %c0_i32 : i32, i32
  }
  func.func @transform_10(%arg0: i32) -> (i32, i32) {
    %c0_i32 = arith.constant 0 : i32
    %c0_i32_0 = arith.constant 0 : i32
    return %arg0, %c0_i32 : i32, i32
  }
}

</mosaic_0001>

<sc_bundles>
// kernel: kernel.10.cloned.1.call-start
scs
__scs_entry_jumppad:
0x0: {  	(pc) =	sbr.rel $0x88, $3  }
0x1: {  	(tag) =	ssettag $0x0;
	lr =	simm.s32 $0x1  }
0x2: {  	[smem:$0x3F94] =	sst lr;
	_ =	strace $0xD0000000  }
0x3: {  	_ = 	snop  }
0x4: {  	_ = 	snop  }
0x5: {  	_ = 	snop  }
0x6: {  	_ = 	snop  }
0x7: {  	_ = 	snop  }
__scs_overlays_trampoline_lowered:
0x8: {  	[smem:$0x3FA3] =	sst s0  }
0x9: {  	[smem:$0x3FA4] =	sst s1  }
0xa: {  	[smem:$0x3FA5] =	sst s2  }
0xb: {  	[smem:$0x3FA6] =	sst s3  }
0xc: {  	[smem:$0x3FA7] =	sst s4  }
0xd: {  	[smem:$0x3FA8] =	sst s5  }
0xe: {  	[smem:$0x3FA9] =	sst s6  }
0xf: {  	[smem:$0x3FAA] =	sst s7  }
0x10: {  	[smem:$0x3FAB] =	sst s8  }
0x11: {  	[smem:$0x3FAC] =	sst s9;
	s0 =	simm.s32 @!p0 $0x0  }
0x12: {  	s1 =	sld [smem:$0x3F92];
	s0 =	simm.s32 @p0 $0x1  }
0x13: {  	[smem:$0x3FAD] =	sst s0;
	s0 =	simm.s32 @!p1 $0x0  }
0x14: {  	s2 =	sld [smem:$0x3F91];
	s0 =	simm.s32 @p1 $0x1  }
0x15: {  	[smem:$0x3FAE] =	sst s0;
	s0 =	simm.s32 @!p2 $0x0  }
0x16: {  	s3 =	sld [smem:$0x3FDB];
	s0 =	simm.s32 @p2 $0x1  }
0x17: {  	s4 =	simm.s32 $0x1BF5;
	[smem:$0x3FB0] =	sst s0  }
0x18: {  	s0 =	sld [smem:$0x3F93];
	_ =	swait.ge [sflag:s4], $0x0  }
0x19: {  	s7 =	sld [smem:$0x3F94]  }
0x1a: {  	s8 =	sadd.s32 $0xFFFFE003, lr  }
0x1b: {  	s9 =	sadd.s32 $0xFFFFFEF7, lr;
	s5 =	simm.s32 $0xFFFFFFFF;
	p2 =	slt.u32 s8, $0xFFFFF086  }
0x1c: {  	p1 =	slt.u32 s9, $0xF7A;
	s5 =	simm.s32 @!p2 $0x0  }
0x1d: {  	s5 =	simm.s32 @p1 $0x1;
	p0 =	seq.s32 s7, s2  }
0x1e: {  	s7 =	smul.u32 @!p0 $0xF7A, s2;
	p2 =	seq.s32 @!p0 s5, $0x0  }
0x1f: {  	s9 =	smul.u32 $0xF7A, s1;
	s8 =	simm.s32 @!p0 $0x1BF5;
	p2 =	por !p2, p0  }
0x20: {  	[sflag:s8] =	ssyncset.s32 @!p0 $0xFFFFF086;
	s6 =	sadd.s32 @!p0 s3, s7;
	s7 =	simm.s32 @!p0 $0x108  }
0x21: {  	s3 =	sadd.s32 s3, s9;
	s6 =	sadd.s32 @!p0 $0x88, s6;
	s7 =	simm.s32 @p2 $0x1082  }
0x22: {  	[simem:s7], [sflag:s8] =	dma.local @!p0 [hbm:s6], $0xF7A  }
0x23: {  	s9 =	sor.u32 $0xD0000000, s2;
	s6 =	simm.s32 $0x108;
	_ =	swait.ge @!p0 [sflag:s8], $0x0  }
0x24: {  	s3 =	sadd.s32 $0x88, s3;
	s6 =	simm.s32 @!p1 $0x1082;
	[sflag:s4] =	ssyncset.s32 $0xFFFFF086  }
0x25: {  	[simem:s6], [sflag:s4] =	dma.local [hbm:s3], $0xF7A  }
0x26: {  	[smem:$0x3F94] =	sst s1;
	(tag) =	ssettag s2;
	_ =	strace s9  }
0x27: {  	s1 =	sld [smem:$0x3FA4]  }
0x28: {  	s2 =	sld [smem:$0x3FA5]  }
0x29: {  	s4 =	sld [smem:$0x3FA7]  }
0x2a: {  	p0 =	seq.s32 s5, $0x0;
	s5 =	sld [smem:$0x3FA8]  }
0x2b: {  	s6 =	sld [smem:$0x3FA9]  }
0x2c: {  	s7 =	sld [smem:$0x3FAA]  }
0x2d: {  	s3 =	simm.s32 $0x108;
	s8 =	sld [smem:$0x3FAB]  }
0x2e: {  	s3 =	simm.s32 @!p0 $0x1082;
	s9 =	sld [smem:$0x3FAC]  }
0x2f: {  	lr =	sadd.s32 s0, s3;
	s0 =	sld [smem:$0x3FA3]  }
0x30: {  	s3 =	sld [smem:$0x3FA6]  }
0x31: {  	[smem:$0x3FAF] =	sst s10  }
0x32: {  	s10 =	sld [smem:$0x3FAD];
	_ =	sdelay $0x3  }
0x33: {  	p0 =	seq.s32 s10, $0x1;
	s10 =	sld [smem:$0x3FAF];
	_ =	sdelay $0x3  }
0x34: {  	[smem:$0x3FAF] =	sst s10  }
0x35: {  	s10 =	sld [smem:$0x3FAE];
	_ =	sdelay $0x3  }
0x36: {  	p1 =	seq.s32 s10, $0x1;
	s10 =	sld [smem:$0x3FAF];
	_ =	sdelay $0x3  }
0x37: {  	[smem:$0x3FAF] =	sst s10  }
0x38: {  	s10 =	sld [smem:$0x3FB0]  }
0x39: {  	_ = 	snop;
	(pc) =	sbr.ind lr, $3  }
0x3a: {  	_ = 	snop  }
0x3b: {  	_ = 	snop  }
0x3c: {  	p2 =	seq.s32 s10, $0x1;
	s10 =	sld [smem:$0x3FAF]  }
0x3d: {  	_ =	shalt  }
0x3e: {  	_ =	shalt  }
0x3f: {  	_ =	shalt  }
0x40: {  	_ =	shalt  }
0x41: {  	_ =	shalt  }
0x42: {  	_ =	shalt  }
0x43: {  	_ =	shalt  }
0x44: {  	_ =	shalt  }
0x45: {  	_ =	shalt  }
0x46: {  	_ =	shalt  }
0x47: {  	_ =	shalt  }
0x48: {  	_ =	shalt  }
0x49: {  	_ =	shalt  }
0x4a: {  	_ =	shalt  }
0x4b: {  	_ =	shalt  }
0x4c: {  	_ =	shalt  }
0x4d: {  	_ =	shalt  }
0x4e: {  	_ =	shalt  }
0x4f: {  	_ =	shalt  }
0x50: {  	_ =	shalt  }
0x51: {  	_ =	shalt  }
0x52: {  	_ =	shalt  }
0x53: {  	_ =	shalt  }
0x54: {  	_ =	shalt  }
0x55: {  	_ =	shalt  }
0x56: {  	_ =	shalt  }
0x57: {  	_ =	shalt  }
0x58: {  	_ =	shalt  }
0x59: {  	_ =	shalt  }
0x5a: {  	_ =	shalt  }
0x5b: {  	_ =	shalt  }
0x5c: {  	_ =	shalt  }
0x5d: {  	_ =	shalt  }
0x5e: {  	_ =	shalt  }
0x5f: {  	_ =	shalt  }
0x60: {  	_ =	shalt  }
0x61: {  	_ =	shalt  }
0x62: {  	_ =	shalt  }
0x63: {  	_ =	shalt  }
0x64: {  	_ =	shalt  }
0x65: {  	_ =	shalt  }
0x66: {  	_ =	shalt  }
0x67: {  	_ =	shalt  }
0x68: {  	_ =	shalt  }
0x69: {  	_ =	shalt  }
0x6a: {  	_ =	shalt  }
0x6b: {  	_ =	shalt  }
0x6c: {  	_ =	shalt  }
0x6d: {  	_ =	shalt  }
0x6e: {  	_ =	shalt  }
0x6f: {  	_ =	shalt  }
0x70: {  	_ =	shalt  }
0x71: {  	_ =	shalt  }
0x72: {  	_ =	shalt  }
0x73: {  	_ =	shalt  }
0x74: {  	_ =	shalt  }
0x75: {  	_ =	shalt  }
0x76: {  	_ =	shalt  }
0x77: {  	_ =	shalt  }
0x78: {  	_ =	shalt  }
0x79: {  	_ =	shalt  }
0x7a: {  	_ =	shalt  }
0x7b: {  	_ =	shalt  }
0x7c: {  	_ =	shalt  }
0x7d: {  	_ =	shalt  }
0x7e: {  	_ =	shalt  }
0x7f: {  	_ =	shalt  }
0x80: {  	_ =	shalt  }
0x81: {  	_ =	shalt  }
0x82: {  	_ =	shalt  }
0x83: {  	_ =	shalt  }
0x84: {  	_ =	shalt  }
0x85: {  	_ =	shalt  }
0x86: {  	_ =	shalt  }
0x87: {  	_ =	shalt  }
.Lfunc_end0:
.L_simem_size_0:
called_computation_lowered:
.L_overlay_start_0:
0x88: {  	s2 =	sld [smem:$0x3FD9]  }
0x89: {  	s3 =	sld [smem:$0x3FFE];
	_ =	sdelay $0x1  }
0x8a: {  	s1 =	srdreg.scid  }
0x8b: {  	s0 =	sand.u32 $0x1, s1  }
0x8c: {  	s17 =	sshll.u32 s0, $0xA;
	s2 =	sadd.s32 s3, s2  }
0x8d: {  	s2 =	sadd.s32 s2, s17  }
0x8e: {  	[smem:$0x3FBB] =	sst s2  }
0x8f: {  	_ = 	snop  }
0x90: {  	s2 =	sld [smem:$0x3FD0];
	(tm) =	ssettm $0x1  }
0x91: {  	s18 =	sld [smem:$0x3FFB];
	_ =	sdelay $0x3  }
0x92: {  	_ =	strace s18  }
0x93: {  	s3 =	sld [smem:$0x3FFC];
	_ =	sdelay $0x3  }
0x94: {  	_ =	strace s3  }
0x95: {  	s3 =	sld [smem:$0x3FFD];
	_ =	sdelay $0x3  }
0x96: {  	_ =	strace s3  }
0x97: {  	_ =	strace $0x8FFFFFFF  }
0x98: {  	s19 =	sld [smem:$0x3FDB];
	_ =	sdelay $0x1  }
0x99: {  	s4 =	simm.s32 $_scs_section_size  }
0x9a: {  	s5 =	simm.s32 $_size__tile_overlayer_lowered;
	s6 =	simm.s32 $_tile_overlayer_lowered  }
0x9b: {  	s22 =	simm.s32 $0x1BFF;
	s21 =	sshll.u32 s6, $0x1;
	s3 =	sadd.s32 s4, s19  }
0x9c: {  	s7 =	simm.s32 $0x0;
	s20 =	sshll.u32 s5, $0x1;
	s5 =	sadd.s32 s21, s3  }
0x9d: {  	[timem:s7], [sflag:s22] =	dma.local [hbm:s5], s20  }
0x9e: {  	_ =	swait.ge [sflag:s22], s20  }
0x9f: {  	s4 =	ssub.s32 $0x0, s20;
	[sflag:s22] =	ssyncset.done $0x0  }
0xa0: {  	[sflag:s22] =	ssyncadd.s32 s4;
	_ =	sdelay $0x1  }
0xa1: {  	s23 =	simm.s32 $0x1B8B  }
0xa2: {  	_ =	swait.ge [sflag:s23], $0x1  }
0xa3: {  	[sflag:s23] =	ssyncset.done $0x0  }
0xa4: {  	s25 =	simm.s32 $0x1B8E;
	s24 =	sld [smem:$0x3FFE];
	[sflag:s23] =	ssyncadd.s32 $0xFFFFFFFF  }
0xa5: {  	s26 =	simm.s32 $execute0_lowered;
	[smem:$0x3FD2] =	sst s25  }
0xa6: {  	s5 =	sshll.u32 s26, $0x1;
	_ =	strace $0x80000046;
	[dreg:$0x1] =	wrdreg $0xFFFFFFFF  }
0xa7: {  	s28 =	simm.s32 $_size_execute0_lowered;
	s3 =	sadd.s32 s3, s5;
	[dreg:$0x0] =	wrdreg $0x0  }
0xa8: {  	s5 =	sshll.u32 s28, $0x1;
	[dreg:$0x2] =	wrdreg s3  }
0xa9: {  	[dreg:$0x3] =	wrdreg s5  }
0xaa: {  	[dreg:$0x4] =	wrdreg $0xC0  }
0xab: {  	_ =	task [dreg:s7], $0x5FFFF  }
0xac: {  	[dreg:$0x1] =	wrdreg $0xFFFFFFFF  }
0xad: {  	[dreg:$0x0] =	wrdreg $0x60  }
0xae: {  	[dreg:$0x2] =	wrdreg s24  }
0xaf: {  	[dreg:$0x3] =	wrdreg s2  }
0xb0: {  	[dreg:$0x4] =	wrdreg $0xBA000  }
0xb1: {  	[dreg:$0x5] =	wrdreg $0x9  }
0xb2: {  	_ =	task.clear_ibuf [dreg:s7], $0x6FFFF;
	_ =	strace $0x90000046  }
0xb3: {  	s29 =	simm.s32 $0x9;
	_ =	strace $0x80000048  }
0xb4: {  	_ =	swait.ge [sflag:s29], $0x1  }
0xb5: {  	[sflag:s29] =	ssyncadd.s32 $0xFFFFFFFF  }
0xb6: {  	_ =	strace $0x90000048  }
0xb7: {  	_ =	sfence  }
0xb8: {  	s30 =	sld [smem:$0x0];
	_ =	sdelay $0x2  }
0xb9: {  	s31 =	sshll.u32 s1, $0xD;
	s1 =	sshrl.u32 s1, $0x2  }
0xba: {  	s3 =	sand.u32 $0x4000, s31;
	s1 =	sadd.s32 s1, s30  }
0xbb: {  	s0 =	sor.u32 s3, s0;
	s1 =	sshll.u32 s1, $0x11  }
0xbc: {  	s0 =	sor.u32 s1, s0  }
0xbd: {  	s0 =	sadd.s32 $0x8F2B, s0  }
0xbe: {  	[sflag:s0] =	ssyncadd.remote.s32 $0x1  }
0xbf: {  	_ =	sfence.sel $0xFFFF  }
0xc0: {  	[dreg:$0x0] =	wrdreg $0xFFFFFFFF;
	(pc) =	sbr.abs _section_cstart, $3  }
0xc1: {  	[dreg:$0x1] =	wrdreg $0xFFFFFFFF  }
0xc2: {  	_ =	task.clear_ibuf [dreg:s7], $0x2FFFF;
	_ =	strace $0x9FFFFFFF  }
0xc3: {  	(tm) =	ssettm $0x7FFFFFFF  }
tec
execute0_lowered:
.L_overlay_start_1:
0x0: {  	(tag) =	ssettag $0x1  }
0x1: {  	s1 =	rddreg [dreg:$0x0]  }
0x2: {  	s0 =	srdreg.scid;
	s15 =	rddreg [dreg:$0x1]  }
0x3: {  	s10 =	stileid.u32;
	s3 =	rddreg [dreg:$0x2];
	s4 =	simm.s32 $0x0  }
0x4: {  	s0 =	sand.u32 $0x1, s0;
	s2 =	sshll.u32 s10, $0x1;
	s6 =	smul.u32 $0x280, s10  }
0x5: {  	[smem:$0x7FF] =	sst s4;
	s5 =	sadd.s32 $0xC600, s1;
	s9 =	smul.u32 $0x50000, s10  }
0x6: {  	s11 =	sadd.s32 $0x42B200, s1;
	s12 =	smul.u32 $0x4E20, s10;
	s2 =	sor.u32 s0, s2  }
0x7: {  	s7 =	smul.u32 $0x2800, s0;
	_ =	strace $0x80000047;
	s25 =	sshrl.u32 s9, $0x2  }
0x8: {  	s22 =	ssub.s32 $0x2, s0;
	[dreg:$0x4] =	wrdreg s11;
	s18 =	sadd.s32 s25, s3  }
0x9: {  	s0 =	smul.u32 $0x2710, s0;
	s9 =	sadd.s32 $0x1000, s18;
	[dreg:$0x6] =	wrdreg s18  }
0xa: {  	s6 =	sadd.s32 s6, s7;
	s7 =	sadd.s32 $0x5000, s18;
	[dreg:$0x9] =	wrdreg s9  }
0xb: {  	s2 =	smul.u32 $0x2710, s2;
	s10 =	sadd.s32 $0x9000, s18;
	[dreg:$0x1b] =	wrdreg s7  }
0xc: {  	s0 =	sadd.s32 s0, s12;
	s12 =	sadd.s32 $0xB000, s18;
	[dreg:$0x1f] =	wrdreg s10  }
0xd: {  	s2 =	sshrl.u32 s2, $0x3;
	s30 =	sadd.s32 $0x8000, s18;
	[smem:$0x7F0] =	sst s12  }
0xe: {  	s6 =	sshll.u32 s6, $0x4;
	s9 =	sadd.s32 s15, s2;
	[dreg:$0x1e] =	wrdreg s30  }
0xf: {  	s8 =	sadd.s32 s2, s1;
	s12 =	sadd.s32 $0xE000, s18;
	[dreg:$0xd] =	wrdreg s9  }
0x10: {  	s1 =	sadd.s32 s6, s1;
	s24 =	sadd.s32 $0x2800, s8;
	[smem:$0x7FB] =	sst s12  }
0x11: {  	s26 =	sadd.s32 $0x42B400, s1;
	[dreg:$0x5] =	wrdreg s24  }
0x12: {  	s8 =	sadd.s32 $0x42B800, s1;
	[dreg:$0x7] =	wrdreg s26  }
0x13: {  	s11 =	sadd.s32 $0x42BC00, s1;
	[dreg:$0x8] =	wrdreg s8  }
0x14: {  	s13 =	sadd.s32 $0x42C000, s1;
	[dreg:$0xa] =	wrdreg s11  }
0x15: {  	s14 =	sadd.s32 $0x42C400, s1;
	[dreg:$0xb] =	wrdreg s13  }
0x16: {  	s16 =	sadd.s32 $0x42C800, s1;
	[dreg:$0xc] =	wrdreg s14  }
0x17: {  	s17 =	sadd.s32 $0x42CC00, s1;
	[dreg:$0xe] =	wrdreg s16  }
0x18: {  	s19 =	sadd.s32 $0x42D000, s1;
	[dreg:$0xf] =	wrdreg s17  }
0x19: {  	s23 =	sshrl.u32 s22, $0x1;
	s20 =	sadd.s32 $0x42D400, s1;
	[dreg:$0x10] =	wrdreg s19  }
0x1a: {  	s6 =	ssub.s32 s22, s23;
	s1 =	sadd.s32 $0x42D800, s1;
	[dreg:$0x11] =	wrdreg s20  }
0x1b: {  	s22 =	sadd.s32 $0x180, s0;
	s21 =	smax.u32 s6, $0x1;
	[dreg:$0x12] =	wrdreg s1  }
0x1c: {  	s23 =	sadd.s32 $0x140, s0;
	s6 =	sadd.s32 $0x3000, s18;
	[dreg:$0x13] =	wrdreg s21  }
0x1d: {  	s25 =	sshrl.u32 s23, $0x3;
	s23 =	sadd.s32 $0x8, s9;
	[dreg:$0x19] =	wrdreg s6  }
0x1e: {  	s24 =	sadd.s32 $0x1C0, s0;
	s0 =	sadd.s32 $0x100, s0;
	[smem:$0x7F5] =	sst s23  }
0x1f: {  	s8 =	sadd.s32 $0x7000, s18;
	[dreg:$0x16] =	wrdreg s0  }
0x20: {  	s13 =	sadd.s32 $0xD000, s18;
	[dreg:$0x1d] =	wrdreg s8  }
0x21: {  	s14 =	sadd.s32 $0xF000, s18;
	[smem:$0x7F1] =	sst s13  }
0x22: {  	s29 =	simm.s32 $0xC;
	s17 =	sadd.s32 $0x11000, s18;
	[smem:$0x7F2] =	sst s14  }
0x23: {  	s1 =	sshrl.u32 s22, $0x3;
	s22 =	sadd.s32 $0x13000, s18;
	[smem:$0x7F3] =	sst s17  }
0x24: {  	s31 =	simm.s32 $0x5;
	s19 =	sadd.s32 $0x2000, s18;
	[smem:$0x7F4] =	sst s22  }
0x25: {  	s28 =	simm.s32 $0x2880;
	s20 =	sadd.s32 $0x4000, s18;
	[dreg:$0x18] =	wrdreg s19  }
0x26: {  	s7 =	simm.s32 $0x7;
	s21 =	sadd.s32 $0x6000, s18;
	[dreg:$0x1a] =	wrdreg s20  }
0x27: {  	s10 =	simm.s32 $0x8;
	s16 =	sadd.s32 $0xC000, s18;
	[dreg:$0x1c] =	wrdreg s21  }
0x28: {  	s11 =	sadd.s32 $0xA000, s18;
	s1 =	sadd.s32 s1, s15;
	[smem:$0x7FA] =	sst s16  }
0x29: {  	s26 =	sshrl.u32 s24, $0x3;
	s24 =	sadd.s32 $0x10, s9;
	[dreg:$0x14] =	wrdreg s1  }
0x2a: {  	s23 =	simm.s32 $0xA;
	s8 =	sadd.s32 $0x10000, s18;
	[smem:$0x7F6] =	sst s24  }
0x2b: {  	s6 =	simm.s32 $0x0;
	s1 =	sadd.s32 s25, s15;
	[smem:$0x7FC] =	sst s8  }
0x2c: {  	s14 =	simm.s32 $0xD;
	s2 =	sadd.s32 s26, s15;
	[dreg:$0x15] =	wrdreg s1  }
0x2d: {  	s22 =	simm.s32 $0x2;
	s25 =	sadd.s32 $0x18, s9;
	[dreg:$0x17] =	wrdreg s2  }
0x2e: {  	s0 =	simm.s32 $0x6;
	s26 =	sadd.s32 $0x4E0, s9;
	[smem:$0x7F7] =	sst s25  }
0x2f: {  	s9 =	smov.u32 s11;
	s11 =	simm.s32 $0x40;
	[smem:$0x7F8] =	sst s26  }
0x30: {  	s24 =	simm.s32 $0x3;
	s2 =	sadd.s32 $0x12000, s18;
	[smem:$0x7F9] =	sst s9  }
0x31: {  	s25 =	simm.s32 $0xB;
	s26 =	simm.s32 $0x4;
	[smem:$0x7FD] =	sst s2  }
.LBB2_1:
0x32: {  	[smem:$0x7EF] =	sst s6  }
0x33: {  	s1 =	rddreg [dreg:$0x5]  }
0x34: {  	[tilespmem:s4], [sflag:$0xD] =	stream.linear.gather [hbm4b:s1+s4], $0x2710, $0x38;
	[tilespmem:$0x1FA00] =	vst v63  }
0x35: {  	_ =	swait.ge [sflag:s14], $0x2710  }
0x36: {  	[sflag:s14] =	ssyncset.done $0x0  }
0x37: {  	s17 =	simm.s32 $0xAA00;
	s13 =	rddreg [dreg:$0x4];
	[sflag:s14] =	ssyncadd.s32 $0xFFFFD8F0  }
0x38: {  	[tilespmem:s17], [sflag:$0xD] =	stream.linear.gather [hbm4b:s13+s4], $0x1000, $0x38;
	[tilespmem:$0x1FA00] =	vst v63  }
0x39: {  	_ =	swait.ge [sflag:s14], $0x1000  }
0x3a: {  	[sflag:s14] =	ssyncset.done $0x0  }
0x3b: {  	[sflag:s14] =	ssyncadd.s32 $0xFFFFF000  }
0x3c: {  	[spmem:s18] =	stream.linear.scatter [tilespmem:s17], [sflag:$0x1], $0x1000, $0x38;
	[tilespmem:$0x1FA00] =	vst v63  }
0x3d: {  	s14 =	rddreg [dreg:$0x9]  }
0x3e: {  	[spmem:s14] =	stream.linear.scatter [tilespmem:s17], [sflag:$0x1], $0x1000, $0x38;
	[tilespmem:$0x1FA00] =	vst v63  }
0x3f: {  	_ = 	snop  }
0x40: {  	[spmem:s19] =	stream.linear.scatter [tilespmem:s17], [sflag:$0x1], $0x1000, $0x38;
	[tilespmem:$0x1FA00] =	vst v63  }
0x41: {  	s18 =	rddreg [dreg:$0x19]  }
0x42: {  	[spmem:s18] =	stream.linear.scatter [tilespmem:s17], [sflag:$0x1], $0x1000, $0x38;
	[tilespmem:$0x1FA00] =	vst v63  }
0x43: {  	_ = 	snop  }
0x44: {  	[spmem:s20] =	stream.linear.scatter [tilespmem:s17], [sflag:$0x1], $0x1000, $0x38;
	[tilespmem:$0x1FA00] =	vst v63  }
0x45: {  	s19 =	rddreg [dreg:$0x1b]  }
0x46: {  	[spmem:s19] =	stream.linear.scatter [tilespmem:s17], [sflag:$0x1], $0x1000, $0x38;
	[tilespmem:$0x1FA00] =	vst v63  }
0x47: {  	_ = 	snop  }
0x48: {  	[spmem:s21] =	stream.linear.scatter [tilespmem:s17], [sflag:$0x1], $0x1000, $0x38;
	[tilespmem:$0x1FA00] =	vst v63  }
0x49: {  	s20 =	rddreg [dreg:$0x1d]  }
0x4a: {  	[spmem:s20] =	stream.linear.scatter [tilespmem:s17], [sflag:$0x1], $0x1000, $0x38;
	[tilespmem:$0x1FA00] =	vst v63  }
0x4b: {  	_ = 	snop  }
0x4c: {  	[spmem:s30] =	stream.linear.scatter [tilespmem:s17], [sflag:$0x1], $0x1000, $0x38;
	[tilespmem:$0x1FA00] =	vst v63  }
0x4d: {  	s21 =	rddreg [dreg:$0x1f]  }
0x4e: {  	[spmem:s21] =	stream.linear.scatter [tilespmem:s17], [sflag:$0x1], $0x1000, $0x38;
	[tilespmem:$0x1FA00] =	vst v63  }
0x4f: {  	s6 =	sld [smem:$0x7F0]  }
0x50: {  	[spmem:s9] =	stream.linear.scatter [tilespmem:s17], [sflag:$0x1], $0x1000, $0x38;
	[tilespmem:$0x1FA00] =	vst v63  }
0x51: {  	_ = 	snop  }
0x52: {  	[spmem:s6] =	stream.linear.scatter [tilespmem:s17], [sflag:$0x1], $0x1000, $0x38;
	[tilespmem:$0x1FA00] =	vst v63  }
0x53: {  	s9 =	sld [smem:$0x7F1]  }
0x54: {  	[spmem:s16] =	stream.linear.scatter [tilespmem:s17], [sflag:$0x1], $0x1000, $0x38;
	[tilespmem:$0x1FA00] =	vst v63  }
0x55: {  	_ = 	snop  }
0x56: {  	[spmem:s9] =	stream.linear.scatter [tilespmem:s17], [sflag:$0x1], $0x1000, $0x38;
	[tilespmem:$0x1FA00] =	vst v63  }
0x57: {  	s13 =	sld [smem:$0x7F2]  }
0x58: {  	[spmem:s12] =	stream.linear.scatter [tilespmem:s17], [sflag:$0x1], $0x1000, $0x38;
	[tilespmem:$0x1FA00] =	vst v63  }
0x59: {  	_ = 	snop  }
0x5a: {  	[spmem:s13] =	stream.linear.scatter [tilespmem:s17], [sflag:$0x1], $0x1000, $0x38;
	[tilespmem:$0x1FA00] =	vst v63  }
0x5b: {  	s14 =	sld [smem:$0x7F3]  }
0x5c: {  	[spmem:s8] =	stream.linear.scatter [tilespmem:s17], [sflag:$0x1], $0x1000, $0x38;
	[tilespmem:$0x1FA00] =	vst v63  }
0x5d: {  	_ = 	snop  }
0x5e: {  	[spmem:s14] =	stream.linear.scatter [tilespmem:s17], [sflag:$0x1], $0x1000, $0x38;
	[tilespmem:$0x1FA00] =	vst v63  }
0x5f: {  	s16 =	sld [smem:$0x7F4]  }
0x60: {  	[spmem:s2] =	stream.linear.scatter [tilespmem:s17], [sflag:$0x1], $0x1000, $0x38;
	[tilespmem:$0x1FA00] =	vst v63  }
0x61: {  	s6 =	simm.s32 $0x1  }
0x62: {  	[spmem:s16] =	stream.linear.scatter [tilespmem:s17], [sflag:$0x1], $0x1000, $0x38;
	[tilespmem:$0x1FA00] =	vst v63  }
0x63: {  	_ =	swait.ge [sflag:s6], $0x1000  }
0x64: {  	[sflag:s6] =	ssyncset.done $0x0  }
0x65: {  	[sflag:s6] =	ssyncadd.s32 $0xFFFFF000  }
0x66: {  	_ =	swait.ge [sflag:s6], $0x1000  }
0x67: {  	[sflag:s6] =	ssyncset.done $0x0  }
0x68: {  	[sflag:s6] =	ssyncadd.s32 $0xFFFFF000  }
0x69: {  	_ =	swait.ge [sflag:s6], $0x1000  }
0x6a: {  	[sflag:s6] =	ssyncset.done $0x0  }
0x6b: {  	[sflag:s6] =	ssyncadd.s32 $0xFFFFF000  }
0x6c: {  	_ =	swait.ge [sflag:s6], $0x1000  }
0x6d: {  	[sflag:s6] =	ssyncset.done $0x0  }
0x6e: {  	[sflag:s6] =	ssyncadd.s32 $0xFFFFF000  }
0x6f: {  	_ =	swait.ge [sflag:s6], $0x1000  }
0x70: {  	[sflag:s6] =	ssyncset.done $0x0  }
0x71: {  	[sflag:s6] =	ssyncadd.s32 $0xFFFFF000  }
0x72: {  	_ =	swait.ge [sflag:s6], $0x1000  }
0x73: {  	[sflag:s6] =	ssyncset.done $0x0  }
0x74: {  	[sflag:s6] =	ssyncadd.s32 $0xFFFFF000  }
0x75: {  	_ =	swait.ge [sflag:s6], $0x1000  }
0x76: {  	[sflag:s6] =	ssyncset.done $0x0  }
0x77: {  	[sflag:s6] =	ssyncadd.s32 $0xFFFFF000  }
0x78: {  	_ =	swait.ge [sflag:s6], $0x1000  }
0x79: {  	[sflag:s6] =	ssyncset.done $0x0  }
0x7a: {  	[sflag:s6] =	ssyncadd.s32 $0xFFFFF000  }
0x7b: {  	_ =	swait.ge [sflag:s6], $0x1000  }
0x7c: {  	[sflag:s6] =	ssyncset.done $0x0  }
0x7d: {  	[sflag:s6] =	ssyncadd.s32 $0xFFFFF000  }
0x7e: {  	_ =	swait.ge [sflag:s6], $0x1000  }
0x7f: {  	[sflag:s6] =	ssyncset.done $0x0  }
0x80: {  	[sflag:s6] =	ssyncadd.s32 $0xFFFFF000  }
0x81: {  	_ =	swait.ge [sflag:s6], $0x1000  }
0x82: {  	[sflag:s6] =	ssyncset.done $0x0  }
0x83: {  	[sflag:s6] =	ssyncadd.s32 $0xFFFFF000  }
0x84: {  	_ =	swait.ge [sflag:s6], $0x1000  }
0x85: {  	[sflag:s6] =	ssyncset.done $0x0  }
0x86: {  	[sflag:s6] =	ssyncadd.s32 $0xFFFFF000  }
0x87: {  	_ =	swait.ge [sflag:s6], $0x1000  }
0x88: {  	[sflag:s6] =	ssyncset.done $0x0  }
0x89: {  	[sflag:s6] =	ssyncadd.s32 $0xFFFFF000  }
0x8a: {  	_ =	swait.ge [sflag:s6], $0x1000  }
0x8b: {  	[sflag:s6] =	ssyncset.done $0x0  }
0x8c: {  	[sflag:s6] =	ssyncadd.s32 $0xFFFFF000  }
0x8d: {  	_ =	swait.ge [sflag:s6], $0x1000  }
0x8e: {  	[sflag:s6] =	ssyncset.done $0x0  }
0x8f: {  	[sflag:s6] =	ssyncadd.s32 $0xFFFFF000  }
0x90: {  	_ =	swait.ge [sflag:s6], $0x1000  }
0x91: {  	[sflag:s6] =	ssyncset.done $0x0  }
0x92: {  	[sflag:s6] =	ssyncadd.s32 $0xFFFFF000  }
0x93: {  	_ =	swait.ge [sflag:s6], $0x1000  }
0x94: {  	[sflag:s6] =	ssyncset.done $0x0  }
0x95: {  	[sflag:s6] =	ssyncadd.s32 $0xFFFFF000  }
0x96: {  	_ =	swait.ge [sflag:s6], $0x1000  }
0x97: {  	[sflag:s6] =	ssyncset.done $0x0  }
0x98: {  	[sflag:s6] =	ssyncadd.s32 $0xFFFFF000  }
0x99: {  	_ =	swait.ge [sflag:s6], $0x1000  }
0x9a: {  	[sflag:s6] =	ssyncset.done $0x0  }
0x9b: {  	[sflag:s6] =	ssyncadd.s32 $0xFFFFF000  }
0x9c: {  	_ =	swait.ge [sflag:s6], $0x1000  }
0x9d: {  	[sflag:s6] =	ssyncset.done $0x0  }
0x9e: {  	[sflag:s6] =	ssyncadd.s32 $0xFFFFF000  }
0x9f: {  	[bflag:$0x0] =	sbarrier.arrive $0xFFFF  }
0xa0: {  	s2 =	simm.s32 $0x2780;
	s18 =	rddreg [dreg:$0xd]  }
0xa1: {  	[tilespmem:s2], [sflag:$0x9] =	stream.linear.gather [hbm4b:s18+s4], $0x40, $0x38;
	[tilespmem:$0x1FA00] =	vst v63  }
0xa2: {  	s9 =	simm.s32 $0x2A00;
	s19 =	sld [smem:$0x7F5]  }
0xa3: {  	[tilespmem:s9], [sflag:$0x1] =	stream.indirect.gather [hbm4b:s5+s11], $0x80, s4, s11, $0xb8;
	[tilespmem:$0x1FA00] =	vst v63  }
0xa4: {  	s12 =	simm.s32 $0x2800  }
0xa5: {  	[tilespmem:s12], [sflag:$0xA] =	stream.linear.gather [hbm4b:s19+s4], $0x40, $0x38;
	[tilespmem:$0x1FA00] =	vst v63  }
0xa6: {  	s13 =	simm.s32 $0x4A00;
	s20 =	sld [smem:$0x7F6]  }
0xa7: {  	[tilespmem:s13], [sflag:$0x2] =	stream.indirect.gather [hbm4b:s5+s11], $0x80, s11, s11, $0xb8;
	[tilespmem:$0x1FA00] =	vst v63  }
0xa8: {  	s14 =	simm.s32 $0x2880  }
0xa9: {  	[tilespmem:s14], [sflag:$0xB] =	stream.linear.gather [hbm4b:s20+s4], $0x40, $0x38;
	[tilespmem:$0x1FA00] =	vst v63  }
0xaa: {  	s21 =	simm.s32 $0x80;
	s16 =	simm.s32 $0x6A00;
	s8 =	sld [smem:$0x7F7]  }
0xab: {  	[tilespmem:s16], [sflag:$0x3] =	stream.indirect.gather [hbm4b:s5+s11], $0x80, s21, s11, $0xb8;
	[tilespmem:$0x1FA00] =	vst v63  }
0xac: {  	s17 =	simm.s32 $0x2900  }
0xad: {  	[tilespmem:s17], [sflag:$0xC] =	stream.linear.gather [hbm4b:s8+s4], $0x40, $0x38;
	[tilespmem:$0x1FA00] =	vst v63  }
0xae: {  	s18 =	simm.s32 $0xC0;
	s19 =	simm.s32 $0x8A00  }
0xaf: {  	[tilespmem:s19], [sflag:$0x4] =	stream.indirect.gather [hbm4b:s5+s11], $0x80, s18, s11, $0xb8;
	[tilespmem:$0x1FA00] =	vst v63  }
0xb0: {  	_ =	swait.ge [sflag:s6], $0x2000  }
0xb1: {  	[sflag:s6] =	ssyncset.done $0x0  }
0xb2: {  	s20 =	simm.s32 $0x9;
	[sflag:s6] =	ssyncadd.s32 $0xFFFFE000  }
0xb3: {  	_ =	swait.ge [sflag:s20], $0x40  }
0xb4: {  	[sflag:s20] =	ssyncset.done $0x0  }
0xb5: {  	[sflag:s20] =	ssyncadd.s32 $0xFFFFFFC0  }
0xb6: {  	[spmem:s3] =	stream.indirect.scatter.add.f32 [tilespmem:s9], [sflag:$0x5], $0x80, s2, s11, $0xb8;
	[tilespmem:$0x1FA00] =	vst v63  }
0xb7: {  	_ =	swait.ge [sflag:s22], $0x2000  }
0xb8: {  	[sflag:s22] =	ssyncset.done $0x0  }
0xb9: {  	[sflag:s22] =	ssyncadd.s32 $0xFFFFE000  }
0xba: {  	_ =	swait.ge [sflag:s23], $0x40  }
0xbb: {  	[sflag:s23] =	ssyncset.done $0x0  }
0xbc: {  	[sflag:s23] =	ssyncadd.s32 $0xFFFFFFC0  }
0xbd: {  	[spmem:s3] =	stream.indirect.scatter.add.f32 [tilespmem:s13], [sflag:$0x6], $0x80, s12, s11, $0xb8;
	[tilespmem:$0x1FA00] =	vst v63  }
0xbe: {  	_ =	swait.ge [sflag:s24], $0x2000  }
0xbf: {  	[sflag:s24] =	ssyncset.done $0x0  }
0xc0: {  	[sflag:s24] =	ssyncadd.s32 $0xFFFFE000  }
0xc1: {  	_ =	swait.ge [sflag:s25], $0x40  }
0xc2: {  	[sflag:s25] =	ssyncset.done $0x0  }
0xc3: {  	[sflag:s25] =	ssyncadd.s32 $0xFFFFFFC0  }
0xc4: {  	[spmem:s3] =	stream.indirect.scatter.add.f32 [tilespmem:s16], [sflag:$0x7], $0x80, s14, s11, $0xb8;
	[tilespmem:$0x1FA00] =	vst v63  }
0xc5: {  	_ =	swait.ge [sflag:s26], $0x2000  }
0xc6: {  	[sflag:s26] =	ssyncset.done $0x0  }
0xc7: {  	[sflag:s26] =	ssyncadd.s32 $0xFFFFE000  }
0xc8: {  	_ =	swait.ge [sflag:s29], $0x40  }
0xc9: {  	[sflag:s29] =	ssyncset.done $0x0  }
0xca: {  	[sflag:s29] =	ssyncadd.s32 $0xFFFFFFC0  }
0xcb: {  	[spmem:s3] =	stream.indirect.scatter.add.f32 [tilespmem:s19], [sflag:$0x8], $0x80, s17, s11, $0xb8;
	[tilespmem:$0x1FA00] =	vst v63  }
0xcc: {  	_ =	swait.ge [sflag:s31], $0x2000  }
0xcd: {  	s8 =	rddreg [dreg:$0x16]  }
0xce: {  	[sflag:s31] =	ssyncset.done $0x0;
	s21 =	sshrl.u32 s8, $0x3  }
0xcf: {  	[sflag:s31] =	ssyncadd.s32 $0xFFFFE000;
	s1 =	sadd.s32 s15, s21  }
0xd0: {  	[tilespmem:s2], [sflag:$0x9] =	stream.linear.gather [hbm4b:s1+s4], $0x40, $0x38;
	[tilespmem:$0x1FA00] =	vst v63  }
0xd1: {  	s2 =	simm.s32 $0x100  }
0xd2: {  	[tilespmem:s9], [sflag:$0x1] =	stream.indirect.gather [hbm4b:s5+s11], $0x80, s2, s11, $0xb8;
	[tilespmem:$0x1FA00] =	vst v63  }
0xd3: {  	_ =	swait.ge [sflag:s0], $0x2000  }
0xd4: {  	[sflag:s0] =	ssyncset.done $0x0  }
0xd5: {  	s6 =	rddreg [dreg:$0x15];
	[sflag:s0] =	ssyncadd.s32 $0xFFFFE000  }
0xd6: {  	[tilespmem:s12], [sflag:$0xA] =	stream.linear.gather [hbm4b:s6+s4], $0x40, $0x38;
	[tilespmem:$0x1FA00] =	vst v63  }
0xd7: {  	s18 =	simm.s32 $0x140  }
0xd8: {  	[tilespmem:s13], [sflag:$0x2] =	stream.indirect.gather [hbm4b:s5+s11], $0x80, s18, s11, $0xb8;
	[tilespmem:$0x1FA00] =	vst v63  }
0xd9: {  	_ =	swait.ge [sflag:s7], $0x2000  }
0xda: {  	[sflag:s7] =	ssyncset.done $0x0  }
0xdb: {  	s19 =	rddreg [dreg:$0x14];
	[sflag:s7] =	ssyncadd.s32 $0xFFFFE000  }
0xdc: {  	[tilespmem:s14], [sflag:$0xB] =	stream.linear.gather [hbm4b:s19+s4], $0x40, $0x38;
	[tilespmem:$0x1FA00] =	vst v63  }
0xdd: {  	s20 =	simm.s32 $0x180  }
0xde: {  	[tilespmem:s16], [sflag:$0x3] =	stream.indirect.gather [hbm4b:s5+s11], $0x80, s20, s11, $0xb8;
	[tilespmem:$0x1FA00] =	vst v63  }
0xdf: {  	s1 =	simm.s32 $0x1C0;
	_ =	swait.ge [sflag:s10], $0x2000  }
0xe0: {  	s12 =	sadd.s32 $0x20, s6;
	s30 =	sadd.s32 $0x20, s19;
	[sflag:s10] =	ssyncset.done $0x0  }
0xe1: {  	s14 =	simm.s32 $0x400;
	s21 =	rddreg [dreg:$0x17];
	[sflag:s10] =	ssyncadd.s32 $0xFFFFE000  }
0xe2: {  	[tilespmem:s17], [sflag:$0xC] =	stream.linear.gather [hbm4b:s21+s4], $0x40, $0x38;
	[tilespmem:$0x1FA00] =	vst v63  }
0xe3: {  	s16 =	smov.u32 s15;
	s17 =	sadd.s32 $0x100, s8;
	s8 =	sadd.s32 $0x20, s21  }
.LBB2_2:
0xe4: {  	s9 =	simm.s32 $0x8A00  }
0xe5: {  	[tilespmem:s9], [sflag:$0x4] =	stream.indirect.gather [hbm4b:s5+s11], $0x80, s1, s11, $0xb8;
	[tilespmem:$0x1FA00] =	vst v63  }
0xe6: {  	s2 =	smov.u32 s14;
	s6 =	simm.s32 $0x1;
	s1 =	smov.u32 s8  }
0xe7: {  	p0 =	sne.s32 s14, $0x9400;
	s14 =	sadd.s32 $0x400, s14;
	_ =	swait.ge [sflag:s6], $0x2000  }
0xe8: {  	[sflag:s6] =	ssyncset.done $0x0  }
0xe9: {  	[sflag:s6] =	ssyncadd.s32 $0xFFFFE000;
	s6 =	simm.s32 $0x9  }
0xea: {  	_ =	swait.ge [sflag:s6], $0x40  }
0xeb: {  	[sflag:s6] =	ssyncset.done $0x0  }
0xec: {  	s19 =	simm.s32 $0x2780;
	s18 =	simm.s32 $0x2A00;
	[sflag:s6] =	ssyncadd.s32 $0xFFFFFFC0  }
0xed: {  	[spmem:s3] =	stream.indirect.scatter.add.f32 [tilespmem:s18], [sflag:$0x5], $0x80, s19, s11, $0xb8;
	[tilespmem:$0x1FA00] =	vst v63  }
0xee: {  	_ =	swait.ge [sflag:s22], $0x2000  }
0xef: {  	[sflag:s22] =	ssyncset.done $0x0  }
0xf0: {  	[sflag:s22] =	ssyncadd.s32 $0xFFFFE000  }
0xf1: {  	_ =	swait.ge [sflag:s23], $0x40  }
0xf2: {  	[sflag:s23] =	ssyncset.done $0x0  }
0xf3: {  	s20 =	simm.s32 $0x2800;
	s21 =	simm.s32 $0x4A00;
	[sflag:s23] =	ssyncadd.s32 $0xFFFFFFC0  }
0xf4: {  	[spmem:s3] =	stream.indirect.scatter.add.f32 [tilespmem:s21], [sflag:$0x6], $0x80, s20, s11, $0xb8;
	[tilespmem:$0x1FA00] =	vst v63  }
0xf5: {  	_ =	swait.ge [sflag:s24], $0x2000  }
0xf6: {  	[sflag:s24] =	ssyncset.done $0x0  }
0xf7: {  	[sflag:s24] =	ssyncadd.s32 $0xFFFFE000  }
0xf8: {  	_ =	swait.ge [sflag:s25], $0x40  }
0xf9: {  	[sflag:s25] =	ssyncset.done $0x0  }
0xfa: {  	s6 =	simm.s32 $0x6A00;
	[sflag:s25] =	ssyncadd.s32 $0xFFFFFFC0  }
0xfb: {  	[spmem:s3] =	stream.indirect.scatter.add.f32 [tilespmem:s6], [sflag:$0x7], $0x80, s28, s11, $0xb8;
	[tilespmem:$0x1FA00] =	vst v63  }
0xfc: {  	_ =	swait.ge [sflag:s26], $0x2000  }
0xfd: {  	[sflag:s26] =	ssyncset.done $0x0  }
0xfe: {  	[sflag:s26] =	ssyncadd.s32 $0xFFFFE000  }
0xff: {  	_ =	swait.ge [sflag:s29], $0x40  }
0x100: {  	[sflag:s29] =	ssyncset.done $0x0  }
0x101: {  	s15 =	simm.s32 $0x2900;
	[sflag:s29] =	ssyncadd.s32 $0xFFFFFFC0  }
0x102: {  	[spmem:s3] =	stream.indirect.scatter.add.f32 [tilespmem:s9], [sflag:$0x8], $0x80, s15, s11, $0xb8;
	[tilespmem:$0x1FA00] =	vst v63  }
0x103: {  	_ =	swait.ge [sflag:s31], $0x2000  }
0x104: {  	s13 =	simm.s32 $0x2780;
	s9 =	sshrl.u32 s17, $0x3;
	[sflag:s31] =	ssyncset.done $0x0  }
0x105: {  	s2 =	sshra.s32 s2, $0x2;
	s9 =	sadd.s32 s16, s9;
	[sflag:s31] =	ssyncadd.s32 $0xFFFFE000  }
0x106: {  	[tilespmem:s19], [sflag:$0x9] =	stream.linear.gather [hbm4b:s9+s4], $0x40, $0x38;
	[tilespmem:$0x1FA00] =	vst v63  }
0x107: {  	s9 =	sadd.s32 $0x100, s2  }
0x108: {  	[tilespmem:s18], [sflag:$0x1] =	stream.indirect.gather [hbm4b:s5+s11], $0x80, s9, s11, $0xb8;
	[tilespmem:$0x1FA00] =	vst v63  }
0x109: {  	_ =	swait.ge [sflag:s0], $0x2000  }
0x10a: {  	[sflag:s0] =	ssyncset.done $0x0  }
0x10b: {  	s18 =	simm.s32 $0x2800;
	[sflag:s0] =	ssyncadd.s32 $0xFFFFE000  }
0x10c: {  	[tilespmem:s20], [sflag:$0xA] =	stream.linear.gather [hbm4b:s12+s4], $0x40, $0x38;
	[tilespmem:$0x1FA00] =	vst v63  }
0x10d: {  	s9 =	sadd.s32 $0x140, s2  }
0x10e: {  	[tilespmem:s21], [sflag:$0x2] =	stream.indirect.gather [hbm4b:s5+s11], $0x80, s9, s11, $0xb8;
	[tilespmem:$0x1FA00] =	vst v63  }
0x10f: {  	_ =	swait.ge [sflag:s7], $0x2000  }
0x110: {  	[sflag:s7] =	ssyncset.done $0x0  }
0x111: {  	s19 =	simm.s32 $0x2880;
	[sflag:s7] =	ssyncadd.s32 $0xFFFFE000  }
0x112: {  	[tilespmem:s28], [sflag:$0xB] =	stream.linear.gather [hbm4b:s30+s4], $0x40, $0x38;
	[tilespmem:$0x1FA00] =	vst v63  }
0x113: {  	s20 =	simm.s32 $0x6A00;
	s9 =	sadd.s32 $0x180, s2  }
0x114: {  	[tilespmem:s6], [sflag:$0x3] =	stream.indirect.gather [hbm4b:s5+s11], $0x80, s9, s11, $0xb8;
	[tilespmem:$0x1FA00] =	vst v63  }
.Ltmp0:
0x115: {  	_ =	swait.ge [sflag:s10], $0x2000;
	(pc) =	sbr.rel @p0 .LBB2_2-.Ltmp0, $4  }
0x116: {  	s8 =	sadd.s32 $0x20, s8;
	[sflag:s10] =	ssyncset.done $0x0  }
0x117: {  	s17 =	sadd.s32 $0x100, s17;
	s9 =	simm.s32 $0x2900;
	[sflag:s10] =	ssyncadd.s32 $0xFFFFE000  }
0x118: {  	[tilespmem:s15], [sflag:$0xC] =	stream.linear.gather [hbm4b:s1+s4], $0x40, $0x38;
	[tilespmem:$0x1FA00] =	vst v63  }
0x119: {  	s12 =	sadd.s32 $0x20, s12;
	s30 =	sadd.s32 $0x20, s30;
	s1 =	sadd.s32 $0x1C0, s2  }
0x11a: {  	s8 =	simm.s32 $0x8A00;
	s6 =	simm.s32 $0x1  }
0x11b: {  	[tilespmem:s8], [sflag:$0x4] =	stream.indirect.gather [hbm4b:s5+s11], $0x80, s1, s11, $0xb8;
	[tilespmem:$0x1FA00] =	vst v63  }
0x11c: {  	_ =	swait.ge [sflag:s6], $0x2000  }
0x11d: {  	[sflag:s6] =	ssyncset.done $0x0  }
0x11e: {  	s17 =	simm.s32 $0x9;
	[sflag:s6] =	ssyncadd.s32 $0xFFFFE000  }
0x11f: {  	_ =	swait.ge [sflag:s17], $0x40  }
0x120: {  	[sflag:s17] =	ssyncset.done $0x0  }
0x121: {  	s2 =	simm.s32 $0x2A00;
	[sflag:s17] =	ssyncadd.s32 $0xFFFFFFC0  }
0x122: {  	[spmem:s3] =	stream.indirect.scatter.add.f32 [tilespmem:s2], [sflag:$0x5], $0x80, s13, s11, $0xb8;
	[tilespmem:$0x1FA00] =	vst v63  }
0x123: {  	_ =	swait.ge [sflag:s22], $0x2000  }
0x124: {  	[sflag:s22] =	ssyncset.done $0x0  }
0x125: {  	[sflag:s22] =	ssyncadd.s32 $0xFFFFE000  }
0x126: {  	_ =	swait.ge [sflag:s23], $0x40  }
0x127: {  	[sflag:s23] =	ssyncset.done $0x0  }
0x128: {  	s13 =	simm.s32 $0x4A00;
	[sflag:s23] =	ssyncadd.s32 $0xFFFFFFC0  }
0x129: {  	[spmem:s3] =	stream.indirect.scatter.add.f32 [tilespmem:s13], [sflag:$0x6], $0x80, s18, s11, $0xb8;
	[tilespmem:$0x1FA00] =	vst v63  }
0x12a: {  	_ =	swait.ge [sflag:s24], $0x2000  }
0x12b: {  	[sflag:s24] =	ssyncset.done $0x0  }
0x12c: {  	[sflag:s24] =	ssyncadd.s32 $0xFFFFE000  }
0x12d: {  	_ =	swait.ge [sflag:s25], $0x40  }
0x12e: {  	[sflag:s25] =	ssyncset.done $0x0  }
0x12f: {  	[sflag:s25] =	ssyncadd.s32 $0xFFFFFFC0  }
0x130: {  	[spmem:s3] =	stream.indirect.scatter.add.f32 [tilespmem:s20], [sflag:$0x7], $0x80, s19, s11, $0xb8;
	[tilespmem:$0x1FA00] =	vst v63  }
0x131: {  	_ =	swait.ge [sflag:s26], $0x2000  }
0x132: {  	[sflag:s26] =	ssyncset.done $0x0  }
0x133: {  	[sflag:s26] =	ssyncadd.s32 $0xFFFFE000  }
0x134: {  	_ =	swait.ge [sflag:s29], $0x40  }
0x135: {  	[sflag:s29] =	ssyncset.done $0x0  }
0x136: {  	s18 =	sld [smem:$0x7F8];
	[sflag:s29] =	ssyncadd.s32 $0xFFFFFFC0  }
0x137: {  	[spmem:s3] =	stream.indirect.scatter.add.f32 [tilespmem:s8], [sflag:$0x8], $0x80, s9, s11, $0xb8;
	[tilespmem:$0x1FA00] =	vst v63  }
0x138: {  	s19 =	simm.s32 $0x2980;
	s20 =	simm.s32 $0xD  }
0x139: {  	[tilespmem:s19], [sflag:$0xD] =	stream.linear.gather [hbm4b:s18+s4], $0x10, $0x38;
	[tilespmem:$0x1FA00] =	vst v63  }
0x13a: {  	_ =	swait.ge [sflag:s20], $0x10  }
0x13b: {  	[sflag:s20] =	ssyncset.done $0x0  }
0x13c: {  	[sflag:s20] =	ssyncadd.s32 $0xFFFFFFF0  }
0x13d: {  	_ =	swait.ge [sflag:s31], $0x2000  }
0x13e: {  	[sflag:s31] =	ssyncset.done $0x0  }
0x13f: {  	[sflag:s31] =	ssyncadd.s32 $0xFFFFE000  }
0x140: {  	_ =	swait.ge [sflag:s0], $0x2000  }
0x141: {  	[sflag:s0] =	ssyncset.done $0x0  }
0x142: {  	[sflag:s0] =	ssyncadd.s32 $0xFFFFE000  }
0x143: {  	_ =	swait.ge [sflag:s7], $0x2000  }
0x144: {  	[sflag:s7] =	ssyncset.done $0x0  }
0x145: {  	[sflag:s7] =	ssyncadd.s32 $0xFFFFE000  }
0x146: {  	_ =	swait.ge [sflag:s10], $0x2000  }
0x147: {  	[sflag:s10] =	ssyncset.done $0x0  }
0x148: {  	s21 =	simm.s32 $0x10;
	s12 =	simm.s32 $0x2700;
	[sflag:s10] =	ssyncadd.s32 $0xFFFFE000  }
0x149: {  	[tilespmem:s2], [sflag:$0x1] =	stream.indirect.gather [hbm4b:s5+s21], $0x80, s12, s21, $0xb8;
	[tilespmem:$0x1FA00] =	vst v63  }
0x14a: {  	_ =	swait.ge [sflag:s6], $0x800  }
0x14b: {  	[sflag:s6] =	ssyncset.done $0x0  }
0x14c: {  	[sflag:s6] =	ssyncadd.s32 $0xFFFFF800  }
0x14d: {  	[spmem:s3] =	stream.indirect.scatter.add.f32 [tilespmem:s2], [sflag:$0xD], $0x80, s19, s21, $0xb8;
	[tilespmem:$0x1FA00] =	vst v63  }
0x14e: {  	_ =	swait.ge [sflag:s20], $0x800  }
0x14f: {  	[sflag:s20] =	ssyncset.done $0x0  }
0x150: {  	[sflag:s20] =	ssyncadd.s32 $0xFFFFF800  }
0x151: {  	[bflag:$0x0] =	sbarrier.arrive $0xFFFF  }
0x152: {  	s18 =	rddreg [dreg:$0x6]  }
0x153: {  	[tilespmem:s2], [sflag:$0x1] =	stream.linear.gather [spmem:s18], $0x2000, $0x38;
	[tilespmem:$0x1FA00] =	vst v63  }
0x154: {  	_ =	swait.ge [sflag:s6], $0x2000  }
0x155: {  	[sflag:s6] =	ssyncset.done $0x0  }
0x156: {  	s9 =	rddreg [dreg:$0x7];
	[sflag:s6] =	ssyncadd.s32 $0xFFFFE000  }
0x157: {  	[hbm4b:s9+s4] =	stream.linear.scatter [tilespmem:s2], [sflag:$0x5], $0x2000, $0x38;
	[tilespmem:$0x1FA00] =	vst v63  }
0x158: {  	s19 =	rddreg [dreg:$0x18]  }
0x159: {  	[tilespmem:s13], [sflag:$0x2] =	stream.linear.gather [spmem:s19], $0x2000, $0x38;
	[tilespmem:$0x1FA00] =	vst v63  }
0x15a: {  	_ =	swait.ge [sflag:s22], $0x2000  }
0x15b: {  	[sflag:s22] =	ssyncset.done $0x0  }
0x15c: {  	s12 =	rddreg [dreg:$0x8];
	[sflag:s22] =	ssyncadd.s32 $0xFFFFE000  }
0x15d: {  	[hbm4b:s12+s4] =	stream.linear.scatter [tilespmem:s13], [sflag:$0x6], $0x2000, $0x38;
	[tilespmem:$0x1FA00] =	vst v63  }
0x15e: {  	_ =	swait.ge [sflag:s31], $0x2000  }
0x15f: {  	[sflag:s31] =	ssyncset.done $0x0  }
0x160: {  	s20 =	rddreg [dreg:$0x1a];
	[sflag:s31] =	ssyncadd.s32 $0xFFFFE000  }
0x161: {  	[tilespmem:s2], [sflag:$0x1] =	stream.linear.gather [spmem:s20], $0x2000, $0x38;
	[tilespmem:$0x1FA00] =	vst v63  }
0x162: {  	_ =	swait.ge [sflag:s6], $0x2000  }
0x163: {  	[sflag:s6] =	ssyncset.done $0x0  }
0x164: {  	s14 =	rddreg [dreg:$0xa];
	[sflag:s6] =	ssyncadd.s32 $0xFFFFE000  }
0x165: {  	[hbm4b:s14+s4] =	stream.linear.scatter [tilespmem:s2], [sflag:$0x5], $0x2000, $0x38;
	[tilespmem:$0x1FA00] =	vst v63  }
0x166: {  	_ =	swait.ge [sflag:s0], $0x2000  }
0x167: {  	[sflag:s0] =	ssyncset.done $0x0  }
0x168: {  	s21 =	rddreg [dreg:$0x1c];
	[sflag:s0] =	ssyncadd.s32 $0xFFFFE000  }
0x169: {  	[tilespmem:s13], [sflag:$0x2] =	stream.linear.gather [spmem:s21], $0x2000, $0x38;
	[tilespmem:$0x1FA00] =	vst v63  }
0x16a: {  	_ =	swait.ge [sflag:s22], $0x2000  }
0x16b: {  	[sflag:s22] =	ssyncset.done $0x0  }
0x16c: {  	s15 =	rddreg [dreg:$0xb];
	[sflag:s22] =	ssyncadd.s32 $0xFFFFE000  }
0x16d: {  	[hbm4b:s15+s4] =	stream.linear.scatter [tilespmem:s13], [sflag:$0x6], $0x2000, $0x38;
	[tilespmem:$0x1FA00] =	vst v63  }
0x16e: {  	_ =	swait.ge [sflag:s31], $0x2000  }
0x16f: {  	[sflag:s31] =	ssyncset.done $0x0  }
0x170: {  	s30 =	rddreg [dreg:$0x1e];
	[sflag:s31] =	ssyncadd.s32 $0xFFFFE000  }
0x171: {  	[tilespmem:s2], [sflag:$0x1] =	stream.linear.gather [spmem:s30], $0x2000, $0x38;
	[tilespmem:$0x1FA00] =	vst v63  }
0x172: {  	_ =	swait.ge [sflag:s6], $0x2000  }
0x173: {  	[sflag:s6] =	ssyncset.done $0x0  }
0x174: {  	s17 =	rddreg [dreg:$0xc];
	[sflag:s6] =	ssyncadd.s32 $0xFFFFE000  }
0x175: {  	[hbm4b:s17+s4] =	stream.linear.scatter [tilespmem:s2], [sflag:$0x5], $0x2000, $0x38;
	[tilespmem:$0x1FA00] =	vst v63  }
0x176: {  	_ =	swait.ge [sflag:s0], $0x2000  }
0x177: {  	s9 =	sld [smem:$0x7F9]  }
0x178: {  	[sflag:s0] =	ssyncset.done $0x0  }
0x179: {  	[sflag:s0] =	ssyncadd.s32 $0xFFFFE000  }
0x17a: {  	[tilespmem:s13], [sflag:$0x2] =	stream.linear.gather [spmem:s9], $0x2000, $0x38;
	[tilespmem:$0x1FA00] =	vst v63  }
0x17b: {  	_ =	swait.ge [sflag:s22], $0x2000  }
0x17c: {  	[sflag:s22] =	ssyncset.done $0x0  }
0x17d: {  	s8 =	rddreg [dreg:$0xe];
	[sflag:s22] =	ssyncadd.s32 $0xFFFFE000  }
0x17e: {  	[hbm4b:s8+s4] =	stream.linear.scatter [tilespmem:s13], [sflag:$0x6], $0x2000, $0x38;
	[tilespmem:$0x1FA00] =	vst v63  }
0x17f: {  	_ =	swait.ge [sflag:s31], $0x2000  }
0x180: {  	s14 =	sld [smem:$0x7FA]  }
0x181: {  	[sflag:s31] =	ssyncset.done $0x0  }
0x182: {  	[sflag:s31] =	ssyncadd.s32 $0xFFFFE000  }
0x183: {  	[tilespmem:s2], [sflag:$0x1] =	stream.linear.gather [spmem:s14], $0x2000, $0x38;
	[tilespmem:$0x1FA00] =	vst v63  }
0x184: {  	_ =	swait.ge [sflag:s6], $0x2000  }
0x185: {  	[sflag:s6] =	ssyncset.done $0x0  }
0x186: {  	s12 =	rddreg [dreg:$0xf];
	[sflag:s6] =	ssyncadd.s32 $0xFFFFE000  }
0x187: {  	[hbm4b:s12+s4] =	stream.linear.scatter [tilespmem:s2], [sflag:$0x5], $0x2000, $0x38;
	[tilespmem:$0x1FA00] =	vst v63  }
0x188: {  	_ =	swait.ge [sflag:s0], $0x2000  }
0x189: {  	s12 =	sld [smem:$0x7FB]  }
0x18a: {  	[sflag:s0] =	ssyncset.done $0x0  }
0x18b: {  	[sflag:s0] =	ssyncadd.s32 $0xFFFFE000  }
0x18c: {  	[tilespmem:s13], [sflag:$0x2] =	stream.linear.gather [spmem:s12], $0x2000, $0x38;
	[tilespmem:$0x1FA00] =	vst v63  }
0x18d: {  	_ =	swait.ge [sflag:s22], $0x2000  }
0x18e: {  	[sflag:s22] =	ssyncset.done $0x0  }
0x18f: {  	s15 =	rddreg [dreg:$0x10];
	[sflag:s22] =	ssyncadd.s32 $0xFFFFE000  }
0x190: {  	[hbm4b:s15+s4] =	stream.linear.scatter [tilespmem:s13], [sflag:$0x6], $0x2000, $0x38;
	[tilespmem:$0x1FA00] =	vst v63  }
0x191: {  	_ =	swait.ge [sflag:s31], $0x2000  }
0x192: {  	s8 =	sld [smem:$0x7FC]  }
0x193: {  	[sflag:s31] =	ssyncset.done $0x0  }
0x194: {  	[sflag:s31] =	ssyncadd.s32 $0xFFFFE000  }
0x195: {  	[tilespmem:s2], [sflag:$0x1] =	stream.linear.gather [spmem:s8], $0x2000, $0x38;
	[tilespmem:$0x1FA00] =	vst v63  }
0x196: {  	_ =	swait.ge [sflag:s6], $0x2000  }
0x197: {  	[sflag:s6] =	ssyncset.done $0x0  }
0x198: {  	s17 =	rddreg [dreg:$0x11];
	[sflag:s6] =	ssyncadd.s32 $0xFFFFE000  }
0x199: {  	[hbm4b:s17+s4] =	stream.linear.scatter [tilespmem:s2], [sflag:$0x5], $0x2000, $0x38;
	[tilespmem:$0x1FA00] =	vst v63  }
0x19a: {  	_ =	swait.ge [sflag:s0], $0x2000  }
0x19b: {  	s2 =	sld [smem:$0x7FD]  }
0x19c: {  	[sflag:s0] =	ssyncset.done $0x0  }
0x19d: {  	[sflag:s0] =	ssyncadd.s32 $0xFFFFE000  }
0x19e: {  	[tilespmem:s13], [sflag:$0x2] =	stream.linear.gather [spmem:s2], $0x2000, $0x38;
	[tilespmem:$0x1FA00] =	vst v63  }
0x19f: {  	_ =	swait.ge [sflag:s22], $0x2000  }
0x1a0: {  	[sflag:s22] =	ssyncset.done $0x0  }
0x1a1: {  	s6 =	rddreg [dreg:$0x12];
	[sflag:s22] =	ssyncadd.s32 $0xFFFFE000  }
0x1a2: {  	[hbm4b:s6+s4] =	stream.linear.scatter [tilespmem:s13], [sflag:$0x6], $0x2000, $0x38;
	[tilespmem:$0x1FA00] =	vst v63  }
0x1a3: {  	_ =	swait.ge [sflag:s31], $0x2000  }
0x1a4: {  	[sflag:s31] =	ssyncset.done $0x0  }
0x1a5: {  	[sflag:s31] =	ssyncadd.s32 $0xFFFFE000  }
0x1a6: {  	_ =	swait.ge [sflag:s0], $0x2000  }
0x1a7: {  	s15 =	sld [smem:$0x7EF];
	_ =	sdelay $0x2  }
0x1a8: {  	s17 =	rddreg [dreg:$0x13];
	s6 =	sadd.s32 $0x1, s15  }
0x1a9: {  	p0 =	sne.s32 s6, s17  }
.Ltmp1:
0x1aa: {  	_ = 	snop;
	(pc) =	sbr.rel @p0 .LBB2_1-.Ltmp1, $4  }
0x1ab: {  	_ = 	snop  }
0x1ac: {  	[sflag:s0] =	ssyncset.done $0x0  }
0x1ad: {  	[sflag:s0] =	ssyncadd.s32 $0xFFFFE000  }
0x1ae: {  	s15 =	smov.u32 s16;
	s16 =	smov.u32 s14;
	s14 =	simm.s32 $0xD  }
0x1af: {  	_ =	sfence.sel $0x180000  }
0x1b0: {  	[bflag:$0x0] =	sbarrier.arrive $0xFFFF  }
0x1b1: {  	_ =	strace $0x90000047  }
0x1b2: {  	s0 =	stileid.u32;
	[bflag:$0x2] =	sbarrier.arrive $0xFFFF  }
0x1b3: {  	p0 =	sne.s32 s0, $0x0;
	s0 =	rddreg [dreg:$0x3]  }
0x1b4: {  	s0 =	sadd.s32 @!p0 $0x100000, s0  }
0x1b5: {  	[sflag:s0] =	ssyncadd.tile.s32 @!p0 $0x1;
	_ =	shalt  }
.Lfunc_end2:
_tile_overlayer_lowered:
.L_overlay_start_2:
0x1b6: {  	(tag) =	ssettag $0x2  }
0x1b7: {  	s0 =	rddreg [dreg:$0x0];
	s2 =	stileid.u32  }
0x1b8: {  	s1 =	rddreg [dreg:$0x1];
	p0 =	sne.s32 s2, $0x0  }
0x1b9: {  	s3 =	rddreg [dreg:$0x2];
	[bflag:$0x3] =	sbarrier.arrive $0xFFFF;
	s2 =	simm.s32 @!p0 $0x1C0D  }
0x1ba: {  	[timem:s3], [sflag:s2] =	dma.local @!p0 [hbm:s0], s1  }
0x1bb: {  	s0 =	simm.s32 @!p0 $0xD  }
0x1bc: {  	_ =	swait.ge @!p0 [sflag:s0], s1  }
0x1bd: {  	s1 =	ssub.s32 @!p0 $0x0, s1;
	[sflag:s0] =	ssyncset.done @!p0 $0x0  }
0x1be: {  	[sflag:s0] =	ssyncadd.s32 @!p0 s1  }
0x1bf: {  	[bflag:$0x3] =	sbarrier.arrive $0xFFFF  }
0x1c0: {  	_ =	shalt  }

// kernel: kernel.13.cloned.1.call-start
scs
__scs_entry_jumppad:
0x0: {  	(pc) =	sbr.rel $0x88, $3  }
0x1: {  	(tag) =	ssettag $0x0;
	lr =	simm.s32 $0x1  }
0x2: {  	[smem:$0x3F94] =	sst lr;
	_ =	strace $0xD0000000  }
0x3: {  	_ = 	snop  }
0x4: {  	_ = 	snop  }
0x5: {  	_ = 	snop  }
0x6: {  	_ = 	snop  }
0x7: {  	_ = 	snop  }
__scs_overlays_trampoline_lowered:
0x8: {  	[smem:$0x3FA3] =	sst s0  }
0x9: {  	[smem:$0x3FA4] =	sst s1  }
0xa: {  	[smem:$0x3FA5] =	sst s2  }
0xb: {  	[smem:$0x3FA6] =	sst s3  }
0xc: {  	[smem:$0x3FA7] =	sst s4  }
0xd: {  	[smem:$0x3FA8] =	sst s5  }
0xe: {  	[smem:$0x3FA9] =	sst s6  }
0xf: {  	[smem:$0x3FAA] =	sst s7  }
0x10: {  	[smem:$0x3FAB] =	sst s8  }
0x11: {  	[smem:$0x3FAC] =	sst s9;
	s0 =	simm.s32 @!p0 $0x0  }
0x12: {  	s1 =	sld [smem:$0x3F92];
	s0 =	simm.s32 @p0 $0x1  }
0x13: {  	[smem:$0x3FAD] =	sst s0;
	s0 =	simm.s32 @!p1 $0x0  }
0x14: {  	s2 =	sld [smem:$0x3F91];
	s0 =	simm.s32 @p1 $0x1  }
0x15: {  	[smem:$0x3FAE] =	sst s0;
	s0 =	simm.s32 @!p2 $0x0  }
0x16: {  	s3 =	sld [smem:$0x3FDB];
	s0 =	simm.s32 @p2 $0x1  }
0x17: {  	s4 =	simm.s32 $0x1BF5;
	[smem:$0x3FB0] =	sst s0  }
0x18: {  	s0 =	sld [smem:$0x3F93];
	_ =	swait.ge [sflag:s4], $0x0  }
0x19: {  	s7 =	sld [smem:$0x3F94]  }
0x1a: {  	s8 =	sadd.s32 $0xFFFFE003, lr  }
0x1b: {  	s9 =	sadd.s32 $0xFFFFFEF7, lr;
	s5 =	simm.s32 $0xFFFFFFFF;
	p2 =	slt.u32 s8, $0xFFFFF086  }
0x1c: {  	p1 =	slt.u32 s9, $0xF7A;
	s5 =	simm.s32 @!p2 $0x0  }
0x1d: {  	s5 =	simm.s32 @p1 $0x1;
	p0 =	seq.s32 s7, s2  }
0x1e: {  	s7 =	smul.u32 @!p0 $0xF7A, s2;
	p2 =	seq.s32 @!p0 s5, $0x0  }
0x1f: {  	s9 =	smul.u32 $0xF7A, s1;
	s8 =	simm.s32 @!p0 $0x1BF5;
	p2 =	por !p2, p0  }
0x20: {  	[sflag:s8] =	ssyncset.s32 @!p0 $0xFFFFF086;
	s6 =	sadd.s32 @!p0 s3, s7;
	s7 =	simm.s32 @!p0 $0x108  }
0x21: {  	s3 =	sadd.s32 s3, s9;
	s6 =	sadd.s32 @!p0 $0x88, s6;
	s7 =	simm.s32 @p2 $0x1082  }
0x22: {  	[simem:s7], [sflag:s8] =	dma.local @!p0 [hbm:s6], $0xF7A  }
0x23: {  	s9 =	sor.u32 $0xD0000000, s2;
	s6 =	simm.s32 $0x108;
	_ =	swait.ge @!p0 [sflag:s8], $0x0  }
0x24: {  	s3 =	sadd.s32 $0x88, s3;
	s6 =	simm.s32 @!p1 $0x1082;
	[sflag:s4] =	ssyncset.s32 $0xFFFFF086  }
0x25: {  	[simem:s6], [sflag:s4] =	dma.local [hbm:s3], $0xF7A  }
0x26: {  	[smem:$0x3F94] =	sst s1;
	(tag) =	ssettag s2;
	_ =	strace s9  }
0x27: {  	s1 =	sld [smem:$0x3FA4]  }
0x28: {  	s2 =	sld [smem:$0x3FA5]  }
0x29: {  	s4 =	sld [smem:$0x3FA7]  }
0x2a: {  	p0 =	seq.s32 s5, $0x0;
	s5 =	sld [smem:$0x3FA8]  }
0x2b: {  	s6 =	sld [smem:$0x3FA9]  }
0x2c: {  	s7 =	sld [smem:$0x3FAA]  }
0x2d: {  	s3 =	simm.s32 $0x108;
	s8 =	sld [smem:$0x3FAB]  }
0x2e: {  	s3 =	simm.s32 @!p0 $0x1082;
	s9 =	sld [smem:$0x3FAC]  }
0x2f: {  	lr =	sadd.s32 s0, s3;
	s0 =	sld [smem:$0x3FA3]  }
0x30: {  	s3 =	sld [smem:$0x3FA6]  }
0x31: {  	[smem:$0x3FAF] =	sst s10  }
0x32: {  	s10 =	sld [smem:$0x3FAD];
	_ =	sdelay $0x3  }
0x33: {  	p0 =	seq.s32 s10, $0x1;
	s10 =	sld [smem:$0x3FAF];
	_ =	sdelay $0x3  }
0x34: {  	[smem:$0x3FAF] =	sst s10  }
0x35: {  	s10 =	sld [smem:$0x3FAE];
	_ =	sdelay $0x3  }
0x36: {  	p1 =	seq.s32 s10, $0x1;
	s10 =	sld [smem:$0x3FAF];
	_ =	sdelay $0x3  }
0x37: {  	[smem:$0x3FAF] =	sst s10  }
0x38: {  	s10 =	sld [smem:$0x3FB0]  }
0x39: {  	_ = 	snop;
	(pc) =	sbr.ind lr, $3  }
0x3a: {  	_ = 	snop  }
0x3b: {  	_ = 	snop  }
0x3c: {  	p2 =	seq.s32 s10, $0x1;
	s10 =	sld [smem:$0x3FAF]  }
0x3d: {  	_ =	shalt  }
0x3e: {  	_ =	shalt  }
0x3f: {  	_ =	shalt  }
0x40: {  	_ =	shalt  }
0x41: {  	_ =	shalt  }
0x42: {  	_ =	shalt  }
0x43: {  	_ =	shalt  }
0x44: {  	_ =	shalt  }
0x45: {  	_ =	shalt  }
0x46: {  	_ =	shalt  }
0x47: {  	_ =	shalt  }
0x48: {  	_ =	shalt  }
0x49: {  	_ =	shalt  }
0x4a: {  	_ =	shalt  }
0x4b: {  	_ =	shalt  }
0x4c: {  	_ =	shalt  }
0x4d: {  	_ =	shalt  }
0x4e: {  	_ =	shalt  }
0x4f: {  	_ =	shalt  }
0x50: {  	_ =	shalt  }
0x51: {  	_ =	shalt  }
0x52: {  	_ =	shalt  }
0x53: {  	_ =	shalt  }
0x54: {  	_ =	shalt  }
0x55: {  	_ =	shalt  }
0x56: {  	_ =	shalt  }
0x57: {  	_ =	shalt  }
0x58: {  	_ =	shalt  }
0x59: {  	_ =	shalt  }
0x5a: {  	_ =	shalt  }
0x5b: {  	_ =	shalt  }
0x5c: {  	_ =	shalt  }
0x5d: {  	_ =	shalt  }
0x5e: {  	_ =	shalt  }
0x5f: {  	_ =	shalt  }
0x60: {  	_ =	shalt  }
0x61: {  	_ =	shalt  }
0x62: {  	_ =	shalt  }
0x63: {  	_ =	shalt  }
0x64: {  	_ =	shalt  }
0x65: {  	_ =	shalt  }
0x66: {  	_ =	shalt  }
0x67: {  	_ =	shalt  }
0x68: {  	_ =	shalt  }
0x69: {  	_ =	shalt  }
0x6a: {  	_ =	shalt  }
0x6b: {  	_ =	shalt  }
0x6c: {  	_ =	shalt  }
0x6d: {  	_ =	shalt  }
0x6e: {  	_ =	shalt  }
0x6f: {  	_ =	shalt  }
0x70: {  	_ =	shalt  }
0x71: {  	_ =	shalt  }
0x72: {  	_ =	shalt  }
0x73: {  	_ =	shalt  }
0x74: {  	_ =	shalt  }
0x75: {  	_ =	shalt  }
0x76: {  	_ =	shalt  }
0x77: {  	_ =	shalt  }
0x78: {  	_ =	shalt  }
0x79: {  	_ =	shalt  }
0x7a: {  	_ =	shalt  }
0x7b: {  	_ =	shalt  }
0x7c: {  	_ =	shalt  }
0x7d: {  	_ =	shalt  }
0x7e: {  	_ =	shalt  }
0x7f: {  	_ =	shalt  }
0x80: {  	_ =	shalt  }
0x81: {  	_ =	shalt  }
0x82: {  	_ =	shalt  }
0x83: {  	_ =	shalt  }
0x84: {  	_ =	shalt  }
0x85: {  	_ =	shalt  }
0x86: {  	_ =	shalt  }
0x87: {  	_ =	shalt  }
.Lfunc_end0:
.L_simem_size_0:
called_computation.1_lowered:
.L_overlay_start_0:
0x88: {  	s2 =	sld [smem:$0x3FD9]  }
0x89: {  	s3 =	sld [smem:$0x3FFE];
	_ =	sdelay $0x1  }
0x8a: {  	s1 =	srdreg.scid  }
0x8b: {  	s0 =	sand.u32 $0x1, s1  }
0x8c: {  	s17 =	sshll.u32 s0, $0xA;
	s2 =	sadd.s32 s3, s2  }
0x8d: {  	s2 =	sadd.s32 s2, s17  }
0x8e: {  	[smem:$0x3FBB] =	sst s2  }
0x8f: {  	_ = 	snop  }
0x90: {  	s2 =	sld [smem:$0x3FD0];
	(tm) =	ssettm $0x1  }
0x91: {  	s18 =	sld [smem:$0x3FFB];
	_ =	sdelay $0x3  }
0x92: {  	_ =	strace s18  }
0x93: {  	s3 =	sld [smem:$0x3FFC];
	_ =	sdelay $0x3  }
0x94: {  	_ =	strace s3  }
0x95: {  	s3 =	sld [smem:$0x3FFD];
	_ =	sdelay $0x3  }
0x96: {  	_ =	strace s3  }
0x97: {  	_ =	strace $0x8FFFFFFF  }
0x98: {  	s19 =	sld [smem:$0x3FDB];
	_ =	sdelay $0x1  }
0x99: {  	s4 =	simm.s32 $_scs_section_size  }
0x9a: {  	s5 =	simm.s32 $_size__tile_overlayer_lowered;
	s6 =	simm.s32 $_tile_overlayer_lowered  }
0x9b: {  	s22 =	simm.s32 $0x1BFF;
	s21 =	sshll.u32 s6, $0x1;
	s3 =	sadd.s32 s4, s19  }
0x9c: {  	s7 =	simm.s32 $0x0;
	s20 =	sshll.u32 s5, $0x1;
	s5 =	sadd.s32 s21, s3  }
0x9d: {  	[timem:s7], [sflag:s22] =	dma.local [hbm:s5], s20  }
0x9e: {  	_ =	swait.ge [sflag:s22], s20  }
0x9f: {  	s4 =	ssub.s32 $0x0, s20;
	[sflag:s22] =	ssyncset.done $0x0  }
0xa0: {  	[sflag:s22] =	ssyncadd.s32 s4;
	_ =	sdelay $0x1  }
0xa1: {  	s23 =	simm.s32 $0x1B8B  }
0xa2: {  	_ =	swait.ge [sflag:s23], $0x1  }
0xa3: {  	[sflag:s23] =	ssyncset.done $0x0  }
0xa4: {  	s25 =	simm.s32 $0x1B8E;
	s24 =	sld [smem:$0x3FFE];
	[sflag:s23] =	ssyncadd.s32 $0xFFFFFFFF  }
0xa5: {  	s26 =	simm.s32 $execute0_lowered;
	[smem:$0x3FD2] =	sst s25  }
0xa6: {  	s5 =	sshll.u32 s26, $0x1;
	_ =	strace $0x80000049;
	[dreg:$0x1] =	wrdreg $0xFFFFFFFF  }
0xa7: {  	s28 =	simm.s32 $_size_execute0_lowered;
	s3 =	sadd.s32 s3, s5;
	[dreg:$0x0] =	wrdreg $0x0  }
0xa8: {  	s5 =	sshll.u32 s28, $0x1;
	[dreg:$0x2] =	wrdreg s3  }
0xa9: {  	[dreg:$0x3] =	wrdreg s5  }
0xaa: {  	[dreg:$0x4] =	wrdreg $0xC0  }
0xab: {  	_ =	task [dreg:s7], $0x5FFFF  }
0xac: {  	[dreg:$0x1] =	wrdreg $0xFFFFFFFF  }
0xad: {  	[dreg:$0x0] =	wrdreg $0x60  }
0xae: {  	[dreg:$0x2] =	wrdreg s24  }
0xaf: {  	[dreg:$0x3] =	wrdreg s2  }
0xb0: {  	[dreg:$0x4] =	wrdreg $0xBA000  }
0xb1: {  	[dreg:$0x5] =	wrdreg $0x9  }
0xb2: {  	_ =	task.clear_ibuf [dreg:s7], $0x6FFFF;
	_ =	strace $0x90000049  }
0xb3: {  	s29 =	simm.s32 $0x9;
	_ =	strace $0x8000004B  }
0xb4: {  	_ =	swait.ge [sflag:s29], $0x1  }
0xb5: {  	[sflag:s29] =	ssyncadd.s32 $0xFFFFFFFF  }
0xb6: {  	_ =	strace $0x9000004B  }
0xb7: {  	_ =	sfence  }
0xb8: {  	s30 =	sld [smem:$0x0];
	_ =	sdelay $0x2  }
0xb9: {  	s31 =	sshll.u32 s1, $0xD;
	s1 =	sshrl.u32 s1, $0x2  }
0xba: {  	s3 =	sand.u32 $0x4000, s31;
	s1 =	sadd.s32 s1, s30  }
0xbb: {  	s0 =	sor.u32 s3, s0;
	s1 =	sshll.u32 s1, $0x11  }
0xbc: {  	s0 =	sor.u32 s1, s0  }
0xbd: {  	s0 =	sadd.s32 $0x8F2B, s0  }
0xbe: {  	[sflag:s0] =	ssyncadd.remote.s32 $0x1  }
0xbf: {  	_ =	sfence.sel $0xFFFF  }
0xc0: {  	[dreg:$0x0] =	wrdreg $0xFFFFFFFF;
	(pc) =	sbr.abs _section_cstart, $3  }
0xc1: {  	[dreg:$0x1] =	wrdreg $0xFFFFFFFF  }
0xc2: {  	_ =	task.clear_ibuf [dreg:s7], $0x2FFFF;
	_ =	strace $0x9FFFFFFF  }
0xc3: {  	(tm) =	ssettm $0x7FFFFFFF  }
tec
execute0_lowered:
.L_overlay_start_1:
0x0: {  	(tag) =	ssettag $0x1  }
0x1: {  	s1 =	rddreg [dreg:$0x0]  }
0x2: {  	s0 =	srdreg.scid;
	s15 =	rddreg [dreg:$0x1]  }
0x3: {  	s10 =	stileid.u32;
	s3 =	rddreg [dreg:$0x2];
	s4 =	simm.s32 $0x0  }
0x4: {  	s0 =	sand.u32 $0x1, s0;
	s2 =	sshll.u32 s10, $0x1;
	s6 =	smul.u32 $0x280, s10  }
0x5: {  	[smem:$0x7FF] =	sst s4;
	s5 =	sadd.s32 $0xC600, s1;
	s9 =	smul.u32 $0x50000, s10  }
0x6: {  	s11 =	sadd.s32 $0x42B200, s1;
	s12 =	smul.u32 $0x4E20, s10;
	s2 =	sor.u32 s0, s2  }
0x7: {  	s7 =	smul.u32 $0x2800, s0;
	_ =	strace $0x8000004A;
	s25 =	sshrl.u32 s9, $0x2  }
0x8: {  	s22 =	ssub.s32 $0x2, s0;
	[dreg:$0x4] =	wrdreg s11;
	s18 =	sadd.s32 s25, s3  }
0x9: {  	s0 =	smul.u32 $0x2710, s0;
	s9 =	sadd.s32 $0x1000, s18;
	[dreg:$0x6] =	wrdreg s18  }
0xa: {  	s6 =	sadd.s32 s6, s7;
	s7 =	sadd.s32 $0x5000, s18;
	[dreg:$0x9] =	wrdreg s9  }
0xb: {  	s2 =	smul.u32 $0x2710, s2;
	s10 =	sadd.s32 $0x9000, s18;
	[dreg:$0x1b] =	wrdreg s7  }
0xc: {  	s0 =	sadd.s32 s0, s12;
	s12 =	sadd.s32 $0xB000, s18;
	[dreg:$0x1f] =	wrdreg s10  }
0xd: {  	s2 =	sshrl.u32 s2, $0x3;
	s30 =	sadd.s32 $0x8000, s18;
	[smem:$0x7F0] =	sst s12  }
0xe: {  	s6 =	sshll.u32 s6, $0x4;
	s9 =	sadd.s32 s15, s2;
	[dreg:$0x1e] =	wrdreg s30  }
0xf: {  	s8 =	sadd.s32 s2, s1;
	s12 =	sadd.s32 $0xE000, s18;
	[dreg:$0xd] =	wrdreg s9  }
0x10: {  	s1 =	sadd.s32 s6, s1;
	s24 =	sadd.s32 $0x2800, s8;
	[smem:$0x7FB] =	sst s12  }
0x11: {  	s26 =	sadd.s32 $0x42B400, s1;
	[dreg:$0x5] =	wrdreg s24  }
0x12: {  	s8 =	sadd.s32 $0x42B800, s1;
	[dreg:$0x7] =	wrdreg s26  }
0x13: {  	s11 =	sadd.s32 $0x42BC00, s1;
	[dreg:$0x8] =	wrdreg s8  }
0x14: {  	s13 =	sadd.s32 $0x42C000, s1;
	[dreg:$0xa] =	wrdreg s11  }
0x15: {  	s14 =	sadd.s32 $0x42C400, s1;
	[dreg:$0xb] =	wrdreg s13  }
0x16: {  	s16 =	sadd.s32 $0x42C800, s1;
	[dreg:$0xc] =	wrdreg s14  }
0x17: {  	s17 =	sadd.s32 $0x42CC00, s1;
	[dreg:$0xe] =	wrdreg s16  }
0x18: {  	s19 =	sadd.s32 $0x42D000, s1;
	[dreg:$0xf] =	wrdreg s17  }
0x19: {  	s23 =	sshrl.u32 s22, $0x1;
	s20 =	sadd.s32 $0x42D400, s1;
	[dreg:$0x10] =	wrdreg s19  }
0x1a: {  	s6 =	ssub.s32 s22, s23;
	s1 =	sadd.s32 $0x42D800, s1;
	[dreg:$0x11] =	wrdreg s20  }
0x1b: {  	s22 =	sadd.s32 $0x180, s0;
	s21 =	smax.u32 s6, $0x1;
	[dreg:$0x12] =	wrdreg s1  }
0x1c: {  	s23 =	sadd.s32 $0x140, s0;
	s6 =	sadd.s32 $0x3000, s18;
	[dreg:$0x13] =	wrdreg s21  }
0x1d: {  	s25 =	sshrl.u32 s23, $0x3;
	s23 =	sadd.s32 $0x8, s9;
	[dreg:$0x19] =	wrdreg s6  }
0x1e: {  	s24 =	sadd.s32 $0x1C0, s0;
	s0 =	sadd.s32 $0x100, s0;
	[smem:$0x7F5] =	sst s23  }
0x1f: {  	s8 =	sadd.s32 $0x7000, s18;
	[dreg:$0x16] =	wrdreg s0  }
0x20: {  	s13 =	sadd.s32 $0xD000, s18;
	[dreg:$0x1d] =	wrdreg s8  }
0x21: {  	s14 =	sadd.s32 $0xF000, s18;
	[smem:$0x7F1] =	sst s13  }
0x22: {  	s29 =	simm.s32 $0xC;
	s17 =	sadd.s32 $0x11000, s18;
	[smem:$0x7F2] =	sst s14  }
0x23: {  	s1 =	sshrl.u32 s22, $0x3;
	s22 =	sadd.s32 $0x13000, s18;
	[smem:$0x7F3] =	sst s17  }
0x24: {  	s31 =	simm.s32 $0x5;
	s19 =	sadd.s32 $0x2000, s18;
	[smem:$0x7F4] =	sst s22  }
0x25: {  	s28 =	simm.s32 $0x2880;
	s20 =	sadd.s32 $0x4000, s18;
	[dreg:$0x18] =	wrdreg s19  }
0x26: {  	s7 =	simm.s32 $0x7;
	s21 =	sadd.s32 $0x6000, s18;
	[dreg:$0x1a] =	wrdreg s20  }
0x27: {  	s10 =	simm.s32 $0x8;
	s16 =	sadd.s32 $0xC000, s18;
	[dreg:$0x1c] =	wrdreg s21  }
0x28: {  	s11 =	sadd.s32 $0xA000, s18;
	s1 =	sadd.s32 s1, s15;
	[smem:$0x7FA] =	sst s16  }
0x29: {  	s26 =	sshrl.u32 s24, $0x3;
	s24 =	sadd.s32 $0x10, s9;
	[dreg:$0x14] =	wrdreg s1  }
0x2a: {  	s23 =	simm.s32 $0xA;
	s8 =	sadd.s32 $0x10000, s18;
	[smem:$0x7F6] =	sst s24  }
0x2b: {  	s6 =	simm.s32 $0x0;
	s1 =	sadd.s32 s25, s15;
	[smem:$0x7FC] =	sst s8  }
0x2c: {  	s14 =	simm.s32 $0xD;
	s2 =	sadd.s32 s26, s15;
	[dreg:$0x15] =	wrdreg s1  }
0x2d: {  	s22 =	simm.s32 $0x2;
	s25 =	sadd.s32 $0x18, s9;
	[dreg:$0x17] =	wrdreg s2  }
0x2e: {  	s0 =	simm.s32 $0x6;
	s26 =	sadd.s32 $0x4E0, s9;
	[smem:$0x7F7] =	sst s25  }
0x2f: {  	s9 =	smov.u32 s11;
	s11 =	simm.s32 $0x40;
	[smem:$0x7F8] =	sst s26  }
0x30: {  	s24 =	simm.s32 $0x3;
	s2 =	sadd.s32 $0x12000, s18;
	[smem:$0x7F9] =	sst s9  }
0x31: {  	s25 =	simm.s32 $0xB;
	s26 =	simm.s32 $0x4;
	[smem:$0x7FD] =	sst s2  }
.LBB2_1:
0x32: {  	[smem:$0x7EF] =	sst s6  }
0x33: {  	s1 =	rddreg [dreg:$0x5]  }
0x34: {  	[tilespmem:s4], [sflag:$0xD] =	stream.linear.gather [hbm4b:s1+s4], $0x2710, $0x38;
	[tilespmem:$0x1FA00] =	vst v63  }
0x35: {  	_ =	swait.ge [sflag:s14], $0x2710  }
0x36: {  	[sflag:s14] =	ssyncset.done $0x0  }
0x37: {  	s17 =	simm.s32 $0xAA00;
	s13 =	rddreg [dreg:$0x4];
	[sflag:s14] =	ssyncadd.s32 $0xFFFFD8F0  }
0x38: {  	[tilespmem:s17], [sflag:$0xD] =	stream.linear.gather [hbm4b:s13+s4], $0x1000, $0x38;
	[tilespmem:$0x1FA00] =	vst v63  }
0x39: {  	_ =	swait.ge [sflag:s14], $0x1000  }
0x3a: {  	[sflag:s14] =	ssyncset.done $0x0  }
0x3b: {  	[sflag:s14] =	ssyncadd.s32 $0xFFFFF000  }
0x3c: {  	[spmem:s18] =	stream.linear.scatter [tilespmem:s17], [sflag:$0x1], $0x1000, $0x38;
	[tilespmem:$0x1FA00] =	vst v63  }
0x3d: {  	s14 =	rddreg [dreg:$0x9]  }
0x3e: {  	[spmem:s14] =	stream.linear.scatter [tilespmem:s17], [sflag:$0x1], $0x1000, $0x38;
	[tilespmem:$0x1FA00] =	vst v63  }
0x3f: {  	_ = 	snop  }
0x40: {  	[spmem:s19] =	stream.linear.scatter [tilespmem:s17], [sflag:$0x1], $0x1000, $0x38;
	[tilespmem:$0x1FA00] =	vst v63  }
0x41: {  	s18 =	rddreg [dreg:$0x19]  }
0x42: {  	[spmem:s18] =	stream.linear.scatter [tilespmem:s17], [sflag:$0x1], $0x1000, $0x38;
	[tilespmem:$0x1FA00] =	vst v63  }
0x43: {  	_ = 	snop  }
0x44: {  	[spmem:s20] =	stream.linear.scatter [tilespmem:s17], [sflag:$0x1], $0x1000, $0x38;
	[tilespmem:$0x1FA00] =	vst v63  }
0x45: {  	s19 =	rddreg [dreg:$0x1b]  }
0x46: {  	[spmem:s19] =	stream.linear.scatter [tilespmem:s17], [sflag:$0x1], $0x1000, $0x38;
	[tilespmem:$0x1FA00] =	vst v63  }
0x47: {  	_ = 	snop  }
0x48: {  	[spmem:s21] =	stream.linear.scatter [tilespmem:s17], [sflag:$0x1], $0x1000, $0x38;
	[tilespmem:$0x1FA00] =	vst v63  }
0x49: {  	s20 =	rddreg [dreg:$0x1d]  }
0x4a: {  	[spmem:s20] =	stream.linear.scatter [tilespmem:s17], [sflag:$0x1], $0x1000, $0x38;
	[tilespmem:$0x1FA00] =	vst v63  }
0x4b: {  	_ = 	snop  }
0x4c: {  	[spmem:s30] =	stream.linear.scatter [tilespmem:s17], [sflag:$0x1], $0x1000, $0x38;
	[tilespmem:$0x1FA00] =	vst v63  }
0x4d: {  	s21 =	rddreg [dreg:$0x1f]  }
0x4e: {  	[spmem:s21] =	stream.linear.scatter [tilespmem:s17], [sflag:$0x1], $0x1000, $0x38;
	[tilespmem:$0x1FA00] =	vst v63  }
0x4f: {  	s6 =	sld [smem:$0x7F0]  }
0x50: {  	[spmem:s9] =	stream.linear.scatter [tilespmem:s17], [sflag:$0x1], $0x1000, $0x38;
	[tilespmem:$0x1FA00] =	vst v63  }
0x51: {  	_ = 	snop  }
0x52: {  	[spmem:s6] =	stream.linear.scatter [tilespmem:s17], [sflag:$0x1], $0x1000, $0x38;
	[tilespmem:$0x1FA00] =	vst v63  }
0x53: {  	s9 =	sld [smem:$0x7F1]  }
0x54: {  	[spmem:s16] =	stream.linear.scatter [tilespmem:s17], [sflag:$0x1], $0x1000, $0x38;
	[tilespmem:$0x1FA00] =	vst v63  }
0x55: {  	_ = 	snop  }
0x56: {  	[spmem:s9] =	stream.linear.scatter [tilespmem:s17], [sflag:$0x1], $0x1000, $0x38;
	[tilespmem:$0x1FA00] =	vst v63  }
0x57: {  	s13 =	sld [smem:$0x7F2]  }
0x58: {  	[spmem:s12] =	stream.linear.scatter [tilespmem:s17], [sflag:$0x1], $0x1000, $0x38;
	[tilespmem:$0x1FA00] =	vst v63  }
0x59: {  	_ = 	snop  }
0x5a: {  	[spmem:s13] =	stream.linear.scatter [tilespmem:s17], [sflag:$0x1], $0x1000, $0x38;
	[tilespmem:$0x1FA00] =	vst v63  }
0x5b: {  	s14 =	sld [smem:$0x7F3]  }
0x5c: {  	[spmem:s8] =	stream.linear.scatter [tilespmem:s17], [sflag:$0x1], $0x1000, $0x38;
	[tilespmem:$0x1FA00] =	vst v63  }
0x5d: {  	_ = 	snop  }
0x5e: {  	[spmem:s14] =	stream.linear.scatter [tilespmem:s17], [sflag:$0x1], $0x1000, $0x38;
	[tilespmem:$0x1FA00] =	vst v63  }
0x5f: {  	s16 =	sld [smem:$0x7F4]  }
0x60: {  	[spmem:s2] =	stream.linear.scatter [tilespmem:s17], [sflag:$0x1], $0x1000, $0x38;
	[tilespmem:$0x1FA00] =	vst v63  }
0x61: {  	s6 =	simm.s32 $0x1  }
0x62: {  	[spmem:s16] =	stream.linear.scatter [tilespmem:s17], [sflag:$0x1], $0x1000, $0x38;
	[tilespmem:$0x1FA00] =	vst v63  }
0x63: {  	_ =	swait.ge [sflag:s6], $0x1000  }
0x64: {  	[sflag:s6] =	ssyncset.done $0x0  }
0x65: {  	[sflag:s6] =	ssyncadd.s32 $0xFFFFF000  }
0x66: {  	_ =	swait.ge [sflag:s6], $0x1000  }
0x67: {  	[sflag:s6] =	ssyncset.done $0x0  }
0x68: {  	[sflag:s6] =	ssyncadd.s32 $0xFFFFF000  }
0x69: {  	_ =	swait.ge [sflag:s6], $0x1000  }
0x6a: {  	[sflag:s6] =	ssyncset.done $0x0  }
0x6b: {  	[sflag:s6] =	ssyncadd.s32 $0xFFFFF000  }
0x6c: {  	_ =	swait.ge [sflag:s6], $0x1000  }
0x6d: {  	[sflag:s6] =	ssyncset.done $0x0  }
0x6e: {  	[sflag:s6] =	ssyncadd.s32 $0xFFFFF000  }
0x6f: {  	_ =	swait.ge [sflag:s6], $0x1000  }
0x70: {  	[sflag:s6] =	ssyncset.done $0x0  }
0x71: {  	[sflag:s6] =	ssyncadd.s32 $0xFFFFF000  }
0x72: {  	_ =	swait.ge [sflag:s6], $0x1000  }
0x73: {  	[sflag:s6] =	ssyncset.done $0x0  }
0x74: {  	[sflag:s6] =	ssyncadd.s32 $0xFFFFF000  }
0x75: {  	_ =	swait.ge [sflag:s6], $0x1000  }
0x76: {  	[sflag:s6] =	ssyncset.done $0x0  }
0x77: {  	[sflag:s6] =	ssyncadd.s32 $0xFFFFF000  }
0x78: {  	_ =	swait.ge [sflag:s6], $0x1000  }
0x79: {  	[sflag:s6] =	ssyncset.done $0x0  }
0x7a: {  	[sflag:s6] =	ssyncadd.s32 $0xFFFFF000  }
0x7b: {  	_ =	swait.ge [sflag:s6], $0x1000  }
0x7c: {  	[sflag:s6] =	ssyncset.done $0x0  }
0x7d: {  	[sflag:s6] =	ssyncadd.s32 $0xFFFFF000  }
0x7e: {  	_ =	swait.ge [sflag:s6], $0x1000  }
0x7f: {  	[sflag:s6] =	ssyncset.done $0x0  }
0x80: {  	[sflag:s6] =	ssyncadd.s32 $0xFFFFF000  }
0x81: {  	_ =	swait.ge [sflag:s6], $0x1000  }
0x82: {  	[sflag:s6] =	ssyncset.done $0x0  }
0x83: {  	[sflag:s6] =	ssyncadd.s32 $0xFFFFF000  }
0x84: {  	_ =	swait.ge [sflag:s6], $0x1000  }
0x85: {  	[sflag:s6] =	ssyncset.done $0x0  }
0x86: {  	[sflag:s6] =	ssyncadd.s32 $0xFFFFF000  }
0x87: {  	_ =	swait.ge [sflag:s6], $0x1000  }
0x88: {  	[sflag:s6] =	ssyncset.done $0x0  }
0x89: {  	[sflag:s6] =	ssyncadd.s32 $0xFFFFF000  }
0x8a: {  	_ =	swait.ge [sflag:s6], $0x1000  }
0x8b: {  	[sflag:s6] =	ssyncset.done $0x0  }
0x8c: {  	[sflag:s6] =	ssyncadd.s32 $0xFFFFF000  }
0x8d: {  	_ =	swait.ge [sflag:s6], $0x1000  }
0x8e: {  	[sflag:s6] =	ssyncset.done $0x0  }
0x8f: {  	[sflag:s6] =	ssyncadd.s32 $0xFFFFF000  }
0x90: {  	_ =	swait.ge [sflag:s6], $0x1000  }
0x91: {  	[sflag:s6] =	ssyncset.done $0x0  }
0x92: {  	[sflag:s6] =	ssyncadd.s32 $0xFFFFF000  }
0x93: {  	_ =	swait.ge [sflag:s6], $0x1000  }
0x94: {  	[sflag:s6] =	ssyncset.done $0x0  }
0x95: {  	[sflag:s6] =	ssyncadd.s32 $0xFFFFF000  }
0x96: {  	_ =	swait.ge [sflag:s6], $0x1000  }
0x97: {  	[sflag:s6] =	ssyncset.done $0x0  }
0x98: {  	[sflag:s6] =	ssyncadd.s32 $0xFFFFF000  }
0x99: {  	_ =	swait.ge [sflag:s6], $0x1000  }
0x9a: {  	[sflag:s6] =	ssyncset.done $0x0  }
0x9b: {  	[sflag:s6] =	ssyncadd.s32 $0xFFFFF000  }
0x9c: {  	_ =	swait.ge [sflag:s6], $0x1000  }
0x9d: {  	[sflag:s6] =	ssyncset.done $0x0  }
0x9e: {  	[sflag:s6] =	ssyncadd.s32 $0xFFFFF000  }
0x9f: {  	[bflag:$0x0] =	sbarrier.arrive $0xFFFF  }
0xa0: {  	s2 =	simm.s32 $0x2780;
	s18 =	rddreg [dreg:$0xd]  }
0xa1: {  	[tilespmem:s2], [sflag:$0x9] =	stream.linear.gather [hbm4b:s18+s4], $0x40, $0x38;
	[tilespmem:$0x1FA00] =	vst v63  }
0xa2: {  	s9 =	simm.s32 $0x2A00;
	s19 =	sld [smem:$0x7F5]  }
0xa3: {  	[tilespmem:s9], [sflag:$0x1] =	stream.indirect.gather [hbm4b:s5+s11], $0x80, s4, s11, $0xb8;
	[tilespmem:$0x1FA00] =	vst v63  }
0xa4: {  	s12 =	simm.s32 $0x2800  }
0xa5: {  	[tilespmem:s12], [sflag:$0xA] =	stream.linear.gather [hbm4b:s19+s4], $0x40, $0x38;
	[tilespmem:$0x1FA00] =	vst v63  }
0xa6: {  	s13 =	simm.s32 $0x4A00;
	s20 =	sld [smem:$0x7F6]  }
0xa7: {  	[tilespmem:s13], [sflag:$0x2] =	stream.indirect.gather [hbm4b:s5+s11], $0x80, s11, s11, $0xb8;
	[tilespmem:$0x1FA00] =	vst v63  }
0xa8: {  	s14 =	simm.s32 $0x2880  }
0xa9: {  	[tilespmem:s14], [sflag:$0xB] =	stream.linear.gather [hbm4b:s20+s4], $0x40, $0x38;
	[tilespmem:$0x1FA00] =	vst v63  }
0xaa: {  	s21 =	simm.s32 $0x80;
	s16 =	simm.s32 $0x6A00;
	s8 =	sld [smem:$0x7F7]  }
0xab: {  	[tilespmem:s16], [sflag:$0x3] =	stream.indirect.gather [hbm4b:s5+s11], $0x80, s21, s11, $0xb8;
	[tilespmem:$0x1FA00] =	vst v63  }
0xac: {  	s17 =	simm.s32 $0x2900  }
0xad: {  	[tilespmem:s17], [sflag:$0xC] =	stream.linear.gather [hbm4b:s8+s4], $0x40, $0x38;
	[tilespmem:$0x1FA00] =	vst v63  }
0xae: {  	s18 =	simm.s32 $0xC0;
	s19 =	simm.s32 $0x8A00  }
0xaf: {  	[tilespmem:s19], [sflag:$0x4] =	stream.indirect.gather [hbm4b:s5+s11], $0x80, s18, s11, $0xb8;
	[tilespmem:$0x1FA00] =	vst v63  }
0xb0: {  	_ =	swait.ge [sflag:s6], $0x2000  }
0xb1: {  	[sflag:s6] =	ssyncset.done $0x0  }
0xb2: {  	s20 =	simm.s32 $0x9;
	[sflag:s6] =	ssyncadd.s32 $0xFFFFE000  }
0xb3: {  	_ =	swait.ge [sflag:s20], $0x40  }
0xb4: {  	[sflag:s20] =	ssyncset.done $0x0  }
0xb5: {  	[sflag:s20] =	ssyncadd.s32 $0xFFFFFFC0  }
0xb6: {  	[spmem:s3] =	stream.indirect.scatter.add.f32 [tilespmem:s9], [sflag:$0x5], $0x80, s2, s11, $0xb8;
	[tilespmem:$0x1FA00] =	vst v63  }
0xb7: {  	_ =	swait.ge [sflag:s22], $0x2000  }
0xb8: {  	[sflag:s22] =	ssyncset.done $0x0  }
0xb9: {  	[sflag:s22] =	ssyncadd.s32 $0xFFFFE000  }
0xba: {  	_ =	swait.ge [sflag:s23], $0x40  }
0xbb: {  	[sflag:s23] =	ssyncset.done $0x0  }
0xbc: {  	[sflag:s23] =	ssyncadd.s32 $0xFFFFFFC0  }
0xbd: {  	[spmem:s3] =	stream.indirect.scatter.add.f32 [tilespmem:s13], [sflag:$0x6], $0x80, s12, s11, $0xb8;
	[tilespmem:$0x1FA00] =	vst v63  }
0xbe: {  	_ =	swait.ge [sflag:s24], $0x2000  }
0xbf: {  	[sflag:s24] =	ssyncset.done $0x0  }
0xc0: {  	[sflag:s24] =	ssyncadd.s32 $0xFFFFE000  }
0xc1: {  	_ =	swait.ge [sflag:s25], $0x40  }
0xc2: {  	[sflag:s25] =	ssyncset.done $0x0  }
0xc3: {  	[sflag:s25] =	ssyncadd.s32 $0xFFFFFFC0  }
0xc4: {  	[spmem:s3] =	stream.indirect.scatter.add.f32 [tilespmem:s16], [sflag:$0x7], $0x80, s14, s11, $0xb8;
	[tilespmem:$0x1FA00] =	vst v63  }
0xc5: {  	_ =	swait.ge [sflag:s26], $0x2000  }
0xc6: {  	[sflag:s26] =	ssyncset.done $0x0  }
0xc7: {  	[sflag:s26] =	ssyncadd.s32 $0xFFFFE000  }
0xc8: {  	_ =	swait.ge [sflag:s29], $0x40  }
0xc9: {  	[sflag:s29] =	ssyncset.done $0x0  }
0xca: {  	[sflag:s29] =	ssyncadd.s32 $0xFFFFFFC0  }
0xcb: {  	[spmem:s3] =	stream.indirect.scatter.add.f32 [tilespmem:s19], [sflag:$0x8], $0x80, s17, s11, $0xb8;
	[tilespmem:$0x1FA00] =	vst v63  }
0xcc: {  	_ =	swait.ge [sflag:s31], $0x2000  }
0xcd: {  	s8 =	rddreg [dreg:$0x16]  }
0xce: {  	[sflag:s31] =	ssyncset.done $0x0;
	s21 =	sshrl.u32 s8, $0x3  }
0xcf: {  	[sflag:s31] =	ssyncadd.s32 $0xFFFFE000;
	s1 =	sadd.s32 s15, s21  }
0xd0: {  	[tilespmem:s2], [sflag:$0x9] =	stream.linear.gather [hbm4b:s1+s4], $0x40, $0x38;
	[tilespmem:$0x1FA00] =	vst v63  }
0xd1: {  	s2 =	simm.s32 $0x100  }
0xd2: {  	[tilespmem:s9], [sflag:$0x1] =	stream.indirect.gather [hbm4b:s5+s11], $0x80, s2, s11, $0xb8;
	[tilespmem:$0x1FA00] =	vst v63  }
0xd3: {  	_ =	swait.ge [sflag:s0], $0x2000  }
0xd4: {  	[sflag:s0] =	ssyncset.done $0x0  }
0xd5: {  	s6 =	rddreg [dreg:$0x15];
	[sflag:s0] =	ssyncadd.s32 $0xFFFFE000  }
0xd6: {  	[tilespmem:s12], [sflag:$0xA] =	stream.linear.gather [hbm4b:s6+s4], $0x40, $0x38;
	[tilespmem:$0x1FA00] =	vst v63  }
0xd7: {  	s18 =	simm.s32 $0x140  }
0xd8: {  	[tilespmem:s13], [sflag:$0x2] =	stream.indirect.gather [hbm4b:s5+s11], $0x80, s18, s11, $0xb8;
	[tilespmem:$0x1FA00] =	vst v63  }
0xd9: {  	_ =	swait.ge [sflag:s7], $0x2000  }
0xda: {  	[sflag:s7] =	ssyncset.done $0x0  }
0xdb: {  	s19 =	rddreg [dreg:$0x14];
	[sflag:s7] =	ssyncadd.s32 $0xFFFFE000  }
0xdc: {  	[tilespmem:s14], [sflag:$0xB] =	stream.linear.gather [hbm4b:s19+s4], $0x40, $0x38;
	[tilespmem:$0x1FA00] =	vst v63  }
0xdd: {  	s20 =	simm.s32 $0x180  }
0xde: {  	[tilespmem:s16], [sflag:$0x3] =	stream.indirect.gather [hbm4b:s5+s11], $0x80, s20, s11, $0xb8;
	[tilespmem:$0x1FA00] =	vst v63  }
0xdf: {  	s1 =	simm.s32 $0x1C0;
	_ =	swait.ge [sflag:s10], $0x2000  }
0xe0: {  	s12 =	sadd.s32 $0x20, s6;
	s30 =	sadd.s32 $0x20, s19;
	[sflag:s10] =	ssyncset.done $0x0  }
0xe1: {  	s14 =	simm.s32 $0x400;
	s21 =	rddreg [dreg:$0x17];
	[sflag:s10] =	ssyncadd.s32 $0xFFFFE000  }
0xe2: {  	[tilespmem:s17], [sflag:$0xC] =	stream.linear.gather [hbm4b:s21+s4], $0x40, $0x38;
	[tilespmem:$0x1FA00] =	vst v63  }
0xe3: {  	s16 =	smov.u32 s15;
	s17 =	sadd.s32 $0x100, s8;
	s8 =	sadd.s32 $0x20, s21  }
.LBB2_2:
0xe4: {  	s9 =	simm.s32 $0x8A00  }
0xe5: {  	[tilespmem:s9], [sflag:$0x4] =	stream.indirect.gather [hbm4b:s5+s11], $0x80, s1, s11, $0xb8;
	[tilespmem:$0x1FA00] =	vst v63  }
0xe6: {  	s2 =	smov.u32 s14;
	s6 =	simm.s32 $0x1;
	s1 =	smov.u32 s8  }
0xe7: {  	p0 =	sne.s32 s14, $0x9400;
	s14 =	sadd.s32 $0x400, s14;
	_ =	swait.ge [sflag:s6], $0x2000  }
0xe8: {  	[sflag:s6] =	ssyncset.done $0x0  }
0xe9: {  	[sflag:s6] =	ssyncadd.s32 $0xFFFFE000;
	s6 =	simm.s32 $0x9  }
0xea: {  	_ =	swait.ge [sflag:s6], $0x40  }
0xeb: {  	[sflag:s6] =	ssyncset.done $0x0  }
0xec: {  	s19 =	simm.s32 $0x2780;
	s18 =	simm.s32 $0x2A00;
	[sflag:s6] =	ssyncadd.s32 $0xFFFFFFC0  }
0xed: {  	[spmem:s3] =	stream.indirect.scatter.add.f32 [tilespmem:s18], [sflag:$0x5], $0x80, s19, s11, $0xb8;
	[tilespmem:$0x1FA00] =	vst v63  }
0xee: {  	_ =	swait.ge [sflag:s22], $0x2000  }
0xef: {  	[sflag:s22] =	ssyncset.done $0x0  }
0xf0: {  	[sflag:s22] =	ssyncadd.s32 $0xFFFFE000  }
0xf1: {  	_ =	swait.ge [sflag:s23], $0x40  }
0xf2: {  	[sflag:s23] =	ssyncset.done $0x0  }
0xf3: {  	s20 =	simm.s32 $0x2800;
	s21 =	simm.s32 $0x4A00;
	[sflag:s23] =	ssyncadd.s32 $0xFFFFFFC0  }
0xf4: {  	[spmem:s3] =	stream.indirect.scatter.add.f32 [tilespmem:s21], [sflag:$0x6], $0x80, s20, s11, $0xb8;
	[tilespmem:$0x1FA00] =	vst v63  }
0xf5: {  	_ =	swait.ge [sflag:s24], $0x2000  }
0xf6: {  	[sflag:s24] =	ssyncset.done $0x0  }
0xf7: {  	[sflag:s24] =	ssyncadd.s32 $0xFFFFE000  }
0xf8: {  	_ =	swait.ge [sflag:s25], $0x40  }
0xf9: {  	[sflag:s25] =	ssyncset.done $0x0  }
0xfa: {  	s6 =	simm.s32 $0x6A00;
	[sflag:s25] =	ssyncadd.s32 $0xFFFFFFC0  }
0xfb: {  	[spmem:s3] =	stream.indirect.scatter.add.f32 [tilespmem:s6], [sflag:$0x7], $0x80, s28, s11, $0xb8;
	[tilespmem:$0x1FA00] =	vst v63  }
0xfc: {  	_ =	swait.ge [sflag:s26], $0x2000  }
0xfd: {  	[sflag:s26] =	ssyncset.done $0x0  }
0xfe: {  	[sflag:s26] =	ssyncadd.s32 $0xFFFFE000  }
0xff: {  	_ =	swait.ge [sflag:s29], $0x40  }
0x100: {  	[sflag:s29] =	ssyncset.done $0x0  }
0x101: {  	s15 =	simm.s32 $0x2900;
	[sflag:s29] =	ssyncadd.s32 $0xFFFFFFC0  }
0x102: {  	[spmem:s3] =	stream.indirect.scatter.add.f32 [tilespmem:s9], [sflag:$0x8], $0x80, s15, s11, $0xb8;
	[tilespmem:$0x1FA00] =	vst v63  }
0x103: {  	_ =	swait.ge [sflag:s31], $0x2000  }
0x104: {  	s13 =	simm.s32 $0x2780;
	s9 =	sshrl.u32 s17, $0x3;
	[sflag:s31] =	ssyncset.done $0x0  }
0x105: {  	s2 =	sshra.s32 s2, $0x2;
	s9 =	sadd.s32 s16, s9;
	[sflag:s31] =	ssyncadd.s32 $0xFFFFE000  }
0x106: {  	[tilespmem:s19], [sflag:$0x9] =	stream.linear.gather [hbm4b:s9+s4], $0x40, $0x38;
	[tilespmem:$0x1FA00] =	vst v63  }
0x107: {  	s9 =	sadd.s32 $0x100, s2  }
0x108: {  	[tilespmem:s18], [sflag:$0x1] =	stream.indirect.gather [hbm4b:s5+s11], $0x80, s9, s11, $0xb8;
	[tilespmem:$0x1FA00] =	vst v63  }
0x109: {  	_ =	swait.ge [sflag:s0], $0x2000  }
0x10a: {  	[sflag:s0] =	ssyncset.done $0x0  }
0x10b: {  	s18 =	simm.s32 $0x2800;
	[sflag:s0] =	ssyncadd.s32 $0xFFFFE000  }
0x10c: {  	[tilespmem:s20], [sflag:$0xA] =	stream.linear.gather [hbm4b:s12+s4], $0x40, $0x38;
	[tilespmem:$0x1FA00] =	vst v63  }
0x10d: {  	s9 =	sadd.s32 $0x140, s2  }
0x10e: {  	[tilespmem:s21], [sflag:$0x2] =	stream.indirect.gather [hbm4b:s5+s11], $0x80, s9, s11, $0xb8;
	[tilespmem:$0x1FA00] =	vst v63  }
0x10f: {  	_ =	swait.ge [sflag:s7], $0x2000  }
0x110: {  	[sflag:s7] =	ssyncset.done $0x0  }
0x111: {  	s19 =	simm.s32 $0x2880;
	[sflag:s7] =	ssyncadd.s32 $0xFFFFE000  }
0x112: {  	[tilespmem:s28], [sflag:$0xB] =	stream.linear.gather [hbm4b:s30+s4], $0x40, $0x38;
	[tilespmem:$0x1FA00] =	vst v63  }
0x113: {  	s20 =	simm.s32 $0x6A00;
	s9 =	sadd.s32 $0x180, s2  }
0x114: {  	[tilespmem:s6], [sflag:$0x3] =	stream.indirect.gather [hbm4b:s5+s11], $0x80, s9, s11, $0xb8;
	[tilespmem:$0x1FA00] =	vst v63  }
.Ltmp0:
0x115: {  	_ =	swait.ge [sflag:s10], $0x2000;
	(pc) =	sbr.rel @p0 .LBB2_2-.Ltmp0, $4  }
0x116: {  	s8 =	sadd.s32 $0x20, s8;
	[sflag:s10] =	ssyncset.done $0x0  }
0x117: {  	s17 =	sadd.s32 $0x100, s17;
	s9 =	simm.s32 $0x2900;
	[sflag:s10] =	ssyncadd.s32 $0xFFFFE000  }
0x118: {  	[tilespmem:s15], [sflag:$0xC] =	stream.linear.gather [hbm4b:s1+s4], $0x40, $0x38;
	[tilespmem:$0x1FA00] =	vst v63  }
0x119: {  	s12 =	sadd.s32 $0x20, s12;
	s30 =	sadd.s32 $0x20, s30;
	s1 =	sadd.s32 $0x1C0, s2  }
0x11a: {  	s8 =	simm.s32 $0x8A00;
	s6 =	simm.s32 $0x1  }
0x11b: {  	[tilespmem:s8], [sflag:$0x4] =	stream.indirect.gather [hbm4b:s5+s11], $0x80, s1, s11, $0xb8;
	[tilespmem:$0x1FA00] =	vst v63  }
0x11c: {  	_ =	swait.ge [sflag:s6], $0x2000  }
0x11d: {  	[sflag:s6] =	ssyncset.done $0x0  }
0x11e: {  	s17 =	simm.s32 $0x9;
	[sflag:s6] =	ssyncadd.s32 $0xFFFFE000  }
0x11f: {  	_ =	swait.ge [sflag:s17], $0x40  }
0x120: {  	[sflag:s17] =	ssyncset.done $0x0  }
0x121: {  	s2 =	simm.s32 $0x2A00;
	[sflag:s17] =	ssyncadd.s32 $0xFFFFFFC0  }
0x122: {  	[spmem:s3] =	stream.indirect.scatter.add.f32 [tilespmem:s2], [sflag:$0x5], $0x80, s13, s11, $0xb8;
	[tilespmem:$0x1FA00] =	vst v63  }
0x123: {  	_ =	swait.ge [sflag:s22], $0x2000  }
0x124: {  	[sflag:s22] =	ssyncset.done $0x0  }
0x125: {  	[sflag:s22] =	ssyncadd.s32 $0xFFFFE000  }
0x126: {  	_ =	swait.ge [sflag:s23], $0x40  }
0x127: {  	[sflag:s23] =	ssyncset.done $0x0  }
0x128: {  	s13 =	simm.s32 $0x4A00;
	[sflag:s23] =	ssyncadd.s32 $0xFFFFFFC0  }
0x129: {  	[spmem:s3] =	stream.indirect.scatter.add.f32 [tilespmem:s13], [sflag:$0x6], $0x80, s18, s11, $0xb8;
	[tilespmem:$0x1FA00] =	vst v63  }
0x12a: {  	_ =	swait.ge [sflag:s24], $0x2000  }
0x12b: {  	[sflag:s24] =	ssyncset.done $0x0  }
0x12c: {  	[sflag:s24] =	ssyncadd.s32 $0xFFFFE000  }
0x12d: {  	_ =	swait.ge [sflag:s25], $0x40  }
0x12e: {  	[sflag:s25] =	ssyncset.done $0x0  }
0x12f: {  	[sflag:s25] =	ssyncadd.s32 $0xFFFFFFC0  }
0x130: {  	[spmem:s3] =	stream.indirect.scatter.add.f32 [tilespmem:s20], [sflag:$0x7], $0x80, s19, s11, $0xb8;
	[tilespmem:$0x1FA00] =	vst v63  }
0x131: {  	_ =	swait.ge [sflag:s26], $0x2000  }
0x132: {  	[sflag:s26] =	ssyncset.done $0x0  }
0x133: {  	[sflag:s26] =	ssyncadd.s32 $0xFFFFE000  }
0x134: {  	_ =	swait.ge [sflag:s29], $0x40  }
0x135: {  	[sflag:s29] =	ssyncset.done $0x0  }
0x136: {  	s18 =	sld [smem:$0x7F8];
	[sflag:s29] =	ssyncadd.s32 $0xFFFFFFC0  }
0x137: {  	[spmem:s3] =	stream.indirect.scatter.add.f32 [tilespmem:s8], [sflag:$0x8], $0x80, s9, s11, $0xb8;
	[tilespmem:$0x1FA00] =	vst v63  }
0x138: {  	s19 =	simm.s32 $0x2980;
	s20 =	simm.s32 $0xD  }
0x139: {  	[tilespmem:s19], [sflag:$0xD] =	stream.linear.gather [hbm4b:s18+s4], $0x10, $0x38;
	[tilespmem:$0x1FA00] =	vst v63  }
0x13a: {  	_ =	swait.ge [sflag:s20], $0x10  }
0x13b: {  	[sflag:s20] =	ssyncset.done $0x0  }
0x13c: {  	[sflag:s20] =	ssyncadd.s32 $0xFFFFFFF0  }
0x13d: {  	_ =	swait.ge [sflag:s31], $0x2000  }
0x13e: {  	[sflag:s31] =	ssyncset.done $0x0  }
0x13f: {  	[sflag:s31] =	ssyncadd.s32 $0xFFFFE000  }
0x140: {  	_ =	swait.ge [sflag:s0], $0x2000  }
0x141: {  	[sflag:s0] =	ssyncset.done $0x0  }
0x142: {  	[sflag:s0] =	ssyncadd.s32 $0xFFFFE000  }
0x143: {  	_ =	swait.ge [sflag:s7], $0x2000  }
0x144: {  	[sflag:s7] =	ssyncset.done $0x0  }
0x145: {  	[sflag:s7] =	ssyncadd.s32 $0xFFFFE000  }
0x146: {  	_ =	swait.ge [sflag:s10], $0x2000  }
0x147: {  	[sflag:s10] =	ssyncset.done $0x0  }
0x148: {  	s21 =	simm.s32 $0x10;
	s12 =	simm.s32 $0x2700;
	[sflag:s10] =	ssyncadd.s32 $0xFFFFE000  }
0x149: {  	[tilespmem:s2], [sflag:$0x1] =	stream.indirect.gather [hbm4b:s5+s21], $0x80, s12, s21, $0xb8;
	[tilespmem:$0x1FA00] =	vst v63  }
0x14a: {  	_ =	swait.ge [sflag:s6], $0x800  }
0x14b: {  	[sflag:s6] =	ssyncset.done $0x0  }
0x14c: {  	[sflag:s6] =	ssyncadd.s32 $0xFFFFF800  }
0x14d: {  	[spmem:s3] =	stream.indirect.scatter.add.f32 [tilespmem:s2], [sflag:$0xD], $0x80, s19, s21, $0xb8;
	[tilespmem:$0x1FA00] =	vst v63  }
0x14e: {  	_ =	swait.ge [sflag:s20], $0x800  }
0x14f: {  	[sflag:s20] =	ssyncset.done $0x0  }
0x150: {  	[sflag:s20] =	ssyncadd.s32 $0xFFFFF800  }
0x151: {  	[bflag:$0x0] =	sbarrier.arrive $0xFFFF  }
0x152: {  	s18 =	rddreg [dreg:$0x6]  }
0x153: {  	[tilespmem:s2], [sflag:$0x1] =	stream.linear.gather [spmem:s18], $0x2000, $0x38;
	[tilespmem:$0x1FA00] =	vst v63  }
0x154: {  	_ =	swait.ge [sflag:s6], $0x2000  }
0x155: {  	[sflag:s6] =	ssyncset.done $0x0  }
0x156: {  	s9 =	rddreg [dreg:$0x7];
	[sflag:s6] =	ssyncadd.s32 $0xFFFFE000  }
0x157: {  	[hbm4b:s9+s4] =	stream.linear.scatter [tilespmem:s2], [sflag:$0x5], $0x2000, $0x38;
	[tilespmem:$0x1FA00] =	vst v63  }
0x158: {  	s19 =	rddreg [dreg:$0x18]  }
0x159: {  	[tilespmem:s13], [sflag:$0x2] =	stream.linear.gather [spmem:s19], $0x2000, $0x38;
	[tilespmem:$0x1FA00] =	vst v63  }
0x15a: {  	_ =	swait.ge [sflag:s22], $0x2000  }
0x15b: {  	[sflag:s22] =	ssyncset.done $0x0  }
0x15c: {  	s12 =	rddreg [dreg:$0x8];
	[sflag:s22] =	ssyncadd.s32 $0xFFFFE000  }
0x15d: {  	[hbm4b:s12+s4] =	stream.linear.scatter [tilespmem:s13], [sflag:$0x6], $0x2000, $0x38;
	[tilespmem:$0x1FA00] =	vst v63  }
0x15e: {  	_ =	swait.ge [sflag:s31], $0x2000  }
0x15f: {  	[sflag:s31] =	ssyncset.done $0x0  }
0x160: {  	s20 =	rddreg [dreg:$0x1a];
	[sflag:s31] =	ssyncadd.s32 $0xFFFFE000  }
0x161: {  	[tilespmem:s2], [sflag:$0x1] =	stream.linear.gather [spmem:s20], $0x2000, $0x38;
	[tilespmem:$0x1FA00] =	vst v63  }
0x162: {  	_ =	swait.ge [sflag:s6], $0x2000  }
0x163: {  	[sflag:s6] =	ssyncset.done $0x0  }
0x164: {  	s14 =	rddreg [dreg:$0xa];
	[sflag:s6] =	ssyncadd.s32 $0xFFFFE000  }
0x165: {  	[hbm4b:s14+s4] =	stream.linear.scatter [tilespmem:s2], [sflag:$0x5], $0x2000, $0x38;
	[tilespmem:$0x1FA00] =	vst v63  }
0x166: {  	_ =	swait.ge [sflag:s0], $0x2000  }
0x167: {  	[sflag:s0] =	ssyncset.done $0x0  }
0x168: {  	s21 =	rddreg [dreg:$0x1c];
	[sflag:s0] =	ssyncadd.s32 $0xFFFFE000  }
0x169: {  	[tilespmem:s13], [sflag:$0x2] =	stream.linear.gather [spmem:s21], $0x2000, $0x38;
	[tilespmem:$0x1FA00] =	vst v63  }
0x16a: {  	_ =	swait.ge [sflag:s22], $0x2000  }
0x16b: {  	[sflag:s22] =	ssyncset.done $0x0  }
0x16c: {  	s15 =	rddreg [dreg:$0xb];
	[sflag:s22] =	ssyncadd.s32 $0xFFFFE000  }
0x16d: {  	[hbm4b:s15+s4] =	stream.linear.scatter [tilespmem:s13], [sflag:$0x6], $0x2000, $0x38;
	[tilespmem:$0x1FA00] =	vst v63  }
0x16e: {  	_ =	swait.ge [sflag:s31], $0x2000  }
0x16f: {  	[sflag:s31] =	ssyncset.done $0x0  }
0x170: {  	s30 =	rddreg [dreg:$0x1e];
	[sflag:s31] =	ssyncadd.s32 $0xFFFFE000  }
0x171: {  	[tilespmem:s2], [sflag:$0x1] =	stream.linear.gather [spmem:s30], $0x2000, $0x38;
	[tilespmem:$0x1FA00] =	vst v63  }
0x172: {  	_ =	swait.ge [sflag:s6], $0x2000  }
0x173: {  	[sflag:s6] =	ssyncset.done $0x0  }
0x174: {  	s17 =	rddreg [dreg:$0xc];
	[sflag:s6] =	ssyncadd.s32 $0xFFFFE000  }
0x175: {  	[hbm4b:s17+s4] =	stream.linear.scatter [tilespmem:s2], [sflag:$0x5], $0x2000, $0x38;
	[tilespmem:$0x1FA00] =	vst v63  }
0x176: {  	_ =	swait.ge [sflag:s0], $0x2000  }
0x177: {  	s9 =	sld [smem:$0x7F9]  }
0x178: {  	[sflag:s0] =	ssyncset.done $0x0  }
0x179: {  	[sflag:s0] =	ssyncadd.s32 $0xFFFFE000  }
0x17a: {  	[tilespmem:s13], [sflag:$0x2] =	stream.linear.gather [spmem:s9], $0x2000, $0x38;
	[tilespmem:$0x1FA00] =	vst v63  }
0x17b: {  	_ =	swait.ge [sflag:s22], $0x2000  }
0x17c: {  	[sflag:s22] =	ssyncset.done $0x0  }
0x17d: {  	s8 =	rddreg [dreg:$0xe];
	[sflag:s22] =	ssyncadd.s32 $0xFFFFE000  }
0x17e: {  	[hbm4b:s8+s4] =	stream.linear.scatter [tilespmem:s13], [sflag:$0x6], $0x2000, $0x38;
	[tilespmem:$0x1FA00] =	vst v63  }
0x17f: {  	_ =	swait.ge [sflag:s31], $0x2000  }
0x180: {  	s14 =	sld [smem:$0x7FA]  }
0x181: {  	[sflag:s31] =	ssyncset.done $0x0  }
0x182: {  	[sflag:s31] =	ssyncadd.s32 $0xFFFFE000  }
0x183: {  	[tilespmem:s2], [sflag:$0x1] =	stream.linear.gather [spmem:s14], $0x2000, $0x38;
	[tilespmem:$0x1FA00] =	vst v63  }
0x184: {  	_ =	swait.ge [sflag:s6], $0x2000  }
0x185: {  	[sflag:s6] =	ssyncset.done $0x0  }
0x186: {  	s12 =	rddreg [dreg:$0xf];
	[sflag:s6] =	ssyncadd.s32 $0xFFFFE000  }
0x187: {  	[hbm4b:s12+s4] =	stream.linear.scatter [tilespmem:s2], [sflag:$0x5], $0x2000, $0x38;
	[tilespmem:$0x1FA00] =	vst v63  }
0x188: {  	_ =	swait.ge [sflag:s0], $0x2000  }
0x189: {  	s12 =	sld [smem:$0x7FB]  }
0x18a: {  	[sflag:s0] =	ssyncset.done $0x0  }
0x18b: {  	[sflag:s0] =	ssyncadd.s32 $0xFFFFE000  }
0x18c: {  	[tilespmem:s13], [sflag:$0x2] =	stream.linear.gather [spmem:s12], $0x2000, $0x38;
	[tilespmem:$0x1FA00] =	vst v63  }
0x18d: {  	_ =	swait.ge [sflag:s22], $0x2000  }
0x18e: {  	[sflag:s22] =	ssyncset.done $0x0  }
0x18f: {  	s15 =	rddreg [dreg:$0x10];
	[sflag:s22] =	ssyncadd.s32 $0xFFFFE000  }
0x190: {  	[hbm4b:s15+s4] =	stream.linear.scatter [tilespmem:s13], [sflag:$0x6], $0x2000, $0x38;
	[tilespmem:$0x1FA00] =	vst v63  }
0x191: {  	_ =	swait.ge [sflag:s31], $0x2000  }
0x192: {  	s8 =	sld [smem:$0x7FC]  }
0x193: {  	[sflag:s31] =	ssyncset.done $0x0  }
0x194: {  	[sflag:s31] =	ssyncadd.s32 $0xFFFFE000  }
0x195: {  	[tilespmem:s2], [sflag:$0x1] =	stream.linear.gather [spmem:s8], $0x2000, $0x38;
	[tilespmem:$0x1FA00] =	vst v63  }
0x196: {  	_ =	swait.ge [sflag:s6], $0x2000  }
0x197: {  	[sflag:s6] =	ssyncset.done $0x0  }
0x198: {  	s17 =	rddreg [dreg:$0x11];
	[sflag:s6] =	ssyncadd.s32 $0xFFFFE000  }
0x199: {  	[hbm4b:s17+s4] =	stream.linear.scatter [tilespmem:s2], [sflag:$0x5], $0x2000, $0x38;
	[tilespmem:$0x1FA00] =	vst v63  }
0x19a: {  	_ =	swait.ge [sflag:s0], $0x2000  }
0x19b: {  	s2 =	sld [smem:$0x7FD]  }
0x19c: {  	[sflag:s0] =	ssyncset.done $0x0  }
0x19d: {  	[sflag:s0] =	ssyncadd.s32 $0xFFFFE000  }
0x19e: {  	[tilespmem:s13], [sflag:$0x2] =	stream.linear.gather [spmem:s2], $0x2000, $0x38;
	[tilespmem:$0x1FA00] =	vst v63  }
0x19f: {  	_ =	swait.ge [sflag:s22], $0x2000  }
0x1a0: {  	[sflag:s22] =	ssyncset.done $0x0  }
0x1a1: {  	s6 =	rddreg [dreg:$0x12];
	[sflag:s22] =	ssyncadd.s32 $0xFFFFE000  }
0x1a2: {  	[hbm4b:s6+s4] =	stream.linear.scatter [tilespmem:s13], [sflag:$0x6], $0x2000, $0x38;
	[tilespmem:$0x1FA00] =	vst v63  }
0x1a3: {  	_ =	swait.ge [sflag:s31], $0x2000  }
0x1a4: {  	[sflag:s31] =	ssyncset.done $0x0  }
0x1a5: {  	[sflag:s31] =	ssyncadd.s32 $0xFFFFE000  }
0x1a6: {  	_ =	swait.ge [sflag:s0], $0x2000  }
0x1a7: {  	s15 =	sld [smem:$0x7EF];
	_ =	sdelay $0x2  }
0x1a8: {  	s17 =	rddreg [dreg:$0x13];
	s6 =	sadd.s32 $0x1, s15  }
0x1a9: {  	p0 =	sne.s32 s6, s17  }
.Ltmp1:
0x1aa: {  	_ = 	snop;
	(pc) =	sbr.rel @p0 .LBB2_1-.Ltmp1, $4  }
0x1ab: {  	_ = 	snop  }
0x1ac: {  	[sflag:s0] =	ssyncset.done $0x0  }
0x1ad: {  	[sflag:s0] =	ssyncadd.s32 $0xFFFFE000  }
0x1ae: {  	s15 =	smov.u32 s16;
	s16 =	smov.u32 s14;
	s14 =	simm.s32 $0xD  }
0x1af: {  	_ =	sfence.sel $0x180000  }
0x1b0: {  	[bflag:$0x0] =	sbarrier.arrive $0xFFFF  }
0x1b1: {  	_ =	strace $0x9000004A  }
0x1b2: {  	s0 =	stileid.u32;
	[bflag:$0x2] =	sbarrier.arrive $0xFFFF  }
0x1b3: {  	p0 =	sne.s32 s0, $0x0;
	s0 =	rddreg [dreg:$0x3]  }
0x1b4: {  	s0 =	sadd.s32 @!p0 $0x100000, s0  }
0x1b5: {  	[sflag:s0] =	ssyncadd.tile.s32 @!p0 $0x1;
	_ =	shalt  }
.Lfunc_end2:
_tile_overlayer_lowered:
.L_overlay_start_2:
0x1b6: {  	(tag) =	ssettag $0x2  }
0x1b7: {  	s0 =	rddreg [dreg:$0x0];
	s2 =	stileid.u32  }
0x1b8: {  	s1 =	rddreg [dreg:$0x1];
	p0 =	sne.s32 s2, $0x0  }
0x1b9: {  	s3 =	rddreg [dreg:$0x2];
	[bflag:$0x3] =	sbarrier.arrive $0xFFFF;
	s2 =	simm.s32 @!p0 $0x1C0D  }
0x1ba: {  	[timem:s3], [sflag:s2] =	dma.local @!p0 [hbm:s0], s1  }
0x1bb: {  	s0 =	simm.s32 @!p0 $0xD  }
0x1bc: {  	_ =	swait.ge @!p0 [sflag:s0], s1  }
0x1bd: {  	s1 =	ssub.s32 @!p0 $0x0, s1;
	[sflag:s0] =	ssyncset.done @!p0 $0x0  }
0x1be: {  	[sflag:s0] =	ssyncadd.s32 @!p0 s1  }
0x1bf: {  	[bflag:$0x3] =	sbarrier.arrive $0xFFFF  }
0x1c0: {  	_ =	shalt  }

</sc_bundles>
